<compile_context>
chip_gen: v7x
topology: tpu7x:2x2x1
jax: 0.10.2.dev20260603
libtpu: 0.0.44.dev20260713+nightly
codegen_flags: <defaults>
</compile_context>

<pallas_src>
import functools

import jax
import jax.numpy as jnp
from jax import lax
from jax.experimental import pallas as pl
from jax.experimental.pallas import tpu as pltpu
from jax.experimental.pallas import tpu_sc as plsc

N = 10000
E = 160000
D = 256
H1 = 256
H2 = 128

NSUB = 16
CHUNK = 128
EROWS = 1280
E_PAD = EROWS * CHUNK
N_PAD = 10112
RPT = N_PAD // NSUB
DEG_ROWS = EROWS // (2 * NSUB)
PROP_ROWS = EROWS // NSUB
BN = 1000


def _sc_mesh():
    return plsc.VectorSubcoreMesh(core_axis_name="c", subcore_axis_name="s")


@functools.partial(
    pl.kernel,
    mesh=_sc_mesh(),
    out_type=jax.ShapeDtypeStruct((2, N_PAD, 128), jnp.float32),
    scratch_types=[
        pltpu.VMEM_SHARED((N_PAD, 128), jnp.float32),
        pltpu.VMEM((DEG_ROWS, CHUNK), jnp.int32),
        pltpu.VMEM((CHUNK, 128), jnp.float32),
        pltpu.SemaphoreType.DMA,
    ],
)
def _sc_degree(dst_hbm, zeros_hbm, ones_hbm, degp_hbm, shared, dstbuf, onesbuf, sem):
    c = lax.axis_index("c")
    s = lax.axis_index("s")
    r0 = s * RPT
    pltpu.sync_copy(zeros_hbm.at[pl.ds(r0, RPT)], shared.at[pl.ds(r0, RPT)])
    pltpu.sync_copy(ones_hbm, onesbuf)
    plsc.subcore_barrier()
    g0 = (c * NSUB + s) * DEG_ROWS
    pltpu.sync_copy(dst_hbm.at[pl.ds(g0, DEG_ROWS)], dstbuf)

    @pl.loop(0, DEG_ROWS)
    def _(j):
        pltpu.async_copy(onesbuf, shared.at[dstbuf.at[j]], sem, add=True)

    @pl.loop(0, DEG_ROWS)
    def _(j):
        pltpu.make_async_copy(onesbuf, shared.at[dstbuf.at[j]], sem).wait()

    plsc.subcore_barrier()

    @pl.when(c == 0)
    def _():
        pltpu.sync_copy(shared.at[pl.ds(r0, RPT)], degp_hbm.at[0].at[pl.ds(r0, RPT)])

    @pl.when(c == 1)
    def _():
        pltpu.sync_copy(shared.at[pl.ds(r0, RPT)], degp_hbm.at[1].at[pl.ds(r0, RPT)])


NBUF = 2
NPHASE = 2
PH_ROWS = PROP_ROWS // NPHASE


@functools.partial(
    pl.kernel,
    mesh=_sc_mesh(),
    out_type=jax.ShapeDtypeStruct((2, N_PAD, 128), jnp.float32),
    scratch_types=[
        pltpu.VMEM_SHARED((N_PAD, 128), jnp.float32),
        pltpu.VMEM((PH_ROWS, CHUNK), jnp.int32),
        pltpu.VMEM((PH_ROWS, CHUNK), jnp.int32),
        pltpu.VMEM((NBUF, CHUNK, 128), jnp.float32),
        pltpu.SemaphoreType.DMA((NBUF,)),
        pltpu.SemaphoreType.DMA((NBUF,)),
    ],
)
def _sc_propagate(xs0_hbm, xs1_hbm, src_hbm, dst_hbm, zeros_hbm, acc_hbm,
                  shared, srcbuf, dstbuf, rowbufs, gsem, ssem):
    c = lax.axis_index("c")
    s = lax.axis_index("s")
    r0 = s * RPT
    g0 = s * PROP_ROWS

    def run(xs_hbm, out_hbm):
        def gather_args(b, j):
            return xs_hbm.at[srcbuf.at[j]], rowbufs.at[b], gsem.at[b]

        def scatter_args(b, j):
            return rowbufs.at[b], shared.at[dstbuf.at[j]], ssem.at[b]

        pltpu.sync_copy(src_hbm.at[pl.ds(g0, PH_ROWS)], srcbuf)
        pltpu.sync_copy(dst_hbm.at[pl.ds(g0, PH_ROWS)], dstbuf)
        for b in range(NBUF):
            pltpu.async_copy(*gather_args(b, b))
        pltpu.sync_copy(zeros_hbm.at[pl.ds(r0, RPT)], shared.at[pl.ds(r0, RPT)])
        plsc.subcore_barrier()

        for p in range(NPHASE):
            if p > 0:
                pltpu.sync_copy(src_hbm.at[pl.ds(g0 + p * PH_ROWS, PH_ROWS)], srcbuf)
                pltpu.sync_copy(dst_hbm.at[pl.ds(g0 + p * PH_ROWS, PH_ROWS)], dstbuf)
                for b in range(NBUF):
                    pltpu.async_copy(*gather_args(b, b))

            @pl.loop(0, PH_ROWS - NBUF, step=NBUF)
            def _(j0):
                for b in range(NBUF):
                    pltpu.make_async_copy(*gather_args(b, j0 + b)).wait()
                    pltpu.async_copy(*scatter_args(b, j0 + b), add=True)
                for b in range(NBUF):
                    pltpu.make_async_copy(*scatter_args(b, j0 + b)).wait()
                    pltpu.async_copy(*gather_args(b, j0 + b + NBUF))

            j0 = PH_ROWS - NBUF
            for b in range(NBUF):
                pltpu.make_async_copy(*gather_args(b, j0 + b)).wait()
                pltpu.async_copy(*scatter_args(b, j0 + b), add=True)
            for b in range(NBUF):
                pltpu.make_async_copy(*scatter_args(b, j0 + b)).wait()

        plsc.subcore_barrier()
        pltpu.sync_copy(shared.at[pl.ds(r0, RPT)], out_hbm.at[pl.ds(r0, RPT)])

    @pl.when(c == 0)
    def _():
        run(xs0_hbm, acc_hbm.at[0])

    @pl.when(c == 1)
    def _():
        run(xs1_hbm, acc_hbm.at[1])




def _dinv_block(degp0, degp1):
    deg = degp0 + degp1 + 1.0
    return lax.rsqrt(jnp.maximum(deg[:, 0:1], 1e-12))


def _tc_matmul_body(x_ref, w_ref, xw_ref):
    xw_ref[...] = jnp.dot(
        x_ref[...], w_ref[...], preferred_element_type=jnp.float32)[None]


def _tc_matmul(x, w1):
    return pl.pallas_call(
        _tc_matmul_body,
        grid=(2, N // BN),
        in_specs=[
            pl.BlockSpec((BN, D), lambda c, j: (j, 0)),
            pl.BlockSpec((D, 128), lambda c, j: (0, c)),
        ],
        out_specs=pl.BlockSpec((1, BN, 128), lambda c, j: (c, j, 0)),
        out_shape=jax.ShapeDtypeStruct((2, N, 128), jnp.float32),
    )(x, w1)


def _tc_scale_body(xw_ref, d0_ref, d1_ref, xs_ref):
    dinv = _dinv_block(d0_ref[...], d1_ref[...])
    xs_ref[...] = (dinv * xw_ref[0])[None]


def _tc_scale(xw, degp0, degp1):
    return pl.pallas_call(
        _tc_scale_body,
        grid=(2, N // BN),
        in_specs=[
            pl.BlockSpec((1, BN, 128), lambda c, j: (c, j, 0)),
            pl.BlockSpec((BN, 128), lambda c, j: (j, 0)),
            pl.BlockSpec((BN, 128), lambda c, j: (j, 0)),
        ],
        out_specs=pl.BlockSpec((1, BN, 128), lambda c, j: (c, j, 0)),
        out_shape=jax.ShapeDtypeStruct((2, N, 128), jnp.float32),
    )(xw, degp0, degp1)


def _tc_activate_body(acc_ref, xs_ref, d0_ref, d1_ref, b_ref, hs_ref):
    dinv = _dinv_block(d0_ref[...], d1_ref[...])
    t = dinv * (acc_ref[0] + xs_ref[0]) + b_ref[0]
    h = jnp.where(t > 0, t, 0.01 * t)
    hs_ref[...] = (dinv * h)[None]


def _tc_activate(acc, xs, degp0, degp1, b1r):
    return pl.pallas_call(
        _tc_activate_body,
        grid=(2, N // BN),
        in_specs=[
            pl.BlockSpec((1, BN, 128), lambda c, j: (c, j, 0)),
            pl.BlockSpec((1, BN, 128), lambda c, j: (c, j, 0)),
            pl.BlockSpec((BN, 128), lambda c, j: (j, 0)),
            pl.BlockSpec((BN, 128), lambda c, j: (j, 0)),
            pl.BlockSpec((1, 1, 128), lambda c, j: (c, 0, 0)),
        ],
        out_specs=pl.BlockSpec((1, BN, 128), lambda c, j: (c, j, 0)),
        out_shape=jax.ShapeDtypeStruct((2, N, 128), jnp.float32),
    )(acc, xs, degp0, degp1, b1r)


def _tc_final_body(a0_ref, a1_ref, h0_ref, h1_ref, d0_ref, d1_ref,
                   wm_ref, ws_ref, bm_ref, bs_ref, mean_ref, logstd_ref):
    dinv = _dinv_block(d0_ref[...], d1_ref[...])
    p2a = dinv * (a0_ref[...] + h0_ref[...])
    p2b = dinv * (a1_ref[...] + h1_ref[...])
    mean_ref[...] = (
        jnp.dot(p2a, wm_ref[0:128, :], preferred_element_type=jnp.float32)
        + jnp.dot(p2b, wm_ref[128:256, :], preferred_element_type=jnp.float32)
        + bm_ref[...]
    )
    logstd_ref[...] = (
        jnp.dot(p2a, ws_ref[0:128, :], preferred_element_type=jnp.float32)
        + jnp.dot(p2b, ws_ref[128:256, :], preferred_element_type=jnp.float32)
        + bs_ref[...]
    )


def _tc_final(a0, a1, h0, h1, degp0, degp1, wm, ws, bmr, bsr):
    return pl.pallas_call(
        _tc_final_body,
        grid=(N // BN,),
        in_specs=[
            pl.BlockSpec((BN, 128), lambda j: (j, 0)),
            pl.BlockSpec((BN, 128), lambda j: (j, 0)),
            pl.BlockSpec((BN, 128), lambda j: (j, 0)),
            pl.BlockSpec((BN, 128), lambda j: (j, 0)),
            pl.BlockSpec((BN, 128), lambda j: (j, 0)),
            pl.BlockSpec((BN, 128), lambda j: (j, 0)),
            pl.BlockSpec((H1, H2), lambda j: (0, 0)),
            pl.BlockSpec((H1, H2), lambda j: (0, 0)),
            pl.BlockSpec((1, H2), lambda j: (0, 0)),
            pl.BlockSpec((1, H2), lambda j: (0, 0)),
        ],
        out_specs=[
            pl.BlockSpec((BN, H2), lambda j: (j, 0)),
            pl.BlockSpec((BN, H2), lambda j: (j, 0)),
        ],
        out_shape=[
            jax.ShapeDtypeStruct((N, H2), jnp.float32),
            jax.ShapeDtypeStruct((N, H2), jnp.float32),
        ],
    )(a0, a1, h0, h1, degp0, degp1, wm, ws, bmr, bsr)


def kernel(x, edge_index, W1, b1, Wm, bm, Ws, bs):
    src = edge_index[0]
    dst = edge_index[1]
    npad = E_PAD - E
    src_p = jnp.concatenate([src, jnp.zeros((npad,), jnp.int32)]).reshape(EROWS, CHUNK)
    dst_p = jnp.concatenate([dst, jnp.full((npad,), N, jnp.int32)]).reshape(EROWS, CHUNK)

    zeros128 = jnp.zeros((N_PAD, 128), jnp.float32)
    ones128 = jnp.ones((CHUNK, 128), jnp.float32)

    xw = _tc_matmul(x, W1)
    degp = _sc_degree(dst_p, zeros128, ones128)
    degp0 = degp[0]
    degp1 = degp[1]

    xs = _tc_scale(xw, degp0, degp1)
    acc1 = _sc_propagate(xs[0], xs[1], src_p, dst_p, zeros128)
    hs = _tc_activate(acc1[:, :N], xs, degp0, degp1, b1.reshape(2, 1, 128))
    acc2 = _sc_propagate(hs[0], hs[1], src_p, dst_p, zeros128)
    mean, logstd = _tc_final(
        acc2[0, :N], acc2[1, :N], hs[0], hs[1], degp0, degp1,
        Wm, Ws, bm.reshape(1, H2), bs.reshape(1, H2))
    return (mean, logstd)

# --- scband reference (transcript-rebuilt; emitter-appended) ---
"""Pipeline reference for scband-vencoder-88931592831266 (READ-ONLY COPY).

The authoritative reference and input builder live on the scoring server;
editing this copy changes nothing except your own understanding.
"""

import jax, jax.numpy as jnp
import numpy as np

N = 10000
E = 160000
D = 256
H1 = 256
H2 = 128


def setup_inputs(seed: int = 0) -> dict:
    key = jax.random.key(seed)
    ks = jax.random.split(key, 9)
    x = jax.random.normal(ks[0], (N, D), dtype=jnp.float32)
    edge_index = jax.random.randint(ks[1], (2, E), 0, N, dtype=jnp.int32)
    W1 = jax.random.normal(ks[2], (D, H1), dtype=jnp.float32) * (1.0 / np.sqrt(D))
    b1 = jnp.zeros((H1,), dtype=jnp.float32)
    Wm = jax.random.normal(ks[3], (H1, H2), dtype=jnp.float32) * (1.0 / np.sqrt(H1))
    bm = jnp.zeros((H2,), dtype=jnp.float32)
    Ws = jax.random.normal(ks[4], (H1, H2), dtype=jnp.float32) * (1.0 / np.sqrt(H1))
    bs = jnp.zeros((H2,), dtype=jnp.float32)
    return {"x": x, "edge_index": edge_index, "W1": W1, "b1": b1, "Wm": Wm, "bm": bm, "Ws": Ws, "bs": bs}


def gcn_conv(x, edge_index, W, b):
    # GCNConv: out = D^{-1/2} (A + I) D^{-1/2} (x W) + b
    n = x.shape[0]
    src, dst = edge_index[0], edge_index[1]
    loop = jnp.arange(n, dtype=src.dtype)
    src2 = jnp.concatenate([src, loop])
    dst2 = jnp.concatenate([dst, loop])
    deg = jax.ops.segment_sum(jnp.ones_like(src2, dtype=jnp.float32), dst2, num_segments=n)
    dinv = jax.lax.rsqrt(jnp.maximum(deg, 1e-12))
    norm = dinv[src2] * dinv[dst2]
    xw = x @ W
    msgs = xw[src2] * norm[:, None]
    out = jax.ops.segment_sum(msgs, dst2, num_segments=n)
    return out + b


def reference(x, edge_index, W1, b1, Wm, bm, Ws, bs):
    h = gcn_conv(x, edge_index, W1, b1)
    h = jax.nn.leaky_relu(h, negative_slope=0.01)
    # dropout is identity in eval mode (training=False)
    mean = gcn_conv(h, edge_index, Wm, bm)
    logstd = gcn_conv(h, edge_index, Ws, bs)
    return (mean, logstd)

if __name__ == "__main__":
    import jax
    _d = setup_inputs()
    print(jax.jit(kernel)(*tuple(_d.values())))

</pallas_src>

<mosaic_0001>
#map = affine_map<(d0, d1) -> (0, 0)>
#map1 = affine_map<(d0, d1) -> (0, 0, 0)>
module attributes {stable_mosaic.version = 14 : i64} {
  func.func @_sc_degree(%arg0: i32, %arg1: i32, %arg2: memref<1280x128xi32, #tpu.memory_space<hbm>>, %arg3: memref<10112x128xf32, #tpu.memory_space<hbm>>, %arg4: memref<128x128xf32, #tpu.memory_space<hbm>>, %arg5: memref<2x10112x128xf32, #tpu.memory_space<hbm>>, %arg6: memref<10112x128xf32, #tpu.memory_space<vmem_shared>>, %arg7: memref<40x128xi32, #tpu.memory_space<vmem>>, %arg8: memref<128x128xf32, #tpu.memory_space<vmem>>, %arg9: memref<!tpu.dma_semaphore, #tpu.memory_space<semaphore_mem>>) attributes {dimension_semantics = [#tpu.dimension_semantics<core_parallel>, #tpu.dimension_semantics<subcore_parallel>], iteration_bounds = array<i64: 2, 16>, scalar_prefetch = 0 : i64, scratch_operands = 4 : i64, tpu.core_type = #tpu.core_type<sc_vector_subcore>, window_params = [{transform_indices = #map}, {transform_indices = #map}, {transform_indices = #map}, {transform_indices = #map1}]} {
    %mul3A = arith.constant 632 : i32
    %mul3A_0 = arith.muli %arg1, %mul3A : i32
    "tpu.region"() ({
      %run_scoped3A = tpu.sem_alloc : memref<!tpu.dma_semaphore, #tpu.memory_space<semaphore_mem>>
      %dma_start3A = arith.constant 0 : i32
      %dma_start3A_22 = tpu.memref_slice %arg6[%mul3A_0, %dma_start3A] : memref<10112x128xf32, #tpu.memory_space<vmem_shared>> -> memref<632x128xf32, #tpu.memory_space<vmem_shared>>
      %dma_start3A_23 = arith.constant 0 : i32
      %dma_start3A_24 = tpu.memref_slice %arg3[%mul3A_0, %dma_start3A_23] : memref<10112x128xf32, #tpu.memory_space<hbm>> -> memref<632x128xf32, #tpu.memory_space<hbm>>
      tpu.enqueue_dma source(%dma_start3A_24 : memref<632x128xf32, #tpu.memory_space<hbm>>) target(%dma_start3A_22 : memref<632x128xf32, #tpu.memory_space<vmem_shared>>) target_semaphore(%run_scoped3A : memref<!tpu.dma_semaphore, #tpu.memory_space<semaphore_mem>>)
      %dma_wait3A = arith.constant 0 : i32
      %dma_wait3A_25 = tpu.memref_slice %arg6[%mul3A_0, %dma_wait3A] : memref<10112x128xf32, #tpu.memory_space<vmem_shared>> -> memref<632x128xf32, #tpu.memory_space<vmem_shared>>
      %dma_wait3A_26 = arith.constant 0 : i32
      %dma_wait3A_27 = tpu.memref_slice %arg3[%mul3A_0, %dma_wait3A_26] : memref<10112x128xf32, #tpu.memory_space<hbm>> -> memref<632x128xf32, #tpu.memory_space<hbm>>
      tpu.wait_dma2 semaphore(%run_scoped3A : memref<!tpu.dma_semaphore, #tpu.memory_space<semaphore_mem>>) src(%dma_wait3A_27 : memref<632x128xf32, #tpu.memory_space<hbm>>) dst(%dma_wait3A_25 : memref<632x128xf32, #tpu.memory_space<vmem_shared>>)
      tpu.yield
    }) : () -> ()
    "tpu.region"() ({
      %run_scoped3A = tpu.sem_alloc : memref<!tpu.dma_semaphore, #tpu.memory_space<semaphore_mem>>
      tpu.enqueue_dma source(%arg4 : memref<128x128xf32, #tpu.memory_space<hbm>>) target(%arg8 : memref<128x128xf32, #tpu.memory_space<vmem>>) target_semaphore(%run_scoped3A : memref<!tpu.dma_semaphore, #tpu.memory_space<semaphore_mem>>)
      tpu.wait_dma2 semaphore(%run_scoped3A : memref<!tpu.dma_semaphore, #tpu.memory_space<semaphore_mem>>) src(%arg4 : memref<128x128xf32, #tpu.memory_space<hbm>>) dst(%arg8 : memref<128x128xf32, #tpu.memory_space<vmem>>)
      tpu.yield
    }) : () -> ()
    %barrier3A = arith.constant 0 : index
    tpu.barrier barrier_id(%barrier3A)
    %mul3A_1 = arith.constant 16 : i32
    %mul3A_2 = arith.muli %arg0, %mul3A_1 : i32
    %add3A = arith.addi %mul3A_2, %arg1 : i32
    %mul3A_3 = arith.constant 40 : i32
    %mul3A_4 = arith.muli %add3A, %mul3A_3 : i32
    "tpu.region"() ({
      %run_scoped3A = tpu.sem_alloc : memref<!tpu.dma_semaphore, #tpu.memory_space<semaphore_mem>>
      %dma_start3A = arith.constant 0 : i32
      %dma_start3A_22 = tpu.memref_slice %arg2[%mul3A_4, %dma_start3A] : memref<1280x128xi32, #tpu.memory_space<hbm>> -> memref<40x128xi32, #tpu.memory_space<hbm>>
      %dma_start3A_23 = arith.constant 0 : i32
      %dma_start3A_24 = tpu.memref_slice %arg2[%mul3A_4, %dma_start3A_23] : memref<1280x128xi32, #tpu.memory_space<hbm>> -> memref<40x128xi32, #tpu.memory_space<hbm>>
      tpu.enqueue_dma source(%dma_start3A_24 : memref<40x128xi32, #tpu.memory_space<hbm>>) target(%arg7 : memref<40x128xi32, #tpu.memory_space<vmem>>) target_semaphore(%run_scoped3A : memref<!tpu.dma_semaphore, #tpu.memory_space<semaphore_mem>>)
      %dma_wait3A = arith.constant 0 : i32
      %dma_wait3A_25 = tpu.memref_slice %arg2[%mul3A_4, %dma_wait3A] : memref<1280x128xi32, #tpu.memory_space<hbm>> -> memref<40x128xi32, #tpu.memory_space<hbm>>
      %dma_wait3A_26 = arith.constant 0 : i32
      %dma_wait3A_27 = tpu.memref_slice %arg2[%mul3A_4, %dma_wait3A_26] : memref<1280x128xi32, #tpu.memory_space<hbm>> -> memref<40x128xi32, #tpu.memory_space<hbm>>
      tpu.wait_dma2 semaphore(%run_scoped3A : memref<!tpu.dma_semaphore, #tpu.memory_space<semaphore_mem>>) src(%dma_wait3A_27 : memref<40x128xi32, #tpu.memory_space<hbm>>) dst(%arg7 : memref<40x128xi32, #tpu.memory_space<vmem>>)
      tpu.yield
    }) : () -> ()
    %scan3A = arith.constant 0 : i32
    %scan3A_5 = arith.constant 40 : i32
    %scan3A_6 = arith.addi %scan3A, %scan3A_5 : i32
    %scan3A_7 = arith.constant 1 : i32
    scf.for %scan3A_22 = %scan3A to %scan3A_6 step %scan3A_7  : i32 {
      %mul3A_23 = arith.constant 1 : i32
      %mul3A_24 = arith.muli %scan3A_22, %mul3A_23 : i32
      %add3A_25 = arith.constant 0 : i32
      %add3A_26 = arith.addi %add3A_25, %mul3A_24 : i32
      %dma_start3A = arith.constant 0 : i32
      %dma_start3A_27 = tpu.memref_slice %arg7[%add3A_26, %dma_start3A] : memref<40x128xi32, #tpu.memory_space<vmem>> -> memref<1x128xi32, #tpu.memory_space<vmem>>
      %dma_start3A_28 = tpu.memref_squeeze %dma_start3A_27 : memref<1x128xi32, #tpu.memory_space<vmem>> -> memref<128xi32, #tpu.memory_space<vmem>>
      %dma_start3A_29 = arith.constant 0 : i32
      %dma_start3A_30 = arith.constant 0 : i32
      %dma_start3A_31 = tpu.memref_slice %arg6[%dma_start3A_29, %dma_start3A_30] : memref<10112x128xf32, #tpu.memory_space<vmem_shared>> -> memref<10112x128xf32, #tpu.memory_space<vmem_shared>>
      tpu.enqueue_indirect_dma source(%arg8 : memref<128x128xf32, #tpu.memory_space<vmem>>) target(%dma_start3A_31 : memref<10112x128xf32, #tpu.memory_space<vmem_shared>>) offsets(%dma_start3A_28 : memref<128xi32, #tpu.memory_space<vmem>>) semaphore(%arg9 : memref<!tpu.dma_semaphore, #tpu.memory_space<semaphore_mem>>) {add = true}
    }
    %scan3A_8 = arith.constant 40 : i32
    %scan3A_9 = arith.constant 0 : i32
    %scan3A_10 = arith.constant 40 : i32
    %scan3A_11 = arith.addi %scan3A_9, %scan3A_10 : i32
    %scan3A_12 = arith.constant 1 : i32
    scf.for %scan3A_22 = %scan3A_9 to %scan3A_11 step %scan3A_12  : i32 {
      %mul3A_23 = arith.constant 1 : i32
      %mul3A_24 = arith.muli %scan3A_22, %mul3A_23 : i32
      %add3A_25 = arith.constant 0 : i32
      %add3A_26 = arith.addi %add3A_25, %mul3A_24 : i32
      %dma_wait3A = arith.constant 0 : i32
      %dma_wait3A_27 = tpu.memref_slice %arg7[%add3A_26, %dma_wait3A] : memref<40x128xi32, #tpu.memory_space<vmem>> -> memref<1x128xi32, #tpu.memory_space<vmem>>
      %dma_wait3A_28 = tpu.memref_squeeze %dma_wait3A_27 : memref<1x128xi32, #tpu.memory_space<vmem>> -> memref<128xi32, #tpu.memory_space<vmem>>
      %dma_wait3A_29 = arith.constant 0 : i32
      %dma_wait3A_30 = arith.constant 0 : i32
      %dma_wait3A_31 = tpu.memref_slice %arg6[%dma_wait3A_29, %dma_wait3A_30] : memref<10112x128xf32, #tpu.memory_space<vmem_shared>> -> memref<10112x128xf32, #tpu.memory_space<vmem_shared>>
      tpu.wait_indirect_dma semaphore(%arg9 : memref<!tpu.dma_semaphore, #tpu.memory_space<semaphore_mem>>) src(%arg8 : memref<128x128xf32, #tpu.memory_space<vmem>>) dst(%dma_wait3A_31 : memref<10112x128xf32, #tpu.memory_space<vmem_shared>>)
    }
    %scan3A_13 = arith.constant 40 : i32
    %barrier3A_14 = arith.constant 0 : index
    tpu.barrier barrier_id(%barrier3A_14)
    %eq3A = arith.constant 0 : i32
    %eq3A_15 = arith.cmpi eq, %arg0, %eq3A : i32
    %convert_element_type3A = arith.extui %eq3A_15 : i1 to i32
    %cond3A = arith.constant 0 : i32
    %cond3A_16 = arith.cmpi ne, %convert_element_type3A, %cond3A : i32
    scf.if %cond3A_16 {
      %run_scoped3A = arith.constant 0 : i32
      "tpu.region"() ({
        %run_scoped3A_22 = tpu.sem_alloc : memref<!tpu.dma_semaphore, #tpu.memory_space<semaphore_mem>>
        %dma_start3A = arith.constant 0 : i32
        %dma_start3A_23 = arith.constant 0 : i32
        %dma_start3A_24 = tpu.memref_slice %arg5[%run_scoped3A, %dma_start3A, %dma_start3A_23] : memref<2x10112x128xf32, #tpu.memory_space<hbm>> -> memref<1x10112x128xf32, #tpu.memory_space<hbm>>
        %dma_start3A_25 = tpu.memref_squeeze %dma_start3A_24 : memref<1x10112x128xf32, #tpu.memory_space<hbm>> -> memref<10112x128xf32, #tpu.memory_space<hbm>>
        %dma_start3A_26 = arith.constant 0 : i32
        %dma_start3A_27 = tpu.memref_slice %dma_start3A_25[%mul3A_0, %dma_start3A_26] : memref<10112x128xf32, #tpu.memory_space<hbm>> -> memref<632x128xf32, #tpu.memory_space<hbm>>
        %dma_start3A_28 = arith.constant 0 : i32
        %dma_start3A_29 = tpu.memref_slice %arg6[%mul3A_0, %dma_start3A_28] : memref<10112x128xf32, #tpu.memory_space<vmem_shared>> -> memref<632x128xf32, #tpu.memory_space<vmem_shared>>
        tpu.enqueue_dma source(%dma_start3A_29 : memref<632x128xf32, #tpu.memory_space<vmem_shared>>) target(%dma_start3A_27 : memref<632x128xf32, #tpu.memory_space<hbm>>) target_semaphore(%run_scoped3A_22 : memref<!tpu.dma_semaphore, #tpu.memory_space<semaphore_mem>>)
        %dma_wait3A = arith.constant 0 : i32
        %dma_wait3A_30 = arith.constant 0 : i32
        %dma_wait3A_31 = tpu.memref_slice %arg5[%run_scoped3A, %dma_wait3A, %dma_wait3A_30] : memref<2x10112x128xf32, #tpu.memory_space<hbm>> -> memref<1x10112x128xf32, #tpu.memory_space<hbm>>
        %dma_wait3A_32 = tpu.memref_squeeze %dma_wait3A_31 : memref<1x10112x128xf32, #tpu.memory_space<hbm>> -> memref<10112x128xf32, #tpu.memory_space<hbm>>
        %dma_wait3A_33 = arith.constant 0 : i32
        %dma_wait3A_34 = tpu.memref_slice %dma_wait3A_32[%mul3A_0, %dma_wait3A_33] : memref<10112x128xf32, #tpu.memory_space<hbm>> -> memref<632x128xf32, #tpu.memory_space<hbm>>
        %dma_wait3A_35 = arith.constant 0 : i32
        %dma_wait3A_36 = tpu.memref_slice %arg6[%mul3A_0, %dma_wait3A_35] : memref<10112x128xf32, #tpu.memory_space<vmem_shared>> -> memref<632x128xf32, #tpu.memory_space<vmem_shared>>
        tpu.wait_dma2 semaphore(%run_scoped3A_22 : memref<!tpu.dma_semaphore, #tpu.memory_space<semaphore_mem>>) src(%dma_wait3A_36 : memref<632x128xf32, #tpu.memory_space<vmem_shared>>) dst(%dma_wait3A_34 : memref<632x128xf32, #tpu.memory_space<hbm>>)
        tpu.yield
      }) : () -> ()
    } else {
    }
    %eq3A_17 = arith.constant 1 : i32
    %eq3A_18 = arith.cmpi eq, %arg0, %eq3A_17 : i32
    %convert_element_type3A_19 = arith.extui %eq3A_18 : i1 to i32
    %cond3A_20 = arith.constant 0 : i32
    %cond3A_21 = arith.cmpi ne, %convert_element_type3A_19, %cond3A_20 : i32
    scf.if %cond3A_21 {
      %run_scoped3A = arith.constant 1 : i32
      "tpu.region"() ({
        %run_scoped3A_22 = tpu.sem_alloc : memref<!tpu.dma_semaphore, #tpu.memory_space<semaphore_mem>>
        %dma_start3A = arith.constant 0 : i32
        %dma_start3A_23 = arith.constant 0 : i32
        %dma_start3A_24 = tpu.memref_slice %arg5[%run_scoped3A, %dma_start3A, %dma_start3A_23] : memref<2x10112x128xf32, #tpu.memory_space<hbm>> -> memref<1x10112x128xf32, #tpu.memory_space<hbm>>
        %dma_start3A_25 = tpu.memref_squeeze %dma_start3A_24 : memref<1x10112x128xf32, #tpu.memory_space<hbm>> -> memref<10112x128xf32, #tpu.memory_space<hbm>>
        %dma_start3A_26 = arith.constant 0 : i32
        %dma_start3A_27 = tpu.memref_slice %dma_start3A_25[%mul3A_0, %dma_start3A_26] : memref<10112x128xf32, #tpu.memory_space<hbm>> -> memref<632x128xf32, #tpu.memory_space<hbm>>
        %dma_start3A_28 = arith.constant 0 : i32
        %dma_start3A_29 = tpu.memref_slice %arg6[%mul3A_0, %dma_start3A_28] : memref<10112x128xf32, #tpu.memory_space<vmem_shared>> -> memref<632x128xf32, #tpu.memory_space<vmem_shared>>
        tpu.enqueue_dma source(%dma_start3A_29 : memref<632x128xf32, #tpu.memory_space<vmem_shared>>) target(%dma_start3A_27 : memref<632x128xf32, #tpu.memory_space<hbm>>) target_semaphore(%run_scoped3A_22 : memref<!tpu.dma_semaphore, #tpu.memory_space<semaphore_mem>>)
        %dma_wait3A = arith.constant 0 : i32
        %dma_wait3A_30 = arith.constant 0 : i32
        %dma_wait3A_31 = tpu.memref_slice %arg5[%run_scoped3A, %dma_wait3A, %dma_wait3A_30] : memref<2x10112x128xf32, #tpu.memory_space<hbm>> -> memref<1x10112x128xf32, #tpu.memory_space<hbm>>
        %dma_wait3A_32 = tpu.memref_squeeze %dma_wait3A_31 : memref<1x10112x128xf32, #tpu.memory_space<hbm>> -> memref<10112x128xf32, #tpu.memory_space<hbm>>
        %dma_wait3A_33 = arith.constant 0 : i32
        %dma_wait3A_34 = tpu.memref_slice %dma_wait3A_32[%mul3A_0, %dma_wait3A_33] : memref<10112x128xf32, #tpu.memory_space<hbm>> -> memref<632x128xf32, #tpu.memory_space<hbm>>
        %dma_wait3A_35 = arith.constant 0 : i32
        %dma_wait3A_36 = tpu.memref_slice %arg6[%mul3A_0, %dma_wait3A_35] : memref<10112x128xf32, #tpu.memory_space<vmem_shared>> -> memref<632x128xf32, #tpu.memory_space<vmem_shared>>
        tpu.wait_dma2 semaphore(%run_scoped3A_22 : memref<!tpu.dma_semaphore, #tpu.memory_space<semaphore_mem>>) src(%dma_wait3A_36 : memref<632x128xf32, #tpu.memory_space<vmem_shared>>) dst(%dma_wait3A_34 : memref<632x128xf32, #tpu.memory_space<hbm>>)
        tpu.yield
      }) : () -> ()
    } else {
    }
    return
  }
}

#map = affine_map<(d0, d1) -> (0, 0)>
#map1 = affine_map<(d0, d1) -> (0, 0, 0)>
module attributes {stable_mosaic.version = 14 : i64} {
  func.func @_sc_propagate(%arg0: i32, %arg1: i32, %arg2: memref<10000x128xf32, #tpu.memory_space<hbm>>, %arg3: memref<10000x128xf32, #tpu.memory_space<hbm>>, %arg4: memref<1280x128xi32, #tpu.memory_space<hbm>>, %arg5: memref<1280x128xi32, #tpu.memory_space<hbm>>, %arg6: memref<10112x128xf32, #tpu.memory_space<hbm>>, %arg7: memref<2x10112x128xf32, #tpu.memory_space<hbm>>, %arg8: memref<10112x128xf32, #tpu.memory_space<vmem_shared>>, %arg9: memref<40x128xi32, #tpu.memory_space<vmem>>, %arg10: memref<40x128xi32, #tpu.memory_space<vmem>>, %arg11: memref<2x128x128xf32, #tpu.memory_space<vmem>>, %arg12: memref<2x!tpu.dma_semaphore, #tpu.memory_space<semaphore_mem>>, %arg13: memref<2x!tpu.dma_semaphore, #tpu.memory_space<semaphore_mem>>) attributes {dimension_semantics = [#tpu.dimension_semantics<core_parallel>, #tpu.dimension_semantics<subcore_parallel>], iteration_bounds = array<i64: 2, 16>, scalar_prefetch = 0 : i64, scratch_operands = 6 : i64, tpu.core_type = #tpu.core_type<sc_vector_subcore>, window_params = [{transform_indices = #map}, {transform_indices = #map}, {transform_indices = #map}, {transform_indices = #map}, {transform_indices = #map}, {transform_indices = #map1}]} {
    %mul3A = arith.constant 632 : i32
    %mul3A_0 = arith.muli %arg1, %mul3A : i32
    %mul3A_1 = arith.constant 80 : i32
    %mul3A_2 = arith.muli %arg1, %mul3A_1 : i32
    %eq3A = arith.constant 0 : i32
    %eq3A_3 = arith.cmpi eq, %arg0, %eq3A : i32
    %convert_element_type3A = arith.extui %eq3A_3 : i1 to i32
    %cond3A = arith.constant 0 : i32
    %cond3A_4 = arith.cmpi ne, %convert_element_type3A, %cond3A : i32
    scf.if %cond3A_4 {
      "tpu.region"() ({
        %run_scoped3A_261 = tpu.sem_alloc : memref<!tpu.dma_semaphore, #tpu.memory_space<semaphore_mem>>
        %dma_start3A_262 = arith.constant 0 : i32
        %dma_start3A_263 = tpu.memref_slice %arg4[%mul3A_2, %dma_start3A_262] : memref<1280x128xi32, #tpu.memory_space<hbm>> -> memref<40x128xi32, #tpu.memory_space<hbm>>
        %dma_start3A_264 = arith.constant 0 : i32
        %dma_start3A_265 = tpu.memref_slice %arg4[%mul3A_2, %dma_start3A_264] : memref<1280x128xi32, #tpu.memory_space<hbm>> -> memref<40x128xi32, #tpu.memory_space<hbm>>
        tpu.enqueue_dma source(%dma_start3A_265 : memref<40x128xi32, #tpu.memory_space<hbm>>) target(%arg9 : memref<40x128xi32, #tpu.memory_space<vmem>>) target_semaphore(%run_scoped3A_261 : memref<!tpu.dma_semaphore, #tpu.memory_space<semaphore_mem>>)
        %dma_wait3A_266 = arith.constant 0 : i32
        %dma_wait3A_267 = tpu.memref_slice %arg4[%mul3A_2, %dma_wait3A_266] : memref<1280x128xi32, #tpu.memory_space<hbm>> -> memref<40x128xi32, #tpu.memory_space<hbm>>
        %dma_wait3A_268 = arith.constant 0 : i32
        %dma_wait3A_269 = tpu.memref_slice %arg4[%mul3A_2, %dma_wait3A_268] : memref<1280x128xi32, #tpu.memory_space<hbm>> -> memref<40x128xi32, #tpu.memory_space<hbm>>
        tpu.wait_dma2 semaphore(%run_scoped3A_261 : memref<!tpu.dma_semaphore, #tpu.memory_space<semaphore_mem>>) src(%dma_wait3A_269 : memref<40x128xi32, #tpu.memory_space<hbm>>) dst(%arg9 : memref<40x128xi32, #tpu.memory_space<vmem>>)
        tpu.yield
      }) : () -> ()
      "tpu.region"() ({
        %run_scoped3A_261 = tpu.sem_alloc : memref<!tpu.dma_semaphore, #tpu.memory_space<semaphore_mem>>
        %dma_start3A_262 = arith.constant 0 : i32
        %dma_start3A_263 = tpu.memref_slice %arg5[%mul3A_2, %dma_start3A_262] : memref<1280x128xi32, #tpu.memory_space<hbm>> -> memref<40x128xi32, #tpu.memory_space<hbm>>
        %dma_start3A_264 = arith.constant 0 : i32
        %dma_start3A_265 = tpu.memref_slice %arg5[%mul3A_2, %dma_start3A_264] : memref<1280x128xi32, #tpu.memory_space<hbm>> -> memref<40x128xi32, #tpu.memory_space<hbm>>
        tpu.enqueue_dma source(%dma_start3A_265 : memref<40x128xi32, #tpu.memory_space<hbm>>) target(%arg10 : memref<40x128xi32, #tpu.memory_space<vmem>>) target_semaphore(%run_scoped3A_261 : memref<!tpu.dma_semaphore, #tpu.memory_space<semaphore_mem>>)
        %dma_wait3A_266 = arith.constant 0 : i32
        %dma_wait3A_267 = tpu.memref_slice %arg5[%mul3A_2, %dma_wait3A_266] : memref<1280x128xi32, #tpu.memory_space<hbm>> -> memref<40x128xi32, #tpu.memory_space<hbm>>
        %dma_wait3A_268 = arith.constant 0 : i32
        %dma_wait3A_269 = tpu.memref_slice %arg5[%mul3A_2, %dma_wait3A_268] : memref<1280x128xi32, #tpu.memory_space<hbm>> -> memref<40x128xi32, #tpu.memory_space<hbm>>
        tpu.wait_dma2 semaphore(%run_scoped3A_261 : memref<!tpu.dma_semaphore, #tpu.memory_space<semaphore_mem>>) src(%dma_wait3A_269 : memref<40x128xi32, #tpu.memory_space<hbm>>) dst(%arg10 : memref<40x128xi32, #tpu.memory_space<vmem>>)
        tpu.yield
      }) : () -> ()
      %dma_start3A = arith.constant 0 : i32
      %dma_start3A_10 = arith.constant 0 : i32
      %dma_start3A_11 = arith.constant 0 : i32
      %dma_start3A_12 = arith.constant 0 : i32
      %dma_start3A_13 = arith.constant 0 : i32
      %dma_start3A_14 = tpu.memref_slice %arg11[%dma_start3A_10, %dma_start3A_12, %dma_start3A_13] : memref<2x128x128xf32, #tpu.memory_space<vmem>> -> memref<1x128x128xf32, #tpu.memory_space<vmem>>
      %dma_start3A_15 = tpu.memref_squeeze %dma_start3A_14 : memref<1x128x128xf32, #tpu.memory_space<vmem>> -> memref<128x128xf32, #tpu.memory_space<vmem>>
      %dma_start3A_16 = arith.constant 0 : i32
      %dma_start3A_17 = tpu.memref_slice %arg9[%dma_start3A, %dma_start3A_16] : memref<40x128xi32, #tpu.memory_space<vmem>> -> memref<1x128xi32, #tpu.memory_space<vmem>>
      %dma_start3A_18 = tpu.memref_squeeze %dma_start3A_17 : memref<1x128xi32, #tpu.memory_space<vmem>> -> memref<128xi32, #tpu.memory_space<vmem>>
      %dma_start3A_19 = arith.constant 0 : i32
      %dma_start3A_20 = arith.constant 0 : i32
      %dma_start3A_21 = tpu.memref_slice %arg2[%dma_start3A_19, %dma_start3A_20] : memref<10000x128xf32, #tpu.memory_space<hbm>> -> memref<10000x128xf32, #tpu.memory_space<hbm>>
      %dma_start3A_22 = tpu.memref_slice %arg12[%dma_start3A_11] : memref<2x!tpu.dma_semaphore, #tpu.memory_space<semaphore_mem>> -> memref<1x!tpu.dma_semaphore, #tpu.memory_space<semaphore_mem>>
      %dma_start3A_23 = tpu.memref_squeeze %dma_start3A_22 : memref<1x!tpu.dma_semaphore, #tpu.memory_space<semaphore_mem>> -> memref<!tpu.dma_semaphore, #tpu.memory_space<semaphore_mem>>
      tpu.enqueue_indirect_dma source(%dma_start3A_21 : memref<10000x128xf32, #tpu.memory_space<hbm>>) target(%dma_start3A_15 : memref<128x128xf32, #tpu.memory_space<vmem>>) offsets(%dma_start3A_18 : memref<128xi32, #tpu.memory_space<vmem>>) semaphore(%dma_start3A_23 : memref<!tpu.dma_semaphore, #tpu.memory_space<semaphore_mem>>)
      %dma_start3A_24 = arith.constant 1 : i32
      %dma_start3A_25 = arith.constant 1 : i32
      %dma_start3A_26 = arith.constant 1 : i32
      %dma_start3A_27 = arith.constant 0 : i32
      %dma_start3A_28 = arith.constant 0 : i32
      %dma_start3A_29 = tpu.memref_slice %arg11[%dma_start3A_25, %dma_start3A_27, %dma_start3A_28] : memref<2x128x128xf32, #tpu.memory_space<vmem>> -> memref<1x128x128xf32, #tpu.memory_space<vmem>>
      %dma_start3A_30 = tpu.memref_squeeze %dma_start3A_29 : memref<1x128x128xf32, #tpu.memory_space<vmem>> -> memref<128x128xf32, #tpu.memory_space<vmem>>
      %dma_start3A_31 = arith.constant 0 : i32
      %dma_start3A_32 = tpu.memref_slice %arg9[%dma_start3A_24, %dma_start3A_31] : memref<40x128xi32, #tpu.memory_space<vmem>> -> memref<1x128xi32, #tpu.memory_space<vmem>>
      %dma_start3A_33 = tpu.memref_squeeze %dma_start3A_32 : memref<1x128xi32, #tpu.memory_space<vmem>> -> memref<128xi32, #tpu.memory_space<vmem>>
      %dma_start3A_34 = arith.constant 0 : i32
      %dma_start3A_35 = arith.constant 0 : i32
      %dma_start3A_36 = tpu.memref_slice %arg2[%dma_start3A_34, %dma_start3A_35] : memref<10000x128xf32, #tpu.memory_space<hbm>> -> memref<10000x128xf32, #tpu.memory_space<hbm>>
      %dma_start3A_37 = tpu.memref_slice %arg12[%dma_start3A_26] : memref<2x!tpu.dma_semaphore, #tpu.memory_space<semaphore_mem>> -> memref<1x!tpu.dma_semaphore, #tpu.memory_space<semaphore_mem>>
      %dma_start3A_38 = tpu.memref_squeeze %dma_start3A_37 : memref<1x!tpu.dma_semaphore, #tpu.memory_space<semaphore_mem>> -> memref<!tpu.dma_semaphore, #tpu.memory_space<semaphore_mem>>
      tpu.enqueue_indirect_dma source(%dma_start3A_36 : memref<10000x128xf32, #tpu.memory_space<hbm>>) target(%dma_start3A_30 : memref<128x128xf32, #tpu.memory_space<vmem>>) offsets(%dma_start3A_33 : memref<128xi32, #tpu.memory_space<vmem>>) semaphore(%dma_start3A_38 : memref<!tpu.dma_semaphore, #tpu.memory_space<semaphore_mem>>)
      "tpu.region"() ({
        %run_scoped3A_261 = tpu.sem_alloc : memref<!tpu.dma_semaphore, #tpu.memory_space<semaphore_mem>>
        %dma_start3A_262 = arith.constant 0 : i32
        %dma_start3A_263 = tpu.memref_slice %arg8[%mul3A_0, %dma_start3A_262] : memref<10112x128xf32, #tpu.memory_space<vmem_shared>> -> memref<632x128xf32, #tpu.memory_space<vmem_shared>>
        %dma_start3A_264 = arith.constant 0 : i32
        %dma_start3A_265 = tpu.memref_slice %arg6[%mul3A_0, %dma_start3A_264] : memref<10112x128xf32, #tpu.memory_space<hbm>> -> memref<632x128xf32, #tpu.memory_space<hbm>>
        tpu.enqueue_dma source(%dma_start3A_265 : memref<632x128xf32, #tpu.memory_space<hbm>>) target(%dma_start3A_263 : memref<632x128xf32, #tpu.memory_space<vmem_shared>>) target_semaphore(%run_scoped3A_261 : memref<!tpu.dma_semaphore, #tpu.memory_space<semaphore_mem>>)
        %dma_wait3A_266 = arith.constant 0 : i32
        %dma_wait3A_267 = tpu.memref_slice %arg8[%mul3A_0, %dma_wait3A_266] : memref<10112x128xf32, #tpu.memory_space<vmem_shared>> -> memref<632x128xf32, #tpu.memory_space<vmem_shared>>
        %dma_wait3A_268 = arith.constant 0 : i32
        %dma_wait3A_269 = tpu.memref_slice %arg6[%mul3A_0, %dma_wait3A_268] : memref<10112x128xf32, #tpu.memory_space<hbm>> -> memref<632x128xf32, #tpu.memory_space<hbm>>
        tpu.wait_dma2 semaphore(%run_scoped3A_261 : memref<!tpu.dma_semaphore, #tpu.memory_space<semaphore_mem>>) src(%dma_wait3A_269 : memref<632x128xf32, #tpu.memory_space<hbm>>) dst(%dma_wait3A_267 : memref<632x128xf32, #tpu.memory_space<vmem_shared>>)
        tpu.yield
      }) : () -> ()
      %barrier3A = arith.constant 0 : index
      tpu.barrier barrier_id(%barrier3A)
      %scan3A = arith.constant 0 : i32
      %scan3A_39 = arith.constant 19 : i32
      %scan3A_40 = arith.addi %scan3A, %scan3A_39 : i32
      %scan3A_41 = arith.constant 1 : i32
      scf.for %scan3A_261 = %scan3A to %scan3A_40 step %scan3A_41  : i32 {
        %mul3A_262 = arith.constant 2 : i32
        %mul3A_263 = arith.muli %scan3A_261, %mul3A_262 : i32
        %add3A_264 = arith.constant 0 : i32
        %add3A_265 = arith.addi %add3A_264, %mul3A_263 : i32
        %add3A_266 = arith.constant 0 : i32
        %add3A_267 = arith.addi %add3A_265, %add3A_266 : i32
        %dma_wait3A_268 = arith.constant 0 : i32
        %dma_wait3A_269 = arith.constant 0 : i32
        %dma_wait3A_270 = arith.constant 0 : i32
        %dma_wait3A_271 = arith.constant 0 : i32
        %dma_wait3A_272 = tpu.memref_slice %arg11[%dma_wait3A_268, %dma_wait3A_270, %dma_wait3A_271] : memref<2x128x128xf32, #tpu.memory_space<vmem>> -> memref<1x128x128xf32, #tpu.memory_space<vmem>>
        %dma_wait3A_273 = tpu.memref_squeeze %dma_wait3A_272 : memref<1x128x128xf32, #tpu.memory_space<vmem>> -> memref<128x128xf32, #tpu.memory_space<vmem>>
        %dma_wait3A_274 = arith.constant 0 : i32
        %dma_wait3A_275 = tpu.memref_slice %arg9[%add3A_267, %dma_wait3A_274] : memref<40x128xi32, #tpu.memory_space<vmem>> -> memref<1x128xi32, #tpu.memory_space<vmem>>
        %dma_wait3A_276 = tpu.memref_squeeze %dma_wait3A_275 : memref<1x128xi32, #tpu.memory_space<vmem>> -> memref<128xi32, #tpu.memory_space<vmem>>
        %dma_wait3A_277 = arith.constant 0 : i32
        %dma_wait3A_278 = arith.constant 0 : i32
        %dma_wait3A_279 = tpu.memref_slice %arg2[%dma_wait3A_277, %dma_wait3A_278] : memref<10000x128xf32, #tpu.memory_space<hbm>> -> memref<10000x128xf32, #tpu.memory_space<hbm>>
        %dma_wait3A_280 = tpu.memref_slice %arg12[%dma_wait3A_269] : memref<2x!tpu.dma_semaphore, #tpu.memory_space<semaphore_mem>> -> memref<1x!tpu.dma_semaphore, #tpu.memory_space<semaphore_mem>>
        %dma_wait3A_281 = tpu.memref_squeeze %dma_wait3A_280 : memref<1x!tpu.dma_semaphore, #tpu.memory_space<semaphore_mem>> -> memref<!tpu.dma_semaphore, #tpu.memory_space<semaphore_mem>>
        tpu.wait_indirect_dma semaphore(%dma_wait3A_281 : memref<!tpu.dma_semaphore, #tpu.memory_space<semaphore_mem>>) src(%dma_wait3A_279 : memref<10000x128xf32, #tpu.memory_space<hbm>>) dst(%dma_wait3A_273 : memref<128x128xf32, #tpu.memory_space<vmem>>)
        %add3A_282 = arith.constant 0 : i32
        %add3A_283 = arith.addi %add3A_265, %add3A_282 : i32
        %dma_start3A_284 = arith.constant 0 : i32
        %dma_start3A_285 = arith.constant 0 : i32
        %dma_start3A_286 = arith.constant 0 : i32
        %dma_start3A_287 = arith.constant 0 : i32
        %dma_start3A_288 = tpu.memref_slice %arg11[%dma_start3A_284, %dma_start3A_286, %dma_start3A_287] : memref<2x128x128xf32, #tpu.memory_space<vmem>> -> memref<1x128x128xf32, #tpu.memory_space<vmem>>
        %dma_start3A_289 = tpu.memref_squeeze %dma_start3A_288 : memref<1x128x128xf32, #tpu.memory_space<vmem>> -> memref<128x128xf32, #tpu.memory_space<vmem>>
        %dma_start3A_290 = arith.constant 0 : i32
        %dma_start3A_291 = tpu.memref_slice %arg10[%add3A_283, %dma_start3A_290] : memref<40x128xi32, #tpu.memory_space<vmem>> -> memref<1x128xi32, #tpu.memory_space<vmem>>
        %dma_start3A_292 = tpu.memref_squeeze %dma_start3A_291 : memref<1x128xi32, #tpu.memory_space<vmem>> -> memref<128xi32, #tpu.memory_space<vmem>>
        %dma_start3A_293 = arith.constant 0 : i32
        %dma_start3A_294 = arith.constant 0 : i32
        %dma_start3A_295 = tpu.memref_slice %arg8[%dma_start3A_293, %dma_start3A_294] : memref<10112x128xf32, #tpu.memory_space<vmem_shared>> -> memref<10112x128xf32, #tpu.memory_space<vmem_shared>>
        %dma_start3A_296 = tpu.memref_slice %arg13[%dma_start3A_285] : memref<2x!tpu.dma_semaphore, #tpu.memory_space<semaphore_mem>> -> memref<1x!tpu.dma_semaphore, #tpu.memory_space<semaphore_mem>>
        %dma_start3A_297 = tpu.memref_squeeze %dma_start3A_296 : memref<1x!tpu.dma_semaphore, #tpu.memory_space<semaphore_mem>> -> memref<!tpu.dma_semaphore, #tpu.memory_space<semaphore_mem>>
        tpu.enqueue_indirect_dma source(%dma_start3A_289 : memref<128x128xf32, #tpu.memory_space<vmem>>) target(%dma_start3A_295 : memref<10112x128xf32, #tpu.memory_space<vmem_shared>>) offsets(%dma_start3A_292 : memref<128xi32, #tpu.memory_space<vmem>>) semaphore(%dma_start3A_297 : memref<!tpu.dma_semaphore, #tpu.memory_space<semaphore_mem>>) {add = true}
        %add3A_298 = arith.constant 1 : i32
        %add3A_299 = arith.addi %add3A_265, %add3A_298 : i32
        %dma_wait3A_300 = arith.constant 1 : i32
        %dma_wait3A_301 = arith.constant 1 : i32
        %dma_wait3A_302 = arith.constant 0 : i32
        %dma_wait3A_303 = arith.constant 0 : i32
        %dma_wait3A_304 = tpu.memref_slice %arg11[%dma_wait3A_300, %dma_wait3A_302, %dma_wait3A_303] : memref<2x128x128xf32, #tpu.memory_space<vmem>> -> memref<1x128x128xf32, #tpu.memory_space<vmem>>
        %dma_wait3A_305 = tpu.memref_squeeze %dma_wait3A_304 : memref<1x128x128xf32, #tpu.memory_space<vmem>> -> memref<128x128xf32, #tpu.memory_space<vmem>>
        %dma_wait3A_306 = arith.constant 0 : i32
        %dma_wait3A_307 = tpu.memref_slice %arg9[%add3A_299, %dma_wait3A_306] : memref<40x128xi32, #tpu.memory_space<vmem>> -> memref<1x128xi32, #tpu.memory_space<vmem>>
        %dma_wait3A_308 = tpu.memref_squeeze %dma_wait3A_307 : memref<1x128xi32, #tpu.memory_space<vmem>> -> memref<128xi32, #tpu.memory_space<vmem>>
        %dma_wait3A_309 = arith.constant 0 : i32
        %dma_wait3A_310 = arith.constant 0 : i32
        %dma_wait3A_311 = tpu.memref_slice %arg2[%dma_wait3A_309, %dma_wait3A_310] : memref<10000x128xf32, #tpu.memory_space<hbm>> -> memref<10000x128xf32, #tpu.memory_space<hbm>>
        %dma_wait3A_312 = tpu.memref_slice %arg12[%dma_wait3A_301] : memref<2x!tpu.dma_semaphore, #tpu.memory_space<semaphore_mem>> -> memref<1x!tpu.dma_semaphore, #tpu.memory_space<semaphore_mem>>
        %dma_wait3A_313 = tpu.memref_squeeze %dma_wait3A_312 : memref<1x!tpu.dma_semaphore, #tpu.memory_space<semaphore_mem>> -> memref<!tpu.dma_semaphore, #tpu.memory_space<semaphore_mem>>
        tpu.wait_indirect_dma semaphore(%dma_wait3A_313 : memref<!tpu.dma_semaphore, #tpu.memory_space<semaphore_mem>>) src(%dma_wait3A_311 : memref<10000x128xf32, #tpu.memory_space<hbm>>) dst(%dma_wait3A_305 : memref<128x128xf32, #tpu.memory_space<vmem>>)
        %add3A_314 = arith.constant 1 : i32
        %add3A_315 = arith.addi %add3A_265, %add3A_314 : i32
        %dma_start3A_316 = arith.constant 1 : i32
        %dma_start3A_317 = arith.constant 1 : i32
        %dma_start3A_318 = arith.constant 0 : i32
        %dma_start3A_319 = arith.constant 0 : i32
        %dma_start3A_320 = tpu.memref_slice %arg11[%dma_start3A_316, %dma_start3A_318, %dma_start3A_319] : memref<2x128x128xf32, #tpu.memory_space<vmem>> -> memref<1x128x128xf32, #tpu.memory_space<vmem>>
        %dma_start3A_321 = tpu.memref_squeeze %dma_start3A_320 : memref<1x128x128xf32, #tpu.memory_space<vmem>> -> memref<128x128xf32, #tpu.memory_space<vmem>>
        %dma_start3A_322 = arith.constant 0 : i32
        %dma_start3A_323 = tpu.memref_slice %arg10[%add3A_315, %dma_start3A_322] : memref<40x128xi32, #tpu.memory_space<vmem>> -> memref<1x128xi32, #tpu.memory_space<vmem>>
        %dma_start3A_324 = tpu.memref_squeeze %dma_start3A_323 : memref<1x128xi32, #tpu.memory_space<vmem>> -> memref<128xi32, #tpu.memory_space<vmem>>
        %dma_start3A_325 = arith.constant 0 : i32
        %dma_start3A_326 = arith.constant 0 : i32
        %dma_start3A_327 = tpu.memref_slice %arg8[%dma_start3A_325, %dma_start3A_326] : memref<10112x128xf32, #tpu.memory_space<vmem_shared>> -> memref<10112x128xf32, #tpu.memory_space<vmem_shared>>
        %dma_start3A_328 = tpu.memref_slice %arg13[%dma_start3A_317] : memref<2x!tpu.dma_semaphore, #tpu.memory_space<semaphore_mem>> -> memref<1x!tpu.dma_semaphore, #tpu.memory_space<semaphore_mem>>
        %dma_start3A_329 = tpu.memref_squeeze %dma_start3A_328 : memref<1x!tpu.dma_semaphore, #tpu.memory_space<semaphore_mem>> -> memref<!tpu.dma_semaphore, #tpu.memory_space<semaphore_mem>>
        tpu.enqueue_indirect_dma source(%dma_start3A_321 : memref<128x128xf32, #tpu.memory_space<vmem>>) target(%dma_start3A_327 : memref<10112x128xf32, #tpu.memory_space<vmem_shared>>) offsets(%dma_start3A_324 : memref<128xi32, #tpu.memory_space<vmem>>) semaphore(%dma_start3A_329 : memref<!tpu.dma_semaphore, #tpu.memory_space<semaphore_mem>>) {add = true}
        %add3A_330 = arith.constant 0 : i32
        %add3A_331 = arith.addi %add3A_265, %add3A_330 : i32
        %dma_wait3A_332 = arith.constant 0 : i32
        %dma_wait3A_333 = arith.constant 0 : i32
        %dma_wait3A_334 = arith.constant 0 : i32
        %dma_wait3A_335 = arith.constant 0 : i32
        %dma_wait3A_336 = tpu.memref_slice %arg11[%dma_wait3A_332, %dma_wait3A_334, %dma_wait3A_335] : memref<2x128x128xf32, #tpu.memory_space<vmem>> -> memref<1x128x128xf32, #tpu.memory_space<vmem>>
        %dma_wait3A_337 = tpu.memref_squeeze %dma_wait3A_336 : memref<1x128x128xf32, #tpu.memory_space<vmem>> -> memref<128x128xf32, #tpu.memory_space<vmem>>
        %dma_wait3A_338 = arith.constant 0 : i32
        %dma_wait3A_339 = tpu.memref_slice %arg10[%add3A_331, %dma_wait3A_338] : memref<40x128xi32, #tpu.memory_space<vmem>> -> memref<1x128xi32, #tpu.memory_space<vmem>>
        %dma_wait3A_340 = tpu.memref_squeeze %dma_wait3A_339 : memref<1x128xi32, #tpu.memory_space<vmem>> -> memref<128xi32, #tpu.memory_space<vmem>>
        %dma_wait3A_341 = arith.constant 0 : i32
        %dma_wait3A_342 = arith.constant 0 : i32
        %dma_wait3A_343 = tpu.memref_slice %arg8[%dma_wait3A_341, %dma_wait3A_342] : memref<10112x128xf32, #tpu.memory_space<vmem_shared>> -> memref<10112x128xf32, #tpu.memory_space<vmem_shared>>
        %dma_wait3A_344 = tpu.memref_slice %arg13[%dma_wait3A_333] : memref<2x!tpu.dma_semaphore, #tpu.memory_space<semaphore_mem>> -> memref<1x!tpu.dma_semaphore, #tpu.memory_space<semaphore_mem>>
        %dma_wait3A_345 = tpu.memref_squeeze %dma_wait3A_344 : memref<1x!tpu.dma_semaphore, #tpu.memory_space<semaphore_mem>> -> memref<!tpu.dma_semaphore, #tpu.memory_space<semaphore_mem>>
        tpu.wait_indirect_dma semaphore(%dma_wait3A_345 : memref<!tpu.dma_semaphore, #tpu.memory_space<semaphore_mem>>) src(%dma_wait3A_337 : memref<128x128xf32, #tpu.memory_space<vmem>>) dst(%dma_wait3A_343 : memref<10112x128xf32, #tpu.memory_space<vmem_shared>>)
        %add3A_346 = arith.constant 0 : i32
        %add3A_347 = arith.addi %add3A_265, %add3A_346 : i32
        %add3A_348 = arith.constant 2 : i32
        %add3A_349 = arith.addi %add3A_347, %add3A_348 : i32
        %dma_start3A_350 = arith.constant 0 : i32
        %dma_start3A_351 = arith.constant 0 : i32
        %dma_start3A_352 = arith.constant 0 : i32
        %dma_start3A_353 = arith.constant 0 : i32
        %dma_start3A_354 = tpu.memref_slice %arg11[%dma_start3A_350, %dma_start3A_352, %dma_start3A_353] : memref<2x128x128xf32, #tpu.memory_space<vmem>> -> memref<1x128x128xf32, #tpu.memory_space<vmem>>
        %dma_start3A_355 = tpu.memref_squeeze %dma_start3A_354 : memref<1x128x128xf32, #tpu.memory_space<vmem>> -> memref<128x128xf32, #tpu.memory_space<vmem>>
        %dma_start3A_356 = arith.constant 0 : i32
        %dma_start3A_357 = tpu.memref_slice %arg9[%add3A_349, %dma_start3A_356] : memref<40x128xi32, #tpu.memory_space<vmem>> -> memref<1x128xi32, #tpu.memory_space<vmem>>
        %dma_start3A_358 = tpu.memref_squeeze %dma_start3A_357 : memref<1x128xi32, #tpu.memory_space<vmem>> -> memref<128xi32, #tpu.memory_space<vmem>>
        %dma_start3A_359 = arith.constant 0 : i32
        %dma_start3A_360 = arith.constant 0 : i32
        %dma_start3A_361 = tpu.memref_slice %arg2[%dma_start3A_359, %dma_start3A_360] : memref<10000x128xf32, #tpu.memory_space<hbm>> -> memref<10000x128xf32, #tpu.memory_space<hbm>>
        %dma_start3A_362 = tpu.memref_slice %arg12[%dma_start3A_351] : memref<2x!tpu.dma_semaphore, #tpu.memory_space<semaphore_mem>> -> memref<1x!tpu.dma_semaphore, #tpu.memory_space<semaphore_mem>>
        %dma_start3A_363 = tpu.memref_squeeze %dma_start3A_362 : memref<1x!tpu.dma_semaphore, #tpu.memory_space<semaphore_mem>> -> memref<!tpu.dma_semaphore, #tpu.memory_space<semaphore_mem>>
        tpu.enqueue_indirect_dma source(%dma_start3A_361 : memref<10000x128xf32, #tpu.memory_space<hbm>>) target(%dma_start3A_355 : memref<128x128xf32, #tpu.memory_space<vmem>>) offsets(%dma_start3A_358 : memref<128xi32, #tpu.memory_space<vmem>>) semaphore(%dma_start3A_363 : memref<!tpu.dma_semaphore, #tpu.memory_space<semaphore_mem>>)
        %add3A_364 = arith.constant 1 : i32
        %add3A_365 = arith.addi %add3A_265, %add3A_364 : i32
        %dma_wait3A_366 = arith.constant 1 : i32
        %dma_wait3A_367 = arith.constant 1 : i32
        %dma_wait3A_368 = arith.constant 0 : i32
        %dma_wait3A_369 = arith.constant 0 : i32
        %dma_wait3A_370 = tpu.memref_slice %arg11[%dma_wait3A_366, %dma_wait3A_368, %dma_wait3A_369] : memref<2x128x128xf32, #tpu.memory_space<vmem>> -> memref<1x128x128xf32, #tpu.memory_space<vmem>>
        %dma_wait3A_371 = tpu.memref_squeeze %dma_wait3A_370 : memref<1x128x128xf32, #tpu.memory_space<vmem>> -> memref<128x128xf32, #tpu.memory_space<vmem>>
        %dma_wait3A_372 = arith.constant 0 : i32
        %dma_wait3A_373 = tpu.memref_slice %arg10[%add3A_365, %dma_wait3A_372] : memref<40x128xi32, #tpu.memory_space<vmem>> -> memref<1x128xi32, #tpu.memory_space<vmem>>
        %dma_wait3A_374 = tpu.memref_squeeze %dma_wait3A_373 : memref<1x128xi32, #tpu.memory_space<vmem>> -> memref<128xi32, #tpu.memory_space<vmem>>
        %dma_wait3A_375 = arith.constant 0 : i32
        %dma_wait3A_376 = arith.constant 0 : i32
        %dma_wait3A_377 = tpu.memref_slice %arg8[%dma_wait3A_375, %dma_wait3A_376] : memref<10112x128xf32, #tpu.memory_space<vmem_shared>> -> memref<10112x128xf32, #tpu.memory_space<vmem_shared>>
        %dma_wait3A_378 = tpu.memref_slice %arg13[%dma_wait3A_367] : memref<2x!tpu.dma_semaphore, #tpu.memory_space<semaphore_mem>> -> memref<1x!tpu.dma_semaphore, #tpu.memory_space<semaphore_mem>>
        %dma_wait3A_379 = tpu.memref_squeeze %dma_wait3A_378 : memref<1x!tpu.dma_semaphore, #tpu.memory_space<semaphore_mem>> -> memref<!tpu.dma_semaphore, #tpu.memory_space<semaphore_mem>>
        tpu.wait_indirect_dma semaphore(%dma_wait3A_379 : memref<!tpu.dma_semaphore, #tpu.memory_space<semaphore_mem>>) src(%dma_wait3A_371 : memref<128x128xf32, #tpu.memory_space<vmem>>) dst(%dma_wait3A_377 : memref<10112x128xf32, #tpu.memory_space<vmem_shared>>)
        %add3A_380 = arith.constant 1 : i32
        %add3A_381 = arith.addi %add3A_265, %add3A_380 : i32
        %add3A_382 = arith.constant 2 : i32
        %add3A_383 = arith.addi %add3A_381, %add3A_382 : i32
        %dma_start3A_384 = arith.constant 1 : i32
        %dma_start3A_385 = arith.constant 1 : i32
        %dma_start3A_386 = arith.constant 0 : i32
        %dma_start3A_387 = arith.constant 0 : i32
        %dma_start3A_388 = tpu.memref_slice %arg11[%dma_start3A_384, %dma_start3A_386, %dma_start3A_387] : memref<2x128x128xf32, #tpu.memory_space<vmem>> -> memref<1x128x128xf32, #tpu.memory_space<vmem>>
        %dma_start3A_389 = tpu.memref_squeeze %dma_start3A_388 : memref<1x128x128xf32, #tpu.memory_space<vmem>> -> memref<128x128xf32, #tpu.memory_space<vmem>>
        %dma_start3A_390 = arith.constant 0 : i32
        %dma_start3A_391 = tpu.memref_slice %arg9[%add3A_383, %dma_start3A_390] : memref<40x128xi32, #tpu.memory_space<vmem>> -> memref<1x128xi32, #tpu.memory_space<vmem>>
        %dma_start3A_392 = tpu.memref_squeeze %dma_start3A_391 : memref<1x128xi32, #tpu.memory_space<vmem>> -> memref<128xi32, #tpu.memory_space<vmem>>
        %dma_start3A_393 = arith.constant 0 : i32
        %dma_start3A_394 = arith.constant 0 : i32
        %dma_start3A_395 = tpu.memref_slice %arg2[%dma_start3A_393, %dma_start3A_394] : memref<10000x128xf32, #tpu.memory_space<hbm>> -> memref<10000x128xf32, #tpu.memory_space<hbm>>
        %dma_start3A_396 = tpu.memref_slice %arg12[%dma_start3A_385] : memref<2x!tpu.dma_semaphore, #tpu.memory_space<semaphore_mem>> -> memref<1x!tpu.dma_semaphore, #tpu.memory_space<semaphore_mem>>
        %dma_start3A_397 = tpu.memref_squeeze %dma_start3A_396 : memref<1x!tpu.dma_semaphore, #tpu.memory_space<semaphore_mem>> -> memref<!tpu.dma_semaphore, #tpu.memory_space<semaphore_mem>>
        tpu.enqueue_indirect_dma source(%dma_start3A_395 : memref<10000x128xf32, #tpu.memory_space<hbm>>) target(%dma_start3A_389 : memref<128x128xf32, #tpu.memory_space<vmem>>) offsets(%dma_start3A_392 : memref<128xi32, #tpu.memory_space<vmem>>) semaphore(%dma_start3A_397 : memref<!tpu.dma_semaphore, #tpu.memory_space<semaphore_mem>>)
      }
      %scan3A_42 = arith.constant 19 : i32
      %dma_wait3A = arith.constant 38 : i32
      %dma_wait3A_43 = arith.constant 0 : i32
      %dma_wait3A_44 = arith.constant 0 : i32
      %dma_wait3A_45 = arith.constant 0 : i32
      %dma_wait3A_46 = arith.constant 0 : i32
      %dma_wait3A_47 = tpu.memref_slice %arg11[%dma_wait3A_43, %dma_wait3A_45, %dma_wait3A_46] : memref<2x128x128xf32, #tpu.memory_space<vmem>> -> memref<1x128x128xf32, #tpu.memory_space<vmem>>
      %dma_wait3A_48 = tpu.memref_squeeze %dma_wait3A_47 : memref<1x128x128xf32, #tpu.memory_space<vmem>> -> memref<128x128xf32, #tpu.memory_space<vmem>>
      %dma_wait3A_49 = arith.constant 0 : i32
      %dma_wait3A_50 = tpu.memref_slice %arg9[%dma_wait3A, %dma_wait3A_49] : memref<40x128xi32, #tpu.memory_space<vmem>> -> memref<1x128xi32, #tpu.memory_space<vmem>>
      %dma_wait3A_51 = tpu.memref_squeeze %dma_wait3A_50 : memref<1x128xi32, #tpu.memory_space<vmem>> -> memref<128xi32, #tpu.memory_space<vmem>>
      %dma_wait3A_52 = arith.constant 0 : i32
      %dma_wait3A_53 = arith.constant 0 : i32
      %dma_wait3A_54 = tpu.memref_slice %arg2[%dma_wait3A_52, %dma_wait3A_53] : memref<10000x128xf32, #tpu.memory_space<hbm>> -> memref<10000x128xf32, #tpu.memory_space<hbm>>
      %dma_wait3A_55 = tpu.memref_slice %arg12[%dma_wait3A_44] : memref<2x!tpu.dma_semaphore, #tpu.memory_space<semaphore_mem>> -> memref<1x!tpu.dma_semaphore, #tpu.memory_space<semaphore_mem>>
      %dma_wait3A_56 = tpu.memref_squeeze %dma_wait3A_55 : memref<1x!tpu.dma_semaphore, #tpu.memory_space<semaphore_mem>> -> memref<!tpu.dma_semaphore, #tpu.memory_space<semaphore_mem>>
      tpu.wait_indirect_dma semaphore(%dma_wait3A_56 : memref<!tpu.dma_semaphore, #tpu.memory_space<semaphore_mem>>) src(%dma_wait3A_54 : memref<10000x128xf32, #tpu.memory_space<hbm>>) dst(%dma_wait3A_48 : memref<128x128xf32, #tpu.memory_space<vmem>>)
      %dma_start3A_57 = arith.constant 0 : i32
      %dma_start3A_58 = arith.constant 38 : i32
      %dma_start3A_59 = arith.constant 0 : i32
      %dma_start3A_60 = arith.constant 0 : i32
      %dma_start3A_61 = arith.constant 0 : i32
      %dma_start3A_62 = tpu.memref_slice %arg11[%dma_start3A_57, %dma_start3A_60, %dma_start3A_61] : memref<2x128x128xf32, #tpu.memory_space<vmem>> -> memref<1x128x128xf32, #tpu.memory_space<vmem>>
      %dma_start3A_63 = tpu.memref_squeeze %dma_start3A_62 : memref<1x128x128xf32, #tpu.memory_space<vmem>> -> memref<128x128xf32, #tpu.memory_space<vmem>>
      %dma_start3A_64 = arith.constant 0 : i32
      %dma_start3A_65 = tpu.memref_slice %arg10[%dma_start3A_58, %dma_start3A_64] : memref<40x128xi32, #tpu.memory_space<vmem>> -> memref<1x128xi32, #tpu.memory_space<vmem>>
      %dma_start3A_66 = tpu.memref_squeeze %dma_start3A_65 : memref<1x128xi32, #tpu.memory_space<vmem>> -> memref<128xi32, #tpu.memory_space<vmem>>
      %dma_start3A_67 = arith.constant 0 : i32
      %dma_start3A_68 = arith.constant 0 : i32
      %dma_start3A_69 = tpu.memref_slice %arg8[%dma_start3A_67, %dma_start3A_68] : memref<10112x128xf32, #tpu.memory_space<vmem_shared>> -> memref<10112x128xf32, #tpu.memory_space<vmem_shared>>
      %dma_start3A_70 = tpu.memref_slice %arg13[%dma_start3A_59] : memref<2x!tpu.dma_semaphore, #tpu.memory_space<semaphore_mem>> -> memref<1x!tpu.dma_semaphore, #tpu.memory_space<semaphore_mem>>
      %dma_start3A_71 = tpu.memref_squeeze %dma_start3A_70 : memref<1x!tpu.dma_semaphore, #tpu.memory_space<semaphore_mem>> -> memref<!tpu.dma_semaphore, #tpu.memory_space<semaphore_mem>>
      tpu.enqueue_indirect_dma source(%dma_start3A_63 : memref<128x128xf32, #tpu.memory_space<vmem>>) target(%dma_start3A_69 : memref<10112x128xf32, #tpu.memory_space<vmem_shared>>) offsets(%dma_start3A_66 : memref<128xi32, #tpu.memory_space<vmem>>) semaphore(%dma_start3A_71 : memref<!tpu.dma_semaphore, #tpu.memory_space<semaphore_mem>>) {add = true}
      %dma_wait3A_72 = arith.constant 39 : i32
      %dma_wait3A_73 = arith.constant 1 : i32
      %dma_wait3A_74 = arith.constant 1 : i32
      %dma_wait3A_75 = arith.constant 0 : i32
      %dma_wait3A_76 = arith.constant 0 : i32
      %dma_wait3A_77 = tpu.memref_slice %arg11[%dma_wait3A_73, %dma_wait3A_75, %dma_wait3A_76] : memref<2x128x128xf32, #tpu.memory_space<vmem>> -> memref<1x128x128xf32, #tpu.memory_space<vmem>>
      %dma_wait3A_78 = tpu.memref_squeeze %dma_wait3A_77 : memref<1x128x128xf32, #tpu.memory_space<vmem>> -> memref<128x128xf32, #tpu.memory_space<vmem>>
      %dma_wait3A_79 = arith.constant 0 : i32
      %dma_wait3A_80 = tpu.memref_slice %arg9[%dma_wait3A_72, %dma_wait3A_79] : memref<40x128xi32, #tpu.memory_space<vmem>> -> memref<1x128xi32, #tpu.memory_space<vmem>>
      %dma_wait3A_81 = tpu.memref_squeeze %dma_wait3A_80 : memref<1x128xi32, #tpu.memory_space<vmem>> -> memref<128xi32, #tpu.memory_space<vmem>>
      %dma_wait3A_82 = arith.constant 0 : i32
      %dma_wait3A_83 = arith.constant 0 : i32
      %dma_wait3A_84 = tpu.memref_slice %arg2[%dma_wait3A_82, %dma_wait3A_83] : memref<10000x128xf32, #tpu.memory_space<hbm>> -> memref<10000x128xf32, #tpu.memory_space<hbm>>
      %dma_wait3A_85 = tpu.memref_slice %arg12[%dma_wait3A_74] : memref<2x!tpu.dma_semaphore, #tpu.memory_space<semaphore_mem>> -> memref<1x!tpu.dma_semaphore, #tpu.memory_space<semaphore_mem>>
      %dma_wait3A_86 = tpu.memref_squeeze %dma_wait3A_85 : memref<1x!tpu.dma_semaphore, #tpu.memory_space<semaphore_mem>> -> memref<!tpu.dma_semaphore, #tpu.memory_space<semaphore_mem>>
      tpu.wait_indirect_dma semaphore(%dma_wait3A_86 : memref<!tpu.dma_semaphore, #tpu.memory_space<semaphore_mem>>) src(%dma_wait3A_84 : memref<10000x128xf32, #tpu.memory_space<hbm>>) dst(%dma_wait3A_78 : memref<128x128xf32, #tpu.memory_space<vmem>>)
      %dma_start3A_87 = arith.constant 1 : i32
      %dma_start3A_88 = arith.constant 39 : i32
      %dma_start3A_89 = arith.constant 1 : i32
      %dma_start3A_90 = arith.constant 0 : i32
      %dma_start3A_91 = arith.constant 0 : i32
      %dma_start3A_92 = tpu.memref_slice %arg11[%dma_start3A_87, %dma_start3A_90, %dma_start3A_91] : memref<2x128x128xf32, #tpu.memory_space<vmem>> -> memref<1x128x128xf32, #tpu.memory_space<vmem>>
      %dma_start3A_93 = tpu.memref_squeeze %dma_start3A_92 : memref<1x128x128xf32, #tpu.memory_space<vmem>> -> memref<128x128xf32, #tpu.memory_space<vmem>>
      %dma_start3A_94 = arith.constant 0 : i32
      %dma_start3A_95 = tpu.memref_slice %arg10[%dma_start3A_88, %dma_start3A_94] : memref<40x128xi32, #tpu.memory_space<vmem>> -> memref<1x128xi32, #tpu.memory_space<vmem>>
      %dma_start3A_96 = tpu.memref_squeeze %dma_start3A_95 : memref<1x128xi32, #tpu.memory_space<vmem>> -> memref<128xi32, #tpu.memory_space<vmem>>
      %dma_start3A_97 = arith.constant 0 : i32
      %dma_start3A_98 = arith.constant 0 : i32
      %dma_start3A_99 = tpu.memref_slice %arg8[%dma_start3A_97, %dma_start3A_98] : memref<10112x128xf32, #tpu.memory_space<vmem_shared>> -> memref<10112x128xf32, #tpu.memory_space<vmem_shared>>
      %dma_start3A_100 = tpu.memref_slice %arg13[%dma_start3A_89] : memref<2x!tpu.dma_semaphore, #tpu.memory_space<semaphore_mem>> -> memref<1x!tpu.dma_semaphore, #tpu.memory_space<semaphore_mem>>
      %dma_start3A_101 = tpu.memref_squeeze %dma_start3A_100 : memref<1x!tpu.dma_semaphore, #tpu.memory_space<semaphore_mem>> -> memref<!tpu.dma_semaphore, #tpu.memory_space<semaphore_mem>>
      tpu.enqueue_indirect_dma source(%dma_start3A_93 : memref<128x128xf32, #tpu.memory_space<vmem>>) target(%dma_start3A_99 : memref<10112x128xf32, #tpu.memory_space<vmem_shared>>) offsets(%dma_start3A_96 : memref<128xi32, #tpu.memory_space<vmem>>) semaphore(%dma_start3A_101 : memref<!tpu.dma_semaphore, #tpu.memory_space<semaphore_mem>>) {add = true}
      %dma_wait3A_102 = arith.constant 0 : i32
      %dma_wait3A_103 = arith.constant 38 : i32
      %dma_wait3A_104 = arith.constant 0 : i32
      %dma_wait3A_105 = arith.constant 0 : i32
      %dma_wait3A_106 = arith.constant 0 : i32
      %dma_wait3A_107 = tpu.memref_slice %arg11[%dma_wait3A_102, %dma_wait3A_105, %dma_wait3A_106] : memref<2x128x128xf32, #tpu.memory_space<vmem>> -> memref<1x128x128xf32, #tpu.memory_space<vmem>>
      %dma_wait3A_108 = tpu.memref_squeeze %dma_wait3A_107 : memref<1x128x128xf32, #tpu.memory_space<vmem>> -> memref<128x128xf32, #tpu.memory_space<vmem>>
      %dma_wait3A_109 = arith.constant 0 : i32
      %dma_wait3A_110 = tpu.memref_slice %arg10[%dma_wait3A_103, %dma_wait3A_109] : memref<40x128xi32, #tpu.memory_space<vmem>> -> memref<1x128xi32, #tpu.memory_space<vmem>>
      %dma_wait3A_111 = tpu.memref_squeeze %dma_wait3A_110 : memref<1x128xi32, #tpu.memory_space<vmem>> -> memref<128xi32, #tpu.memory_space<vmem>>
      %dma_wait3A_112 = arith.constant 0 : i32
      %dma_wait3A_113 = arith.constant 0 : i32
      %dma_wait3A_114 = tpu.memref_slice %arg8[%dma_wait3A_112, %dma_wait3A_113] : memref<10112x128xf32, #tpu.memory_space<vmem_shared>> -> memref<10112x128xf32, #tpu.memory_space<vmem_shared>>
      %dma_wait3A_115 = tpu.memref_slice %arg13[%dma_wait3A_104] : memref<2x!tpu.dma_semaphore, #tpu.memory_space<semaphore_mem>> -> memref<1x!tpu.dma_semaphore, #tpu.memory_space<semaphore_mem>>
      %dma_wait3A_116 = tpu.memref_squeeze %dma_wait3A_115 : memref<1x!tpu.dma_semaphore, #tpu.memory_space<semaphore_mem>> -> memref<!tpu.dma_semaphore, #tpu.memory_space<semaphore_mem>>
      tpu.wait_indirect_dma semaphore(%dma_wait3A_116 : memref<!tpu.dma_semaphore, #tpu.memory_space<semaphore_mem>>) src(%dma_wait3A_108 : memref<128x128xf32, #tpu.memory_space<vmem>>) dst(%dma_wait3A_114 : memref<10112x128xf32, #tpu.memory_space<vmem_shared>>)
      %dma_wait3A_117 = arith.constant 1 : i32
      %dma_wait3A_118 = arith.constant 39 : i32
      %dma_wait3A_119 = arith.constant 1 : i32
      %dma_wait3A_120 = arith.constant 0 : i32
      %dma_wait3A_121 = arith.constant 0 : i32
      %dma_wait3A_122 = tpu.memref_slice %arg11[%dma_wait3A_117, %dma_wait3A_120, %dma_wait3A_121] : memref<2x128x128xf32, #tpu.memory_space<vmem>> -> memref<1x128x128xf32, #tpu.memory_space<vmem>>
      %dma_wait3A_123 = tpu.memref_squeeze %dma_wait3A_122 : memref<1x128x128xf32, #tpu.memory_space<vmem>> -> memref<128x128xf32, #tpu.memory_space<vmem>>
      %dma_wait3A_124 = arith.constant 0 : i32
      %dma_wait3A_125 = tpu.memref_slice %arg10[%dma_wait3A_118, %dma_wait3A_124] : memref<40x128xi32, #tpu.memory_space<vmem>> -> memref<1x128xi32, #tpu.memory_space<vmem>>
      %dma_wait3A_126 = tpu.memref_squeeze %dma_wait3A_125 : memref<1x128xi32, #tpu.memory_space<vmem>> -> memref<128xi32, #tpu.memory_space<vmem>>
      %dma_wait3A_127 = arith.constant 0 : i32
      %dma_wait3A_128 = arith.constant 0 : i32
      %dma_wait3A_129 = tpu.memref_slice %arg8[%dma_wait3A_127, %dma_wait3A_128] : memref<10112x128xf32, #tpu.memory_space<vmem_shared>> -> memref<10112x128xf32, #tpu.memory_space<vmem_shared>>
      %dma_wait3A_130 = tpu.memref_slice %arg13[%dma_wait3A_119] : memref<2x!tpu.dma_semaphore, #tpu.memory_space<semaphore_mem>> -> memref<1x!tpu.dma_semaphore, #tpu.memory_space<semaphore_mem>>
      %dma_wait3A_131 = tpu.memref_squeeze %dma_wait3A_130 : memref<1x!tpu.dma_semaphore, #tpu.memory_space<semaphore_mem>> -> memref<!tpu.dma_semaphore, #tpu.memory_space<semaphore_mem>>
      tpu.wait_indirect_dma semaphore(%dma_wait3A_131 : memref<!tpu.dma_semaphore, #tpu.memory_space<semaphore_mem>>) src(%dma_wait3A_123 : memref<128x128xf32, #tpu.memory_space<vmem>>) dst(%dma_wait3A_129 : memref<10112x128xf32, #tpu.memory_space<vmem_shared>>)
      %add3A = arith.constant 40 : i32
      %add3A_132 = arith.addi %mul3A_2, %add3A : i32
      "tpu.region"() ({
        %run_scoped3A_261 = tpu.sem_alloc : memref<!tpu.dma_semaphore, #tpu.memory_space<semaphore_mem>>
        %dma_start3A_262 = arith.constant 0 : i32
        %dma_start3A_263 = tpu.memref_slice %arg4[%add3A_132, %dma_start3A_262] : memref<1280x128xi32, #tpu.memory_space<hbm>> -> memref<40x128xi32, #tpu.memory_space<hbm>>
        %dma_start3A_264 = arith.constant 0 : i32
        %dma_start3A_265 = tpu.memref_slice %arg4[%add3A_132, %dma_start3A_264] : memref<1280x128xi32, #tpu.memory_space<hbm>> -> memref<40x128xi32, #tpu.memory_space<hbm>>
        tpu.enqueue_dma source(%dma_start3A_265 : memref<40x128xi32, #tpu.memory_space<hbm>>) target(%arg9 : memref<40x128xi32, #tpu.memory_space<vmem>>) target_semaphore(%run_scoped3A_261 : memref<!tpu.dma_semaphore, #tpu.memory_space<semaphore_mem>>)
        %dma_wait3A_266 = arith.constant 0 : i32
        %dma_wait3A_267 = tpu.memref_slice %arg4[%add3A_132, %dma_wait3A_266] : memref<1280x128xi32, #tpu.memory_space<hbm>> -> memref<40x128xi32, #tpu.memory_space<hbm>>
        %dma_wait3A_268 = arith.constant 0 : i32
        %dma_wait3A_269 = tpu.memref_slice %arg4[%add3A_132, %dma_wait3A_268] : memref<1280x128xi32, #tpu.memory_space<hbm>> -> memref<40x128xi32, #tpu.memory_space<hbm>>
        tpu.wait_dma2 semaphore(%run_scoped3A_261 : memref<!tpu.dma_semaphore, #tpu.memory_space<semaphore_mem>>) src(%dma_wait3A_269 : memref<40x128xi32, #tpu.memory_space<hbm>>) dst(%arg9 : memref<40x128xi32, #tpu.memory_space<vmem>>)
        tpu.yield
      }) : () -> ()
      %add3A_133 = arith.constant 40 : i32
      %add3A_134 = arith.addi %mul3A_2, %add3A_133 : i32
      "tpu.region"() ({
        %run_scoped3A_261 = tpu.sem_alloc : memref<!tpu.dma_semaphore, #tpu.memory_space<semaphore_mem>>
        %dma_start3A_262 = arith.constant 0 : i32
        %dma_start3A_263 = tpu.memref_slice %arg5[%add3A_134, %dma_start3A_262] : memref<1280x128xi32, #tpu.memory_space<hbm>> -> memref<40x128xi32, #tpu.memory_space<hbm>>
        %dma_start3A_264 = arith.constant 0 : i32
        %dma_start3A_265 = tpu.memref_slice %arg5[%add3A_134, %dma_start3A_264] : memref<1280x128xi32, #tpu.memory_space<hbm>> -> memref<40x128xi32, #tpu.memory_space<hbm>>
        tpu.enqueue_dma source(%dma_start3A_265 : memref<40x128xi32, #tpu.memory_space<hbm>>) target(%arg10 : memref<40x128xi32, #tpu.memory_space<vmem>>) target_semaphore(%run_scoped3A_261 : memref<!tpu.dma_semaphore, #tpu.memory_space<semaphore_mem>>)
        %dma_wait3A_266 = arith.constant 0 : i32
        %dma_wait3A_267 = tpu.memref_slice %arg5[%add3A_134, %dma_wait3A_266] : memref<1280x128xi32, #tpu.memory_space<hbm>> -> memref<40x128xi32, #tpu.memory_space<hbm>>
        %dma_wait3A_268 = arith.constant 0 : i32
        %dma_wait3A_269 = tpu.memref_slice %arg5[%add3A_134, %dma_wait3A_268] : memref<1280x128xi32, #tpu.memory_space<hbm>> -> memref<40x128xi32, #tpu.memory_space<hbm>>
        tpu.wait_dma2 semaphore(%run_scoped3A_261 : memref<!tpu.dma_semaphore, #tpu.memory_space<semaphore_mem>>) src(%dma_wait3A_269 : memref<40x128xi32, #tpu.memory_space<hbm>>) dst(%arg10 : memref<40x128xi32, #tpu.memory_space<vmem>>)
        tpu.yield
      }) : () -> ()
      %dma_start3A_135 = arith.constant 0 : i32
      %dma_start3A_136 = arith.constant 0 : i32
      %dma_start3A_137 = arith.constant 0 : i32
      %dma_start3A_138 = arith.constant 0 : i32
      %dma_start3A_139 = arith.constant 0 : i32
      %dma_start3A_140 = tpu.memref_slice %arg11[%dma_start3A_136, %dma_start3A_138, %dma_start3A_139] : memref<2x128x128xf32, #tpu.memory_space<vmem>> -> memref<1x128x128xf32, #tpu.memory_space<vmem>>
      %dma_start3A_141 = tpu.memref_squeeze %dma_start3A_140 : memref<1x128x128xf32, #tpu.memory_space<vmem>> -> memref<128x128xf32, #tpu.memory_space<vmem>>
      %dma_start3A_142 = arith.constant 0 : i32
      %dma_start3A_143 = tpu.memref_slice %arg9[%dma_start3A_135, %dma_start3A_142] : memref<40x128xi32, #tpu.memory_space<vmem>> -> memref<1x128xi32, #tpu.memory_space<vmem>>
      %dma_start3A_144 = tpu.memref_squeeze %dma_start3A_143 : memref<1x128xi32, #tpu.memory_space<vmem>> -> memref<128xi32, #tpu.memory_space<vmem>>
      %dma_start3A_145 = arith.constant 0 : i32
      %dma_start3A_146 = arith.constant 0 : i32
      %dma_start3A_147 = tpu.memref_slice %arg2[%dma_start3A_145, %dma_start3A_146] : memref<10000x128xf32, #tpu.memory_space<hbm>> -> memref<10000x128xf32, #tpu.memory_space<hbm>>
      %dma_start3A_148 = tpu.memref_slice %arg12[%dma_start3A_137] : memref<2x!tpu.dma_semaphore, #tpu.memory_space<semaphore_mem>> -> memref<1x!tpu.dma_semaphore, #tpu.memory_space<semaphore_mem>>
      %dma_start3A_149 = tpu.memref_squeeze %dma_start3A_148 : memref<1x!tpu.dma_semaphore, #tpu.memory_space<semaphore_mem>> -> memref<!tpu.dma_semaphore, #tpu.memory_space<semaphore_mem>>
      tpu.enqueue_indirect_dma source(%dma_start3A_147 : memref<10000x128xf32, #tpu.memory_space<hbm>>) target(%dma_start3A_141 : memref<128x128xf32, #tpu.memory_space<vmem>>) offsets(%dma_start3A_144 : memref<128xi32, #tpu.memory_space<vmem>>) semaphore(%dma_start3A_149 : memref<!tpu.dma_semaphore, #tpu.memory_space<semaphore_mem>>)
      %dma_start3A_150 = arith.constant 1 : i32
      %dma_start3A_151 = arith.constant 1 : i32
      %dma_start3A_152 = arith.constant 1 : i32
      %dma_start3A_153 = arith.constant 0 : i32
      %dma_start3A_154 = arith.constant 0 : i32
      %dma_start3A_155 = tpu.memref_slice %arg11[%dma_start3A_151, %dma_start3A_153, %dma_start3A_154] : memref<2x128x128xf32, #tpu.memory_space<vmem>> -> memref<1x128x128xf32, #tpu.memory_space<vmem>>
      %dma_start3A_156 = tpu.memref_squeeze %dma_start3A_155 : memref<1x128x128xf32, #tpu.memory_space<vmem>> -> memref<128x128xf32, #tpu.memory_space<vmem>>
      %dma_start3A_157 = arith.constant 0 : i32
      %dma_start3A_158 = tpu.memref_slice %arg9[%dma_start3A_150, %dma_start3A_157] : memref<40x128xi32, #tpu.memory_space<vmem>> -> memref<1x128xi32, #tpu.memory_space<vmem>>
      %dma_start3A_159 = tpu.memref_squeeze %dma_start3A_158 : memref<1x128xi32, #tpu.memory_space<vmem>> -> memref<128xi32, #tpu.memory_space<vmem>>
      %dma_start3A_160 = arith.constant 0 : i32
      %dma_start3A_161 = arith.constant 0 : i32
      %dma_start3A_162 = tpu.memref_slice %arg2[%dma_start3A_160, %dma_start3A_161] : memref<10000x128xf32, #tpu.memory_space<hbm>> -> memref<10000x128xf32, #tpu.memory_space<hbm>>
      %dma_start3A_163 = tpu.memref_slice %arg12[%dma_start3A_152] : memref<2x!tpu.dma_semaphore, #tpu.memory_space<semaphore_mem>> -> memref<1x!tpu.dma_semaphore, #tpu.memory_space<semaphore_mem>>
      %dma_start3A_164 = tpu.memref_squeeze %dma_start3A_163 : memref<1x!tpu.dma_semaphore, #tpu.memory_space<semaphore_mem>> -> memref<!tpu.dma_semaphore, #tpu.memory_space<semaphore_mem>>
      tpu.enqueue_indirect_dma source(%dma_start3A_162 : memref<10000x128xf32, #tpu.memory_space<hbm>>) target(%dma_start3A_156 : memref<128x128xf32, #tpu.memory_space<vmem>>) offsets(%dma_start3A_159 : memref<128xi32, #tpu.memory_space<vmem>>) semaphore(%dma_start3A_164 : memref<!tpu.dma_semaphore, #tpu.memory_space<semaphore_mem>>)
      %scan3A_165 = arith.constant 0 : i32
      %scan3A_166 = arith.constant 19 : i32
      %scan3A_167 = arith.addi %scan3A_165, %scan3A_166 : i32
      %scan3A_168 = arith.constant 1 : i32
      scf.for %scan3A_261 = %scan3A_165 to %scan3A_167 step %scan3A_168  : i32 {
        %mul3A_262 = arith.constant 2 : i32
        %mul3A_263 = arith.muli %scan3A_261, %mul3A_262 : i32
        %add3A_264 = arith.constant 0 : i32
        %add3A_265 = arith.addi %add3A_264, %mul3A_263 : i32
        %add3A_266 = arith.constant 0 : i32
        %add3A_267 = arith.addi %add3A_265, %add3A_266 : i32
        %dma_wait3A_268 = arith.constant 0 : i32
        %dma_wait3A_269 = arith.constant 0 : i32
        %dma_wait3A_270 = arith.constant 0 : i32
        %dma_wait3A_271 = arith.constant 0 : i32
        %dma_wait3A_272 = tpu.memref_slice %arg11[%dma_wait3A_268, %dma_wait3A_270, %dma_wait3A_271] : memref<2x128x128xf32, #tpu.memory_space<vmem>> -> memref<1x128x128xf32, #tpu.memory_space<vmem>>
        %dma_wait3A_273 = tpu.memref_squeeze %dma_wait3A_272 : memref<1x128x128xf32, #tpu.memory_space<vmem>> -> memref<128x128xf32, #tpu.memory_space<vmem>>
        %dma_wait3A_274 = arith.constant 0 : i32
        %dma_wait3A_275 = tpu.memref_slice %arg9[%add3A_267, %dma_wait3A_274] : memref<40x128xi32, #tpu.memory_space<vmem>> -> memref<1x128xi32, #tpu.memory_space<vmem>>
        %dma_wait3A_276 = tpu.memref_squeeze %dma_wait3A_275 : memref<1x128xi32, #tpu.memory_space<vmem>> -> memref<128xi32, #tpu.memory_space<vmem>>
        %dma_wait3A_277 = arith.constant 0 : i32
        %dma_wait3A_278 = arith.constant 0 : i32
        %dma_wait3A_279 = tpu.memref_slice %arg2[%dma_wait3A_277, %dma_wait3A_278] : memref<10000x128xf32, #tpu.memory_space<hbm>> -> memref<10000x128xf32, #tpu.memory_space<hbm>>
        %dma_wait3A_280 = tpu.memref_slice %arg12[%dma_wait3A_269] : memref<2x!tpu.dma_semaphore, #tpu.memory_space<semaphore_mem>> -> memref<1x!tpu.dma_semaphore, #tpu.memory_space<semaphore_mem>>
        %dma_wait3A_281 = tpu.memref_squeeze %dma_wait3A_280 : memref<1x!tpu.dma_semaphore, #tpu.memory_space<semaphore_mem>> -> memref<!tpu.dma_semaphore, #tpu.memory_space<semaphore_mem>>
        tpu.wait_indirect_dma semaphore(%dma_wait3A_281 : memref<!tpu.dma_semaphore, #tpu.memory_space<semaphore_mem>>) src(%dma_wait3A_279 : memref<10000x128xf32, #tpu.memory_space<hbm>>) dst(%dma_wait3A_273 : memref<128x128xf32, #tpu.memory_space<vmem>>)
        %add3A_282 = arith.constant 0 : i32
        %add3A_283 = arith.addi %add3A_265, %add3A_282 : i32
        %dma_start3A_284 = arith.constant 0 : i32
        %dma_start3A_285 = arith.constant 0 : i32
        %dma_start3A_286 = arith.constant 0 : i32
        %dma_start3A_287 = arith.constant 0 : i32
        %dma_start3A_288 = tpu.memref_slice %arg11[%dma_start3A_284, %dma_start3A_286, %dma_start3A_287] : memref<2x128x128xf32, #tpu.memory_space<vmem>> -> memref<1x128x128xf32, #tpu.memory_space<vmem>>
        %dma_start3A_289 = tpu.memref_squeeze %dma_start3A_288 : memref<1x128x128xf32, #tpu.memory_space<vmem>> -> memref<128x128xf32, #tpu.memory_space<vmem>>
        %dma_start3A_290 = arith.constant 0 : i32
        %dma_start3A_291 = tpu.memref_slice %arg10[%add3A_283, %dma_start3A_290] : memref<40x128xi32, #tpu.memory_space<vmem>> -> memref<1x128xi32, #tpu.memory_space<vmem>>
        %dma_start3A_292 = tpu.memref_squeeze %dma_start3A_291 : memref<1x128xi32, #tpu.memory_space<vmem>> -> memref<128xi32, #tpu.memory_space<vmem>>
        %dma_start3A_293 = arith.constant 0 : i32
        %dma_start3A_294 = arith.constant 0 : i32
        %dma_start3A_295 = tpu.memref_slice %arg8[%dma_start3A_293, %dma_start3A_294] : memref<10112x128xf32, #tpu.memory_space<vmem_shared>> -> memref<10112x128xf32, #tpu.memory_space<vmem_shared>>
        %dma_start3A_296 = tpu.memref_slice %arg13[%dma_start3A_285] : memref<2x!tpu.dma_semaphore, #tpu.memory_space<semaphore_mem>> -> memref<1x!tpu.dma_semaphore, #tpu.memory_space<semaphore_mem>>
        %dma_start3A_297 = tpu.memref_squeeze %dma_start3A_296 : memref<1x!tpu.dma_semaphore, #tpu.memory_space<semaphore_mem>> -> memref<!tpu.dma_semaphore, #tpu.memory_space<semaphore_mem>>
        tpu.enqueue_indirect_dma source(%dma_start3A_289 : memref<128x128xf32, #tpu.memory_space<vmem>>) target(%dma_start3A_295 : memref<10112x128xf32, #tpu.memory_space<vmem_shared>>) offsets(%dma_start3A_292 : memref<128xi32, #tpu.memory_space<vmem>>) semaphore(%dma_start3A_297 : memref<!tpu.dma_semaphore, #tpu.memory_space<semaphore_mem>>) {add = true}
        %add3A_298 = arith.constant 1 : i32
        %add3A_299 = arith.addi %add3A_265, %add3A_298 : i32
        %dma_wait3A_300 = arith.constant 1 : i32
        %dma_wait3A_301 = arith.constant 1 : i32
        %dma_wait3A_302 = arith.constant 0 : i32
        %dma_wait3A_303 = arith.constant 0 : i32
        %dma_wait3A_304 = tpu.memref_slice %arg11[%dma_wait3A_300, %dma_wait3A_302, %dma_wait3A_303] : memref<2x128x128xf32, #tpu.memory_space<vmem>> -> memref<1x128x128xf32, #tpu.memory_space<vmem>>
        %dma_wait3A_305 = tpu.memref_squeeze %dma_wait3A_304 : memref<1x128x128xf32, #tpu.memory_space<vmem>> -> memref<128x128xf32, #tpu.memory_space<vmem>>
        %dma_wait3A_306 = arith.constant 0 : i32
        %dma_wait3A_307 = tpu.memref_slice %arg9[%add3A_299, %dma_wait3A_306] : memref<40x128xi32, #tpu.memory_space<vmem>> -> memref<1x128xi32, #tpu.memory_space<vmem>>
        %dma_wait3A_308 = tpu.memref_squeeze %dma_wait3A_307 : memref<1x128xi32, #tpu.memory_space<vmem>> -> memref<128xi32, #tpu.memory_space<vmem>>
        %dma_wait3A_309 = arith.constant 0 : i32
        %dma_wait3A_310 = arith.constant 0 : i32
        %dma_wait3A_311 = tpu.memref_slice %arg2[%dma_wait3A_309, %dma_wait3A_310] : memref<10000x128xf32, #tpu.memory_space<hbm>> -> memref<10000x128xf32, #tpu.memory_space<hbm>>
        %dma_wait3A_312 = tpu.memref_slice %arg12[%dma_wait3A_301] : memref<2x!tpu.dma_semaphore, #tpu.memory_space<semaphore_mem>> -> memref<1x!tpu.dma_semaphore, #tpu.memory_space<semaphore_mem>>
        %dma_wait3A_313 = tpu.memref_squeeze %dma_wait3A_312 : memref<1x!tpu.dma_semaphore, #tpu.memory_space<semaphore_mem>> -> memref<!tpu.dma_semaphore, #tpu.memory_space<semaphore_mem>>
        tpu.wait_indirect_dma semaphore(%dma_wait3A_313 : memref<!tpu.dma_semaphore, #tpu.memory_space<semaphore_mem>>) src(%dma_wait3A_311 : memref<10000x128xf32, #tpu.memory_space<hbm>>) dst(%dma_wait3A_305 : memref<128x128xf32, #tpu.memory_space<vmem>>)
        %add3A_314 = arith.constant 1 : i32
        %add3A_315 = arith.addi %add3A_265, %add3A_314 : i32
        %dma_start3A_316 = arith.constant 1 : i32
        %dma_start3A_317 = arith.constant 1 : i32
        %dma_start3A_318 = arith.constant 0 : i32
        %dma_start3A_319 = arith.constant 0 : i32
        %dma_start3A_320 = tpu.memref_slice %arg11[%dma_start3A_316, %dma_start3A_318, %dma_start3A_319] : memref<2x128x128xf32, #tpu.memory_space<vmem>> -> memref<1x128x128xf32, #tpu.memory_space<vmem>>
        %dma_start3A_321 = tpu.memref_squeeze %dma_start3A_320 : memref<1x128x128xf32, #tpu.memory_space<vmem>> -> memref<128x128xf32, #tpu.memory_space<vmem>>
        %dma_start3A_322 = arith.constant 0 : i32
        %dma_start3A_323 = tpu.memref_slice %arg10[%add3A_315, %dma_start3A_322] : memref<40x128xi32, #tpu.memory_space<vmem>> -> memref<1x128xi32, #tpu.memory_space<vmem>>
        %dma_start3A_324 = tpu.memref_squeeze %dma_start3A_323 : memref<1x128xi32, #tpu.memory_space<vmem>> -> memref<128xi32, #tpu.memory_space<vmem>>
        %dma_start3A_325 = arith.constant 0 : i32
        %dma_start3A_326 = arith.constant 0 : i32
        %dma_start3A_327 = tpu.memref_slice %arg8[%dma_start3A_325, %dma_start3A_326] : memref<10112x128xf32, #tpu.memory_space<vmem_shared>> -> memref<10112x128xf32, #tpu.memory_space<vmem_shared>>
        %dma_start3A_328 = tpu.memref_slice %arg13[%dma_start3A_317] : memref<2x!tpu.dma_semaphore, #tpu.memory_space<semaphore_mem>> -> memref<1x!tpu.dma_semaphore, #tpu.memory_space<semaphore_mem>>
        %dma_start3A_329 = tpu.memref_squeeze %dma_start3A_328 : memref<1x!tpu.dma_semaphore, #tpu.memory_space<semaphore_mem>> -> memref<!tpu.dma_semaphore, #tpu.memory_space<semaphore_mem>>
        tpu.enqueue_indirect_dma source(%dma_start3A_321 : memref<128x128xf32, #tpu.memory_space<vmem>>) target(%dma_start3A_327 : memref<10112x128xf32, #tpu.memory_space<vmem_shared>>) offsets(%dma_start3A_324 : memref<128xi32, #tpu.memory_space<vmem>>) semaphore(%dma_start3A_329 : memref<!tpu.dma_semaphore, #tpu.memory_space<semaphore_mem>>) {add = true}
        %add3A_330 = arith.constant 0 : i32
        %add3A_331 = arith.addi %add3A_265, %add3A_330 : i32
        %dma_wait3A_332 = arith.constant 0 : i32
        %dma_wait3A_333 = arith.constant 0 : i32
        %dma_wait3A_334 = arith.constant 0 : i32
        %dma_wait3A_335 = arith.constant 0 : i32
        %dma_wait3A_336 = tpu.memref_slice %arg11[%dma_wait3A_332, %dma_wait3A_334, %dma_wait3A_335] : memref<2x128x128xf32, #tpu.memory_space<vmem>> -> memref<1x128x128xf32, #tpu.memory_space<vmem>>
        %dma_wait3A_337 = tpu.memref_squeeze %dma_wait3A_336 : memref<1x128x128xf32, #tpu.memory_space<vmem>> -> memref<128x128xf32, #tpu.memory_space<vmem>>
        %dma_wait3A_338 = arith.constant 0 : i32
        %dma_wait3A_339 = tpu.memref_slice %arg10[%add3A_331, %dma_wait3A_338] : memref<40x128xi32, #tpu.memory_space<vmem>> -> memref<1x128xi32, #tpu.memory_space<vmem>>
        %dma_wait3A_340 = tpu.memref_squeeze %dma_wait3A_339 : memref<1x128xi32, #tpu.memory_space<vmem>> -> memref<128xi32, #tpu.memory_space<vmem>>
        %dma_wait3A_341 = arith.constant 0 : i32
        %dma_wait3A_342 = arith.constant 0 : i32
        %dma_wait3A_343 = tpu.memref_slice %arg8[%dma_wait3A_341, %dma_wait3A_342] : memref<10112x128xf32, #tpu.memory_space<vmem_shared>> -> memref<10112x128xf32, #tpu.memory_space<vmem_shared>>
        %dma_wait3A_344 = tpu.memref_slice %arg13[%dma_wait3A_333] : memref<2x!tpu.dma_semaphore, #tpu.memory_space<semaphore_mem>> -> memref<1x!tpu.dma_semaphore, #tpu.memory_space<semaphore_mem>>
        %dma_wait3A_345 = tpu.memref_squeeze %dma_wait3A_344 : memref<1x!tpu.dma_semaphore, #tpu.memory_space<semaphore_mem>> -> memref<!tpu.dma_semaphore, #tpu.memory_space<semaphore_mem>>
        tpu.wait_indirect_dma semaphore(%dma_wait3A_345 : memref<!tpu.dma_semaphore, #tpu.memory_space<semaphore_mem>>) src(%dma_wait3A_337 : memref<128x128xf32, #tpu.memory_space<vmem>>) dst(%dma_wait3A_343 : memref<10112x128xf32, #tpu.memory_space<vmem_shared>>)
        %add3A_346 = arith.constant 0 : i32
        %add3A_347 = arith.addi %add3A_265, %add3A_346 : i32
        %add3A_348 = arith.constant 2 : i32
        %add3A_349 = arith.addi %add3A_347, %add3A_348 : i32
        %dma_start3A_350 = arith.constant 0 : i32
        %dma_start3A_351 = arith.constant 0 : i32
        %dma_start3A_352 = arith.constant 0 : i32
        %dma_start3A_353 = arith.constant 0 : i32
        %dma_start3A_354 = tpu.memref_slice %arg11[%dma_start3A_350, %dma_start3A_352, %dma_start3A_353] : memref<2x128x128xf32, #tpu.memory_space<vmem>> -> memref<1x128x128xf32, #tpu.memory_space<vmem>>
        %dma_start3A_355 = tpu.memref_squeeze %dma_start3A_354 : memref<1x128x128xf32, #tpu.memory_space<vmem>> -> memref<128x128xf32, #tpu.memory_space<vmem>>
        %dma_start3A_356 = arith.constant 0 : i32
        %dma_start3A_357 = tpu.memref_slice %arg9[%add3A_349, %dma_start3A_356] : memref<40x128xi32, #tpu.memory_space<vmem>> -> memref<1x128xi32, #tpu.memory_space<vmem>>
        %dma_start3A_358 = tpu.memref_squeeze %dma_start3A_357 : memref<1x128xi32, #tpu.memory_space<vmem>> -> memref<128xi32, #tpu.memory_space<vmem>>
        %dma_start3A_359 = arith.constant 0 : i32
        %dma_start3A_360 = arith.constant 0 : i32
        %dma_start3A_361 = tpu.memref_slice %arg2[%dma_start3A_359, %dma_start3A_360] : memref<10000x128xf32, #tpu.memory_space<hbm>> -> memref<10000x128xf32, #tpu.memory_space<hbm>>
        %dma_start3A_362 = tpu.memref_slice %arg12[%dma_start3A_351] : memref<2x!tpu.dma_semaphore, #tpu.memory_space<semaphore_mem>> -> memref<1x!tpu.dma_semaphore, #tpu.memory_space<semaphore_mem>>
        %dma_start3A_363 = tpu.memref_squeeze %dma_start3A_362 : memref<1x!tpu.dma_semaphore, #tpu.memory_space<semaphore_mem>> -> memref<!tpu.dma_semaphore, #tpu.memory_space<semaphore_mem>>
        tpu.enqueue_indirect_dma source(%dma_start3A_361 : memref<10000x128xf32, #tpu.memory_space<hbm>>) target(%dma_start3A_355 : memref<128x128xf32, #tpu.memory_space<vmem>>) offsets(%dma_start3A_358 : memref<128xi32, #tpu.memory_space<vmem>>) semaphore(%dma_start3A_363 : memref<!tpu.dma_semaphore, #tpu.memory_space<semaphore_mem>>)
        %add3A_364 = arith.constant 1 : i32
        %add3A_365 = arith.addi %add3A_265, %add3A_364 : i32
        %dma_wait3A_366 = arith.constant 1 : i32
        %dma_wait3A_367 = arith.constant 1 : i32
        %dma_wait3A_368 = arith.constant 0 : i32
        %dma_wait3A_369 = arith.constant 0 : i32
        %dma_wait3A_370 = tpu.memref_slice %arg11[%dma_wait3A_366, %dma_wait3A_368, %dma_wait3A_369] : memref<2x128x128xf32, #tpu.memory_space<vmem>> -> memref<1x128x128xf32, #tpu.memory_space<vmem>>
        %dma_wait3A_371 = tpu.memref_squeeze %dma_wait3A_370 : memref<1x128x128xf32, #tpu.memory_space<vmem>> -> memref<128x128xf32, #tpu.memory_space<vmem>>
        %dma_wait3A_372 = arith.constant 0 : i32
        %dma_wait3A_373 = tpu.memref_slice %arg10[%add3A_365, %dma_wait3A_372] : memref<40x128xi32, #tpu.memory_space<vmem>> -> memref<1x128xi32, #tpu.memory_space<vmem>>
        %dma_wait3A_374 = tpu.memref_squeeze %dma_wait3A_373 : memref<1x128xi32, #tpu.memory_space<vmem>> -> memref<128xi32, #tpu.memory_space<vmem>>
        %dma_wait3A_375 = arith.constant 0 : i32
        %dma_wait3A_376 = arith.constant 0 : i32
        %dma_wait3A_377 = tpu.memref_slice %arg8[%dma_wait3A_375, %dma_wait3A_376] : memref<10112x128xf32, #tpu.memory_space<vmem_shared>> -> memref<10112x128xf32, #tpu.memory_space<vmem_shared>>
        %dma_wait3A_378 = tpu.memref_slice %arg13[%dma_wait3A_367] : memref<2x!tpu.dma_semaphore, #tpu.memory_space<semaphore_mem>> -> memref<1x!tpu.dma_semaphore, #tpu.memory_space<semaphore_mem>>
        %dma_wait3A_379 = tpu.memref_squeeze %dma_wait3A_378 : memref<1x!tpu.dma_semaphore, #tpu.memory_space<semaphore_mem>> -> memref<!tpu.dma_semaphore, #tpu.memory_space<semaphore_mem>>
        tpu.wait_indirect_dma semaphore(%dma_wait3A_379 : memref<!tpu.dma_semaphore, #tpu.memory_space<semaphore_mem>>) src(%dma_wait3A_371 : memref<128x128xf32, #tpu.memory_space<vmem>>) dst(%dma_wait3A_377 : memref<10112x128xf32, #tpu.memory_space<vmem_shared>>)
        %add3A_380 = arith.constant 1 : i32
        %add3A_381 = arith.addi %add3A_265, %add3A_380 : i32
        %add3A_382 = arith.constant 2 : i32
        %add3A_383 = arith.addi %add3A_381, %add3A_382 : i32
        %dma_start3A_384 = arith.constant 1 : i32
        %dma_start3A_385 = arith.constant 1 : i32
        %dma_start3A_386 = arith.constant 0 : i32
        %dma_start3A_387 = arith.constant 0 : i32
        %dma_start3A_388 = tpu.memref_slice %arg11[%dma_start3A_384, %dma_start3A_386, %dma_start3A_387] : memref<2x128x128xf32, #tpu.memory_space<vmem>> -> memref<1x128x128xf32, #tpu.memory_space<vmem>>
        %dma_start3A_389 = tpu.memref_squeeze %dma_start3A_388 : memref<1x128x128xf32, #tpu.memory_space<vmem>> -> memref<128x128xf32, #tpu.memory_space<vmem>>
        %dma_start3A_390 = arith.constant 0 : i32
        %dma_start3A_391 = tpu.memref_slice %arg9[%add3A_383, %dma_start3A_390] : memref<40x128xi32, #tpu.memory_space<vmem>> -> memref<1x128xi32, #tpu.memory_space<vmem>>
        %dma_start3A_392 = tpu.memref_squeeze %dma_start3A_391 : memref<1x128xi32, #tpu.memory_space<vmem>> -> memref<128xi32, #tpu.memory_space<vmem>>
        %dma_start3A_393 = arith.constant 0 : i32
        %dma_start3A_394 = arith.constant 0 : i32
        %dma_start3A_395 = tpu.memref_slice %arg2[%dma_start3A_393, %dma_start3A_394] : memref<10000x128xf32, #tpu.memory_space<hbm>> -> memref<10000x128xf32, #tpu.memory_space<hbm>>
        %dma_start3A_396 = tpu.memref_slice %arg12[%dma_start3A_385] : memref<2x!tpu.dma_semaphore, #tpu.memory_space<semaphore_mem>> -> memref<1x!tpu.dma_semaphore, #tpu.memory_space<semaphore_mem>>
        %dma_start3A_397 = tpu.memref_squeeze %dma_start3A_396 : memref<1x!tpu.dma_semaphore, #tpu.memory_space<semaphore_mem>> -> memref<!tpu.dma_semaphore, #tpu.memory_space<semaphore_mem>>
        tpu.enqueue_indirect_dma source(%dma_start3A_395 : memref<10000x128xf32, #tpu.memory_space<hbm>>) target(%dma_start3A_389 : memref<128x128xf32, #tpu.memory_space<vmem>>) offsets(%dma_start3A_392 : memref<128xi32, #tpu.memory_space<vmem>>) semaphore(%dma_start3A_397 : memref<!tpu.dma_semaphore, #tpu.memory_space<semaphore_mem>>)
      }
      %scan3A_169 = arith.constant 19 : i32
      %dma_wait3A_170 = arith.constant 38 : i32
      %dma_wait3A_171 = arith.constant 0 : i32
      %dma_wait3A_172 = arith.constant 0 : i32
      %dma_wait3A_173 = arith.constant 0 : i32
      %dma_wait3A_174 = arith.constant 0 : i32
      %dma_wait3A_175 = tpu.memref_slice %arg11[%dma_wait3A_171, %dma_wait3A_173, %dma_wait3A_174] : memref<2x128x128xf32, #tpu.memory_space<vmem>> -> memref<1x128x128xf32, #tpu.memory_space<vmem>>
      %dma_wait3A_176 = tpu.memref_squeeze %dma_wait3A_175 : memref<1x128x128xf32, #tpu.memory_space<vmem>> -> memref<128x128xf32, #tpu.memory_space<vmem>>
      %dma_wait3A_177 = arith.constant 0 : i32
      %dma_wait3A_178 = tpu.memref_slice %arg9[%dma_wait3A_170, %dma_wait3A_177] : memref<40x128xi32, #tpu.memory_space<vmem>> -> memref<1x128xi32, #tpu.memory_space<vmem>>
      %dma_wait3A_179 = tpu.memref_squeeze %dma_wait3A_178 : memref<1x128xi32, #tpu.memory_space<vmem>> -> memref<128xi32, #tpu.memory_space<vmem>>
      %dma_wait3A_180 = arith.constant 0 : i32
      %dma_wait3A_181 = arith.constant 0 : i32
      %dma_wait3A_182 = tpu.memref_slice %arg2[%dma_wait3A_180, %dma_wait3A_181] : memref<10000x128xf32, #tpu.memory_space<hbm>> -> memref<10000x128xf32, #tpu.memory_space<hbm>>
      %dma_wait3A_183 = tpu.memref_slice %arg12[%dma_wait3A_172] : memref<2x!tpu.dma_semaphore, #tpu.memory_space<semaphore_mem>> -> memref<1x!tpu.dma_semaphore, #tpu.memory_space<semaphore_mem>>
      %dma_wait3A_184 = tpu.memref_squeeze %dma_wait3A_183 : memref<1x!tpu.dma_semaphore, #tpu.memory_space<semaphore_mem>> -> memref<!tpu.dma_semaphore, #tpu.memory_space<semaphore_mem>>
      tpu.wait_indirect_dma semaphore(%dma_wait3A_184 : memref<!tpu.dma_semaphore, #tpu.memory_space<semaphore_mem>>) src(%dma_wait3A_182 : memref<10000x128xf32, #tpu.memory_space<hbm>>) dst(%dma_wait3A_176 : memref<128x128xf32, #tpu.memory_space<vmem>>)
      %dma_start3A_185 = arith.constant 0 : i32
      %dma_start3A_186 = arith.constant 38 : i32
      %dma_start3A_187 = arith.constant 0 : i32
      %dma_start3A_188 = arith.constant 0 : i32
      %dma_start3A_189 = arith.constant 0 : i32
      %dma_start3A_190 = tpu.memref_slice %arg11[%dma_start3A_185, %dma_start3A_188, %dma_start3A_189] : memref<2x128x128xf32, #tpu.memory_space<vmem>> -> memref<1x128x128xf32, #tpu.memory_space<vmem>>
      %dma_start3A_191 = tpu.memref_squeeze %dma_start3A_190 : memref<1x128x128xf32, #tpu.memory_space<vmem>> -> memref<128x128xf32, #tpu.memory_space<vmem>>
      %dma_start3A_192 = arith.constant 0 : i32
      %dma_start3A_193 = tpu.memref_slice %arg10[%dma_start3A_186, %dma_start3A_192] : memref<40x128xi32, #tpu.memory_space<vmem>> -> memref<1x128xi32, #tpu.memory_space<vmem>>
      %dma_start3A_194 = tpu.memref_squeeze %dma_start3A_193 : memref<1x128xi32, #tpu.memory_space<vmem>> -> memref<128xi32, #tpu.memory_space<vmem>>
      %dma_start3A_195 = arith.constant 0 : i32
      %dma_start3A_196 = arith.constant 0 : i32
      %dma_start3A_197 = tpu.memref_slice %arg8[%dma_start3A_195, %dma_start3A_196] : memref<10112x128xf32, #tpu.memory_space<vmem_shared>> -> memref<10112x128xf32, #tpu.memory_space<vmem_shared>>
      %dma_start3A_198 = tpu.memref_slice %arg13[%dma_start3A_187] : memref<2x!tpu.dma_semaphore, #tpu.memory_space<semaphore_mem>> -> memref<1x!tpu.dma_semaphore, #tpu.memory_space<semaphore_mem>>
      %dma_start3A_199 = tpu.memref_squeeze %dma_start3A_198 : memref<1x!tpu.dma_semaphore, #tpu.memory_space<semaphore_mem>> -> memref<!tpu.dma_semaphore, #tpu.memory_space<semaphore_mem>>
      tpu.enqueue_indirect_dma source(%dma_start3A_191 : memref<128x128xf32, #tpu.memory_space<vmem>>) target(%dma_start3A_197 : memref<10112x128xf32, #tpu.memory_space<vmem_shared>>) offsets(%dma_start3A_194 : memref<128xi32, #tpu.memory_space<vmem>>) semaphore(%dma_start3A_199 : memref<!tpu.dma_semaphore, #tpu.memory_space<semaphore_mem>>) {add = true}
      %dma_wait3A_200 = arith.constant 39 : i32
      %dma_wait3A_201 = arith.constant 1 : i32
      %dma_wait3A_202 = arith.constant 1 : i32
      %dma_wait3A_203 = arith.constant 0 : i32
      %dma_wait3A_204 = arith.constant 0 : i32
      %dma_wait3A_205 = tpu.memref_slice %arg11[%dma_wait3A_201, %dma_wait3A_203, %dma_wait3A_204] : memref<2x128x128xf32, #tpu.memory_space<vmem>> -> memref<1x128x128xf32, #tpu.memory_space<vmem>>
      %dma_wait3A_206 = tpu.memref_squeeze %dma_wait3A_205 : memref<1x128x128xf32, #tpu.memory_space<vmem>> -> memref<128x128xf32, #tpu.memory_space<vmem>>
      %dma_wait3A_207 = arith.constant 0 : i32
      %dma_wait3A_208 = tpu.memref_slice %arg9[%dma_wait3A_200, %dma_wait3A_207] : memref<40x128xi32, #tpu.memory_space<vmem>> -> memref<1x128xi32, #tpu.memory_space<vmem>>
      %dma_wait3A_209 = tpu.memref_squeeze %dma_wait3A_208 : memref<1x128xi32, #tpu.memory_space<vmem>> -> memref<128xi32, #tpu.memory_space<vmem>>
      %dma_wait3A_210 = arith.constant 0 : i32
      %dma_wait3A_211 = arith.constant 0 : i32
      %dma_wait3A_212 = tpu.memref_slice %arg2[%dma_wait3A_210, %dma_wait3A_211] : memref<10000x128xf32, #tpu.memory_space<hbm>> -> memref<10000x128xf32, #tpu.memory_space<hbm>>
      %dma_wait3A_213 = tpu.memref_slice %arg12[%dma_wait3A_202] : memref<2x!tpu.dma_semaphore, #tpu.memory_space<semaphore_mem>> -> memref<1x!tpu.dma_semaphore, #tpu.memory_space<semaphore_mem>>
      %dma_wait3A_214 = tpu.memref_squeeze %dma_wait3A_213 : memref<1x!tpu.dma_semaphore, #tpu.memory_space<semaphore_mem>> -> memref<!tpu.dma_semaphore, #tpu.memory_space<semaphore_mem>>
      tpu.wait_indirect_dma semaphore(%dma_wait3A_214 : memref<!tpu.dma_semaphore, #tpu.memory_space<semaphore_mem>>) src(%dma_wait3A_212 : memref<10000x128xf32, #tpu.memory_space<hbm>>) dst(%dma_wait3A_206 : memref<128x128xf32, #tpu.memory_space<vmem>>)
      %dma_start3A_215 = arith.constant 1 : i32
      %dma_start3A_216 = arith.constant 39 : i32
      %dma_start3A_217 = arith.constant 1 : i32
      %dma_start3A_218 = arith.constant 0 : i32
      %dma_start3A_219 = arith.constant 0 : i32
      %dma_start3A_220 = tpu.memref_slice %arg11[%dma_start3A_215, %dma_start3A_218, %dma_start3A_219] : memref<2x128x128xf32, #tpu.memory_space<vmem>> -> memref<1x128x128xf32, #tpu.memory_space<vmem>>
      %dma_start3A_221 = tpu.memref_squeeze %dma_start3A_220 : memref<1x128x128xf32, #tpu.memory_space<vmem>> -> memref<128x128xf32, #tpu.memory_space<vmem>>
      %dma_start3A_222 = arith.constant 0 : i32
      %dma_start3A_223 = tpu.memref_slice %arg10[%dma_start3A_216, %dma_start3A_222] : memref<40x128xi32, #tpu.memory_space<vmem>> -> memref<1x128xi32, #tpu.memory_space<vmem>>
      %dma_start3A_224 = tpu.memref_squeeze %dma_start3A_223 : memref<1x128xi32, #tpu.memory_space<vmem>> -> memref<128xi32, #tpu.memory_space<vmem>>
      %dma_start3A_225 = arith.constant 0 : i32
      %dma_start3A_226 = arith.constant 0 : i32
      %dma_start3A_227 = tpu.memref_slice %arg8[%dma_start3A_225, %dma_start3A_226] : memref<10112x128xf32, #tpu.memory_space<vmem_shared>> -> memref<10112x128xf32, #tpu.memory_space<vmem_shared>>
      %dma_start3A_228 = tpu.memref_slice %arg13[%dma_start3A_217] : memref<2x!tpu.dma_semaphore, #tpu.memory_space<semaphore_mem>> -> memref<1x!tpu.dma_semaphore, #tpu.memory_space<semaphore_mem>>
      %dma_start3A_229 = tpu.memref_squeeze %dma_start3A_228 : memref<1x!tpu.dma_semaphore, #tpu.memory_space<semaphore_mem>> -> memref<!tpu.dma_semaphore, #tpu.memory_space<semaphore_mem>>
      tpu.enqueue_indirect_dma source(%dma_start3A_221 : memref<128x128xf32, #tpu.memory_space<vmem>>) target(%dma_start3A_227 : memref<10112x128xf32, #tpu.memory_space<vmem_shared>>) offsets(%dma_start3A_224 : memref<128xi32, #tpu.memory_space<vmem>>) semaphore(%dma_start3A_229 : memref<!tpu.dma_semaphore, #tpu.memory_space<semaphore_mem>>) {add = true}
      %dma_wait3A_230 = arith.constant 0 : i32
      %dma_wait3A_231 = arith.constant 38 : i32
      %dma_wait3A_232 = arith.constant 0 : i32
      %dma_wait3A_233 = arith.constant 0 : i32
      %dma_wait3A_234 = arith.constant 0 : i32
      %dma_wait3A_235 = tpu.memref_slice %arg11[%dma_wait3A_230, %dma_wait3A_233, %dma_wait3A_234] : memref<2x128x128xf32, #tpu.memory_space<vmem>> -> memref<1x128x128xf32, #tpu.memory_space<vmem>>
      %dma_wait3A_236 = tpu.memref_squeeze %dma_wait3A_235 : memref<1x128x128xf32, #tpu.memory_space<vmem>> -> memref<128x128xf32, #tpu.memory_space<vmem>>
      %dma_wait3A_237 = arith.constant 0 : i32
      %dma_wait3A_238 = tpu.memref_slice %arg10[%dma_wait3A_231, %dma_wait3A_237] : memref<40x128xi32, #tpu.memory_space<vmem>> -> memref<1x128xi32, #tpu.memory_space<vmem>>
      %dma_wait3A_239 = tpu.memref_squeeze %dma_wait3A_238 : memref<1x128xi32, #tpu.memory_space<vmem>> -> memref<128xi32, #tpu.memory_space<vmem>>
      %dma_wait3A_240 = arith.constant 0 : i32
      %dma_wait3A_241 = arith.constant 0 : i32
      %dma_wait3A_242 = tpu.memref_slice %arg8[%dma_wait3A_240, %dma_wait3A_241] : memref<10112x128xf32, #tpu.memory_space<vmem_shared>> -> memref<10112x128xf32, #tpu.memory_space<vmem_shared>>
      %dma_wait3A_243 = tpu.memref_slice %arg13[%dma_wait3A_232] : memref<2x!tpu.dma_semaphore, #tpu.memory_space<semaphore_mem>> -> memref<1x!tpu.dma_semaphore, #tpu.memory_space<semaphore_mem>>
      %dma_wait3A_244 = tpu.memref_squeeze %dma_wait3A_243 : memref<1x!tpu.dma_semaphore, #tpu.memory_space<semaphore_mem>> -> memref<!tpu.dma_semaphore, #tpu.memory_space<semaphore_mem>>
      tpu.wait_indirect_dma semaphore(%dma_wait3A_244 : memref<!tpu.dma_semaphore, #tpu.memory_space<semaphore_mem>>) src(%dma_wait3A_236 : memref<128x128xf32, #tpu.memory_space<vmem>>) dst(%dma_wait3A_242 : memref<10112x128xf32, #tpu.memory_space<vmem_shared>>)
      %dma_wait3A_245 = arith.constant 1 : i32
      %dma_wait3A_246 = arith.constant 39 : i32
      %dma_wait3A_247 = arith.constant 1 : i32
      %dma_wait3A_248 = arith.constant 0 : i32
      %dma_wait3A_249 = arith.constant 0 : i32
      %dma_wait3A_250 = tpu.memref_slice %arg11[%dma_wait3A_245, %dma_wait3A_248, %dma_wait3A_249] : memref<2x128x128xf32, #tpu.memory_space<vmem>> -> memref<1x128x128xf32, #tpu.memory_space<vmem>>
      %dma_wait3A_251 = tpu.memref_squeeze %dma_wait3A_250 : memref<1x128x128xf32, #tpu.memory_space<vmem>> -> memref<128x128xf32, #tpu.memory_space<vmem>>
      %dma_wait3A_252 = arith.constant 0 : i32
      %dma_wait3A_253 = tpu.memref_slice %arg10[%dma_wait3A_246, %dma_wait3A_252] : memref<40x128xi32, #tpu.memory_space<vmem>> -> memref<1x128xi32, #tpu.memory_space<vmem>>
      %dma_wait3A_254 = tpu.memref_squeeze %dma_wait3A_253 : memref<1x128xi32, #tpu.memory_space<vmem>> -> memref<128xi32, #tpu.memory_space<vmem>>
      %dma_wait3A_255 = arith.constant 0 : i32
      %dma_wait3A_256 = arith.constant 0 : i32
      %dma_wait3A_257 = tpu.memref_slice %arg8[%dma_wait3A_255, %dma_wait3A_256] : memref<10112x128xf32, #tpu.memory_space<vmem_shared>> -> memref<10112x128xf32, #tpu.memory_space<vmem_shared>>
      %dma_wait3A_258 = tpu.memref_slice %arg13[%dma_wait3A_247] : memref<2x!tpu.dma_semaphore, #tpu.memory_space<semaphore_mem>> -> memref<1x!tpu.dma_semaphore, #tpu.memory_space<semaphore_mem>>
      %dma_wait3A_259 = tpu.memref_squeeze %dma_wait3A_258 : memref<1x!tpu.dma_semaphore, #tpu.memory_space<semaphore_mem>> -> memref<!tpu.dma_semaphore, #tpu.memory_space<semaphore_mem>>
      tpu.wait_indirect_dma semaphore(%dma_wait3A_259 : memref<!tpu.dma_semaphore, #tpu.memory_space<semaphore_mem>>) src(%dma_wait3A_251 : memref<128x128xf32, #tpu.memory_space<vmem>>) dst(%dma_wait3A_257 : memref<10112x128xf32, #tpu.memory_space<vmem_shared>>)
      %barrier3A_260 = arith.constant 0 : index
      tpu.barrier barrier_id(%barrier3A_260)
      %run_scoped3A = arith.constant 0 : i32
      "tpu.region"() ({
        %run_scoped3A_261 = tpu.sem_alloc : memref<!tpu.dma_semaphore, #tpu.memory_space<semaphore_mem>>
        %dma_start3A_262 = arith.constant 0 : i32
        %dma_start3A_263 = arith.constant 0 : i32
        %dma_start3A_264 = tpu.memref_slice %arg7[%run_scoped3A, %dma_start3A_262, %dma_start3A_263] : memref<2x10112x128xf32, #tpu.memory_space<hbm>> -> memref<1x10112x128xf32, #tpu.memory_space<hbm>>
        %dma_start3A_265 = tpu.memref_squeeze %dma_start3A_264 : memref<1x10112x128xf32, #tpu.memory_space<hbm>> -> memref<10112x128xf32, #tpu.memory_space<hbm>>
        %dma_start3A_266 = arith.constant 0 : i32
        %dma_start3A_267 = tpu.memref_slice %dma_start3A_265[%mul3A_0, %dma_start3A_266] : memref<10112x128xf32, #tpu.memory_space<hbm>> -> memref<632x128xf32, #tpu.memory_space<hbm>>
        %dma_start3A_268 = arith.constant 0 : i32
        %dma_start3A_269 = tpu.memref_slice %arg8[%mul3A_0, %dma_start3A_268] : memref<10112x128xf32, #tpu.memory_space<vmem_shared>> -> memref<632x128xf32, #tpu.memory_space<vmem_shared>>
        tpu.enqueue_dma source(%dma_start3A_269 : memref<632x128xf32, #tpu.memory_space<vmem_shared>>) target(%dma_start3A_267 : memref<632x128xf32, #tpu.memory_space<hbm>>) target_semaphore(%run_scoped3A_261 : memref<!tpu.dma_semaphore, #tpu.memory_space<semaphore_mem>>)
        %dma_wait3A_270 = arith.constant 0 : i32
        %dma_wait3A_271 = arith.constant 0 : i32
        %dma_wait3A_272 = tpu.memref_slice %arg7[%run_scoped3A, %dma_wait3A_270, %dma_wait3A_271] : memref<2x10112x128xf32, #tpu.memory_space<hbm>> -> memref<1x10112x128xf32, #tpu.memory_space<hbm>>
        %dma_wait3A_273 = tpu.memref_squeeze %dma_wait3A_272 : memref<1x10112x128xf32, #tpu.memory_space<hbm>> -> memref<10112x128xf32, #tpu.memory_space<hbm>>
        %dma_wait3A_274 = arith.constant 0 : i32
        %dma_wait3A_275 = tpu.memref_slice %dma_wait3A_273[%mul3A_0, %dma_wait3A_274] : memref<10112x128xf32, #tpu.memory_space<hbm>> -> memref<632x128xf32, #tpu.memory_space<hbm>>
        %dma_wait3A_276 = arith.constant 0 : i32
        %dma_wait3A_277 = tpu.memref_slice %arg8[%mul3A_0, %dma_wait3A_276] : memref<10112x128xf32, #tpu.memory_space<vmem_shared>> -> memref<632x128xf32, #tpu.memory_space<vmem_shared>>
        tpu.wait_dma2 semaphore(%run_scoped3A_261 : memref<!tpu.dma_semaphore, #tpu.memory_space<semaphore_mem>>) src(%dma_wait3A_277 : memref<632x128xf32, #tpu.memory_space<vmem_shared>>) dst(%dma_wait3A_275 : memref<632x128xf32, #tpu.memory_space<hbm>>)
        tpu.yield
      }) : () -> ()
    } else {
    }
    %eq3A_5 = arith.constant 1 : i32
    %eq3A_6 = arith.cmpi eq, %arg0, %eq3A_5 : i32
    %convert_element_type3A_7 = arith.extui %eq3A_6 : i1 to i32
    %cond3A_8 = arith.constant 0 : i32
    %cond3A_9 = arith.cmpi ne, %convert_element_type3A_7, %cond3A_8 : i32
    scf.if %cond3A_9 {
      "tpu.region"() ({
        %run_scoped3A_261 = tpu.sem_alloc : memref<!tpu.dma_semaphore, #tpu.memory_space<semaphore_mem>>
        %dma_start3A_262 = arith.constant 0 : i32
        %dma_start3A_263 = tpu.memref_slice %arg4[%mul3A_2, %dma_start3A_262] : memref<1280x128xi32, #tpu.memory_space<hbm>> -> memref<40x128xi32, #tpu.memory_space<hbm>>
        %dma_start3A_264 = arith.constant 0 : i32
        %dma_start3A_265 = tpu.memref_slice %arg4[%mul3A_2, %dma_start3A_264] : memref<1280x128xi32, #tpu.memory_space<hbm>> -> memref<40x128xi32, #tpu.memory_space<hbm>>
        tpu.enqueue_dma source(%dma_start3A_265 : memref<40x128xi32, #tpu.memory_space<hbm>>) target(%arg9 : memref<40x128xi32, #tpu.memory_space<vmem>>) target_semaphore(%run_scoped3A_261 : memref<!tpu.dma_semaphore, #tpu.memory_space<semaphore_mem>>)
        %dma_wait3A_266 = arith.constant 0 : i32
        %dma_wait3A_267 = tpu.memref_slice %arg4[%mul3A_2, %dma_wait3A_266] : memref<1280x128xi32, #tpu.memory_space<hbm>> -> memref<40x128xi32, #tpu.memory_space<hbm>>
        %dma_wait3A_268 = arith.constant 0 : i32
        %dma_wait3A_269 = tpu.memref_slice %arg4[%mul3A_2, %dma_wait3A_268] : memref<1280x128xi32, #tpu.memory_space<hbm>> -> memref<40x128xi32, #tpu.memory_space<hbm>>
        tpu.wait_dma2 semaphore(%run_scoped3A_261 : memref<!tpu.dma_semaphore, #tpu.memory_space<semaphore_mem>>) src(%dma_wait3A_269 : memref<40x128xi32, #tpu.memory_space<hbm>>) dst(%arg9 : memref<40x128xi32, #tpu.memory_space<vmem>>)
        tpu.yield
      }) : () -> ()
      "tpu.region"() ({
        %run_scoped3A_261 = tpu.sem_alloc : memref<!tpu.dma_semaphore, #tpu.memory_space<semaphore_mem>>
        %dma_start3A_262 = arith.constant 0 : i32
        %dma_start3A_263 = tpu.memref_slice %arg5[%mul3A_2, %dma_start3A_262] : memref<1280x128xi32, #tpu.memory_space<hbm>> -> memref<40x128xi32, #tpu.memory_space<hbm>>
        %dma_start3A_264 = arith.constant 0 : i32
        %dma_start3A_265 = tpu.memref_slice %arg5[%mul3A_2, %dma_start3A_264] : memref<1280x128xi32, #tpu.memory_space<hbm>> -> memref<40x128xi32, #tpu.memory_space<hbm>>
        tpu.enqueue_dma source(%dma_start3A_265 : memref<40x128xi32, #tpu.memory_space<hbm>>) target(%arg10 : memref<40x128xi32, #tpu.memory_space<vmem>>) target_semaphore(%run_scoped3A_261 : memref<!tpu.dma_semaphore, #tpu.memory_space<semaphore_mem>>)
        %dma_wait3A_266 = arith.constant 0 : i32
        %dma_wait3A_267 = tpu.memref_slice %arg5[%mul3A_2, %dma_wait3A_266] : memref<1280x128xi32, #tpu.memory_space<hbm>> -> memref<40x128xi32, #tpu.memory_space<hbm>>
        %dma_wait3A_268 = arith.constant 0 : i32
        %dma_wait3A_269 = tpu.memref_slice %arg5[%mul3A_2, %dma_wait3A_268] : memref<1280x128xi32, #tpu.memory_space<hbm>> -> memref<40x128xi32, #tpu.memory_space<hbm>>
        tpu.wait_dma2 semaphore(%run_scoped3A_261 : memref<!tpu.dma_semaphore, #tpu.memory_space<semaphore_mem>>) src(%dma_wait3A_269 : memref<40x128xi32, #tpu.memory_space<hbm>>) dst(%arg10 : memref<40x128xi32, #tpu.memory_space<vmem>>)
        tpu.yield
      }) : () -> ()
      %dma_start3A = arith.constant 0 : i32
      %dma_start3A_10 = arith.constant 0 : i32
      %dma_start3A_11 = arith.constant 0 : i32
      %dma_start3A_12 = arith.constant 0 : i32
      %dma_start3A_13 = arith.constant 0 : i32
      %dma_start3A_14 = tpu.memref_slice %arg11[%dma_start3A_10, %dma_start3A_12, %dma_start3A_13] : memref<2x128x128xf32, #tpu.memory_space<vmem>> -> memref<1x128x128xf32, #tpu.memory_space<vmem>>
      %dma_start3A_15 = tpu.memref_squeeze %dma_start3A_14 : memref<1x128x128xf32, #tpu.memory_space<vmem>> -> memref<128x128xf32, #tpu.memory_space<vmem>>
      %dma_start3A_16 = arith.constant 0 : i32
      %dma_start3A_17 = tpu.memref_slice %arg9[%dma_start3A, %dma_start3A_16] : memref<40x128xi32, #tpu.memory_space<vmem>> -> memref<1x128xi32, #tpu.memory_space<vmem>>
      %dma_start3A_18 = tpu.memref_squeeze %dma_start3A_17 : memref<1x128xi32, #tpu.memory_space<vmem>> -> memref<128xi32, #tpu.memory_space<vmem>>
      %dma_start3A_19 = arith.constant 0 : i32
      %dma_start3A_20 = arith.constant 0 : i32
      %dma_start3A_21 = tpu.memref_slice %arg3[%dma_start3A_19, %dma_start3A_20] : memref<10000x128xf32, #tpu.memory_space<hbm>> -> memref<10000x128xf32, #tpu.memory_space<hbm>>
      %dma_start3A_22 = tpu.memref_slice %arg12[%dma_start3A_11] : memref<2x!tpu.dma_semaphore, #tpu.memory_space<semaphore_mem>> -> memref<1x!tpu.dma_semaphore, #tpu.memory_space<semaphore_mem>>
      %dma_start3A_23 = tpu.memref_squeeze %dma_start3A_22 : memref<1x!tpu.dma_semaphore, #tpu.memory_space<semaphore_mem>> -> memref<!tpu.dma_semaphore, #tpu.memory_space<semaphore_mem>>
      tpu.enqueue_indirect_dma source(%dma_start3A_21 : memref<10000x128xf32, #tpu.memory_space<hbm>>) target(%dma_start3A_15 : memref<128x128xf32, #tpu.memory_space<vmem>>) offsets(%dma_start3A_18 : memref<128xi32, #tpu.memory_space<vmem>>) semaphore(%dma_start3A_23 : memref<!tpu.dma_semaphore, #tpu.memory_space<semaphore_mem>>)
      %dma_start3A_24 = arith.constant 1 : i32
      %dma_start3A_25 = arith.constant 1 : i32
      %dma_start3A_26 = arith.constant 1 : i32
      %dma_start3A_27 = arith.constant 0 : i32
      %dma_start3A_28 = arith.constant 0 : i32
      %dma_start3A_29 = tpu.memref_slice %arg11[%dma_start3A_25, %dma_start3A_27, %dma_start3A_28] : memref<2x128x128xf32, #tpu.memory_space<vmem>> -> memref<1x128x128xf32, #tpu.memory_space<vmem>>
      %dma_start3A_30 = tpu.memref_squeeze %dma_start3A_29 : memref<1x128x128xf32, #tpu.memory_space<vmem>> -> memref<128x128xf32, #tpu.memory_space<vmem>>
      %dma_start3A_31 = arith.constant 0 : i32
      %dma_start3A_32 = tpu.memref_slice %arg9[%dma_start3A_24, %dma_start3A_31] : memref<40x128xi32, #tpu.memory_space<vmem>> -> memref<1x128xi32, #tpu.memory_space<vmem>>
      %dma_start3A_33 = tpu.memref_squeeze %dma_start3A_32 : memref<1x128xi32, #tpu.memory_space<vmem>> -> memref<128xi32, #tpu.memory_space<vmem>>
      %dma_start3A_34 = arith.constant 0 : i32
      %dma_start3A_35 = arith.constant 0 : i32
      %dma_start3A_36 = tpu.memref_slice %arg3[%dma_start3A_34, %dma_start3A_35] : memref<10000x128xf32, #tpu.memory_space<hbm>> -> memref<10000x128xf32, #tpu.memory_space<hbm>>
      %dma_start3A_37 = tpu.memref_slice %arg12[%dma_start3A_26] : memref<2x!tpu.dma_semaphore, #tpu.memory_space<semaphore_mem>> -> memref<1x!tpu.dma_semaphore, #tpu.memory_space<semaphore_mem>>
      %dma_start3A_38 = tpu.memref_squeeze %dma_start3A_37 : memref<1x!tpu.dma_semaphore, #tpu.memory_space<semaphore_mem>> -> memref<!tpu.dma_semaphore, #tpu.memory_space<semaphore_mem>>
      tpu.enqueue_indirect_dma source(%dma_start3A_36 : memref<10000x128xf32, #tpu.memory_space<hbm>>) target(%dma_start3A_30 : memref<128x128xf32, #tpu.memory_space<vmem>>) offsets(%dma_start3A_33 : memref<128xi32, #tpu.memory_space<vmem>>) semaphore(%dma_start3A_38 : memref<!tpu.dma_semaphore, #tpu.memory_space<semaphore_mem>>)
      "tpu.region"() ({
        %run_scoped3A_261 = tpu.sem_alloc : memref<!tpu.dma_semaphore, #tpu.memory_space<semaphore_mem>>
        %dma_start3A_262 = arith.constant 0 : i32
        %dma_start3A_263 = tpu.memref_slice %arg8[%mul3A_0, %dma_start3A_262] : memref<10112x128xf32, #tpu.memory_space<vmem_shared>> -> memref<632x128xf32, #tpu.memory_space<vmem_shared>>
        %dma_start3A_264 = arith.constant 0 : i32
        %dma_start3A_265 = tpu.memref_slice %arg6[%mul3A_0, %dma_start3A_264] : memref<10112x128xf32, #tpu.memory_space<hbm>> -> memref<632x128xf32, #tpu.memory_space<hbm>>
        tpu.enqueue_dma source(%dma_start3A_265 : memref<632x128xf32, #tpu.memory_space<hbm>>) target(%dma_start3A_263 : memref<632x128xf32, #tpu.memory_space<vmem_shared>>) target_semaphore(%run_scoped3A_261 : memref<!tpu.dma_semaphore, #tpu.memory_space<semaphore_mem>>)
        %dma_wait3A_266 = arith.constant 0 : i32
        %dma_wait3A_267 = tpu.memref_slice %arg8[%mul3A_0, %dma_wait3A_266] : memref<10112x128xf32, #tpu.memory_space<vmem_shared>> -> memref<632x128xf32, #tpu.memory_space<vmem_shared>>
        %dma_wait3A_268 = arith.constant 0 : i32
        %dma_wait3A_269 = tpu.memref_slice %arg6[%mul3A_0, %dma_wait3A_268] : memref<10112x128xf32, #tpu.memory_space<hbm>> -> memref<632x128xf32, #tpu.memory_space<hbm>>
        tpu.wait_dma2 semaphore(%run_scoped3A_261 : memref<!tpu.dma_semaphore, #tpu.memory_space<semaphore_mem>>) src(%dma_wait3A_269 : memref<632x128xf32, #tpu.memory_space<hbm>>) dst(%dma_wait3A_267 : memref<632x128xf32, #tpu.memory_space<vmem_shared>>)
        tpu.yield
      }) : () -> ()
      %barrier3A = arith.constant 0 : index
      tpu.barrier barrier_id(%barrier3A)
      %scan3A = arith.constant 0 : i32
      %scan3A_39 = arith.constant 19 : i32
      %scan3A_40 = arith.addi %scan3A, %scan3A_39 : i32
      %scan3A_41 = arith.constant 1 : i32
      scf.for %scan3A_261 = %scan3A to %scan3A_40 step %scan3A_41  : i32 {
        %mul3A_262 = arith.constant 2 : i32
        %mul3A_263 = arith.muli %scan3A_261, %mul3A_262 : i32
        %add3A_264 = arith.constant 0 : i32
        %add3A_265 = arith.addi %add3A_264, %mul3A_263 : i32
        %add3A_266 = arith.constant 0 : i32
        %add3A_267 = arith.addi %add3A_265, %add3A_266 : i32
        %dma_wait3A_268 = arith.constant 0 : i32
        %dma_wait3A_269 = arith.constant 0 : i32
        %dma_wait3A_270 = arith.constant 0 : i32
        %dma_wait3A_271 = arith.constant 0 : i32
        %dma_wait3A_272 = tpu.memref_slice %arg11[%dma_wait3A_268, %dma_wait3A_270, %dma_wait3A_271] : memref<2x128x128xf32, #tpu.memory_space<vmem>> -> memref<1x128x128xf32, #tpu.memory_space<vmem>>
        %dma_wait3A_273 = tpu.memref_squeeze %dma_wait3A_272 : memref<1x128x128xf32, #tpu.memory_space<vmem>> -> memref<128x128xf32, #tpu.memory_space<vmem>>
        %dma_wait3A_274 = arith.constant 0 : i32
        %dma_wait3A_275 = tpu.memref_slice %arg9[%add3A_267, %dma_wait3A_274] : memref<40x128xi32, #tpu.memory_space<vmem>> -> memref<1x128xi32, #tpu.memory_space<vmem>>
        %dma_wait3A_276 = tpu.memref_squeeze %dma_wait3A_275 : memref<1x128xi32, #tpu.memory_space<vmem>> -> memref<128xi32, #tpu.memory_space<vmem>>
        %dma_wait3A_277 = arith.constant 0 : i32
        %dma_wait3A_278 = arith.constant 0 : i32
        %dma_wait3A_279 = tpu.memref_slice %arg3[%dma_wait3A_277, %dma_wait3A_278] : memref<10000x128xf32, #tpu.memory_space<hbm>> -> memref<10000x128xf32, #tpu.memory_space<hbm>>
        %dma_wait3A_280 = tpu.memref_slice %arg12[%dma_wait3A_269] : memref<2x!tpu.dma_semaphore, #tpu.memory_space<semaphore_mem>> -> memref<1x!tpu.dma_semaphore, #tpu.memory_space<semaphore_mem>>
        %dma_wait3A_281 = tpu.memref_squeeze %dma_wait3A_280 : memref<1x!tpu.dma_semaphore, #tpu.memory_space<semaphore_mem>> -> memref<!tpu.dma_semaphore, #tpu.memory_space<semaphore_mem>>
        tpu.wait_indirect_dma semaphore(%dma_wait3A_281 : memref<!tpu.dma_semaphore, #tpu.memory_space<semaphore_mem>>) src(%dma_wait3A_279 : memref<10000x128xf32, #tpu.memory_space<hbm>>) dst(%dma_wait3A_273 : memref<128x128xf32, #tpu.memory_space<vmem>>)
        %add3A_282 = arith.constant 0 : i32
        %add3A_283 = arith.addi %add3A_265, %add3A_282 : i32
        %dma_start3A_284 = arith.constant 0 : i32
        %dma_start3A_285 = arith.constant 0 : i32
        %dma_start3A_286 = arith.constant 0 : i32
        %dma_start3A_287 = arith.constant 0 : i32
        %dma_start3A_288 = tpu.memref_slice %arg11[%dma_start3A_284, %dma_start3A_286, %dma_start3A_287] : memref<2x128x128xf32, #tpu.memory_space<vmem>> -> memref<1x128x128xf32, #tpu.memory_space<vmem>>
        %dma_start3A_289 = tpu.memref_squeeze %dma_start3A_288 : memref<1x128x128xf32, #tpu.memory_space<vmem>> -> memref<128x128xf32, #tpu.memory_space<vmem>>
        %dma_start3A_290 = arith.constant 0 : i32
        %dma_start3A_291 = tpu.memref_slice %arg10[%add3A_283, %dma_start3A_290] : memref<40x128xi32, #tpu.memory_space<vmem>> -> memref<1x128xi32, #tpu.memory_space<vmem>>
        %dma_start3A_292 = tpu.memref_squeeze %dma_start3A_291 : memref<1x128xi32, #tpu.memory_space<vmem>> -> memref<128xi32, #tpu.memory_space<vmem>>
        %dma_start3A_293 = arith.constant 0 : i32
        %dma_start3A_294 = arith.constant 0 : i32
        %dma_start3A_295 = tpu.memref_slice %arg8[%dma_start3A_293, %dma_start3A_294] : memref<10112x128xf32, #tpu.memory_space<vmem_shared>> -> memref<10112x128xf32, #tpu.memory_space<vmem_shared>>
        %dma_start3A_296 = tpu.memref_slice %arg13[%dma_start3A_285] : memref<2x!tpu.dma_semaphore, #tpu.memory_space<semaphore_mem>> -> memref<1x!tpu.dma_semaphore, #tpu.memory_space<semaphore_mem>>
        %dma_start3A_297 = tpu.memref_squeeze %dma_start3A_296 : memref<1x!tpu.dma_semaphore, #tpu.memory_space<semaphore_mem>> -> memref<!tpu.dma_semaphore, #tpu.memory_space<semaphore_mem>>
        tpu.enqueue_indirect_dma source(%dma_start3A_289 : memref<128x128xf32, #tpu.memory_space<vmem>>) target(%dma_start3A_295 : memref<10112x128xf32, #tpu.memory_space<vmem_shared>>) offsets(%dma_start3A_292 : memref<128xi32, #tpu.memory_space<vmem>>) semaphore(%dma_start3A_297 : memref<!tpu.dma_semaphore, #tpu.memory_space<semaphore_mem>>) {add = true}
        %add3A_298 = arith.constant 1 : i32
        %add3A_299 = arith.addi %add3A_265, %add3A_298 : i32
        %dma_wait3A_300 = arith.constant 1 : i32
        %dma_wait3A_301 = arith.constant 1 : i32
        %dma_wait3A_302 = arith.constant 0 : i32
        %dma_wait3A_303 = arith.constant 0 : i32
        %dma_wait3A_304 = tpu.memref_slice %arg11[%dma_wait3A_300, %dma_wait3A_302, %dma_wait3A_303] : memref<2x128x128xf32, #tpu.memory_space<vmem>> -> memref<1x128x128xf32, #tpu.memory_space<vmem>>
        %dma_wait3A_305 = tpu.memref_squeeze %dma_wait3A_304 : memref<1x128x128xf32, #tpu.memory_space<vmem>> -> memref<128x128xf32, #tpu.memory_space<vmem>>
        %dma_wait3A_306 = arith.constant 0 : i32
        %dma_wait3A_307 = tpu.memref_slice %arg9[%add3A_299, %dma_wait3A_306] : memref<40x128xi32, #tpu.memory_space<vmem>> -> memref<1x128xi32, #tpu.memory_space<vmem>>
        %dma_wait3A_308 = tpu.memref_squeeze %dma_wait3A_307 : memref<1x128xi32, #tpu.memory_space<vmem>> -> memref<128xi32, #tpu.memory_space<vmem>>
        %dma_wait3A_309 = arith.constant 0 : i32
        %dma_wait3A_310 = arith.constant 0 : i32
        %dma_wait3A_311 = tpu.memref_slice %arg3[%dma_wait3A_309, %dma_wait3A_310] : memref<10000x128xf32, #tpu.memory_space<hbm>> -> memref<10000x128xf32, #tpu.memory_space<hbm>>
        %dma_wait3A_312 = tpu.memref_slice %arg12[%dma_wait3A_301] : memref<2x!tpu.dma_semaphore, #tpu.memory_space<semaphore_mem>> -> memref<1x!tpu.dma_semaphore, #tpu.memory_space<semaphore_mem>>
        %dma_wait3A_313 = tpu.memref_squeeze %dma_wait3A_312 : memref<1x!tpu.dma_semaphore, #tpu.memory_space<semaphore_mem>> -> memref<!tpu.dma_semaphore, #tpu.memory_space<semaphore_mem>>
        tpu.wait_indirect_dma semaphore(%dma_wait3A_313 : memref<!tpu.dma_semaphore, #tpu.memory_space<semaphore_mem>>) src(%dma_wait3A_311 : memref<10000x128xf32, #tpu.memory_space<hbm>>) dst(%dma_wait3A_305 : memref<128x128xf32, #tpu.memory_space<vmem>>)
        %add3A_314 = arith.constant 1 : i32
        %add3A_315 = arith.addi %add3A_265, %add3A_314 : i32
        %dma_start3A_316 = arith.constant 1 : i32
        %dma_start3A_317 = arith.constant 1 : i32
        %dma_start3A_318 = arith.constant 0 : i32
        %dma_start3A_319 = arith.constant 0 : i32
        %dma_start3A_320 = tpu.memref_slice %arg11[%dma_start3A_316, %dma_start3A_318, %dma_start3A_319] : memref<2x128x128xf32, #tpu.memory_space<vmem>> -> memref<1x128x128xf32, #tpu.memory_space<vmem>>
        %dma_start3A_321 = tpu.memref_squeeze %dma_start3A_320 : memref<1x128x128xf32, #tpu.memory_space<vmem>> -> memref<128x128xf32, #tpu.memory_space<vmem>>
        %dma_start3A_322 = arith.constant 0 : i32
        %dma_start3A_323 = tpu.memref_slice %arg10[%add3A_315, %dma_start3A_322] : memref<40x128xi32, #tpu.memory_space<vmem>> -> memref<1x128xi32, #tpu.memory_space<vmem>>
        %dma_start3A_324 = tpu.memref_squeeze %dma_start3A_323 : memref<1x128xi32, #tpu.memory_space<vmem>> -> memref<128xi32, #tpu.memory_space<vmem>>
        %dma_start3A_325 = arith.constant 0 : i32
        %dma_start3A_326 = arith.constant 0 : i32
        %dma_start3A_327 = tpu.memref_slice %arg8[%dma_start3A_325, %dma_start3A_326] : memref<10112x128xf32, #tpu.memory_space<vmem_shared>> -> memref<10112x128xf32, #tpu.memory_space<vmem_shared>>
        %dma_start3A_328 = tpu.memref_slice %arg13[%dma_start3A_317] : memref<2x!tpu.dma_semaphore, #tpu.memory_space<semaphore_mem>> -> memref<1x!tpu.dma_semaphore, #tpu.memory_space<semaphore_mem>>
        %dma_start3A_329 = tpu.memref_squeeze %dma_start3A_328 : memref<1x!tpu.dma_semaphore, #tpu.memory_space<semaphore_mem>> -> memref<!tpu.dma_semaphore, #tpu.memory_space<semaphore_mem>>
        tpu.enqueue_indirect_dma source(%dma_start3A_321 : memref<128x128xf32, #tpu.memory_space<vmem>>) target(%dma_start3A_327 : memref<10112x128xf32, #tpu.memory_space<vmem_shared>>) offsets(%dma_start3A_324 : memref<128xi32, #tpu.memory_space<vmem>>) semaphore(%dma_start3A_329 : memref<!tpu.dma_semaphore, #tpu.memory_space<semaphore_mem>>) {add = true}
        %add3A_330 = arith.constant 0 : i32
        %add3A_331 = arith.addi %add3A_265, %add3A_330 : i32
        %dma_wait3A_332 = arith.constant 0 : i32
        %dma_wait3A_333 = arith.constant 0 : i32
        %dma_wait3A_334 = arith.constant 0 : i32
        %dma_wait3A_335 = arith.constant 0 : i32
        %dma_wait3A_336 = tpu.memref_slice %arg11[%dma_wait3A_332, %dma_wait3A_334, %dma_wait3A_335] : memref<2x128x128xf32, #tpu.memory_space<vmem>> -> memref<1x128x128xf32, #tpu.memory_space<vmem>>
        %dma_wait3A_337 = tpu.memref_squeeze %dma_wait3A_336 : memref<1x128x128xf32, #tpu.memory_space<vmem>> -> memref<128x128xf32, #tpu.memory_space<vmem>>
        %dma_wait3A_338 = arith.constant 0 : i32
        %dma_wait3A_339 = tpu.memref_slice %arg10[%add3A_331, %dma_wait3A_338] : memref<40x128xi32, #tpu.memory_space<vmem>> -> memref<1x128xi32, #tpu.memory_space<vmem>>
        %dma_wait3A_340 = tpu.memref_squeeze %dma_wait3A_339 : memref<1x128xi32, #tpu.memory_space<vmem>> -> memref<128xi32, #tpu.memory_space<vmem>>
        %dma_wait3A_341 = arith.constant 0 : i32
        %dma_wait3A_342 = arith.constant 0 : i32
        %dma_wait3A_343 = tpu.memref_slice %arg8[%dma_wait3A_341, %dma_wait3A_342] : memref<10112x128xf32, #tpu.memory_space<vmem_shared>> -> memref<10112x128xf32, #tpu.memory_space<vmem_shared>>
        %dma_wait3A_344 = tpu.memref_slice %arg13[%dma_wait3A_333] : memref<2x!tpu.dma_semaphore, #tpu.memory_space<semaphore_mem>> -> memref<1x!tpu.dma_semaphore, #tpu.memory_space<semaphore_mem>>
        %dma_wait3A_345 = tpu.memref_squeeze %dma_wait3A_344 : memref<1x!tpu.dma_semaphore, #tpu.memory_space<semaphore_mem>> -> memref<!tpu.dma_semaphore, #tpu.memory_space<semaphore_mem>>
        tpu.wait_indirect_dma semaphore(%dma_wait3A_345 : memref<!tpu.dma_semaphore, #tpu.memory_space<semaphore_mem>>) src(%dma_wait3A_337 : memref<128x128xf32, #tpu.memory_space<vmem>>) dst(%dma_wait3A_343 : memref<10112x128xf32, #tpu.memory_space<vmem_shared>>)
        %add3A_346 = arith.constant 0 : i32
        %add3A_347 = arith.addi %add3A_265, %add3A_346 : i32
        %add3A_348 = arith.constant 2 : i32
        %add3A_349 = arith.addi %add3A_347, %add3A_348 : i32
        %dma_start3A_350 = arith.constant 0 : i32
        %dma_start3A_351 = arith.constant 0 : i32
        %dma_start3A_352 = arith.constant 0 : i32
        %dma_start3A_353 = arith.constant 0 : i32
        %dma_start3A_354 = tpu.memref_slice %arg11[%dma_start3A_350, %dma_start3A_352, %dma_start3A_353] : memref<2x128x128xf32, #tpu.memory_space<vmem>> -> memref<1x128x128xf32, #tpu.memory_space<vmem>>
        %dma_start3A_355 = tpu.memref_squeeze %dma_start3A_354 : memref<1x128x128xf32, #tpu.memory_space<vmem>> -> memref<128x128xf32, #tpu.memory_space<vmem>>
        %dma_start3A_356 = arith.constant 0 : i32
        %dma_start3A_357 = tpu.memref_slice %arg9[%add3A_349, %dma_start3A_356] : memref<40x128xi32, #tpu.memory_space<vmem>> -> memref<1x128xi32, #tpu.memory_space<vmem>>
        %dma_start3A_358 = tpu.memref_squeeze %dma_start3A_357 : memref<1x128xi32, #tpu.memory_space<vmem>> -> memref<128xi32, #tpu.memory_space<vmem>>
        %dma_start3A_359 = arith.constant 0 : i32
        %dma_start3A_360 = arith.constant 0 : i32
        %dma_start3A_361 = tpu.memref_slice %arg3[%dma_start3A_359, %dma_start3A_360] : memref<10000x128xf32, #tpu.memory_space<hbm>> -> memref<10000x128xf32, #tpu.memory_space<hbm>>
        %dma_start3A_362 = tpu.memref_slice %arg12[%dma_start3A_351] : memref<2x!tpu.dma_semaphore, #tpu.memory_space<semaphore_mem>> -> memref<1x!tpu.dma_semaphore, #tpu.memory_space<semaphore_mem>>
        %dma_start3A_363 = tpu.memref_squeeze %dma_start3A_362 : memref<1x!tpu.dma_semaphore, #tpu.memory_space<semaphore_mem>> -> memref<!tpu.dma_semaphore, #tpu.memory_space<semaphore_mem>>
        tpu.enqueue_indirect_dma source(%dma_start3A_361 : memref<10000x128xf32, #tpu.memory_space<hbm>>) target(%dma_start3A_355 : memref<128x128xf32, #tpu.memory_space<vmem>>) offsets(%dma_start3A_358 : memref<128xi32, #tpu.memory_space<vmem>>) semaphore(%dma_start3A_363 : memref<!tpu.dma_semaphore, #tpu.memory_space<semaphore_mem>>)
        %add3A_364 = arith.constant 1 : i32
        %add3A_365 = arith.addi %add3A_265, %add3A_364 : i32
        %dma_wait3A_366 = arith.constant 1 : i32
        %dma_wait3A_367 = arith.constant 1 : i32
        %dma_wait3A_368 = arith.constant 0 : i32
        %dma_wait3A_369 = arith.constant 0 : i32
        %dma_wait3A_370 = tpu.memref_slice %arg11[%dma_wait3A_366, %dma_wait3A_368, %dma_wait3A_369] : memref<2x128x128xf32, #tpu.memory_space<vmem>> -> memref<1x128x128xf32, #tpu.memory_space<vmem>>
        %dma_wait3A_371 = tpu.memref_squeeze %dma_wait3A_370 : memref<1x128x128xf32, #tpu.memory_space<vmem>> -> memref<128x128xf32, #tpu.memory_space<vmem>>
        %dma_wait3A_372 = arith.constant 0 : i32
        %dma_wait3A_373 = tpu.memref_slice %arg10[%add3A_365, %dma_wait3A_372] : memref<40x128xi32, #tpu.memory_space<vmem>> -> memref<1x128xi32, #tpu.memory_space<vmem>>
        %dma_wait3A_374 = tpu.memref_squeeze %dma_wait3A_373 : memref<1x128xi32, #tpu.memory_space<vmem>> -> memref<128xi32, #tpu.memory_space<vmem>>
        %dma_wait3A_375 = arith.constant 0 : i32
        %dma_wait3A_376 = arith.constant 0 : i32
        %dma_wait3A_377 = tpu.memref_slice %arg8[%dma_wait3A_375, %dma_wait3A_376] : memref<10112x128xf32, #tpu.memory_space<vmem_shared>> -> memref<10112x128xf32, #tpu.memory_space<vmem_shared>>
        %dma_wait3A_378 = tpu.memref_slice %arg13[%dma_wait3A_367] : memref<2x!tpu.dma_semaphore, #tpu.memory_space<semaphore_mem>> -> memref<1x!tpu.dma_semaphore, #tpu.memory_space<semaphore_mem>>
        %dma_wait3A_379 = tpu.memref_squeeze %dma_wait3A_378 : memref<1x!tpu.dma_semaphore, #tpu.memory_space<semaphore_mem>> -> memref<!tpu.dma_semaphore, #tpu.memory_space<semaphore_mem>>
        tpu.wait_indirect_dma semaphore(%dma_wait3A_379 : memref<!tpu.dma_semaphore, #tpu.memory_space<semaphore_mem>>) src(%dma_wait3A_371 : memref<128x128xf32, #tpu.memory_space<vmem>>) dst(%dma_wait3A_377 : memref<10112x128xf32, #tpu.memory_space<vmem_shared>>)
        %add3A_380 = arith.constant 1 : i32
        %add3A_381 = arith.addi %add3A_265, %add3A_380 : i32
        %add3A_382 = arith.constant 2 : i32
        %add3A_383 = arith.addi %add3A_381, %add3A_382 : i32
        %dma_start3A_384 = arith.constant 1 : i32
        %dma_start3A_385 = arith.constant 1 : i32
        %dma_start3A_386 = arith.constant 0 : i32
        %dma_start3A_387 = arith.constant 0 : i32
        %dma_start3A_388 = tpu.memref_slice %arg11[%dma_start3A_384, %dma_start3A_386, %dma_start3A_387] : memref<2x128x128xf32, #tpu.memory_space<vmem>> -> memref<1x128x128xf32, #tpu.memory_space<vmem>>
        %dma_start3A_389 = tpu.memref_squeeze %dma_start3A_388 : memref<1x128x128xf32, #tpu.memory_space<vmem>> -> memref<128x128xf32, #tpu.memory_space<vmem>>
        %dma_start3A_390 = arith.constant 0 : i32
        %dma_start3A_391 = tpu.memref_slice %arg9[%add3A_383, %dma_start3A_390] : memref<40x128xi32, #tpu.memory_space<vmem>> -> memref<1x128xi32, #tpu.memory_space<vmem>>
        %dma_start3A_392 = tpu.memref_squeeze %dma_start3A_391 : memref<1x128xi32, #tpu.memory_space<vmem>> -> memref<128xi32, #tpu.memory_space<vmem>>
        %dma_start3A_393 = arith.constant 0 : i32
        %dma_start3A_394 = arith.constant 0 : i32
        %dma_start3A_395 = tpu.memref_slice %arg3[%dma_start3A_393, %dma_start3A_394] : memref<10000x128xf32, #tpu.memory_space<hbm>> -> memref<10000x128xf32, #tpu.memory_space<hbm>>
        %dma_start3A_396 = tpu.memref_slice %arg12[%dma_start3A_385] : memref<2x!tpu.dma_semaphore, #tpu.memory_space<semaphore_mem>> -> memref<1x!tpu.dma_semaphore, #tpu.memory_space<semaphore_mem>>
        %dma_start3A_397 = tpu.memref_squeeze %dma_start3A_396 : memref<1x!tpu.dma_semaphore, #tpu.memory_space<semaphore_mem>> -> memref<!tpu.dma_semaphore, #tpu.memory_space<semaphore_mem>>
        tpu.enqueue_indirect_dma source(%dma_start3A_395 : memref<10000x128xf32, #tpu.memory_space<hbm>>) target(%dma_start3A_389 : memref<128x128xf32, #tpu.memory_space<vmem>>) offsets(%dma_start3A_392 : memref<128xi32, #tpu.memory_space<vmem>>) semaphore(%dma_start3A_397 : memref<!tpu.dma_semaphore, #tpu.memory_space<semaphore_mem>>)
      }
      %scan3A_42 = arith.constant 19 : i32
      %dma_wait3A = arith.constant 38 : i32
      %dma_wait3A_43 = arith.constant 0 : i32
      %dma_wait3A_44 = arith.constant 0 : i32
      %dma_wait3A_45 = arith.constant 0 : i32
      %dma_wait3A_46 = arith.constant 0 : i32
      %dma_wait3A_47 = tpu.memref_slice %arg11[%dma_wait3A_43, %dma_wait3A_45, %dma_wait3A_46] : memref<2x128x128xf32, #tpu.memory_space<vmem>> -> memref<1x128x128xf32, #tpu.memory_space<vmem>>
      %dma_wait3A_48 = tpu.memref_squeeze %dma_wait3A_47 : memref<1x128x128xf32, #tpu.memory_space<vmem>> -> memref<128x128xf32, #tpu.memory_space<vmem>>
      %dma_wait3A_49 = arith.constant 0 : i32
      %dma_wait3A_50 = tpu.memref_slice %arg9[%dma_wait3A, %dma_wait3A_49] : memref<40x128xi32, #tpu.memory_space<vmem>> -> memref<1x128xi32, #tpu.memory_space<vmem>>
      %dma_wait3A_51 = tpu.memref_squeeze %dma_wait3A_50 : memref<1x128xi32, #tpu.memory_space<vmem>> -> memref<128xi32, #tpu.memory_space<vmem>>
      %dma_wait3A_52 = arith.constant 0 : i32
      %dma_wait3A_53 = arith.constant 0 : i32
      %dma_wait3A_54 = tpu.memref_slice %arg3[%dma_wait3A_52, %dma_wait3A_53] : memref<10000x128xf32, #tpu.memory_space<hbm>> -> memref<10000x128xf32, #tpu.memory_space<hbm>>
      %dma_wait3A_55 = tpu.memref_slice %arg12[%dma_wait3A_44] : memref<2x!tpu.dma_semaphore, #tpu.memory_space<semaphore_mem>> -> memref<1x!tpu.dma_semaphore, #tpu.memory_space<semaphore_mem>>
      %dma_wait3A_56 = tpu.memref_squeeze %dma_wait3A_55 : memref<1x!tpu.dma_semaphore, #tpu.memory_space<semaphore_mem>> -> memref<!tpu.dma_semaphore, #tpu.memory_space<semaphore_mem>>
      tpu.wait_indirect_dma semaphore(%dma_wait3A_56 : memref<!tpu.dma_semaphore, #tpu.memory_space<semaphore_mem>>) src(%dma_wait3A_54 : memref<10000x128xf32, #tpu.memory_space<hbm>>) dst(%dma_wait3A_48 : memref<128x128xf32, #tpu.memory_space<vmem>>)
      %dma_start3A_57 = arith.constant 0 : i32
      %dma_start3A_58 = arith.constant 38 : i32
      %dma_start3A_59 = arith.constant 0 : i32
      %dma_start3A_60 = arith.constant 0 : i32
      %dma_start3A_61 = arith.constant 0 : i32
      %dma_start3A_62 = tpu.memref_slice %arg11[%dma_start3A_57, %dma_start3A_60, %dma_start3A_61] : memref<2x128x128xf32, #tpu.memory_space<vmem>> -> memref<1x128x128xf32, #tpu.memory_space<vmem>>
      %dma_start3A_63 = tpu.memref_squeeze %dma_start3A_62 : memref<1x128x128xf32, #tpu.memory_space<vmem>> -> memref<128x128xf32, #tpu.memory_space<vmem>>
      %dma_start3A_64 = arith.constant 0 : i32
      %dma_start3A_65 = tpu.memref_slice %arg10[%dma_start3A_58, %dma_start3A_64] : memref<40x128xi32, #tpu.memory_space<vmem>> -> memref<1x128xi32, #tpu.memory_space<vmem>>
      %dma_start3A_66 = tpu.memref_squeeze %dma_start3A_65 : memref<1x128xi32, #tpu.memory_space<vmem>> -> memref<128xi32, #tpu.memory_space<vmem>>
      %dma_start3A_67 = arith.constant 0 : i32
      %dma_start3A_68 = arith.constant 0 : i32
      %dma_start3A_69 = tpu.memref_slice %arg8[%dma_start3A_67, %dma_start3A_68] : memref<10112x128xf32, #tpu.memory_space<vmem_shared>> -> memref<10112x128xf32, #tpu.memory_space<vmem_shared>>
      %dma_start3A_70 = tpu.memref_slice %arg13[%dma_start3A_59] : memref<2x!tpu.dma_semaphore, #tpu.memory_space<semaphore_mem>> -> memref<1x!tpu.dma_semaphore, #tpu.memory_space<semaphore_mem>>
      %dma_start3A_71 = tpu.memref_squeeze %dma_start3A_70 : memref<1x!tpu.dma_semaphore, #tpu.memory_space<semaphore_mem>> -> memref<!tpu.dma_semaphore, #tpu.memory_space<semaphore_mem>>
      tpu.enqueue_indirect_dma source(%dma_start3A_63 : memref<128x128xf32, #tpu.memory_space<vmem>>) target(%dma_start3A_69 : memref<10112x128xf32, #tpu.memory_space<vmem_shared>>) offsets(%dma_start3A_66 : memref<128xi32, #tpu.memory_space<vmem>>) semaphore(%dma_start3A_71 : memref<!tpu.dma_semaphore, #tpu.memory_space<semaphore_mem>>) {add = true}
      %dma_wait3A_72 = arith.constant 39 : i32
      %dma_wait3A_73 = arith.constant 1 : i32
      %dma_wait3A_74 = arith.constant 1 : i32
      %dma_wait3A_75 = arith.constant 0 : i32
      %dma_wait3A_76 = arith.constant 0 : i32
      %dma_wait3A_77 = tpu.memref_slice %arg11[%dma_wait3A_73, %dma_wait3A_75, %dma_wait3A_76] : memref<2x128x128xf32, #tpu.memory_space<vmem>> -> memref<1x128x128xf32, #tpu.memory_space<vmem>>
      %dma_wait3A_78 = tpu.memref_squeeze %dma_wait3A_77 : memref<1x128x128xf32, #tpu.memory_space<vmem>> -> memref<128x128xf32, #tpu.memory_space<vmem>>
      %dma_wait3A_79 = arith.constant 0 : i32
      %dma_wait3A_80 = tpu.memref_slice %arg9[%dma_wait3A_72, %dma_wait3A_79] : memref<40x128xi32, #tpu.memory_space<vmem>> -> memref<1x128xi32, #tpu.memory_space<vmem>>
      %dma_wait3A_81 = tpu.memref_squeeze %dma_wait3A_80 : memref<1x128xi32, #tpu.memory_space<vmem>> -> memref<128xi32, #tpu.memory_space<vmem>>
      %dma_wait3A_82 = arith.constant 0 : i32
      %dma_wait3A_83 = arith.constant 0 : i32
      %dma_wait3A_84 = tpu.memref_slice %arg3[%dma_wait3A_82, %dma_wait3A_83] : memref<10000x128xf32, #tpu.memory_space<hbm>> -> memref<10000x128xf32, #tpu.memory_space<hbm>>
      %dma_wait3A_85 = tpu.memref_slice %arg12[%dma_wait3A_74] : memref<2x!tpu.dma_semaphore, #tpu.memory_space<semaphore_mem>> -> memref<1x!tpu.dma_semaphore, #tpu.memory_space<semaphore_mem>>
      %dma_wait3A_86 = tpu.memref_squeeze %dma_wait3A_85 : memref<1x!tpu.dma_semaphore, #tpu.memory_space<semaphore_mem>> -> memref<!tpu.dma_semaphore, #tpu.memory_space<semaphore_mem>>
      tpu.wait_indirect_dma semaphore(%dma_wait3A_86 : memref<!tpu.dma_semaphore, #tpu.memory_space<semaphore_mem>>) src(%dma_wait3A_84 : memref<10000x128xf32, #tpu.memory_space<hbm>>) dst(%dma_wait3A_78 : memref<128x128xf32, #tpu.memory_space<vmem>>)
      %dma_start3A_87 = arith.constant 1 : i32
      %dma_start3A_88 = arith.constant 39 : i32
      %dma_start3A_89 = arith.constant 1 : i32
      %dma_start3A_90 = arith.constant 0 : i32
      %dma_start3A_91 = arith.constant 0 : i32
      %dma_start3A_92 = tpu.memref_slice %arg11[%dma_start3A_87, %dma_start3A_90, %dma_start3A_91] : memref<2x128x128xf32, #tpu.memory_space<vmem>> -> memref<1x128x128xf32, #tpu.memory_space<vmem>>
      %dma_start3A_93 = tpu.memref_squeeze %dma_start3A_92 : memref<1x128x128xf32, #tpu.memory_space<vmem>> -> memref<128x128xf32, #tpu.memory_space<vmem>>
      %dma_start3A_94 = arith.constant 0 : i32
      %dma_start3A_95 = tpu.memref_slice %arg10[%dma_start3A_88, %dma_start3A_94] : memref<40x128xi32, #tpu.memory_space<vmem>> -> memref<1x128xi32, #tpu.memory_space<vmem>>
      %dma_start3A_96 = tpu.memref_squeeze %dma_start3A_95 : memref<1x128xi32, #tpu.memory_space<vmem>> -> memref<128xi32, #tpu.memory_space<vmem>>
      %dma_start3A_97 = arith.constant 0 : i32
      %dma_start3A_98 = arith.constant 0 : i32
      %dma_start3A_99 = tpu.memref_slice %arg8[%dma_start3A_97, %dma_start3A_98] : memref<10112x128xf32, #tpu.memory_space<vmem_shared>> -> memref<10112x128xf32, #tpu.memory_space<vmem_shared>>
      %dma_start3A_100 = tpu.memref_slice %arg13[%dma_start3A_89] : memref<2x!tpu.dma_semaphore, #tpu.memory_space<semaphore_mem>> -> memref<1x!tpu.dma_semaphore, #tpu.memory_space<semaphore_mem>>
      %dma_start3A_101 = tpu.memref_squeeze %dma_start3A_100 : memref<1x!tpu.dma_semaphore, #tpu.memory_space<semaphore_mem>> -> memref<!tpu.dma_semaphore, #tpu.memory_space<semaphore_mem>>
      tpu.enqueue_indirect_dma source(%dma_start3A_93 : memref<128x128xf32, #tpu.memory_space<vmem>>) target(%dma_start3A_99 : memref<10112x128xf32, #tpu.memory_space<vmem_shared>>) offsets(%dma_start3A_96 : memref<128xi32, #tpu.memory_space<vmem>>) semaphore(%dma_start3A_101 : memref<!tpu.dma_semaphore, #tpu.memory_space<semaphore_mem>>) {add = true}
      %dma_wait3A_102 = arith.constant 0 : i32
      %dma_wait3A_103 = arith.constant 38 : i32
      %dma_wait3A_104 = arith.constant 0 : i32
      %dma_wait3A_105 = arith.constant 0 : i32
      %dma_wait3A_106 = arith.constant 0 : i32
      %dma_wait3A_107 = tpu.memref_slice %arg11[%dma_wait3A_102, %dma_wait3A_105, %dma_wait3A_106] : memref<2x128x128xf32, #tpu.memory_space<vmem>> -> memref<1x128x128xf32, #tpu.memory_space<vmem>>
      %dma_wait3A_108 = tpu.memref_squeeze %dma_wait3A_107 : memref<1x128x128xf32, #tpu.memory_space<vmem>> -> memref<128x128xf32, #tpu.memory_space<vmem>>
      %dma_wait3A_109 = arith.constant 0 : i32
      %dma_wait3A_110 = tpu.memref_slice %arg10[%dma_wait3A_103, %dma_wait3A_109] : memref<40x128xi32, #tpu.memory_space<vmem>> -> memref<1x128xi32, #tpu.memory_space<vmem>>
      %dma_wait3A_111 = tpu.memref_squeeze %dma_wait3A_110 : memref<1x128xi32, #tpu.memory_space<vmem>> -> memref<128xi32, #tpu.memory_space<vmem>>
      %dma_wait3A_112 = arith.constant 0 : i32
      %dma_wait3A_113 = arith.constant 0 : i32
      %dma_wait3A_114 = tpu.memref_slice %arg8[%dma_wait3A_112, %dma_wait3A_113] : memref<10112x128xf32, #tpu.memory_space<vmem_shared>> -> memref<10112x128xf32, #tpu.memory_space<vmem_shared>>
      %dma_wait3A_115 = tpu.memref_slice %arg13[%dma_wait3A_104] : memref<2x!tpu.dma_semaphore, #tpu.memory_space<semaphore_mem>> -> memref<1x!tpu.dma_semaphore, #tpu.memory_space<semaphore_mem>>
      %dma_wait3A_116 = tpu.memref_squeeze %dma_wait3A_115 : memref<1x!tpu.dma_semaphore, #tpu.memory_space<semaphore_mem>> -> memref<!tpu.dma_semaphore, #tpu.memory_space<semaphore_mem>>
      tpu.wait_indirect_dma semaphore(%dma_wait3A_116 : memref<!tpu.dma_semaphore, #tpu.memory_space<semaphore_mem>>) src(%dma_wait3A_108 : memref<128x128xf32, #tpu.memory_space<vmem>>) dst(%dma_wait3A_114 : memref<10112x128xf32, #tpu.memory_space<vmem_shared>>)
      %dma_wait3A_117 = arith.constant 1 : i32
      %dma_wait3A_118 = arith.constant 39 : i32
      %dma_wait3A_119 = arith.constant 1 : i32
      %dma_wait3A_120 = arith.constant 0 : i32
      %dma_wait3A_121 = arith.constant 0 : i32
      %dma_wait3A_122 = tpu.memref_slice %arg11[%dma_wait3A_117, %dma_wait3A_120, %dma_wait3A_121] : memref<2x128x128xf32, #tpu.memory_space<vmem>> -> memref<1x128x128xf32, #tpu.memory_space<vmem>>
      %dma_wait3A_123 = tpu.memref_squeeze %dma_wait3A_122 : memref<1x128x128xf32, #tpu.memory_space<vmem>> -> memref<128x128xf32, #tpu.memory_space<vmem>>
      %dma_wait3A_124 = arith.constant 0 : i32
      %dma_wait3A_125 = tpu.memref_slice %arg10[%dma_wait3A_118, %dma_wait3A_124] : memref<40x128xi32, #tpu.memory_space<vmem>> -> memref<1x128xi32, #tpu.memory_space<vmem>>
      %dma_wait3A_126 = tpu.memref_squeeze %dma_wait3A_125 : memref<1x128xi32, #tpu.memory_space<vmem>> -> memref<128xi32, #tpu.memory_space<vmem>>
      %dma_wait3A_127 = arith.constant 0 : i32
      %dma_wait3A_128 = arith.constant 0 : i32
      %dma_wait3A_129 = tpu.memref_slice %arg8[%dma_wait3A_127, %dma_wait3A_128] : memref<10112x128xf32, #tpu.memory_space<vmem_shared>> -> memref<10112x128xf32, #tpu.memory_space<vmem_shared>>
      %dma_wait3A_130 = tpu.memref_slice %arg13[%dma_wait3A_119] : memref<2x!tpu.dma_semaphore, #tpu.memory_space<semaphore_mem>> -> memref<1x!tpu.dma_semaphore, #tpu.memory_space<semaphore_mem>>
      %dma_wait3A_131 = tpu.memref_squeeze %dma_wait3A_130 : memref<1x!tpu.dma_semaphore, #tpu.memory_space<semaphore_mem>> -> memref<!tpu.dma_semaphore, #tpu.memory_space<semaphore_mem>>
      tpu.wait_indirect_dma semaphore(%dma_wait3A_131 : memref<!tpu.dma_semaphore, #tpu.memory_space<semaphore_mem>>) src(%dma_wait3A_123 : memref<128x128xf32, #tpu.memory_space<vmem>>) dst(%dma_wait3A_129 : memref<10112x128xf32, #tpu.memory_space<vmem_shared>>)
      %add3A = arith.constant 40 : i32
      %add3A_132 = arith.addi %mul3A_2, %add3A : i32
      "tpu.region"() ({
        %run_scoped3A_261 = tpu.sem_alloc : memref<!tpu.dma_semaphore, #tpu.memory_space<semaphore_mem>>
        %dma_start3A_262 = arith.constant 0 : i32
        %dma_start3A_263 = tpu.memref_slice %arg4[%add3A_132, %dma_start3A_262] : memref<1280x128xi32, #tpu.memory_space<hbm>> -> memref<40x128xi32, #tpu.memory_space<hbm>>
        %dma_start3A_264 = arith.constant 0 : i32
        %dma_start3A_265 = tpu.memref_slice %arg4[%add3A_132, %dma_start3A_264] : memref<1280x128xi32, #tpu.memory_space<hbm>> -> memref<40x128xi32, #tpu.memory_space<hbm>>
        tpu.enqueue_dma source(%dma_start3A_265 : memref<40x128xi32, #tpu.memory_space<hbm>>) target(%arg9 : memref<40x128xi32, #tpu.memory_space<vmem>>) target_semaphore(%run_scoped3A_261 : memref<!tpu.dma_semaphore, #tpu.memory_space<semaphore_mem>>)
        %dma_wait3A_266 = arith.constant 0 : i32
        %dma_wait3A_267 = tpu.memref_slice %arg4[%add3A_132, %dma_wait3A_266] : memref<1280x128xi32, #tpu.memory_space<hbm>> -> memref<40x128xi32, #tpu.memory_space<hbm>>
        %dma_wait3A_268 = arith.constant 0 : i32
        %dma_wait3A_269 = tpu.memref_slice %arg4[%add3A_132, %dma_wait3A_268] : memref<1280x128xi32, #tpu.memory_space<hbm>> -> memref<40x128xi32, #tpu.memory_space<hbm>>
        tpu.wait_dma2 semaphore(%run_scoped3A_261 : memref<!tpu.dma_semaphore, #tpu.memory_space<semaphore_mem>>) src(%dma_wait3A_269 : memref<40x128xi32, #tpu.memory_space<hbm>>) dst(%arg9 : memref<40x128xi32, #tpu.memory_space<vmem>>)
        tpu.yield
      }) : () -> ()
      %add3A_133 = arith.constant 40 : i32
      %add3A_134 = arith.addi %mul3A_2, %add3A_133 : i32
      "tpu.region"() ({
        %run_scoped3A_261 = tpu.sem_alloc : memref<!tpu.dma_semaphore, #tpu.memory_space<semaphore_mem>>
        %dma_start3A_262 = arith.constant 0 : i32
        %dma_start3A_263 = tpu.memref_slice %arg5[%add3A_134, %dma_start3A_262] : memref<1280x128xi32, #tpu.memory_space<hbm>> -> memref<40x128xi32, #tpu.memory_space<hbm>>
        %dma_start3A_264 = arith.constant 0 : i32
        %dma_start3A_265 = tpu.memref_slice %arg5[%add3A_134, %dma_start3A_264] : memref<1280x128xi32, #tpu.memory_space<hbm>> -> memref<40x128xi32, #tpu.memory_space<hbm>>
        tpu.enqueue_dma source(%dma_start3A_265 : memref<40x128xi32, #tpu.memory_space<hbm>>) target(%arg10 : memref<40x128xi32, #tpu.memory_space<vmem>>) target_semaphore(%run_scoped3A_261 : memref<!tpu.dma_semaphore, #tpu.memory_space<semaphore_mem>>)
        %dma_wait3A_266 = arith.constant 0 : i32
        %dma_wait3A_267 = tpu.memref_slice %arg5[%add3A_134, %dma_wait3A_266] : memref<1280x128xi32, #tpu.memory_space<hbm>> -> memref<40x128xi32, #tpu.memory_space<hbm>>
        %dma_wait3A_268 = arith.constant 0 : i32
        %dma_wait3A_269 = tpu.memref_slice %arg5[%add3A_134, %dma_wait3A_268] : memref<1280x128xi32, #tpu.memory_space<hbm>> -> memref<40x128xi32, #tpu.memory_space<hbm>>
        tpu.wait_dma2 semaphore(%run_scoped3A_261 : memref<!tpu.dma_semaphore, #tpu.memory_space<semaphore_mem>>) src(%dma_wait3A_269 : memref<40x128xi32, #tpu.memory_space<hbm>>) dst(%arg10 : memref<40x128xi32, #tpu.memory_space<vmem>>)
        tpu.yield
      }) : () -> ()
      %dma_start3A_135 = arith.constant 0 : i32
      %dma_start3A_136 = arith.constant 0 : i32
      %dma_start3A_137 = arith.constant 0 : i32
      %dma_start3A_138 = arith.constant 0 : i32
      %dma_start3A_139 = arith.constant 0 : i32
      %dma_start3A_140 = tpu.memref_slice %arg11[%dma_start3A_136, %dma_start3A_138, %dma_start3A_139] : memref<2x128x128xf32, #tpu.memory_space<vmem>> -> memref<1x128x128xf32, #tpu.memory_space<vmem>>
      %dma_start3A_141 = tpu.memref_squeeze %dma_start3A_140 : memref<1x128x128xf32, #tpu.memory_space<vmem>> -> memref<128x128xf32, #tpu.memory_space<vmem>>
      %dma_start3A_142 = arith.constant 0 : i32
      %dma_start3A_143 = tpu.memref_slice %arg9[%dma_start3A_135, %dma_start3A_142] : memref<40x128xi32, #tpu.memory_space<vmem>> -> memref<1x128xi32, #tpu.memory_space<vmem>>
      %dma_start3A_144 = tpu.memref_squeeze %dma_start3A_143 : memref<1x128xi32, #tpu.memory_space<vmem>> -> memref<128xi32, #tpu.memory_space<vmem>>
      %dma_start3A_145 = arith.constant 0 : i32
      %dma_start3A_146 = arith.constant 0 : i32
      %dma_start3A_147 = tpu.memref_slice %arg3[%dma_start3A_145, %dma_start3A_146] : memref<10000x128xf32, #tpu.memory_space<hbm>> -> memref<10000x128xf32, #tpu.memory_space<hbm>>
      %dma_start3A_148 = tpu.memref_slice %arg12[%dma_start3A_137] : memref<2x!tpu.dma_semaphore, #tpu.memory_space<semaphore_mem>> -> memref<1x!tpu.dma_semaphore, #tpu.memory_space<semaphore_mem>>
      %dma_start3A_149 = tpu.memref_squeeze %dma_start3A_148 : memref<1x!tpu.dma_semaphore, #tpu.memory_space<semaphore_mem>> -> memref<!tpu.dma_semaphore, #tpu.memory_space<semaphore_mem>>
      tpu.enqueue_indirect_dma source(%dma_start3A_147 : memref<10000x128xf32, #tpu.memory_space<hbm>>) target(%dma_start3A_141 : memref<128x128xf32, #tpu.memory_space<vmem>>) offsets(%dma_start3A_144 : memref<128xi32, #tpu.memory_space<vmem>>) semaphore(%dma_start3A_149 : memref<!tpu.dma_semaphore, #tpu.memory_space<semaphore_mem>>)
      %dma_start3A_150 = arith.constant 1 : i32
      %dma_start3A_151 = arith.constant 1 : i32
      %dma_start3A_152 = arith.constant 1 : i32
      %dma_start3A_153 = arith.constant 0 : i32
      %dma_start3A_154 = arith.constant 0 : i32
      %dma_start3A_155 = tpu.memref_slice %arg11[%dma_start3A_151, %dma_start3A_153, %dma_start3A_154] : memref<2x128x128xf32, #tpu.memory_space<vmem>> -> memref<1x128x128xf32, #tpu.memory_space<vmem>>
      %dma_start3A_156 = tpu.memref_squeeze %dma_start3A_155 : memref<1x128x128xf32, #tpu.memory_space<vmem>> -> memref<128x128xf32, #tpu.memory_space<vmem>>
      %dma_start3A_157 = arith.constant 0 : i32
      %dma_start3A_158 = tpu.memref_slice %arg9[%dma_start3A_150, %dma_start3A_157] : memref<40x128xi32, #tpu.memory_space<vmem>> -> memref<1x128xi32, #tpu.memory_space<vmem>>
      %dma_start3A_159 = tpu.memref_squeeze %dma_start3A_158 : memref<1x128xi32, #tpu.memory_space<vmem>> -> memref<128xi32, #tpu.memory_space<vmem>>
      %dma_start3A_160 = arith.constant 0 : i32
      %dma_start3A_161 = arith.constant 0 : i32
      %dma_start3A_162 = tpu.memref_slice %arg3[%dma_start3A_160, %dma_start3A_161] : memref<10000x128xf32, #tpu.memory_space<hbm>> -> memref<10000x128xf32, #tpu.memory_space<hbm>>
      %dma_start3A_163 = tpu.memref_slice %arg12[%dma_start3A_152] : memref<2x!tpu.dma_semaphore, #tpu.memory_space<semaphore_mem>> -> memref<1x!tpu.dma_semaphore, #tpu.memory_space<semaphore_mem>>
      %dma_start3A_164 = tpu.memref_squeeze %dma_start3A_163 : memref<1x!tpu.dma_semaphore, #tpu.memory_space<semaphore_mem>> -> memref<!tpu.dma_semaphore, #tpu.memory_space<semaphore_mem>>
      tpu.enqueue_indirect_dma source(%dma_start3A_162 : memref<10000x128xf32, #tpu.memory_space<hbm>>) target(%dma_start3A_156 : memref<128x128xf32, #tpu.memory_space<vmem>>) offsets(%dma_start3A_159 : memref<128xi32, #tpu.memory_space<vmem>>) semaphore(%dma_start3A_164 : memref<!tpu.dma_semaphore, #tpu.memory_space<semaphore_mem>>)
      %scan3A_165 = arith.constant 0 : i32
      %scan3A_166 = arith.constant 19 : i32
      %scan3A_167 = arith.addi %scan3A_165, %scan3A_166 : i32
      %scan3A_168 = arith.constant 1 : i32
      scf.for %scan3A_261 = %scan3A_165 to %scan3A_167 step %scan3A_168  : i32 {
        %mul3A_262 = arith.constant 2 : i32
        %mul3A_263 = arith.muli %scan3A_261, %mul3A_262 : i32
        %add3A_264 = arith.constant 0 : i32
        %add3A_265 = arith.addi %add3A_264, %mul3A_263 : i32
        %add3A_266 = arith.constant 0 : i32
        %add3A_267 = arith.addi %add3A_265, %add3A_266 : i32
        %dma_wait3A_268 = arith.constant 0 : i32
        %dma_wait3A_269 = arith.constant 0 : i32
        %dma_wait3A_270 = arith.constant 0 : i32
        %dma_wait3A_271 = arith.constant 0 : i32
        %dma_wait3A_272 = tpu.memref_slice %arg11[%dma_wait3A_268, %dma_wait3A_270, %dma_wait3A_271] : memref<2x128x128xf32, #tpu.memory_space<vmem>> -> memref<1x128x128xf32, #tpu.memory_space<vmem>>
        %dma_wait3A_273 = tpu.memref_squeeze %dma_wait3A_272 : memref<1x128x128xf32, #tpu.memory_space<vmem>> -> memref<128x128xf32, #tpu.memory_space<vmem>>
        %dma_wait3A_274 = arith.constant 0 : i32
        %dma_wait3A_275 = tpu.memref_slice %arg9[%add3A_267, %dma_wait3A_274] : memref<40x128xi32, #tpu.memory_space<vmem>> -> memref<1x128xi32, #tpu.memory_space<vmem>>
        %dma_wait3A_276 = tpu.memref_squeeze %dma_wait3A_275 : memref<1x128xi32, #tpu.memory_space<vmem>> -> memref<128xi32, #tpu.memory_space<vmem>>
        %dma_wait3A_277 = arith.constant 0 : i32
        %dma_wait3A_278 = arith.constant 0 : i32
        %dma_wait3A_279 = tpu.memref_slice %arg3[%dma_wait3A_277, %dma_wait3A_278] : memref<10000x128xf32, #tpu.memory_space<hbm>> -> memref<10000x128xf32, #tpu.memory_space<hbm>>
        %dma_wait3A_280 = tpu.memref_slice %arg12[%dma_wait3A_269] : memref<2x!tpu.dma_semaphore, #tpu.memory_space<semaphore_mem>> -> memref<1x!tpu.dma_semaphore, #tpu.memory_space<semaphore_mem>>
        %dma_wait3A_281 = tpu.memref_squeeze %dma_wait3A_280 : memref<1x!tpu.dma_semaphore, #tpu.memory_space<semaphore_mem>> -> memref<!tpu.dma_semaphore, #tpu.memory_space<semaphore_mem>>
        tpu.wait_indirect_dma semaphore(%dma_wait3A_281 : memref<!tpu.dma_semaphore, #tpu.memory_space<semaphore_mem>>) src(%dma_wait3A_279 : memref<10000x128xf32, #tpu.memory_space<hbm>>) dst(%dma_wait3A_273 : memref<128x128xf32, #tpu.memory_space<vmem>>)
        %add3A_282 = arith.constant 0 : i32
        %add3A_283 = arith.addi %add3A_265, %add3A_282 : i32
        %dma_start3A_284 = arith.constant 0 : i32
        %dma_start3A_285 = arith.constant 0 : i32
        %dma_start3A_286 = arith.constant 0 : i32
        %dma_start3A_287 = arith.constant 0 : i32
        %dma_start3A_288 = tpu.memref_slice %arg11[%dma_start3A_284, %dma_start3A_286, %dma_start3A_287] : memref<2x128x128xf32, #tpu.memory_space<vmem>> -> memref<1x128x128xf32, #tpu.memory_space<vmem>>
        %dma_start3A_289 = tpu.memref_squeeze %dma_start3A_288 : memref<1x128x128xf32, #tpu.memory_space<vmem>> -> memref<128x128xf32, #tpu.memory_space<vmem>>
        %dma_start3A_290 = arith.constant 0 : i32
        %dma_start3A_291 = tpu.memref_slice %arg10[%add3A_283, %dma_start3A_290] : memref<40x128xi32, #tpu.memory_space<vmem>> -> memref<1x128xi32, #tpu.memory_space<vmem>>
        %dma_start3A_292 = tpu.memref_squeeze %dma_start3A_291 : memref<1x128xi32, #tpu.memory_space<vmem>> -> memref<128xi32, #tpu.memory_space<vmem>>
        %dma_start3A_293 = arith.constant 0 : i32
        %dma_start3A_294 = arith.constant 0 : i32
        %dma_start3A_295 = tpu.memref_slice %arg8[%dma_start3A_293, %dma_start3A_294] : memref<10112x128xf32, #tpu.memory_space<vmem_shared>> -> memref<10112x128xf32, #tpu.memory_space<vmem_shared>>
        %dma_start3A_296 = tpu.memref_slice %arg13[%dma_start3A_285] : memref<2x!tpu.dma_semaphore, #tpu.memory_space<semaphore_mem>> -> memref<1x!tpu.dma_semaphore, #tpu.memory_space<semaphore_mem>>
        %dma_start3A_297 = tpu.memref_squeeze %dma_start3A_296 : memref<1x!tpu.dma_semaphore, #tpu.memory_space<semaphore_mem>> -> memref<!tpu.dma_semaphore, #tpu.memory_space<semaphore_mem>>
        tpu.enqueue_indirect_dma source(%dma_start3A_289 : memref<128x128xf32, #tpu.memory_space<vmem>>) target(%dma_start3A_295 : memref<10112x128xf32, #tpu.memory_space<vmem_shared>>) offsets(%dma_start3A_292 : memref<128xi32, #tpu.memory_space<vmem>>) semaphore(%dma_start3A_297 : memref<!tpu.dma_semaphore, #tpu.memory_space<semaphore_mem>>) {add = true}
        %add3A_298 = arith.constant 1 : i32
        %add3A_299 = arith.addi %add3A_265, %add3A_298 : i32
        %dma_wait3A_300 = arith.constant 1 : i32
        %dma_wait3A_301 = arith.constant 1 : i32
        %dma_wait3A_302 = arith.constant 0 : i32
        %dma_wait3A_303 = arith.constant 0 : i32
        %dma_wait3A_304 = tpu.memref_slice %arg11[%dma_wait3A_300, %dma_wait3A_302, %dma_wait3A_303] : memref<2x128x128xf32, #tpu.memory_space<vmem>> -> memref<1x128x128xf32, #tpu.memory_space<vmem>>
        %dma_wait3A_305 = tpu.memref_squeeze %dma_wait3A_304 : memref<1x128x128xf32, #tpu.memory_space<vmem>> -> memref<128x128xf32, #tpu.memory_space<vmem>>
        %dma_wait3A_306 = arith.constant 0 : i32
        %dma_wait3A_307 = tpu.memref_slice %arg9[%add3A_299, %dma_wait3A_306] : memref<40x128xi32, #tpu.memory_space<vmem>> -> memref<1x128xi32, #tpu.memory_space<vmem>>
        %dma_wait3A_308 = tpu.memref_squeeze %dma_wait3A_307 : memref<1x128xi32, #tpu.memory_space<vmem>> -> memref<128xi32, #tpu.memory_space<vmem>>
        %dma_wait3A_309 = arith.constant 0 : i32
        %dma_wait3A_310 = arith.constant 0 : i32
        %dma_wait3A_311 = tpu.memref_slice %arg3[%dma_wait3A_309, %dma_wait3A_310] : memref<10000x128xf32, #tpu.memory_space<hbm>> -> memref<10000x128xf32, #tpu.memory_space<hbm>>
        %dma_wait3A_312 = tpu.memref_slice %arg12[%dma_wait3A_301] : memref<2x!tpu.dma_semaphore, #tpu.memory_space<semaphore_mem>> -> memref<1x!tpu.dma_semaphore, #tpu.memory_space<semaphore_mem>>
        %dma_wait3A_313 = tpu.memref_squeeze %dma_wait3A_312 : memref<1x!tpu.dma_semaphore, #tpu.memory_space<semaphore_mem>> -> memref<!tpu.dma_semaphore, #tpu.memory_space<semaphore_mem>>
        tpu.wait_indirect_dma semaphore(%dma_wait3A_313 : memref<!tpu.dma_semaphore, #tpu.memory_space<semaphore_mem>>) src(%dma_wait3A_311 : memref<10000x128xf32, #tpu.memory_space<hbm>>) dst(%dma_wait3A_305 : memref<128x128xf32, #tpu.memory_space<vmem>>)
        %add3A_314 = arith.constant 1 : i32
        %add3A_315 = arith.addi %add3A_265, %add3A_314 : i32
        %dma_start3A_316 = arith.constant 1 : i32
        %dma_start3A_317 = arith.constant 1 : i32
        %dma_start3A_318 = arith.constant 0 : i32
        %dma_start3A_319 = arith.constant 0 : i32
        %dma_start3A_320 = tpu.memref_slice %arg11[%dma_start3A_316, %dma_start3A_318, %dma_start3A_319] : memref<2x128x128xf32, #tpu.memory_space<vmem>> -> memref<1x128x128xf32, #tpu.memory_space<vmem>>
        %dma_start3A_321 = tpu.memref_squeeze %dma_start3A_320 : memref<1x128x128xf32, #tpu.memory_space<vmem>> -> memref<128x128xf32, #tpu.memory_space<vmem>>
        %dma_start3A_322 = arith.constant 0 : i32
        %dma_start3A_323 = tpu.memref_slice %arg10[%add3A_315, %dma_start3A_322] : memref<40x128xi32, #tpu.memory_space<vmem>> -> memref<1x128xi32, #tpu.memory_space<vmem>>
        %dma_start3A_324 = tpu.memref_squeeze %dma_start3A_323 : memref<1x128xi32, #tpu.memory_space<vmem>> -> memref<128xi32, #tpu.memory_space<vmem>>
        %dma_start3A_325 = arith.constant 0 : i32
        %dma_start3A_326 = arith.constant 0 : i32
        %dma_start3A_327 = tpu.memref_slice %arg8[%dma_start3A_325, %dma_start3A_326] : memref<10112x128xf32, #tpu.memory_space<vmem_shared>> -> memref<10112x128xf32, #tpu.memory_space<vmem_shared>>
        %dma_start3A_328 = tpu.memref_slice %arg13[%dma_start3A_317] : memref<2x!tpu.dma_semaphore, #tpu.memory_space<semaphore_mem>> -> memref<1x!tpu.dma_semaphore, #tpu.memory_space<semaphore_mem>>
        %dma_start3A_329 = tpu.memref_squeeze %dma_start3A_328 : memref<1x!tpu.dma_semaphore, #tpu.memory_space<semaphore_mem>> -> memref<!tpu.dma_semaphore, #tpu.memory_space<semaphore_mem>>
        tpu.enqueue_indirect_dma source(%dma_start3A_321 : memref<128x128xf32, #tpu.memory_space<vmem>>) target(%dma_start3A_327 : memref<10112x128xf32, #tpu.memory_space<vmem_shared>>) offsets(%dma_start3A_324 : memref<128xi32, #tpu.memory_space<vmem>>) semaphore(%dma_start3A_329 : memref<!tpu.dma_semaphore, #tpu.memory_space<semaphore_mem>>) {add = true}
        %add3A_330 = arith.constant 0 : i32
        %add3A_331 = arith.addi %add3A_265, %add3A_330 : i32
        %dma_wait3A_332 = arith.constant 0 : i32
        %dma_wait3A_333 = arith.constant 0 : i32
        %dma_wait3A_334 = arith.constant 0 : i32
        %dma_wait3A_335 = arith.constant 0 : i32
        %dma_wait3A_336 = tpu.memref_slice %arg11[%dma_wait3A_332, %dma_wait3A_334, %dma_wait3A_335] : memref<2x128x128xf32, #tpu.memory_space<vmem>> -> memref<1x128x128xf32, #tpu.memory_space<vmem>>
        %dma_wait3A_337 = tpu.memref_squeeze %dma_wait3A_336 : memref<1x128x128xf32, #tpu.memory_space<vmem>> -> memref<128x128xf32, #tpu.memory_space<vmem>>
        %dma_wait3A_338 = arith.constant 0 : i32
        %dma_wait3A_339 = tpu.memref_slice %arg10[%add3A_331, %dma_wait3A_338] : memref<40x128xi32, #tpu.memory_space<vmem>> -> memref<1x128xi32, #tpu.memory_space<vmem>>
        %dma_wait3A_340 = tpu.memref_squeeze %dma_wait3A_339 : memref<1x128xi32, #tpu.memory_space<vmem>> -> memref<128xi32, #tpu.memory_space<vmem>>
        %dma_wait3A_341 = arith.constant 0 : i32
        %dma_wait3A_342 = arith.constant 0 : i32
        %dma_wait3A_343 = tpu.memref_slice %arg8[%dma_wait3A_341, %dma_wait3A_342] : memref<10112x128xf32, #tpu.memory_space<vmem_shared>> -> memref<10112x128xf32, #tpu.memory_space<vmem_shared>>
        %dma_wait3A_344 = tpu.memref_slice %arg13[%dma_wait3A_333] : memref<2x!tpu.dma_semaphore, #tpu.memory_space<semaphore_mem>> -> memref<1x!tpu.dma_semaphore, #tpu.memory_space<semaphore_mem>>
        %dma_wait3A_345 = tpu.memref_squeeze %dma_wait3A_344 : memref<1x!tpu.dma_semaphore, #tpu.memory_space<semaphore_mem>> -> memref<!tpu.dma_semaphore, #tpu.memory_space<semaphore_mem>>
        tpu.wait_indirect_dma semaphore(%dma_wait3A_345 : memref<!tpu.dma_semaphore, #tpu.memory_space<semaphore_mem>>) src(%dma_wait3A_337 : memref<128x128xf32, #tpu.memory_space<vmem>>) dst(%dma_wait3A_343 : memref<10112x128xf32, #tpu.memory_space<vmem_shared>>)
        %add3A_346 = arith.constant 0 : i32
        %add3A_347 = arith.addi %add3A_265, %add3A_346 : i32
        %add3A_348 = arith.constant 2 : i32
        %add3A_349 = arith.addi %add3A_347, %add3A_348 : i32
        %dma_start3A_350 = arith.constant 0 : i32
        %dma_start3A_351 = arith.constant 0 : i32
        %dma_start3A_352 = arith.constant 0 : i32
        %dma_start3A_353 = arith.constant 0 : i32
        %dma_start3A_354 = tpu.memref_slice %arg11[%dma_start3A_350, %dma_start3A_352, %dma_start3A_353] : memref<2x128x128xf32, #tpu.memory_space<vmem>> -> memref<1x128x128xf32, #tpu.memory_space<vmem>>
        %dma_start3A_355 = tpu.memref_squeeze %dma_start3A_354 : memref<1x128x128xf32, #tpu.memory_space<vmem>> -> memref<128x128xf32, #tpu.memory_space<vmem>>
        %dma_start3A_356 = arith.constant 0 : i32
        %dma_start3A_357 = tpu.memref_slice %arg9[%add3A_349, %dma_start3A_356] : memref<40x128xi32, #tpu.memory_space<vmem>> -> memref<1x128xi32, #tpu.memory_space<vmem>>
        %dma_start3A_358 = tpu.memref_squeeze %dma_start3A_357 : memref<1x128xi32, #tpu.memory_space<vmem>> -> memref<128xi32, #tpu.memory_space<vmem>>
        %dma_start3A_359 = arith.constant 0 : i32
        %dma_start3A_360 = arith.constant 0 : i32
        %dma_start3A_361 = tpu.memref_slice %arg3[%dma_start3A_359, %dma_start3A_360] : memref<10000x128xf32, #tpu.memory_space<hbm>> -> memref<10000x128xf32, #tpu.memory_space<hbm>>
        %dma_start3A_362 = tpu.memref_slice %arg12[%dma_start3A_351] : memref<2x!tpu.dma_semaphore, #tpu.memory_space<semaphore_mem>> -> memref<1x!tpu.dma_semaphore, #tpu.memory_space<semaphore_mem>>
        %dma_start3A_363 = tpu.memref_squeeze %dma_start3A_362 : memref<1x!tpu.dma_semaphore, #tpu.memory_space<semaphore_mem>> -> memref<!tpu.dma_semaphore, #tpu.memory_space<semaphore_mem>>
        tpu.enqueue_indirect_dma source(%dma_start3A_361 : memref<10000x128xf32, #tpu.memory_space<hbm>>) target(%dma_start3A_355 : memref<128x128xf32, #tpu.memory_space<vmem>>) offsets(%dma_start3A_358 : memref<128xi32, #tpu.memory_space<vmem>>) semaphore(%dma_start3A_363 : memref<!tpu.dma_semaphore, #tpu.memory_space<semaphore_mem>>)
        %add3A_364 = arith.constant 1 : i32
        %add3A_365 = arith.addi %add3A_265, %add3A_364 : i32
        %dma_wait3A_366 = arith.constant 1 : i32
        %dma_wait3A_367 = arith.constant 1 : i32
        %dma_wait3A_368 = arith.constant 0 : i32
        %dma_wait3A_369 = arith.constant 0 : i32
        %dma_wait3A_370 = tpu.memref_slice %arg11[%dma_wait3A_366, %dma_wait3A_368, %dma_wait3A_369] : memref<2x128x128xf32, #tpu.memory_space<vmem>> -> memref<1x128x128xf32, #tpu.memory_space<vmem>>
        %dma_wait3A_371 = tpu.memref_squeeze %dma_wait3A_370 : memref<1x128x128xf32, #tpu.memory_space<vmem>> -> memref<128x128xf32, #tpu.memory_space<vmem>>
        %dma_wait3A_372 = arith.constant 0 : i32
        %dma_wait3A_373 = tpu.memref_slice %arg10[%add3A_365, %dma_wait3A_372] : memref<40x128xi32, #tpu.memory_space<vmem>> -> memref<1x128xi32, #tpu.memory_space<vmem>>
        %dma_wait3A_374 = tpu.memref_squeeze %dma_wait3A_373 : memref<1x128xi32, #tpu.memory_space<vmem>> -> memref<128xi32, #tpu.memory_space<vmem>>
        %dma_wait3A_375 = arith.constant 0 : i32
        %dma_wait3A_376 = arith.constant 0 : i32
        %dma_wait3A_377 = tpu.memref_slice %arg8[%dma_wait3A_375, %dma_wait3A_376] : memref<10112x128xf32, #tpu.memory_space<vmem_shared>> -> memref<10112x128xf32, #tpu.memory_space<vmem_shared>>
        %dma_wait3A_378 = tpu.memref_slice %arg13[%dma_wait3A_367] : memref<2x!tpu.dma_semaphore, #tpu.memory_space<semaphore_mem>> -> memref<1x!tpu.dma_semaphore, #tpu.memory_space<semaphore_mem>>
        %dma_wait3A_379 = tpu.memref_squeeze %dma_wait3A_378 : memref<1x!tpu.dma_semaphore, #tpu.memory_space<semaphore_mem>> -> memref<!tpu.dma_semaphore, #tpu.memory_space<semaphore_mem>>
        tpu.wait_indirect_dma semaphore(%dma_wait3A_379 : memref<!tpu.dma_semaphore, #tpu.memory_space<semaphore_mem>>) src(%dma_wait3A_371 : memref<128x128xf32, #tpu.memory_space<vmem>>) dst(%dma_wait3A_377 : memref<10112x128xf32, #tpu.memory_space<vmem_shared>>)
        %add3A_380 = arith.constant 1 : i32
        %add3A_381 = arith.addi %add3A_265, %add3A_380 : i32
        %add3A_382 = arith.constant 2 : i32
        %add3A_383 = arith.addi %add3A_381, %add3A_382 : i32
        %dma_start3A_384 = arith.constant 1 : i32
        %dma_start3A_385 = arith.constant 1 : i32
        %dma_start3A_386 = arith.constant 0 : i32
        %dma_start3A_387 = arith.constant 0 : i32
        %dma_start3A_388 = tpu.memref_slice %arg11[%dma_start3A_384, %dma_start3A_386, %dma_start3A_387] : memref<2x128x128xf32, #tpu.memory_space<vmem>> -> memref<1x128x128xf32, #tpu.memory_space<vmem>>
        %dma_start3A_389 = tpu.memref_squeeze %dma_start3A_388 : memref<1x128x128xf32, #tpu.memory_space<vmem>> -> memref<128x128xf32, #tpu.memory_space<vmem>>
        %dma_start3A_390 = arith.constant 0 : i32
        %dma_start3A_391 = tpu.memref_slice %arg9[%add3A_383, %dma_start3A_390] : memref<40x128xi32, #tpu.memory_space<vmem>> -> memref<1x128xi32, #tpu.memory_space<vmem>>
        %dma_start3A_392 = tpu.memref_squeeze %dma_start3A_391 : memref<1x128xi32, #tpu.memory_space<vmem>> -> memref<128xi32, #tpu.memory_space<vmem>>
        %dma_start3A_393 = arith.constant 0 : i32
        %dma_start3A_394 = arith.constant 0 : i32
        %dma_start3A_395 = tpu.memref_slice %arg3[%dma_start3A_393, %dma_start3A_394] : memref<10000x128xf32, #tpu.memory_space<hbm>> -> memref<10000x128xf32, #tpu.memory_space<hbm>>
        %dma_start3A_396 = tpu.memref_slice %arg12[%dma_start3A_385] : memref<2x!tpu.dma_semaphore, #tpu.memory_space<semaphore_mem>> -> memref<1x!tpu.dma_semaphore, #tpu.memory_space<semaphore_mem>>
        %dma_start3A_397 = tpu.memref_squeeze %dma_start3A_396 : memref<1x!tpu.dma_semaphore, #tpu.memory_space<semaphore_mem>> -> memref<!tpu.dma_semaphore, #tpu.memory_space<semaphore_mem>>
        tpu.enqueue_indirect_dma source(%dma_start3A_395 : memref<10000x128xf32, #tpu.memory_space<hbm>>) target(%dma_start3A_389 : memref<128x128xf32, #tpu.memory_space<vmem>>) offsets(%dma_start3A_392 : memref<128xi32, #tpu.memory_space<vmem>>) semaphore(%dma_start3A_397 : memref<!tpu.dma_semaphore, #tpu.memory_space<semaphore_mem>>)
      }
      %scan3A_169 = arith.constant 19 : i32
      %dma_wait3A_170 = arith.constant 38 : i32
      %dma_wait3A_171 = arith.constant 0 : i32
      %dma_wait3A_172 = arith.constant 0 : i32
      %dma_wait3A_173 = arith.constant 0 : i32
      %dma_wait3A_174 = arith.constant 0 : i32
      %dma_wait3A_175 = tpu.memref_slice %arg11[%dma_wait3A_171, %dma_wait3A_173, %dma_wait3A_174] : memref<2x128x128xf32, #tpu.memory_space<vmem>> -> memref<1x128x128xf32, #tpu.memory_space<vmem>>
      %dma_wait3A_176 = tpu.memref_squeeze %dma_wait3A_175 : memref<1x128x128xf32, #tpu.memory_space<vmem>> -> memref<128x128xf32, #tpu.memory_space<vmem>>
      %dma_wait3A_177 = arith.constant 0 : i32
      %dma_wait3A_178 = tpu.memref_slice %arg9[%dma_wait3A_170, %dma_wait3A_177] : memref<40x128xi32, #tpu.memory_space<vmem>> -> memref<1x128xi32, #tpu.memory_space<vmem>>
      %dma_wait3A_179 = tpu.memref_squeeze %dma_wait3A_178 : memref<1x128xi32, #tpu.memory_space<vmem>> -> memref<128xi32, #tpu.memory_space<vmem>>
      %dma_wait3A_180 = arith.constant 0 : i32
      %dma_wait3A_181 = arith.constant 0 : i32
      %dma_wait3A_182 = tpu.memref_slice %arg3[%dma_wait3A_180, %dma_wait3A_181] : memref<10000x128xf32, #tpu.memory_space<hbm>> -> memref<10000x128xf32, #tpu.memory_space<hbm>>
      %dma_wait3A_183 = tpu.memref_slice %arg12[%dma_wait3A_172] : memref<2x!tpu.dma_semaphore, #tpu.memory_space<semaphore_mem>> -> memref<1x!tpu.dma_semaphore, #tpu.memory_space<semaphore_mem>>
      %dma_wait3A_184 = tpu.memref_squeeze %dma_wait3A_183 : memref<1x!tpu.dma_semaphore, #tpu.memory_space<semaphore_mem>> -> memref<!tpu.dma_semaphore, #tpu.memory_space<semaphore_mem>>
      tpu.wait_indirect_dma semaphore(%dma_wait3A_184 : memref<!tpu.dma_semaphore, #tpu.memory_space<semaphore_mem>>) src(%dma_wait3A_182 : memref<10000x128xf32, #tpu.memory_space<hbm>>) dst(%dma_wait3A_176 : memref<128x128xf32, #tpu.memory_space<vmem>>)
      %dma_start3A_185 = arith.constant 0 : i32
      %dma_start3A_186 = arith.constant 38 : i32
      %dma_start3A_187 = arith.constant 0 : i32
      %dma_start3A_188 = arith.constant 0 : i32
      %dma_start3A_189 = arith.constant 0 : i32
      %dma_start3A_190 = tpu.memref_slice %arg11[%dma_start3A_185, %dma_start3A_188, %dma_start3A_189] : memref<2x128x128xf32, #tpu.memory_space<vmem>> -> memref<1x128x128xf32, #tpu.memory_space<vmem>>
      %dma_start3A_191 = tpu.memref_squeeze %dma_start3A_190 : memref<1x128x128xf32, #tpu.memory_space<vmem>> -> memref<128x128xf32, #tpu.memory_space<vmem>>
      %dma_start3A_192 = arith.constant 0 : i32
      %dma_start3A_193 = tpu.memref_slice %arg10[%dma_start3A_186, %dma_start3A_192] : memref<40x128xi32, #tpu.memory_space<vmem>> -> memref<1x128xi32, #tpu.memory_space<vmem>>
      %dma_start3A_194 = tpu.memref_squeeze %dma_start3A_193 : memref<1x128xi32, #tpu.memory_space<vmem>> -> memref<128xi32, #tpu.memory_space<vmem>>
      %dma_start3A_195 = arith.constant 0 : i32
      %dma_start3A_196 = arith.constant 0 : i32
      %dma_start3A_197 = tpu.memref_slice %arg8[%dma_start3A_195, %dma_start3A_196] : memref<10112x128xf32, #tpu.memory_space<vmem_shared>> -> memref<10112x128xf32, #tpu.memory_space<vmem_shared>>
      %dma_start3A_198 = tpu.memref_slice %arg13[%dma_start3A_187] : memref<2x!tpu.dma_semaphore, #tpu.memory_space<semaphore_mem>> -> memref<1x!tpu.dma_semaphore, #tpu.memory_space<semaphore_mem>>
      %dma_start3A_199 = tpu.memref_squeeze %dma_start3A_198 : memref<1x!tpu.dma_semaphore, #tpu.memory_space<semaphore_mem>> -> memref<!tpu.dma_semaphore, #tpu.memory_space<semaphore_mem>>
      tpu.enqueue_indirect_dma source(%dma_start3A_191 : memref<128x128xf32, #tpu.memory_space<vmem>>) target(%dma_start3A_197 : memref<10112x128xf32, #tpu.memory_space<vmem_shared>>) offsets(%dma_start3A_194 : memref<128xi32, #tpu.memory_space<vmem>>) semaphore(%dma_start3A_199 : memref<!tpu.dma_semaphore, #tpu.memory_space<semaphore_mem>>) {add = true}
      %dma_wait3A_200 = arith.constant 39 : i32
      %dma_wait3A_201 = arith.constant 1 : i32
      %dma_wait3A_202 = arith.constant 1 : i32
      %dma_wait3A_203 = arith.constant 0 : i32
      %dma_wait3A_204 = arith.constant 0 : i32
      %dma_wait3A_205 = tpu.memref_slice %arg11[%dma_wait3A_201, %dma_wait3A_203, %dma_wait3A_204] : memref<2x128x128xf32, #tpu.memory_space<vmem>> -> memref<1x128x128xf32, #tpu.memory_space<vmem>>
      %dma_wait3A_206 = tpu.memref_squeeze %dma_wait3A_205 : memref<1x128x128xf32, #tpu.memory_space<vmem>> -> memref<128x128xf32, #tpu.memory_space<vmem>>
      %dma_wait3A_207 = arith.constant 0 : i32
      %dma_wait3A_208 = tpu.memref_slice %arg9[%dma_wait3A_200, %dma_wait3A_207] : memref<40x128xi32, #tpu.memory_space<vmem>> -> memref<1x128xi32, #tpu.memory_space<vmem>>
      %dma_wait3A_209 = tpu.memref_squeeze %dma_wait3A_208 : memref<1x128xi32, #tpu.memory_space<vmem>> -> memref<128xi32, #tpu.memory_space<vmem>>
      %dma_wait3A_210 = arith.constant 0 : i32
      %dma_wait3A_211 = arith.constant 0 : i32
      %dma_wait3A_212 = tpu.memref_slice %arg3[%dma_wait3A_210, %dma_wait3A_211] : memref<10000x128xf32, #tpu.memory_space<hbm>> -> memref<10000x128xf32, #tpu.memory_space<hbm>>
      %dma_wait3A_213 = tpu.memref_slice %arg12[%dma_wait3A_202] : memref<2x!tpu.dma_semaphore, #tpu.memory_space<semaphore_mem>> -> memref<1x!tpu.dma_semaphore, #tpu.memory_space<semaphore_mem>>
      %dma_wait3A_214 = tpu.memref_squeeze %dma_wait3A_213 : memref<1x!tpu.dma_semaphore, #tpu.memory_space<semaphore_mem>> -> memref<!tpu.dma_semaphore, #tpu.memory_space<semaphore_mem>>
      tpu.wait_indirect_dma semaphore(%dma_wait3A_214 : memref<!tpu.dma_semaphore, #tpu.memory_space<semaphore_mem>>) src(%dma_wait3A_212 : memref<10000x128xf32, #tpu.memory_space<hbm>>) dst(%dma_wait3A_206 : memref<128x128xf32, #tpu.memory_space<vmem>>)
      %dma_start3A_215 = arith.constant 1 : i32
      %dma_start3A_216 = arith.constant 39 : i32
      %dma_start3A_217 = arith.constant 1 : i32
      %dma_start3A_218 = arith.constant 0 : i32
      %dma_start3A_219 = arith.constant 0 : i32
      %dma_start3A_220 = tpu.memref_slice %arg11[%dma_start3A_215, %dma_start3A_218, %dma_start3A_219] : memref<2x128x128xf32, #tpu.memory_space<vmem>> -> memref<1x128x128xf32, #tpu.memory_space<vmem>>
      %dma_start3A_221 = tpu.memref_squeeze %dma_start3A_220 : memref<1x128x128xf32, #tpu.memory_space<vmem>> -> memref<128x128xf32, #tpu.memory_space<vmem>>
      %dma_start3A_222 = arith.constant 0 : i32
      %dma_start3A_223 = tpu.memref_slice %arg10[%dma_start3A_216, %dma_start3A_222] : memref<40x128xi32, #tpu.memory_space<vmem>> -> memref<1x128xi32, #tpu.memory_space<vmem>>
      %dma_start3A_224 = tpu.memref_squeeze %dma_start3A_223 : memref<1x128xi32, #tpu.memory_space<vmem>> -> memref<128xi32, #tpu.memory_space<vmem>>
      %dma_start3A_225 = arith.constant 0 : i32
      %dma_start3A_226 = arith.constant 0 : i32
      %dma_start3A_227 = tpu.memref_slice %arg8[%dma_start3A_225, %dma_start3A_226] : memref<10112x128xf32, #tpu.memory_space<vmem_shared>> -> memref<10112x128xf32, #tpu.memory_space<vmem_shared>>
      %dma_start3A_228 = tpu.memref_slice %arg13[%dma_start3A_217] : memref<2x!tpu.dma_semaphore, #tpu.memory_space<semaphore_mem>> -> memref<1x!tpu.dma_semaphore, #tpu.memory_space<semaphore_mem>>
      %dma_start3A_229 = tpu.memref_squeeze %dma_start3A_228 : memref<1x!tpu.dma_semaphore, #tpu.memory_space<semaphore_mem>> -> memref<!tpu.dma_semaphore, #tpu.memory_space<semaphore_mem>>
      tpu.enqueue_indirect_dma source(%dma_start3A_221 : memref<128x128xf32, #tpu.memory_space<vmem>>) target(%dma_start3A_227 : memref<10112x128xf32, #tpu.memory_space<vmem_shared>>) offsets(%dma_start3A_224 : memref<128xi32, #tpu.memory_space<vmem>>) semaphore(%dma_start3A_229 : memref<!tpu.dma_semaphore, #tpu.memory_space<semaphore_mem>>) {add = true}
      %dma_wait3A_230 = arith.constant 0 : i32
      %dma_wait3A_231 = arith.constant 38 : i32
      %dma_wait3A_232 = arith.constant 0 : i32
      %dma_wait3A_233 = arith.constant 0 : i32
      %dma_wait3A_234 = arith.constant 0 : i32
      %dma_wait3A_235 = tpu.memref_slice %arg11[%dma_wait3A_230, %dma_wait3A_233, %dma_wait3A_234] : memref<2x128x128xf32, #tpu.memory_space<vmem>> -> memref<1x128x128xf32, #tpu.memory_space<vmem>>
      %dma_wait3A_236 = tpu.memref_squeeze %dma_wait3A_235 : memref<1x128x128xf32, #tpu.memory_space<vmem>> -> memref<128x128xf32, #tpu.memory_space<vmem>>
      %dma_wait3A_237 = arith.constant 0 : i32
      %dma_wait3A_238 = tpu.memref_slice %arg10[%dma_wait3A_231, %dma_wait3A_237] : memref<40x128xi32, #tpu.memory_space<vmem>> -> memref<1x128xi32, #tpu.memory_space<vmem>>
      %dma_wait3A_239 = tpu.memref_squeeze %dma_wait3A_238 : memref<1x128xi32, #tpu.memory_space<vmem>> -> memref<128xi32, #tpu.memory_space<vmem>>
      %dma_wait3A_240 = arith.constant 0 : i32
      %dma_wait3A_241 = arith.constant 0 : i32
      %dma_wait3A_242 = tpu.memref_slice %arg8[%dma_wait3A_240, %dma_wait3A_241] : memref<10112x128xf32, #tpu.memory_space<vmem_shared>> -> memref<10112x128xf32, #tpu.memory_space<vmem_shared>>
      %dma_wait3A_243 = tpu.memref_slice %arg13[%dma_wait3A_232] : memref<2x!tpu.dma_semaphore, #tpu.memory_space<semaphore_mem>> -> memref<1x!tpu.dma_semaphore, #tpu.memory_space<semaphore_mem>>
      %dma_wait3A_244 = tpu.memref_squeeze %dma_wait3A_243 : memref<1x!tpu.dma_semaphore, #tpu.memory_space<semaphore_mem>> -> memref<!tpu.dma_semaphore, #tpu.memory_space<semaphore_mem>>
      tpu.wait_indirect_dma semaphore(%dma_wait3A_244 : memref<!tpu.dma_semaphore, #tpu.memory_space<semaphore_mem>>) src(%dma_wait3A_236 : memref<128x128xf32, #tpu.memory_space<vmem>>) dst(%dma_wait3A_242 : memref<10112x128xf32, #tpu.memory_space<vmem_shared>>)
      %dma_wait3A_245 = arith.constant 1 : i32
      %dma_wait3A_246 = arith.constant 39 : i32
      %dma_wait3A_247 = arith.constant 1 : i32
      %dma_wait3A_248 = arith.constant 0 : i32
      %dma_wait3A_249 = arith.constant 0 : i32
      %dma_wait3A_250 = tpu.memref_slice %arg11[%dma_wait3A_245, %dma_wait3A_248, %dma_wait3A_249] : memref<2x128x128xf32, #tpu.memory_space<vmem>> -> memref<1x128x128xf32, #tpu.memory_space<vmem>>
      %dma_wait3A_251 = tpu.memref_squeeze %dma_wait3A_250 : memref<1x128x128xf32, #tpu.memory_space<vmem>> -> memref<128x128xf32, #tpu.memory_space<vmem>>
      %dma_wait3A_252 = arith.constant 0 : i32
      %dma_wait3A_253 = tpu.memref_slice %arg10[%dma_wait3A_246, %dma_wait3A_252] : memref<40x128xi32, #tpu.memory_space<vmem>> -> memref<1x128xi32, #tpu.memory_space<vmem>>
      %dma_wait3A_254 = tpu.memref_squeeze %dma_wait3A_253 : memref<1x128xi32, #tpu.memory_space<vmem>> -> memref<128xi32, #tpu.memory_space<vmem>>
      %dma_wait3A_255 = arith.constant 0 : i32
      %dma_wait3A_256 = arith.constant 0 : i32
      %dma_wait3A_257 = tpu.memref_slice %arg8[%dma_wait3A_255, %dma_wait3A_256] : memref<10112x128xf32, #tpu.memory_space<vmem_shared>> -> memref<10112x128xf32, #tpu.memory_space<vmem_shared>>
      %dma_wait3A_258 = tpu.memref_slice %arg13[%dma_wait3A_247] : memref<2x!tpu.dma_semaphore, #tpu.memory_space<semaphore_mem>> -> memref<1x!tpu.dma_semaphore, #tpu.memory_space<semaphore_mem>>
      %dma_wait3A_259 = tpu.memref_squeeze %dma_wait3A_258 : memref<1x!tpu.dma_semaphore, #tpu.memory_space<semaphore_mem>> -> memref<!tpu.dma_semaphore, #tpu.memory_space<semaphore_mem>>
      tpu.wait_indirect_dma semaphore(%dma_wait3A_259 : memref<!tpu.dma_semaphore, #tpu.memory_space<semaphore_mem>>) src(%dma_wait3A_251 : memref<128x128xf32, #tpu.memory_space<vmem>>) dst(%dma_wait3A_257 : memref<10112x128xf32, #tpu.memory_space<vmem_shared>>)
      %barrier3A_260 = arith.constant 0 : index
      tpu.barrier barrier_id(%barrier3A_260)
      %run_scoped3A = arith.constant 1 : i32
      "tpu.region"() ({
        %run_scoped3A_261 = tpu.sem_alloc : memref<!tpu.dma_semaphore, #tpu.memory_space<semaphore_mem>>
        %dma_start3A_262 = arith.constant 0 : i32
        %dma_start3A_263 = arith.constant 0 : i32
        %dma_start3A_264 = tpu.memref_slice %arg7[%run_scoped3A, %dma_start3A_262, %dma_start3A_263] : memref<2x10112x128xf32, #tpu.memory_space<hbm>> -> memref<1x10112x128xf32, #tpu.memory_space<hbm>>
        %dma_start3A_265 = tpu.memref_squeeze %dma_start3A_264 : memref<1x10112x128xf32, #tpu.memory_space<hbm>> -> memref<10112x128xf32, #tpu.memory_space<hbm>>
        %dma_start3A_266 = arith.constant 0 : i32
        %dma_start3A_267 = tpu.memref_slice %dma_start3A_265[%mul3A_0, %dma_start3A_266] : memref<10112x128xf32, #tpu.memory_space<hbm>> -> memref<632x128xf32, #tpu.memory_space<hbm>>
        %dma_start3A_268 = arith.constant 0 : i32
        %dma_start3A_269 = tpu.memref_slice %arg8[%mul3A_0, %dma_start3A_268] : memref<10112x128xf32, #tpu.memory_space<vmem_shared>> -> memref<632x128xf32, #tpu.memory_space<vmem_shared>>
        tpu.enqueue_dma source(%dma_start3A_269 : memref<632x128xf32, #tpu.memory_space<vmem_shared>>) target(%dma_start3A_267 : memref<632x128xf32, #tpu.memory_space<hbm>>) target_semaphore(%run_scoped3A_261 : memref<!tpu.dma_semaphore, #tpu.memory_space<semaphore_mem>>)
        %dma_wait3A_270 = arith.constant 0 : i32
        %dma_wait3A_271 = arith.constant 0 : i32
        %dma_wait3A_272 = tpu.memref_slice %arg7[%run_scoped3A, %dma_wait3A_270, %dma_wait3A_271] : memref<2x10112x128xf32, #tpu.memory_space<hbm>> -> memref<1x10112x128xf32, #tpu.memory_space<hbm>>
        %dma_wait3A_273 = tpu.memref_squeeze %dma_wait3A_272 : memref<1x10112x128xf32, #tpu.memory_space<hbm>> -> memref<10112x128xf32, #tpu.memory_space<hbm>>
        %dma_wait3A_274 = arith.constant 0 : i32
        %dma_wait3A_275 = tpu.memref_slice %dma_wait3A_273[%mul3A_0, %dma_wait3A_274] : memref<10112x128xf32, #tpu.memory_space<hbm>> -> memref<632x128xf32, #tpu.memory_space<hbm>>
        %dma_wait3A_276 = arith.constant 0 : i32
        %dma_wait3A_277 = tpu.memref_slice %arg8[%mul3A_0, %dma_wait3A_276] : memref<10112x128xf32, #tpu.memory_space<vmem_shared>> -> memref<632x128xf32, #tpu.memory_space<vmem_shared>>
        tpu.wait_dma2 semaphore(%run_scoped3A_261 : memref<!tpu.dma_semaphore, #tpu.memory_space<semaphore_mem>>) src(%dma_wait3A_277 : memref<632x128xf32, #tpu.memory_space<vmem_shared>>) dst(%dma_wait3A_275 : memref<632x128xf32, #tpu.memory_space<hbm>>)
        tpu.yield
      }) : () -> ()
    } else {
    }
    return
  }
}

#map = affine_map<(d0, d1) -> (0, 0)>
#map1 = affine_map<(d0, d1) -> (0, 0, 0)>
module attributes {stable_mosaic.version = 14 : i64} {
  func.func @_sc_propagate(%arg0: i32, %arg1: i32, %arg2: memref<10000x128xf32, #tpu.memory_space<hbm>>, %arg3: memref<10000x128xf32, #tpu.memory_space<hbm>>, %arg4: memref<1280x128xi32, #tpu.memory_space<hbm>>, %arg5: memref<1280x128xi32, #tpu.memory_space<hbm>>, %arg6: memref<10112x128xf32, #tpu.memory_space<hbm>>, %arg7: memref<2x10112x128xf32, #tpu.memory_space<hbm>>, %arg8: memref<10112x128xf32, #tpu.memory_space<vmem_shared>>, %arg9: memref<40x128xi32, #tpu.memory_space<vmem>>, %arg10: memref<40x128xi32, #tpu.memory_space<vmem>>, %arg11: memref<2x128x128xf32, #tpu.memory_space<vmem>>, %arg12: memref<2x!tpu.dma_semaphore, #tpu.memory_space<semaphore_mem>>, %arg13: memref<2x!tpu.dma_semaphore, #tpu.memory_space<semaphore_mem>>) attributes {dimension_semantics = [#tpu.dimension_semantics<core_parallel>, #tpu.dimension_semantics<subcore_parallel>], iteration_bounds = array<i64: 2, 16>, scalar_prefetch = 0 : i64, scratch_operands = 6 : i64, tpu.core_type = #tpu.core_type<sc_vector_subcore>, window_params = [{transform_indices = #map}, {transform_indices = #map}, {transform_indices = #map}, {transform_indices = #map}, {transform_indices = #map}, {transform_indices = #map1}]} {
    %mul3A = arith.constant 632 : i32
    %mul3A_0 = arith.muli %arg1, %mul3A : i32
    %mul3A_1 = arith.constant 80 : i32
    %mul3A_2 = arith.muli %arg1, %mul3A_1 : i32
    %eq3A = arith.constant 0 : i32
    %eq3A_3 = arith.cmpi eq, %arg0, %eq3A : i32
    %convert_element_type3A = arith.extui %eq3A_3 : i1 to i32
    %cond3A = arith.constant 0 : i32
    %cond3A_4 = arith.cmpi ne, %convert_element_type3A, %cond3A : i32
    scf.if %cond3A_4 {
      "tpu.region"() ({
        %run_scoped3A_261 = tpu.sem_alloc : memref<!tpu.dma_semaphore, #tpu.memory_space<semaphore_mem>>
        %dma_start3A_262 = arith.constant 0 : i32
        %dma_start3A_263 = tpu.memref_slice %arg4[%mul3A_2, %dma_start3A_262] : memref<1280x128xi32, #tpu.memory_space<hbm>> -> memref<40x128xi32, #tpu.memory_space<hbm>>
        %dma_start3A_264 = arith.constant 0 : i32
        %dma_start3A_265 = tpu.memref_slice %arg4[%mul3A_2, %dma_start3A_264] : memref<1280x128xi32, #tpu.memory_space<hbm>> -> memref<40x128xi32, #tpu.memory_space<hbm>>
        tpu.enqueue_dma source(%dma_start3A_265 : memref<40x128xi32, #tpu.memory_space<hbm>>) target(%arg9 : memref<40x128xi32, #tpu.memory_space<vmem>>) target_semaphore(%run_scoped3A_261 : memref<!tpu.dma_semaphore, #tpu.memory_space<semaphore_mem>>)
        %dma_wait3A_266 = arith.constant 0 : i32
        %dma_wait3A_267 = tpu.memref_slice %arg4[%mul3A_2, %dma_wait3A_266] : memref<1280x128xi32, #tpu.memory_space<hbm>> -> memref<40x128xi32, #tpu.memory_space<hbm>>
        %dma_wait3A_268 = arith.constant 0 : i32
        %dma_wait3A_269 = tpu.memref_slice %arg4[%mul3A_2, %dma_wait3A_268] : memref<1280x128xi32, #tpu.memory_space<hbm>> -> memref<40x128xi32, #tpu.memory_space<hbm>>
        tpu.wait_dma2 semaphore(%run_scoped3A_261 : memref<!tpu.dma_semaphore, #tpu.memory_space<semaphore_mem>>) src(%dma_wait3A_269 : memref<40x128xi32, #tpu.memory_space<hbm>>) dst(%arg9 : memref<40x128xi32, #tpu.memory_space<vmem>>)
        tpu.yield
      }) : () -> ()
      "tpu.region"() ({
        %run_scoped3A_261 = tpu.sem_alloc : memref<!tpu.dma_semaphore, #tpu.memory_space<semaphore_mem>>
        %dma_start3A_262 = arith.constant 0 : i32
        %dma_start3A_263 = tpu.memref_slice %arg5[%mul3A_2, %dma_start3A_262] : memref<1280x128xi32, #tpu.memory_space<hbm>> -> memref<40x128xi32, #tpu.memory_space<hbm>>
        %dma_start3A_264 = arith.constant 0 : i32
        %dma_start3A_265 = tpu.memref_slice %arg5[%mul3A_2, %dma_start3A_264] : memref<1280x128xi32, #tpu.memory_space<hbm>> -> memref<40x128xi32, #tpu.memory_space<hbm>>
        tpu.enqueue_dma source(%dma_start3A_265 : memref<40x128xi32, #tpu.memory_space<hbm>>) target(%arg10 : memref<40x128xi32, #tpu.memory_space<vmem>>) target_semaphore(%run_scoped3A_261 : memref<!tpu.dma_semaphore, #tpu.memory_space<semaphore_mem>>)
        %dma_wait3A_266 = arith.constant 0 : i32
        %dma_wait3A_267 = tpu.memref_slice %arg5[%mul3A_2, %dma_wait3A_266] : memref<1280x128xi32, #tpu.memory_space<hbm>> -> memref<40x128xi32, #tpu.memory_space<hbm>>
        %dma_wait3A_268 = arith.constant 0 : i32
        %dma_wait3A_269 = tpu.memref_slice %arg5[%mul3A_2, %dma_wait3A_268] : memref<1280x128xi32, #tpu.memory_space<hbm>> -> memref<40x128xi32, #tpu.memory_space<hbm>>
        tpu.wait_dma2 semaphore(%run_scoped3A_261 : memref<!tpu.dma_semaphore, #tpu.memory_space<semaphore_mem>>) src(%dma_wait3A_269 : memref<40x128xi32, #tpu.memory_space<hbm>>) dst(%arg10 : memref<40x128xi32, #tpu.memory_space<vmem>>)
        tpu.yield
      }) : () -> ()
      %dma_start3A = arith.constant 0 : i32
      %dma_start3A_10 = arith.constant 0 : i32
      %dma_start3A_11 = arith.constant 0 : i32
      %dma_start3A_12 = arith.constant 0 : i32
      %dma_start3A_13 = arith.constant 0 : i32
      %dma_start3A_14 = tpu.memref_slice %arg11[%dma_start3A_10, %dma_start3A_12, %dma_start3A_13] : memref<2x128x128xf32, #tpu.memory_space<vmem>> -> memref<1x128x128xf32, #tpu.memory_space<vmem>>
      %dma_start3A_15 = tpu.memref_squeeze %dma_start3A_14 : memref<1x128x128xf32, #tpu.memory_space<vmem>> -> memref<128x128xf32, #tpu.memory_space<vmem>>
      %dma_start3A_16 = arith.constant 0 : i32
      %dma_start3A_17 = tpu.memref_slice %arg9[%dma_start3A, %dma_start3A_16] : memref<40x128xi32, #tpu.memory_space<vmem>> -> memref<1x128xi32, #tpu.memory_space<vmem>>
      %dma_start3A_18 = tpu.memref_squeeze %dma_start3A_17 : memref<1x128xi32, #tpu.memory_space<vmem>> -> memref<128xi32, #tpu.memory_space<vmem>>
      %dma_start3A_19 = arith.constant 0 : i32
      %dma_start3A_20 = arith.constant 0 : i32
      %dma_start3A_21 = tpu.memref_slice %arg2[%dma_start3A_19, %dma_start3A_20] : memref<10000x128xf32, #tpu.memory_space<hbm>> -> memref<10000x128xf32, #tpu.memory_space<hbm>>
      %dma_start3A_22 = tpu.memref_slice %arg12[%dma_start3A_11] : memref<2x!tpu.dma_semaphore, #tpu.memory_space<semaphore_mem>> -> memref<1x!tpu.dma_semaphore, #tpu.memory_space<semaphore_mem>>
      %dma_start3A_23 = tpu.memref_squeeze %dma_start3A_22 : memref<1x!tpu.dma_semaphore, #tpu.memory_space<semaphore_mem>> -> memref<!tpu.dma_semaphore, #tpu.memory_space<semaphore_mem>>
      tpu.enqueue_indirect_dma source(%dma_start3A_21 : memref<10000x128xf32, #tpu.memory_space<hbm>>) target(%dma_start3A_15 : memref<128x128xf32, #tpu.memory_space<vmem>>) offsets(%dma_start3A_18 : memref<128xi32, #tpu.memory_space<vmem>>) semaphore(%dma_start3A_23 : memref<!tpu.dma_semaphore, #tpu.memory_space<semaphore_mem>>)
      %dma_start3A_24 = arith.constant 1 : i32
      %dma_start3A_25 = arith.constant 1 : i32
      %dma_start3A_26 = arith.constant 1 : i32
      %dma_start3A_27 = arith.constant 0 : i32
      %dma_start3A_28 = arith.constant 0 : i32
      %dma_start3A_29 = tpu.memref_slice %arg11[%dma_start3A_25, %dma_start3A_27, %dma_start3A_28] : memref<2x128x128xf32, #tpu.memory_space<vmem>> -> memref<1x128x128xf32, #tpu.memory_space<vmem>>
      %dma_start3A_30 = tpu.memref_squeeze %dma_start3A_29 : memref<1x128x128xf32, #tpu.memory_space<vmem>> -> memref<128x128xf32, #tpu.memory_space<vmem>>
      %dma_start3A_31 = arith.constant 0 : i32
      %dma_start3A_32 = tpu.memref_slice %arg9[%dma_start3A_24, %dma_start3A_31] : memref<40x128xi32, #tpu.memory_space<vmem>> -> memref<1x128xi32, #tpu.memory_space<vmem>>
      %dma_start3A_33 = tpu.memref_squeeze %dma_start3A_32 : memref<1x128xi32, #tpu.memory_space<vmem>> -> memref<128xi32, #tpu.memory_space<vmem>>
      %dma_start3A_34 = arith.constant 0 : i32
      %dma_start3A_35 = arith.constant 0 : i32
      %dma_start3A_36 = tpu.memref_slice %arg2[%dma_start3A_34, %dma_start3A_35] : memref<10000x128xf32, #tpu.memory_space<hbm>> -> memref<10000x128xf32, #tpu.memory_space<hbm>>
      %dma_start3A_37 = tpu.memref_slice %arg12[%dma_start3A_26] : memref<2x!tpu.dma_semaphore, #tpu.memory_space<semaphore_mem>> -> memref<1x!tpu.dma_semaphore, #tpu.memory_space<semaphore_mem>>
      %dma_start3A_38 = tpu.memref_squeeze %dma_start3A_37 : memref<1x!tpu.dma_semaphore, #tpu.memory_space<semaphore_mem>> -> memref<!tpu.dma_semaphore, #tpu.memory_space<semaphore_mem>>
      tpu.enqueue_indirect_dma source(%dma_start3A_36 : memref<10000x128xf32, #tpu.memory_space<hbm>>) target(%dma_start3A_30 : memref<128x128xf32, #tpu.memory_space<vmem>>) offsets(%dma_start3A_33 : memref<128xi32, #tpu.memory_space<vmem>>) semaphore(%dma_start3A_38 : memref<!tpu.dma_semaphore, #tpu.memory_space<semaphore_mem>>)
      "tpu.region"() ({
        %run_scoped3A_261 = tpu.sem_alloc : memref<!tpu.dma_semaphore, #tpu.memory_space<semaphore_mem>>
        %dma_start3A_262 = arith.constant 0 : i32
        %dma_start3A_263 = tpu.memref_slice %arg8[%mul3A_0, %dma_start3A_262] : memref<10112x128xf32, #tpu.memory_space<vmem_shared>> -> memref<632x128xf32, #tpu.memory_space<vmem_shared>>
        %dma_start3A_264 = arith.constant 0 : i32
        %dma_start3A_265 = tpu.memref_slice %arg6[%mul3A_0, %dma_start3A_264] : memref<10112x128xf32, #tpu.memory_space<hbm>> -> memref<632x128xf32, #tpu.memory_space<hbm>>
        tpu.enqueue_dma source(%dma_start3A_265 : memref<632x128xf32, #tpu.memory_space<hbm>>) target(%dma_start3A_263 : memref<632x128xf32, #tpu.memory_space<vmem_shared>>) target_semaphore(%run_scoped3A_261 : memref<!tpu.dma_semaphore, #tpu.memory_space<semaphore_mem>>)
        %dma_wait3A_266 = arith.constant 0 : i32
        %dma_wait3A_267 = tpu.memref_slice %arg8[%mul3A_0, %dma_wait3A_266] : memref<10112x128xf32, #tpu.memory_space<vmem_shared>> -> memref<632x128xf32, #tpu.memory_space<vmem_shared>>
        %dma_wait3A_268 = arith.constant 0 : i32
        %dma_wait3A_269 = tpu.memref_slice %arg6[%mul3A_0, %dma_wait3A_268] : memref<10112x128xf32, #tpu.memory_space<hbm>> -> memref<632x128xf32, #tpu.memory_space<hbm>>
        tpu.wait_dma2 semaphore(%run_scoped3A_261 : memref<!tpu.dma_semaphore, #tpu.memory_space<semaphore_mem>>) src(%dma_wait3A_269 : memref<632x128xf32, #tpu.memory_space<hbm>>) dst(%dma_wait3A_267 : memref<632x128xf32, #tpu.memory_space<vmem_shared>>)
        tpu.yield
      }) : () -> ()
      %barrier3A = arith.constant 0 : index
      tpu.barrier barrier_id(%barrier3A)
      %scan3A = arith.constant 0 : i32
      %scan3A_39 = arith.constant 19 : i32
      %scan3A_40 = arith.addi %scan3A, %scan3A_39 : i32
      %scan3A_41 = arith.constant 1 : i32
      scf.for %scan3A_261 = %scan3A to %scan3A_40 step %scan3A_41  : i32 {
        %mul3A_262 = arith.constant 2 : i32
        %mul3A_263 = arith.muli %scan3A_261, %mul3A_262 : i32
        %add3A_264 = arith.constant 0 : i32
        %add3A_265 = arith.addi %add3A_264, %mul3A_263 : i32
        %add3A_266 = arith.constant 0 : i32
        %add3A_267 = arith.addi %add3A_265, %add3A_266 : i32
        %dma_wait3A_268 = arith.constant 0 : i32
        %dma_wait3A_269 = arith.constant 0 : i32
        %dma_wait3A_270 = arith.constant 0 : i32
        %dma_wait3A_271 = arith.constant 0 : i32
        %dma_wait3A_272 = tpu.memref_slice %arg11[%dma_wait3A_268, %dma_wait3A_270, %dma_wait3A_271] : memref<2x128x128xf32, #tpu.memory_space<vmem>> -> memref<1x128x128xf32, #tpu.memory_space<vmem>>
        %dma_wait3A_273 = tpu.memref_squeeze %dma_wait3A_272 : memref<1x128x128xf32, #tpu.memory_space<vmem>> -> memref<128x128xf32, #tpu.memory_space<vmem>>
        %dma_wait3A_274 = arith.constant 0 : i32
        %dma_wait3A_275 = tpu.memref_slice %arg9[%add3A_267, %dma_wait3A_274] : memref<40x128xi32, #tpu.memory_space<vmem>> -> memref<1x128xi32, #tpu.memory_space<vmem>>
        %dma_wait3A_276 = tpu.memref_squeeze %dma_wait3A_275 : memref<1x128xi32, #tpu.memory_space<vmem>> -> memref<128xi32, #tpu.memory_space<vmem>>
        %dma_wait3A_277 = arith.constant 0 : i32
        %dma_wait3A_278 = arith.constant 0 : i32
        %dma_wait3A_279 = tpu.memref_slice %arg2[%dma_wait3A_277, %dma_wait3A_278] : memref<10000x128xf32, #tpu.memory_space<hbm>> -> memref<10000x128xf32, #tpu.memory_space<hbm>>
        %dma_wait3A_280 = tpu.memref_slice %arg12[%dma_wait3A_269] : memref<2x!tpu.dma_semaphore, #tpu.memory_space<semaphore_mem>> -> memref<1x!tpu.dma_semaphore, #tpu.memory_space<semaphore_mem>>
        %dma_wait3A_281 = tpu.memref_squeeze %dma_wait3A_280 : memref<1x!tpu.dma_semaphore, #tpu.memory_space<semaphore_mem>> -> memref<!tpu.dma_semaphore, #tpu.memory_space<semaphore_mem>>
        tpu.wait_indirect_dma semaphore(%dma_wait3A_281 : memref<!tpu.dma_semaphore, #tpu.memory_space<semaphore_mem>>) src(%dma_wait3A_279 : memref<10000x128xf32, #tpu.memory_space<hbm>>) dst(%dma_wait3A_273 : memref<128x128xf32, #tpu.memory_space<vmem>>)
        %add3A_282 = arith.constant 0 : i32
        %add3A_283 = arith.addi %add3A_265, %add3A_282 : i32
        %dma_start3A_284 = arith.constant 0 : i32
        %dma_start3A_285 = arith.constant 0 : i32
        %dma_start3A_286 = arith.constant 0 : i32
        %dma_start3A_287 = arith.constant 0 : i32
        %dma_start3A_288 = tpu.memref_slice %arg11[%dma_start3A_284, %dma_start3A_286, %dma_start3A_287] : memref<2x128x128xf32, #tpu.memory_space<vmem>> -> memref<1x128x128xf32, #tpu.memory_space<vmem>>
        %dma_start3A_289 = tpu.memref_squeeze %dma_start3A_288 : memref<1x128x128xf32, #tpu.memory_space<vmem>> -> memref<128x128xf32, #tpu.memory_space<vmem>>
        %dma_start3A_290 = arith.constant 0 : i32
        %dma_start3A_291 = tpu.memref_slice %arg10[%add3A_283, %dma_start3A_290] : memref<40x128xi32, #tpu.memory_space<vmem>> -> memref<1x128xi32, #tpu.memory_space<vmem>>
        %dma_start3A_292 = tpu.memref_squeeze %dma_start3A_291 : memref<1x128xi32, #tpu.memory_space<vmem>> -> memref<128xi32, #tpu.memory_space<vmem>>
        %dma_start3A_293 = arith.constant 0 : i32
        %dma_start3A_294 = arith.constant 0 : i32
        %dma_start3A_295 = tpu.memref_slice %arg8[%dma_start3A_293, %dma_start3A_294] : memref<10112x128xf32, #tpu.memory_space<vmem_shared>> -> memref<10112x128xf32, #tpu.memory_space<vmem_shared>>
        %dma_start3A_296 = tpu.memref_slice %arg13[%dma_start3A_285] : memref<2x!tpu.dma_semaphore, #tpu.memory_space<semaphore_mem>> -> memref<1x!tpu.dma_semaphore, #tpu.memory_space<semaphore_mem>>
        %dma_start3A_297 = tpu.memref_squeeze %dma_start3A_296 : memref<1x!tpu.dma_semaphore, #tpu.memory_space<semaphore_mem>> -> memref<!tpu.dma_semaphore, #tpu.memory_space<semaphore_mem>>
        tpu.enqueue_indirect_dma source(%dma_start3A_289 : memref<128x128xf32, #tpu.memory_space<vmem>>) target(%dma_start3A_295 : memref<10112x128xf32, #tpu.memory_space<vmem_shared>>) offsets(%dma_start3A_292 : memref<128xi32, #tpu.memory_space<vmem>>) semaphore(%dma_start3A_297 : memref<!tpu.dma_semaphore, #tpu.memory_space<semaphore_mem>>) {add = true}
        %add3A_298 = arith.constant 1 : i32
        %add3A_299 = arith.addi %add3A_265, %add3A_298 : i32
        %dma_wait3A_300 = arith.constant 1 : i32
        %dma_wait3A_301 = arith.constant 1 : i32
        %dma_wait3A_302 = arith.constant 0 : i32
        %dma_wait3A_303 = arith.constant 0 : i32
        %dma_wait3A_304 = tpu.memref_slice %arg11[%dma_wait3A_300, %dma_wait3A_302, %dma_wait3A_303] : memref<2x128x128xf32, #tpu.memory_space<vmem>> -> memref<1x128x128xf32, #tpu.memory_space<vmem>>
        %dma_wait3A_305 = tpu.memref_squeeze %dma_wait3A_304 : memref<1x128x128xf32, #tpu.memory_space<vmem>> -> memref<128x128xf32, #tpu.memory_space<vmem>>
        %dma_wait3A_306 = arith.constant 0 : i32
        %dma_wait3A_307 = tpu.memref_slice %arg9[%add3A_299, %dma_wait3A_306] : memref<40x128xi32, #tpu.memory_space<vmem>> -> memref<1x128xi32, #tpu.memory_space<vmem>>
        %dma_wait3A_308 = tpu.memref_squeeze %dma_wait3A_307 : memref<1x128xi32, #tpu.memory_space<vmem>> -> memref<128xi32, #tpu.memory_space<vmem>>
        %dma_wait3A_309 = arith.constant 0 : i32
        %dma_wait3A_310 = arith.constant 0 : i32
        %dma_wait3A_311 = tpu.memref_slice %arg2[%dma_wait3A_309, %dma_wait3A_310] : memref<10000x128xf32, #tpu.memory_space<hbm>> -> memref<10000x128xf32, #tpu.memory_space<hbm>>
        %dma_wait3A_312 = tpu.memref_slice %arg12[%dma_wait3A_301] : memref<2x!tpu.dma_semaphore, #tpu.memory_space<semaphore_mem>> -> memref<1x!tpu.dma_semaphore, #tpu.memory_space<semaphore_mem>>
        %dma_wait3A_313 = tpu.memref_squeeze %dma_wait3A_312 : memref<1x!tpu.dma_semaphore, #tpu.memory_space<semaphore_mem>> -> memref<!tpu.dma_semaphore, #tpu.memory_space<semaphore_mem>>
        tpu.wait_indirect_dma semaphore(%dma_wait3A_313 : memref<!tpu.dma_semaphore, #tpu.memory_space<semaphore_mem>>) src(%dma_wait3A_311 : memref<10000x128xf32, #tpu.memory_space<hbm>>) dst(%dma_wait3A_305 : memref<128x128xf32, #tpu.memory_space<vmem>>)
        %add3A_314 = arith.constant 1 : i32
        %add3A_315 = arith.addi %add3A_265, %add3A_314 : i32
        %dma_start3A_316 = arith.constant 1 : i32
        %dma_start3A_317 = arith.constant 1 : i32
        %dma_start3A_318 = arith.constant 0 : i32
        %dma_start3A_319 = arith.constant 0 : i32
        %dma_start3A_320 = tpu.memref_slice %arg11[%dma_start3A_316, %dma_start3A_318, %dma_start3A_319] : memref<2x128x128xf32, #tpu.memory_space<vmem>> -> memref<1x128x128xf32, #tpu.memory_space<vmem>>
        %dma_start3A_321 = tpu.memref_squeeze %dma_start3A_320 : memref<1x128x128xf32, #tpu.memory_space<vmem>> -> memref<128x128xf32, #tpu.memory_space<vmem>>
        %dma_start3A_322 = arith.constant 0 : i32
        %dma_start3A_323 = tpu.memref_slice %arg10[%add3A_315, %dma_start3A_322] : memref<40x128xi32, #tpu.memory_space<vmem>> -> memref<1x128xi32, #tpu.memory_space<vmem>>
        %dma_start3A_324 = tpu.memref_squeeze %dma_start3A_323 : memref<1x128xi32, #tpu.memory_space<vmem>> -> memref<128xi32, #tpu.memory_space<vmem>>
        %dma_start3A_325 = arith.constant 0 : i32
        %dma_start3A_326 = arith.constant 0 : i32
        %dma_start3A_327 = tpu.memref_slice %arg8[%dma_start3A_325, %dma_start3A_326] : memref<10112x128xf32, #tpu.memory_space<vmem_shared>> -> memref<10112x128xf32, #tpu.memory_space<vmem_shared>>
        %dma_start3A_328 = tpu.memref_slice %arg13[%dma_start3A_317] : memref<2x!tpu.dma_semaphore, #tpu.memory_space<semaphore_mem>> -> memref<1x!tpu.dma_semaphore, #tpu.memory_space<semaphore_mem>>
        %dma_start3A_329 = tpu.memref_squeeze %dma_start3A_328 : memref<1x!tpu.dma_semaphore, #tpu.memory_space<semaphore_mem>> -> memref<!tpu.dma_semaphore, #tpu.memory_space<semaphore_mem>>
        tpu.enqueue_indirect_dma source(%dma_start3A_321 : memref<128x128xf32, #tpu.memory_space<vmem>>) target(%dma_start3A_327 : memref<10112x128xf32, #tpu.memory_space<vmem_shared>>) offsets(%dma_start3A_324 : memref<128xi32, #tpu.memory_space<vmem>>) semaphore(%dma_start3A_329 : memref<!tpu.dma_semaphore, #tpu.memory_space<semaphore_mem>>) {add = true}
        %add3A_330 = arith.constant 0 : i32
        %add3A_331 = arith.addi %add3A_265, %add3A_330 : i32
        %dma_wait3A_332 = arith.constant 0 : i32
        %dma_wait3A_333 = arith.constant 0 : i32
        %dma_wait3A_334 = arith.constant 0 : i32
        %dma_wait3A_335 = arith.constant 0 : i32
        %dma_wait3A_336 = tpu.memref_slice %arg11[%dma_wait3A_332, %dma_wait3A_334, %dma_wait3A_335] : memref<2x128x128xf32, #tpu.memory_space<vmem>> -> memref<1x128x128xf32, #tpu.memory_space<vmem>>
        %dma_wait3A_337 = tpu.memref_squeeze %dma_wait3A_336 : memref<1x128x128xf32, #tpu.memory_space<vmem>> -> memref<128x128xf32, #tpu.memory_space<vmem>>
        %dma_wait3A_338 = arith.constant 0 : i32
        %dma_wait3A_339 = tpu.memref_slice %arg10[%add3A_331, %dma_wait3A_338] : memref<40x128xi32, #tpu.memory_space<vmem>> -> memref<1x128xi32, #tpu.memory_space<vmem>>
        %dma_wait3A_340 = tpu.memref_squeeze %dma_wait3A_339 : memref<1x128xi32, #tpu.memory_space<vmem>> -> memref<128xi32, #tpu.memory_space<vmem>>
        %dma_wait3A_341 = arith.constant 0 : i32
        %dma_wait3A_342 = arith.constant 0 : i32
        %dma_wait3A_343 = tpu.memref_slice %arg8[%dma_wait3A_341, %dma_wait3A_342] : memref<10112x128xf32, #tpu.memory_space<vmem_shared>> -> memref<10112x128xf32, #tpu.memory_space<vmem_shared>>
        %dma_wait3A_344 = tpu.memref_slice %arg13[%dma_wait3A_333] : memref<2x!tpu.dma_semaphore, #tpu.memory_space<semaphore_mem>> -> memref<1x!tpu.dma_semaphore, #tpu.memory_space<semaphore_mem>>
        %dma_wait3A_345 = tpu.memref_squeeze %dma_wait3A_344 : memref<1x!tpu.dma_semaphore, #tpu.memory_space<semaphore_mem>> -> memref<!tpu.dma_semaphore, #tpu.memory_space<semaphore_mem>>
        tpu.wait_indirect_dma semaphore(%dma_wait3A_345 : memref<!tpu.dma_semaphore, #tpu.memory_space<semaphore_mem>>) src(%dma_wait3A_337 : memref<128x128xf32, #tpu.memory_space<vmem>>) dst(%dma_wait3A_343 : memref<10112x128xf32, #tpu.memory_space<vmem_shared>>)
        %add3A_346 = arith.constant 0 : i32
        %add3A_347 = arith.addi %add3A_265, %add3A_346 : i32
        %add3A_348 = arith.constant 2 : i32
        %add3A_349 = arith.addi %add3A_347, %add3A_348 : i32
        %dma_start3A_350 = arith.constant 0 : i32
        %dma_start3A_351 = arith.constant 0 : i32
        %dma_start3A_352 = arith.constant 0 : i32
        %dma_start3A_353 = arith.constant 0 : i32
        %dma_start3A_354 = tpu.memref_slice %arg11[%dma_start3A_350, %dma_start3A_352, %dma_start3A_353] : memref<2x128x128xf32, #tpu.memory_space<vmem>> -> memref<1x128x128xf32, #tpu.memory_space<vmem>>
        %dma_start3A_355 = tpu.memref_squeeze %dma_start3A_354 : memref<1x128x128xf32, #tpu.memory_space<vmem>> -> memref<128x128xf32, #tpu.memory_space<vmem>>
        %dma_start3A_356 = arith.constant 0 : i32
        %dma_start3A_357 = tpu.memref_slice %arg9[%add3A_349, %dma_start3A_356] : memref<40x128xi32, #tpu.memory_space<vmem>> -> memref<1x128xi32, #tpu.memory_space<vmem>>
        %dma_start3A_358 = tpu.memref_squeeze %dma_start3A_357 : memref<1x128xi32, #tpu.memory_space<vmem>> -> memref<128xi32, #tpu.memory_space<vmem>>
        %dma_start3A_359 = arith.constant 0 : i32
        %dma_start3A_360 = arith.constant 0 : i32
        %dma_start3A_361 = tpu.memref_slice %arg2[%dma_start3A_359, %dma_start3A_360] : memref<10000x128xf32, #tpu.memory_space<hbm>> -> memref<10000x128xf32, #tpu.memory_space<hbm>>
        %dma_start3A_362 = tpu.memref_slice %arg12[%dma_start3A_351] : memref<2x!tpu.dma_semaphore, #tpu.memory_space<semaphore_mem>> -> memref<1x!tpu.dma_semaphore, #tpu.memory_space<semaphore_mem>>
        %dma_start3A_363 = tpu.memref_squeeze %dma_start3A_362 : memref<1x!tpu.dma_semaphore, #tpu.memory_space<semaphore_mem>> -> memref<!tpu.dma_semaphore, #tpu.memory_space<semaphore_mem>>
        tpu.enqueue_indirect_dma source(%dma_start3A_361 : memref<10000x128xf32, #tpu.memory_space<hbm>>) target(%dma_start3A_355 : memref<128x128xf32, #tpu.memory_space<vmem>>) offsets(%dma_start3A_358 : memref<128xi32, #tpu.memory_space<vmem>>) semaphore(%dma_start3A_363 : memref<!tpu.dma_semaphore, #tpu.memory_space<semaphore_mem>>)
        %add3A_364 = arith.constant 1 : i32
        %add3A_365 = arith.addi %add3A_265, %add3A_364 : i32
        %dma_wait3A_366 = arith.constant 1 : i32
        %dma_wait3A_367 = arith.constant 1 : i32
        %dma_wait3A_368 = arith.constant 0 : i32
        %dma_wait3A_369 = arith.constant 0 : i32
        %dma_wait3A_370 = tpu.memref_slice %arg11[%dma_wait3A_366, %dma_wait3A_368, %dma_wait3A_369] : memref<2x128x128xf32, #tpu.memory_space<vmem>> -> memref<1x128x128xf32, #tpu.memory_space<vmem>>
        %dma_wait3A_371 = tpu.memref_squeeze %dma_wait3A_370 : memref<1x128x128xf32, #tpu.memory_space<vmem>> -> memref<128x128xf32, #tpu.memory_space<vmem>>
        %dma_wait3A_372 = arith.constant 0 : i32
        %dma_wait3A_373 = tpu.memref_slice %arg10[%add3A_365, %dma_wait3A_372] : memref<40x128xi32, #tpu.memory_space<vmem>> -> memref<1x128xi32, #tpu.memory_space<vmem>>
        %dma_wait3A_374 = tpu.memref_squeeze %dma_wait3A_373 : memref<1x128xi32, #tpu.memory_space<vmem>> -> memref<128xi32, #tpu.memory_space<vmem>>
        %dma_wait3A_375 = arith.constant 0 : i32
        %dma_wait3A_376 = arith.constant 0 : i32
        %dma_wait3A_377 = tpu.memref_slice %arg8[%dma_wait3A_375, %dma_wait3A_376] : memref<10112x128xf32, #tpu.memory_space<vmem_shared>> -> memref<10112x128xf32, #tpu.memory_space<vmem_shared>>
        %dma_wait3A_378 = tpu.memref_slice %arg13[%dma_wait3A_367] : memref<2x!tpu.dma_semaphore, #tpu.memory_space<semaphore_mem>> -> memref<1x!tpu.dma_semaphore, #tpu.memory_space<semaphore_mem>>
        %dma_wait3A_379 = tpu.memref_squeeze %dma_wait3A_378 : memref<1x!tpu.dma_semaphore, #tpu.memory_space<semaphore_mem>> -> memref<!tpu.dma_semaphore, #tpu.memory_space<semaphore_mem>>
        tpu.wait_indirect_dma semaphore(%dma_wait3A_379 : memref<!tpu.dma_semaphore, #tpu.memory_space<semaphore_mem>>) src(%dma_wait3A_371 : memref<128x128xf32, #tpu.memory_space<vmem>>) dst(%dma_wait3A_377 : memref<10112x128xf32, #tpu.memory_space<vmem_shared>>)
        %add3A_380 = arith.constant 1 : i32
        %add3A_381 = arith.addi %add3A_265, %add3A_380 : i32
        %add3A_382 = arith.constant 2 : i32
        %add3A_383 = arith.addi %add3A_381, %add3A_382 : i32
        %dma_start3A_384 = arith.constant 1 : i32
        %dma_start3A_385 = arith.constant 1 : i32
        %dma_start3A_386 = arith.constant 0 : i32
        %dma_start3A_387 = arith.constant 0 : i32
        %dma_start3A_388 = tpu.memref_slice %arg11[%dma_start3A_384, %dma_start3A_386, %dma_start3A_387] : memref<2x128x128xf32, #tpu.memory_space<vmem>> -> memref<1x128x128xf32, #tpu.memory_space<vmem>>
        %dma_start3A_389 = tpu.memref_squeeze %dma_start3A_388 : memref<1x128x128xf32, #tpu.memory_space<vmem>> -> memref<128x128xf32, #tpu.memory_space<vmem>>
        %dma_start3A_390 = arith.constant 0 : i32
        %dma_start3A_391 = tpu.memref_slice %arg9[%add3A_383, %dma_start3A_390] : memref<40x128xi32, #tpu.memory_space<vmem>> -> memref<1x128xi32, #tpu.memory_space<vmem>>
        %dma_start3A_392 = tpu.memref_squeeze %dma_start3A_391 : memref<1x128xi32, #tpu.memory_space<vmem>> -> memref<128xi32, #tpu.memory_space<vmem>>
        %dma_start3A_393 = arith.constant 0 : i32
        %dma_start3A_394 = arith.constant 0 : i32
        %dma_start3A_395 = tpu.memref_slice %arg2[%dma_start3A_393, %dma_start3A_394] : memref<10000x128xf32, #tpu.memory_space<hbm>> -> memref<10000x128xf32, #tpu.memory_space<hbm>>
        %dma_start3A_396 = tpu.memref_slice %arg12[%dma_start3A_385] : memref<2x!tpu.dma_semaphore, #tpu.memory_space<semaphore_mem>> -> memref<1x!tpu.dma_semaphore, #tpu.memory_space<semaphore_mem>>
        %dma_start3A_397 = tpu.memref_squeeze %dma_start3A_396 : memref<1x!tpu.dma_semaphore, #tpu.memory_space<semaphore_mem>> -> memref<!tpu.dma_semaphore, #tpu.memory_space<semaphore_mem>>
        tpu.enqueue_indirect_dma source(%dma_start3A_395 : memref<10000x128xf32, #tpu.memory_space<hbm>>) target(%dma_start3A_389 : memref<128x128xf32, #tpu.memory_space<vmem>>) offsets(%dma_start3A_392 : memref<128xi32, #tpu.memory_space<vmem>>) semaphore(%dma_start3A_397 : memref<!tpu.dma_semaphore, #tpu.memory_space<semaphore_mem>>)
      }
      %scan3A_42 = arith.constant 19 : i32
      %dma_wait3A = arith.constant 38 : i32
      %dma_wait3A_43 = arith.constant 0 : i32
      %dma_wait3A_44 = arith.constant 0 : i32
      %dma_wait3A_45 = arith.constant 0 : i32
      %dma_wait3A_46 = arith.constant 0 : i32
      %dma_wait3A_47 = tpu.memref_slice %arg11[%dma_wait3A_43, %dma_wait3A_45, %dma_wait3A_46] : memref<2x128x128xf32, #tpu.memory_space<vmem>> -> memref<1x128x128xf32, #tpu.memory_space<vmem>>
      %dma_wait3A_48 = tpu.memref_squeeze %dma_wait3A_47 : memref<1x128x128xf32, #tpu.memory_space<vmem>> -> memref<128x128xf32, #tpu.memory_space<vmem>>
      %dma_wait3A_49 = arith.constant 0 : i32
      %dma_wait3A_50 = tpu.memref_slice %arg9[%dma_wait3A, %dma_wait3A_49] : memref<40x128xi32, #tpu.memory_space<vmem>> -> memref<1x128xi32, #tpu.memory_space<vmem>>
      %dma_wait3A_51 = tpu.memref_squeeze %dma_wait3A_50 : memref<1x128xi32, #tpu.memory_space<vmem>> -> memref<128xi32, #tpu.memory_space<vmem>>
      %dma_wait3A_52 = arith.constant 0 : i32
      %dma_wait3A_53 = arith.constant 0 : i32
      %dma_wait3A_54 = tpu.memref_slice %arg2[%dma_wait3A_52, %dma_wait3A_53] : memref<10000x128xf32, #tpu.memory_space<hbm>> -> memref<10000x128xf32, #tpu.memory_space<hbm>>
      %dma_wait3A_55 = tpu.memref_slice %arg12[%dma_wait3A_44] : memref<2x!tpu.dma_semaphore, #tpu.memory_space<semaphore_mem>> -> memref<1x!tpu.dma_semaphore, #tpu.memory_space<semaphore_mem>>
      %dma_wait3A_56 = tpu.memref_squeeze %dma_wait3A_55 : memref<1x!tpu.dma_semaphore, #tpu.memory_space<semaphore_mem>> -> memref<!tpu.dma_semaphore, #tpu.memory_space<semaphore_mem>>
      tpu.wait_indirect_dma semaphore(%dma_wait3A_56 : memref<!tpu.dma_semaphore, #tpu.memory_space<semaphore_mem>>) src(%dma_wait3A_54 : memref<10000x128xf32, #tpu.memory_space<hbm>>) dst(%dma_wait3A_48 : memref<128x128xf32, #tpu.memory_space<vmem>>)
      %dma_start3A_57 = arith.constant 0 : i32
      %dma_start3A_58 = arith.constant 38 : i32
      %dma_start3A_59 = arith.constant 0 : i32
      %dma_start3A_60 = arith.constant 0 : i32
      %dma_start3A_61 = arith.constant 0 : i32
      %dma_start3A_62 = tpu.memref_slice %arg11[%dma_start3A_57, %dma_start3A_60, %dma_start3A_61] : memref<2x128x128xf32, #tpu.memory_space<vmem>> -> memref<1x128x128xf32, #tpu.memory_space<vmem>>
      %dma_start3A_63 = tpu.memref_squeeze %dma_start3A_62 : memref<1x128x128xf32, #tpu.memory_space<vmem>> -> memref<128x128xf32, #tpu.memory_space<vmem>>
      %dma_start3A_64 = arith.constant 0 : i32
      %dma_start3A_65 = tpu.memref_slice %arg10[%dma_start3A_58, %dma_start3A_64] : memref<40x128xi32, #tpu.memory_space<vmem>> -> memref<1x128xi32, #tpu.memory_space<vmem>>
      %dma_start3A_66 = tpu.memref_squeeze %dma_start3A_65 : memref<1x128xi32, #tpu.memory_space<vmem>> -> memref<128xi32, #tpu.memory_space<vmem>>
      %dma_start3A_67 = arith.constant 0 : i32
      %dma_start3A_68 = arith.constant 0 : i32
      %dma_start3A_69 = tpu.memref_slice %arg8[%dma_start3A_67, %dma_start3A_68] : memref<10112x128xf32, #tpu.memory_space<vmem_shared>> -> memref<10112x128xf32, #tpu.memory_space<vmem_shared>>
      %dma_start3A_70 = tpu.memref_slice %arg13[%dma_start3A_59] : memref<2x!tpu.dma_semaphore, #tpu.memory_space<semaphore_mem>> -> memref<1x!tpu.dma_semaphore, #tpu.memory_space<semaphore_mem>>
      %dma_start3A_71 = tpu.memref_squeeze %dma_start3A_70 : memref<1x!tpu.dma_semaphore, #tpu.memory_space<semaphore_mem>> -> memref<!tpu.dma_semaphore, #tpu.memory_space<semaphore_mem>>
      tpu.enqueue_indirect_dma source(%dma_start3A_63 : memref<128x128xf32, #tpu.memory_space<vmem>>) target(%dma_start3A_69 : memref<10112x128xf32, #tpu.memory_space<vmem_shared>>) offsets(%dma_start3A_66 : memref<128xi32, #tpu.memory_space<vmem>>) semaphore(%dma_start3A_71 : memref<!tpu.dma_semaphore, #tpu.memory_space<semaphore_mem>>) {add = true}
      %dma_wait3A_72 = arith.constant 39 : i32
      %dma_wait3A_73 = arith.constant 1 : i32
      %dma_wait3A_74 = arith.constant 1 : i32
      %dma_wait3A_75 = arith.constant 0 : i32
      %dma_wait3A_76 = arith.constant 0 : i32
      %dma_wait3A_77 = tpu.memref_slice %arg11[%dma_wait3A_73, %dma_wait3A_75, %dma_wait3A_76] : memref<2x128x128xf32, #tpu.memory_space<vmem>> -> memref<1x128x128xf32, #tpu.memory_space<vmem>>
      %dma_wait3A_78 = tpu.memref_squeeze %dma_wait3A_77 : memref<1x128x128xf32, #tpu.memory_space<vmem>> -> memref<128x128xf32, #tpu.memory_space<vmem>>
      %dma_wait3A_79 = arith.constant 0 : i32
      %dma_wait3A_80 = tpu.memref_slice %arg9[%dma_wait3A_72, %dma_wait3A_79] : memref<40x128xi32, #tpu.memory_space<vmem>> -> memref<1x128xi32, #tpu.memory_space<vmem>>
      %dma_wait3A_81 = tpu.memref_squeeze %dma_wait3A_80 : memref<1x128xi32, #tpu.memory_space<vmem>> -> memref<128xi32, #tpu.memory_space<vmem>>
      %dma_wait3A_82 = arith.constant 0 : i32
      %dma_wait3A_83 = arith.constant 0 : i32
      %dma_wait3A_84 = tpu.memref_slice %arg2[%dma_wait3A_82, %dma_wait3A_83] : memref<10000x128xf32, #tpu.memory_space<hbm>> -> memref<10000x128xf32, #tpu.memory_space<hbm>>
      %dma_wait3A_85 = tpu.memref_slice %arg12[%dma_wait3A_74] : memref<2x!tpu.dma_semaphore, #tpu.memory_space<semaphore_mem>> -> memref<1x!tpu.dma_semaphore, #tpu.memory_space<semaphore_mem>>
      %dma_wait3A_86 = tpu.memref_squeeze %dma_wait3A_85 : memref<1x!tpu.dma_semaphore, #tpu.memory_space<semaphore_mem>> -> memref<!tpu.dma_semaphore, #tpu.memory_space<semaphore_mem>>
      tpu.wait_indirect_dma semaphore(%dma_wait3A_86 : memref<!tpu.dma_semaphore, #tpu.memory_space<semaphore_mem>>) src(%dma_wait3A_84 : memref<10000x128xf32, #tpu.memory_space<hbm>>) dst(%dma_wait3A_78 : memref<128x128xf32, #tpu.memory_space<vmem>>)
      %dma_start3A_87 = arith.constant 1 : i32
      %dma_start3A_88 = arith.constant 39 : i32
      %dma_start3A_89 = arith.constant 1 : i32
      %dma_start3A_90 = arith.constant 0 : i32
      %dma_start3A_91 = arith.constant 0 : i32
      %dma_start3A_92 = tpu.memref_slice %arg11[%dma_start3A_87, %dma_start3A_90, %dma_start3A_91] : memref<2x128x128xf32, #tpu.memory_space<vmem>> -> memref<1x128x128xf32, #tpu.memory_space<vmem>>
      %dma_start3A_93 = tpu.memref_squeeze %dma_start3A_92 : memref<1x128x128xf32, #tpu.memory_space<vmem>> -> memref<128x128xf32, #tpu.memory_space<vmem>>
      %dma_start3A_94 = arith.constant 0 : i32
      %dma_start3A_95 = tpu.memref_slice %arg10[%dma_start3A_88, %dma_start3A_94] : memref<40x128xi32, #tpu.memory_space<vmem>> -> memref<1x128xi32, #tpu.memory_space<vmem>>
      %dma_start3A_96 = tpu.memref_squeeze %dma_start3A_95 : memref<1x128xi32, #tpu.memory_space<vmem>> -> memref<128xi32, #tpu.memory_space<vmem>>
      %dma_start3A_97 = arith.constant 0 : i32
      %dma_start3A_98 = arith.constant 0 : i32
      %dma_start3A_99 = tpu.memref_slice %arg8[%dma_start3A_97, %dma_start3A_98] : memref<10112x128xf32, #tpu.memory_space<vmem_shared>> -> memref<10112x128xf32, #tpu.memory_space<vmem_shared>>
      %dma_start3A_100 = tpu.memref_slice %arg13[%dma_start3A_89] : memref<2x!tpu.dma_semaphore, #tpu.memory_space<semaphore_mem>> -> memref<1x!tpu.dma_semaphore, #tpu.memory_space<semaphore_mem>>
      %dma_start3A_101 = tpu.memref_squeeze %dma_start3A_100 : memref<1x!tpu.dma_semaphore, #tpu.memory_space<semaphore_mem>> -> memref<!tpu.dma_semaphore, #tpu.memory_space<semaphore_mem>>
      tpu.enqueue_indirect_dma source(%dma_start3A_93 : memref<128x128xf32, #tpu.memory_space<vmem>>) target(%dma_start3A_99 : memref<10112x128xf32, #tpu.memory_space<vmem_shared>>) offsets(%dma_start3A_96 : memref<128xi32, #tpu.memory_space<vmem>>) semaphore(%dma_start3A_101 : memref<!tpu.dma_semaphore, #tpu.memory_space<semaphore_mem>>) {add = true}
      %dma_wait3A_102 = arith.constant 0 : i32
      %dma_wait3A_103 = arith.constant 38 : i32
      %dma_wait3A_104 = arith.constant 0 : i32
      %dma_wait3A_105 = arith.constant 0 : i32
      %dma_wait3A_106 = arith.constant 0 : i32
      %dma_wait3A_107 = tpu.memref_slice %arg11[%dma_wait3A_102, %dma_wait3A_105, %dma_wait3A_106] : memref<2x128x128xf32, #tpu.memory_space<vmem>> -> memref<1x128x128xf32, #tpu.memory_space<vmem>>
      %dma_wait3A_108 = tpu.memref_squeeze %dma_wait3A_107 : memref<1x128x128xf32, #tpu.memory_space<vmem>> -> memref<128x128xf32, #tpu.memory_space<vmem>>
      %dma_wait3A_109 = arith.constant 0 : i32
      %dma_wait3A_110 = tpu.memref_slice %arg10[%dma_wait3A_103, %dma_wait3A_109] : memref<40x128xi32, #tpu.memory_space<vmem>> -> memref<1x128xi32, #tpu.memory_space<vmem>>
      %dma_wait3A_111 = tpu.memref_squeeze %dma_wait3A_110 : memref<1x128xi32, #tpu.memory_space<vmem>> -> memref<128xi32, #tpu.memory_space<vmem>>
      %dma_wait3A_112 = arith.constant 0 : i32
      %dma_wait3A_113 = arith.constant 0 : i32
      %dma_wait3A_114 = tpu.memref_slice %arg8[%dma_wait3A_112, %dma_wait3A_113] : memref<10112x128xf32, #tpu.memory_space<vmem_shared>> -> memref<10112x128xf32, #tpu.memory_space<vmem_shared>>
      %dma_wait3A_115 = tpu.memref_slice %arg13[%dma_wait3A_104] : memref<2x!tpu.dma_semaphore, #tpu.memory_space<semaphore_mem>> -> memref<1x!tpu.dma_semaphore, #tpu.memory_space<semaphore_mem>>
      %dma_wait3A_116 = tpu.memref_squeeze %dma_wait3A_115 : memref<1x!tpu.dma_semaphore, #tpu.memory_space<semaphore_mem>> -> memref<!tpu.dma_semaphore, #tpu.memory_space<semaphore_mem>>
      tpu.wait_indirect_dma semaphore(%dma_wait3A_116 : memref<!tpu.dma_semaphore, #tpu.memory_space<semaphore_mem>>) src(%dma_wait3A_108 : memref<128x128xf32, #tpu.memory_space<vmem>>) dst(%dma_wait3A_114 : memref<10112x128xf32, #tpu.memory_space<vmem_shared>>)
      %dma_wait3A_117 = arith.constant 1 : i32
      %dma_wait3A_118 = arith.constant 39 : i32
      %dma_wait3A_119 = arith.constant 1 : i32
      %dma_wait3A_120 = arith.constant 0 : i32
      %dma_wait3A_121 = arith.constant 0 : i32
      %dma_wait3A_122 = tpu.memref_slice %arg11[%dma_wait3A_117, %dma_wait3A_120, %dma_wait3A_121] : memref<2x128x128xf32, #tpu.memory_space<vmem>> -> memref<1x128x128xf32, #tpu.memory_space<vmem>>
      %dma_wait3A_123 = tpu.memref_squeeze %dma_wait3A_122 : memref<1x128x128xf32, #tpu.memory_space<vmem>> -> memref<128x128xf32, #tpu.memory_space<vmem>>
      %dma_wait3A_124 = arith.constant 0 : i32
      %dma_wait3A_125 = tpu.memref_slice %arg10[%dma_wait3A_118, %dma_wait3A_124] : memref<40x128xi32, #tpu.memory_space<vmem>> -> memref<1x128xi32, #tpu.memory_space<vmem>>
      %dma_wait3A_126 = tpu.memref_squeeze %dma_wait3A_125 : memref<1x128xi32, #tpu.memory_space<vmem>> -> memref<128xi32, #tpu.memory_space<vmem>>
      %dma_wait3A_127 = arith.constant 0 : i32
      %dma_wait3A_128 = arith.constant 0 : i32
      %dma_wait3A_129 = tpu.memref_slice %arg8[%dma_wait3A_127, %dma_wait3A_128] : memref<10112x128xf32, #tpu.memory_space<vmem_shared>> -> memref<10112x128xf32, #tpu.memory_space<vmem_shared>>
      %dma_wait3A_130 = tpu.memref_slice %arg13[%dma_wait3A_119] : memref<2x!tpu.dma_semaphore, #tpu.memory_space<semaphore_mem>> -> memref<1x!tpu.dma_semaphore, #tpu.memory_space<semaphore_mem>>
      %dma_wait3A_131 = tpu.memref_squeeze %dma_wait3A_130 : memref<1x!tpu.dma_semaphore, #tpu.memory_space<semaphore_mem>> -> memref<!tpu.dma_semaphore, #tpu.memory_space<semaphore_mem>>
      tpu.wait_indirect_dma semaphore(%dma_wait3A_131 : memref<!tpu.dma_semaphore, #tpu.memory_space<semaphore_mem>>) src(%dma_wait3A_123 : memref<128x128xf32, #tpu.memory_space<vmem>>) dst(%dma_wait3A_129 : memref<10112x128xf32, #tpu.memory_space<vmem_shared>>)
      %add3A = arith.constant 40 : i32
      %add3A_132 = arith.addi %mul3A_2, %add3A : i32
      "tpu.region"() ({
        %run_scoped3A_261 = tpu.sem_alloc : memref<!tpu.dma_semaphore, #tpu.memory_space<semaphore_mem>>
        %dma_start3A_262 = arith.constant 0 : i32
        %dma_start3A_263 = tpu.memref_slice %arg4[%add3A_132, %dma_start3A_262] : memref<1280x128xi32, #tpu.memory_space<hbm>> -> memref<40x128xi32, #tpu.memory_space<hbm>>
        %dma_start3A_264 = arith.constant 0 : i32
        %dma_start3A_265 = tpu.memref_slice %arg4[%add3A_132, %dma_start3A_264] : memref<1280x128xi32, #tpu.memory_space<hbm>> -> memref<40x128xi32, #tpu.memory_space<hbm>>
        tpu.enqueue_dma source(%dma_start3A_265 : memref<40x128xi32, #tpu.memory_space<hbm>>) target(%arg9 : memref<40x128xi32, #tpu.memory_space<vmem>>) target_semaphore(%run_scoped3A_261 : memref<!tpu.dma_semaphore, #tpu.memory_space<semaphore_mem>>)
        %dma_wait3A_266 = arith.constant 0 : i32
        %dma_wait3A_267 = tpu.memref_slice %arg4[%add3A_132, %dma_wait3A_266] : memref<1280x128xi32, #tpu.memory_space<hbm>> -> memref<40x128xi32, #tpu.memory_space<hbm>>
        %dma_wait3A_268 = arith.constant 0 : i32
        %dma_wait3A_269 = tpu.memref_slice %arg4[%add3A_132, %dma_wait3A_268] : memref<1280x128xi32, #tpu.memory_space<hbm>> -> memref<40x128xi32, #tpu.memory_space<hbm>>
        tpu.wait_dma2 semaphore(%run_scoped3A_261 : memref<!tpu.dma_semaphore, #tpu.memory_space<semaphore_mem>>) src(%dma_wait3A_269 : memref<40x128xi32, #tpu.memory_space<hbm>>) dst(%arg9 : memref<40x128xi32, #tpu.memory_space<vmem>>)
        tpu.yield
      }) : () -> ()
      %add3A_133 = arith.constant 40 : i32
      %add3A_134 = arith.addi %mul3A_2, %add3A_133 : i32
      "tpu.region"() ({
        %run_scoped3A_261 = tpu.sem_alloc : memref<!tpu.dma_semaphore, #tpu.memory_space<semaphore_mem>>
        %dma_start3A_262 = arith.constant 0 : i32
        %dma_start3A_263 = tpu.memref_slice %arg5[%add3A_134, %dma_start3A_262] : memref<1280x128xi32, #tpu.memory_space<hbm>> -> memref<40x128xi32, #tpu.memory_space<hbm>>
        %dma_start3A_264 = arith.constant 0 : i32
        %dma_start3A_265 = tpu.memref_slice %arg5[%add3A_134, %dma_start3A_264] : memref<1280x128xi32, #tpu.memory_space<hbm>> -> memref<40x128xi32, #tpu.memory_space<hbm>>
        tpu.enqueue_dma source(%dma_start3A_265 : memref<40x128xi32, #tpu.memory_space<hbm>>) target(%arg10 : memref<40x128xi32, #tpu.memory_space<vmem>>) target_semaphore(%run_scoped3A_261 : memref<!tpu.dma_semaphore, #tpu.memory_space<semaphore_mem>>)
        %dma_wait3A_266 = arith.constant 0 : i32
        %dma_wait3A_267 = tpu.memref_slice %arg5[%add3A_134, %dma_wait3A_266] : memref<1280x128xi32, #tpu.memory_space<hbm>> -> memref<40x128xi32, #tpu.memory_space<hbm>>
        %dma_wait3A_268 = arith.constant 0 : i32
        %dma_wait3A_269 = tpu.memref_slice %arg5[%add3A_134, %dma_wait3A_268] : memref<1280x128xi32, #tpu.memory_space<hbm>> -> memref<40x128xi32, #tpu.memory_space<hbm>>
        tpu.wait_dma2 semaphore(%run_scoped3A_261 : memref<!tpu.dma_semaphore, #tpu.memory_space<semaphore_mem>>) src(%dma_wait3A_269 : memref<40x128xi32, #tpu.memory_space<hbm>>) dst(%arg10 : memref<40x128xi32, #tpu.memory_space<vmem>>)
        tpu.yield
      }) : () -> ()
      %dma_start3A_135 = arith.constant 0 : i32
      %dma_start3A_136 = arith.constant 0 : i32
      %dma_start3A_137 = arith.constant 0 : i32
      %dma_start3A_138 = arith.constant 0 : i32
      %dma_start3A_139 = arith.constant 0 : i32
      %dma_start3A_140 = tpu.memref_slice %arg11[%dma_start3A_136, %dma_start3A_138, %dma_start3A_139] : memref<2x128x128xf32, #tpu.memory_space<vmem>> -> memref<1x128x128xf32, #tpu.memory_space<vmem>>
      %dma_start3A_141 = tpu.memref_squeeze %dma_start3A_140 : memref<1x128x128xf32, #tpu.memory_space<vmem>> -> memref<128x128xf32, #tpu.memory_space<vmem>>
      %dma_start3A_142 = arith.constant 0 : i32
      %dma_start3A_143 = tpu.memref_slice %arg9[%dma_start3A_135, %dma_start3A_142] : memref<40x128xi32, #tpu.memory_space<vmem>> -> memref<1x128xi32, #tpu.memory_space<vmem>>
      %dma_start3A_144 = tpu.memref_squeeze %dma_start3A_143 : memref<1x128xi32, #tpu.memory_space<vmem>> -> memref<128xi32, #tpu.memory_space<vmem>>
      %dma_start3A_145 = arith.constant 0 : i32
      %dma_start3A_146 = arith.constant 0 : i32
      %dma_start3A_147 = tpu.memref_slice %arg2[%dma_start3A_145, %dma_start3A_146] : memref<10000x128xf32, #tpu.memory_space<hbm>> -> memref<10000x128xf32, #tpu.memory_space<hbm>>
      %dma_start3A_148 = tpu.memref_slice %arg12[%dma_start3A_137] : memref<2x!tpu.dma_semaphore, #tpu.memory_space<semaphore_mem>> -> memref<1x!tpu.dma_semaphore, #tpu.memory_space<semaphore_mem>>
      %dma_start3A_149 = tpu.memref_squeeze %dma_start3A_148 : memref<1x!tpu.dma_semaphore, #tpu.memory_space<semaphore_mem>> -> memref<!tpu.dma_semaphore, #tpu.memory_space<semaphore_mem>>
      tpu.enqueue_indirect_dma source(%dma_start3A_147 : memref<10000x128xf32, #tpu.memory_space<hbm>>) target(%dma_start3A_141 : memref<128x128xf32, #tpu.memory_space<vmem>>) offsets(%dma_start3A_144 : memref<128xi32, #tpu.memory_space<vmem>>) semaphore(%dma_start3A_149 : memref<!tpu.dma_semaphore, #tpu.memory_space<semaphore_mem>>)
      %dma_start3A_150 = arith.constant 1 : i32
      %dma_start3A_151 = arith.constant 1 : i32
      %dma_start3A_152 = arith.constant 1 : i32
      %dma_start3A_153 = arith.constant 0 : i32
      %dma_start3A_154 = arith.constant 0 : i32
      %dma_start3A_155 = tpu.memref_slice %arg11[%dma_start3A_151, %dma_start3A_153, %dma_start3A_154] : memref<2x128x128xf32, #tpu.memory_space<vmem>> -> memref<1x128x128xf32, #tpu.memory_space<vmem>>
      %dma_start3A_156 = tpu.memref_squeeze %dma_start3A_155 : memref<1x128x128xf32, #tpu.memory_space<vmem>> -> memref<128x128xf32, #tpu.memory_space<vmem>>
      %dma_start3A_157 = arith.constant 0 : i32
      %dma_start3A_158 = tpu.memref_slice %arg9[%dma_start3A_150, %dma_start3A_157] : memref<40x128xi32, #tpu.memory_space<vmem>> -> memref<1x128xi32, #tpu.memory_space<vmem>>
      %dma_start3A_159 = tpu.memref_squeeze %dma_start3A_158 : memref<1x128xi32, #tpu.memory_space<vmem>> -> memref<128xi32, #tpu.memory_space<vmem>>
      %dma_start3A_160 = arith.constant 0 : i32
      %dma_start3A_161 = arith.constant 0 : i32
      %dma_start3A_162 = tpu.memref_slice %arg2[%dma_start3A_160, %dma_start3A_161] : memref<10000x128xf32, #tpu.memory_space<hbm>> -> memref<10000x128xf32, #tpu.memory_space<hbm>>
      %dma_start3A_163 = tpu.memref_slice %arg12[%dma_start3A_152] : memref<2x!tpu.dma_semaphore, #tpu.memory_space<semaphore_mem>> -> memref<1x!tpu.dma_semaphore, #tpu.memory_space<semaphore_mem>>
      %dma_start3A_164 = tpu.memref_squeeze %dma_start3A_163 : memref<1x!tpu.dma_semaphore, #tpu.memory_space<semaphore_mem>> -> memref<!tpu.dma_semaphore, #tpu.memory_space<semaphore_mem>>
      tpu.enqueue_indirect_dma source(%dma_start3A_162 : memref<10000x128xf32, #tpu.memory_space<hbm>>) target(%dma_start3A_156 : memref<128x128xf32, #tpu.memory_space<vmem>>) offsets(%dma_start3A_159 : memref<128xi32, #tpu.memory_space<vmem>>) semaphore(%dma_start3A_164 : memref<!tpu.dma_semaphore, #tpu.memory_space<semaphore_mem>>)
      %scan3A_165 = arith.constant 0 : i32
      %scan3A_166 = arith.constant 19 : i32
      %scan3A_167 = arith.addi %scan3A_165, %scan3A_166 : i32
      %scan3A_168 = arith.constant 1 : i32
      scf.for %scan3A_261 = %scan3A_165 to %scan3A_167 step %scan3A_168  : i32 {
        %mul3A_262 = arith.constant 2 : i32
        %mul3A_263 = arith.muli %scan3A_261, %mul3A_262 : i32
        %add3A_264 = arith.constant 0 : i32
        %add3A_265 = arith.addi %add3A_264, %mul3A_263 : i32
        %add3A_266 = arith.constant 0 : i32
        %add3A_267 = arith.addi %add3A_265, %add3A_266 : i32
        %dma_wait3A_268 = arith.constant 0 : i32
        %dma_wait3A_269 = arith.constant 0 : i32
        %dma_wait3A_270 = arith.constant 0 : i32
        %dma_wait3A_271 = arith.constant 0 : i32
        %dma_wait3A_272 = tpu.memref_slice %arg11[%dma_wait3A_268, %dma_wait3A_270, %dma_wait3A_271] : memref<2x128x128xf32, #tpu.memory_space<vmem>> -> memref<1x128x128xf32, #tpu.memory_space<vmem>>
        %dma_wait3A_273 = tpu.memref_squeeze %dma_wait3A_272 : memref<1x128x128xf32, #tpu.memory_space<vmem>> -> memref<128x128xf32, #tpu.memory_space<vmem>>
        %dma_wait3A_274 = arith.constant 0 : i32
        %dma_wait3A_275 = tpu.memref_slice %arg9[%add3A_267, %dma_wait3A_274] : memref<40x128xi32, #tpu.memory_space<vmem>> -> memref<1x128xi32, #tpu.memory_space<vmem>>
        %dma_wait3A_276 = tpu.memref_squeeze %dma_wait3A_275 : memref<1x128xi32, #tpu.memory_space<vmem>> -> memref<128xi32, #tpu.memory_space<vmem>>
        %dma_wait3A_277 = arith.constant 0 : i32
        %dma_wait3A_278 = arith.constant 0 : i32
        %dma_wait3A_279 = tpu.memref_slice %arg2[%dma_wait3A_277, %dma_wait3A_278] : memref<10000x128xf32, #tpu.memory_space<hbm>> -> memref<10000x128xf32, #tpu.memory_space<hbm>>
        %dma_wait3A_280 = tpu.memref_slice %arg12[%dma_wait3A_269] : memref<2x!tpu.dma_semaphore, #tpu.memory_space<semaphore_mem>> -> memref<1x!tpu.dma_semaphore, #tpu.memory_space<semaphore_mem>>
        %dma_wait3A_281 = tpu.memref_squeeze %dma_wait3A_280 : memref<1x!tpu.dma_semaphore, #tpu.memory_space<semaphore_mem>> -> memref<!tpu.dma_semaphore, #tpu.memory_space<semaphore_mem>>
        tpu.wait_indirect_dma semaphore(%dma_wait3A_281 : memref<!tpu.dma_semaphore, #tpu.memory_space<semaphore_mem>>) src(%dma_wait3A_279 : memref<10000x128xf32, #tpu.memory_space<hbm>>) dst(%dma_wait3A_273 : memref<128x128xf32, #tpu.memory_space<vmem>>)
        %add3A_282 = arith.constant 0 : i32
        %add3A_283 = arith.addi %add3A_265, %add3A_282 : i32
        %dma_start3A_284 = arith.constant 0 : i32
        %dma_start3A_285 = arith.constant 0 : i32
        %dma_start3A_286 = arith.constant 0 : i32
        %dma_start3A_287 = arith.constant 0 : i32
        %dma_start3A_288 = tpu.memref_slice %arg11[%dma_start3A_284, %dma_start3A_286, %dma_start3A_287] : memref<2x128x128xf32, #tpu.memory_space<vmem>> -> memref<1x128x128xf32, #tpu.memory_space<vmem>>
        %dma_start3A_289 = tpu.memref_squeeze %dma_start3A_288 : memref<1x128x128xf32, #tpu.memory_space<vmem>> -> memref<128x128xf32, #tpu.memory_space<vmem>>
        %dma_start3A_290 = arith.constant 0 : i32
        %dma_start3A_291 = tpu.memref_slice %arg10[%add3A_283, %dma_start3A_290] : memref<40x128xi32, #tpu.memory_space<vmem>> -> memref<1x128xi32, #tpu.memory_space<vmem>>
        %dma_start3A_292 = tpu.memref_squeeze %dma_start3A_291 : memref<1x128xi32, #tpu.memory_space<vmem>> -> memref<128xi32, #tpu.memory_space<vmem>>
        %dma_start3A_293 = arith.constant 0 : i32
        %dma_start3A_294 = arith.constant 0 : i32
        %dma_start3A_295 = tpu.memref_slice %arg8[%dma_start3A_293, %dma_start3A_294] : memref<10112x128xf32, #tpu.memory_space<vmem_shared>> -> memref<10112x128xf32, #tpu.memory_space<vmem_shared>>
        %dma_start3A_296 = tpu.memref_slice %arg13[%dma_start3A_285] : memref<2x!tpu.dma_semaphore, #tpu.memory_space<semaphore_mem>> -> memref<1x!tpu.dma_semaphore, #tpu.memory_space<semaphore_mem>>
        %dma_start3A_297 = tpu.memref_squeeze %dma_start3A_296 : memref<1x!tpu.dma_semaphore, #tpu.memory_space<semaphore_mem>> -> memref<!tpu.dma_semaphore, #tpu.memory_space<semaphore_mem>>
        tpu.enqueue_indirect_dma source(%dma_start3A_289 : memref<128x128xf32, #tpu.memory_space<vmem>>) target(%dma_start3A_295 : memref<10112x128xf32, #tpu.memory_space<vmem_shared>>) offsets(%dma_start3A_292 : memref<128xi32, #tpu.memory_space<vmem>>) semaphore(%dma_start3A_297 : memref<!tpu.dma_semaphore, #tpu.memory_space<semaphore_mem>>) {add = true}
        %add3A_298 = arith.constant 1 : i32
        %add3A_299 = arith.addi %add3A_265, %add3A_298 : i32
        %dma_wait3A_300 = arith.constant 1 : i32
        %dma_wait3A_301 = arith.constant 1 : i32
        %dma_wait3A_302 = arith.constant 0 : i32
        %dma_wait3A_303 = arith.constant 0 : i32
        %dma_wait3A_304 = tpu.memref_slice %arg11[%dma_wait3A_300, %dma_wait3A_302, %dma_wait3A_303] : memref<2x128x128xf32, #tpu.memory_space<vmem>> -> memref<1x128x128xf32, #tpu.memory_space<vmem>>
        %dma_wait3A_305 = tpu.memref_squeeze %dma_wait3A_304 : memref<1x128x128xf32, #tpu.memory_space<vmem>> -> memref<128x128xf32, #tpu.memory_space<vmem>>
        %dma_wait3A_306 = arith.constant 0 : i32
        %dma_wait3A_307 = tpu.memref_slice %arg9[%add3A_299, %dma_wait3A_306] : memref<40x128xi32, #tpu.memory_space<vmem>> -> memref<1x128xi32, #tpu.memory_space<vmem>>
        %dma_wait3A_308 = tpu.memref_squeeze %dma_wait3A_307 : memref<1x128xi32, #tpu.memory_space<vmem>> -> memref<128xi32, #tpu.memory_space<vmem>>
        %dma_wait3A_309 = arith.constant 0 : i32
        %dma_wait3A_310 = arith.constant 0 : i32
        %dma_wait3A_311 = tpu.memref_slice %arg2[%dma_wait3A_309, %dma_wait3A_310] : memref<10000x128xf32, #tpu.memory_space<hbm>> -> memref<10000x128xf32, #tpu.memory_space<hbm>>
        %dma_wait3A_312 = tpu.memref_slice %arg12[%dma_wait3A_301] : memref<2x!tpu.dma_semaphore, #tpu.memory_space<semaphore_mem>> -> memref<1x!tpu.dma_semaphore, #tpu.memory_space<semaphore_mem>>
        %dma_wait3A_313 = tpu.memref_squeeze %dma_wait3A_312 : memref<1x!tpu.dma_semaphore, #tpu.memory_space<semaphore_mem>> -> memref<!tpu.dma_semaphore, #tpu.memory_space<semaphore_mem>>
        tpu.wait_indirect_dma semaphore(%dma_wait3A_313 : memref<!tpu.dma_semaphore, #tpu.memory_space<semaphore_mem>>) src(%dma_wait3A_311 : memref<10000x128xf32, #tpu.memory_space<hbm>>) dst(%dma_wait3A_305 : memref<128x128xf32, #tpu.memory_space<vmem>>)
        %add3A_314 = arith.constant 1 : i32
        %add3A_315 = arith.addi %add3A_265, %add3A_314 : i32
        %dma_start3A_316 = arith.constant 1 : i32
        %dma_start3A_317 = arith.constant 1 : i32
        %dma_start3A_318 = arith.constant 0 : i32
        %dma_start3A_319 = arith.constant 0 : i32
        %dma_start3A_320 = tpu.memref_slice %arg11[%dma_start3A_316, %dma_start3A_318, %dma_start3A_319] : memref<2x128x128xf32, #tpu.memory_space<vmem>> -> memref<1x128x128xf32, #tpu.memory_space<vmem>>
        %dma_start3A_321 = tpu.memref_squeeze %dma_start3A_320 : memref<1x128x128xf32, #tpu.memory_space<vmem>> -> memref<128x128xf32, #tpu.memory_space<vmem>>
        %dma_start3A_322 = arith.constant 0 : i32
        %dma_start3A_323 = tpu.memref_slice %arg10[%add3A_315, %dma_start3A_322] : memref<40x128xi32, #tpu.memory_space<vmem>> -> memref<1x128xi32, #tpu.memory_space<vmem>>
        %dma_start3A_324 = tpu.memref_squeeze %dma_start3A_323 : memref<1x128xi32, #tpu.memory_space<vmem>> -> memref<128xi32, #tpu.memory_space<vmem>>
        %dma_start3A_325 = arith.constant 0 : i32
        %dma_start3A_326 = arith.constant 0 : i32
        %dma_start3A_327 = tpu.memref_slice %arg8[%dma_start3A_325, %dma_start3A_326] : memref<10112x128xf32, #tpu.memory_space<vmem_shared>> -> memref<10112x128xf32, #tpu.memory_space<vmem_shared>>
        %dma_start3A_328 = tpu.memref_slice %arg13[%dma_start3A_317] : memref<2x!tpu.dma_semaphore, #tpu.memory_space<semaphore_mem>> -> memref<1x!tpu.dma_semaphore, #tpu.memory_space<semaphore_mem>>
        %dma_start3A_329 = tpu.memref_squeeze %dma_start3A_328 : memref<1x!tpu.dma_semaphore, #tpu.memory_space<semaphore_mem>> -> memref<!tpu.dma_semaphore, #tpu.memory_space<semaphore_mem>>
        tpu.enqueue_indirect_dma source(%dma_start3A_321 : memref<128x128xf32, #tpu.memory_space<vmem>>) target(%dma_start3A_327 : memref<10112x128xf32, #tpu.memory_space<vmem_shared>>) offsets(%dma_start3A_324 : memref<128xi32, #tpu.memory_space<vmem>>) semaphore(%dma_start3A_329 : memref<!tpu.dma_semaphore, #tpu.memory_space<semaphore_mem>>) {add = true}
        %add3A_330 = arith.constant 0 : i32
        %add3A_331 = arith.addi %add3A_265, %add3A_330 : i32
        %dma_wait3A_332 = arith.constant 0 : i32
        %dma_wait3A_333 = arith.constant 0 : i32
        %dma_wait3A_334 = arith.constant 0 : i32
        %dma_wait3A_335 = arith.constant 0 : i32
        %dma_wait3A_336 = tpu.memref_slice %arg11[%dma_wait3A_332, %dma_wait3A_334, %dma_wait3A_335] : memref<2x128x128xf32, #tpu.memory_space<vmem>> -> memref<1x128x128xf32, #tpu.memory_space<vmem>>
        %dma_wait3A_337 = tpu.memref_squeeze %dma_wait3A_336 : memref<1x128x128xf32, #tpu.memory_space<vmem>> -> memref<128x128xf32, #tpu.memory_space<vmem>>
        %dma_wait3A_338 = arith.constant 0 : i32
        %dma_wait3A_339 = tpu.memref_slice %arg10[%add3A_331, %dma_wait3A_338] : memref<40x128xi32, #tpu.memory_space<vmem>> -> memref<1x128xi32, #tpu.memory_space<vmem>>
        %dma_wait3A_340 = tpu.memref_squeeze %dma_wait3A_339 : memref<1x128xi32, #tpu.memory_space<vmem>> -> memref<128xi32, #tpu.memory_space<vmem>>
        %dma_wait3A_341 = arith.constant 0 : i32
        %dma_wait3A_342 = arith.constant 0 : i32
        %dma_wait3A_343 = tpu.memref_slice %arg8[%dma_wait3A_341, %dma_wait3A_342] : memref<10112x128xf32, #tpu.memory_space<vmem_shared>> -> memref<10112x128xf32, #tpu.memory_space<vmem_shared>>
        %dma_wait3A_344 = tpu.memref_slice %arg13[%dma_wait3A_333] : memref<2x!tpu.dma_semaphore, #tpu.memory_space<semaphore_mem>> -> memref<1x!tpu.dma_semaphore, #tpu.memory_space<semaphore_mem>>
        %dma_wait3A_345 = tpu.memref_squeeze %dma_wait3A_344 : memref<1x!tpu.dma_semaphore, #tpu.memory_space<semaphore_mem>> -> memref<!tpu.dma_semaphore, #tpu.memory_space<semaphore_mem>>
        tpu.wait_indirect_dma semaphore(%dma_wait3A_345 : memref<!tpu.dma_semaphore, #tpu.memory_space<semaphore_mem>>) src(%dma_wait3A_337 : memref<128x128xf32, #tpu.memory_space<vmem>>) dst(%dma_wait3A_343 : memref<10112x128xf32, #tpu.memory_space<vmem_shared>>)
        %add3A_346 = arith.constant 0 : i32
        %add3A_347 = arith.addi %add3A_265, %add3A_346 : i32
        %add3A_348 = arith.constant 2 : i32
        %add3A_349 = arith.addi %add3A_347, %add3A_348 : i32
        %dma_start3A_350 = arith.constant 0 : i32
        %dma_start3A_351 = arith.constant 0 : i32
        %dma_start3A_352 = arith.constant 0 : i32
        %dma_start3A_353 = arith.constant 0 : i32
        %dma_start3A_354 = tpu.memref_slice %arg11[%dma_start3A_350, %dma_start3A_352, %dma_start3A_353] : memref<2x128x128xf32, #tpu.memory_space<vmem>> -> memref<1x128x128xf32, #tpu.memory_space<vmem>>
        %dma_start3A_355 = tpu.memref_squeeze %dma_start3A_354 : memref<1x128x128xf32, #tpu.memory_space<vmem>> -> memref<128x128xf32, #tpu.memory_space<vmem>>
        %dma_start3A_356 = arith.constant 0 : i32
        %dma_start3A_357 = tpu.memref_slice %arg9[%add3A_349, %dma_start3A_356] : memref<40x128xi32, #tpu.memory_space<vmem>> -> memref<1x128xi32, #tpu.memory_space<vmem>>
        %dma_start3A_358 = tpu.memref_squeeze %dma_start3A_357 : memref<1x128xi32, #tpu.memory_space<vmem>> -> memref<128xi32, #tpu.memory_space<vmem>>
        %dma_start3A_359 = arith.constant 0 : i32
        %dma_start3A_360 = arith.constant 0 : i32
        %dma_start3A_361 = tpu.memref_slice %arg2[%dma_start3A_359, %dma_start3A_360] : memref<10000x128xf32, #tpu.memory_space<hbm>> -> memref<10000x128xf32, #tpu.memory_space<hbm>>
        %dma_start3A_362 = tpu.memref_slice %arg12[%dma_start3A_351] : memref<2x!tpu.dma_semaphore, #tpu.memory_space<semaphore_mem>> -> memref<1x!tpu.dma_semaphore, #tpu.memory_space<semaphore_mem>>
        %dma_start3A_363 = tpu.memref_squeeze %dma_start3A_362 : memref<1x!tpu.dma_semaphore, #tpu.memory_space<semaphore_mem>> -> memref<!tpu.dma_semaphore, #tpu.memory_space<semaphore_mem>>
        tpu.enqueue_indirect_dma source(%dma_start3A_361 : memref<10000x128xf32, #tpu.memory_space<hbm>>) target(%dma_start3A_355 : memref<128x128xf32, #tpu.memory_space<vmem>>) offsets(%dma_start3A_358 : memref<128xi32, #tpu.memory_space<vmem>>) semaphore(%dma_start3A_363 : memref<!tpu.dma_semaphore, #tpu.memory_space<semaphore_mem>>)
        %add3A_364 = arith.constant 1 : i32
        %add3A_365 = arith.addi %add3A_265, %add3A_364 : i32
        %dma_wait3A_366 = arith.constant 1 : i32
        %dma_wait3A_367 = arith.constant 1 : i32
        %dma_wait3A_368 = arith.constant 0 : i32
        %dma_wait3A_369 = arith.constant 0 : i32
        %dma_wait3A_370 = tpu.memref_slice %arg11[%dma_wait3A_366, %dma_wait3A_368, %dma_wait3A_369] : memref<2x128x128xf32, #tpu.memory_space<vmem>> -> memref<1x128x128xf32, #tpu.memory_space<vmem>>
        %dma_wait3A_371 = tpu.memref_squeeze %dma_wait3A_370 : memref<1x128x128xf32, #tpu.memory_space<vmem>> -> memref<128x128xf32, #tpu.memory_space<vmem>>
        %dma_wait3A_372 = arith.constant 0 : i32
        %dma_wait3A_373 = tpu.memref_slice %arg10[%add3A_365, %dma_wait3A_372] : memref<40x128xi32, #tpu.memory_space<vmem>> -> memref<1x128xi32, #tpu.memory_space<vmem>>
        %dma_wait3A_374 = tpu.memref_squeeze %dma_wait3A_373 : memref<1x128xi32, #tpu.memory_space<vmem>> -> memref<128xi32, #tpu.memory_space<vmem>>
        %dma_wait3A_375 = arith.constant 0 : i32
        %dma_wait3A_376 = arith.constant 0 : i32
        %dma_wait3A_377 = tpu.memref_slice %arg8[%dma_wait3A_375, %dma_wait3A_376] : memref<10112x128xf32, #tpu.memory_space<vmem_shared>> -> memref<10112x128xf32, #tpu.memory_space<vmem_shared>>
        %dma_wait3A_378 = tpu.memref_slice %arg13[%dma_wait3A_367] : memref<2x!tpu.dma_semaphore, #tpu.memory_space<semaphore_mem>> -> memref<1x!tpu.dma_semaphore, #tpu.memory_space<semaphore_mem>>
        %dma_wait3A_379 = tpu.memref_squeeze %dma_wait3A_378 : memref<1x!tpu.dma_semaphore, #tpu.memory_space<semaphore_mem>> -> memref<!tpu.dma_semaphore, #tpu.memory_space<semaphore_mem>>
        tpu.wait_indirect_dma semaphore(%dma_wait3A_379 : memref<!tpu.dma_semaphore, #tpu.memory_space<semaphore_mem>>) src(%dma_wait3A_371 : memref<128x128xf32, #tpu.memory_space<vmem>>) dst(%dma_wait3A_377 : memref<10112x128xf32, #tpu.memory_space<vmem_shared>>)
        %add3A_380 = arith.constant 1 : i32
        %add3A_381 = arith.addi %add3A_265, %add3A_380 : i32
        %add3A_382 = arith.constant 2 : i32
        %add3A_383 = arith.addi %add3A_381, %add3A_382 : i32
        %dma_start3A_384 = arith.constant 1 : i32
        %dma_start3A_385 = arith.constant 1 : i32
        %dma_start3A_386 = arith.constant 0 : i32
        %dma_start3A_387 = arith.constant 0 : i32
        %dma_start3A_388 = tpu.memref_slice %arg11[%dma_start3A_384, %dma_start3A_386, %dma_start3A_387] : memref<2x128x128xf32, #tpu.memory_space<vmem>> -> memref<1x128x128xf32, #tpu.memory_space<vmem>>
        %dma_start3A_389 = tpu.memref_squeeze %dma_start3A_388 : memref<1x128x128xf32, #tpu.memory_space<vmem>> -> memref<128x128xf32, #tpu.memory_space<vmem>>
        %dma_start3A_390 = arith.constant 0 : i32
        %dma_start3A_391 = tpu.memref_slice %arg9[%add3A_383, %dma_start3A_390] : memref<40x128xi32, #tpu.memory_space<vmem>> -> memref<1x128xi32, #tpu.memory_space<vmem>>
        %dma_start3A_392 = tpu.memref_squeeze %dma_start3A_391 : memref<1x128xi32, #tpu.memory_space<vmem>> -> memref<128xi32, #tpu.memory_space<vmem>>
        %dma_start3A_393 = arith.constant 0 : i32
        %dma_start3A_394 = arith.constant 0 : i32
        %dma_start3A_395 = tpu.memref_slice %arg2[%dma_start3A_393, %dma_start3A_394] : memref<10000x128xf32, #tpu.memory_space<hbm>> -> memref<10000x128xf32, #tpu.memory_space<hbm>>
        %dma_start3A_396 = tpu.memref_slice %arg12[%dma_start3A_385] : memref<2x!tpu.dma_semaphore, #tpu.memory_space<semaphore_mem>> -> memref<1x!tpu.dma_semaphore, #tpu.memory_space<semaphore_mem>>
        %dma_start3A_397 = tpu.memref_squeeze %dma_start3A_396 : memref<1x!tpu.dma_semaphore, #tpu.memory_space<semaphore_mem>> -> memref<!tpu.dma_semaphore, #tpu.memory_space<semaphore_mem>>
        tpu.enqueue_indirect_dma source(%dma_start3A_395 : memref<10000x128xf32, #tpu.memory_space<hbm>>) target(%dma_start3A_389 : memref<128x128xf32, #tpu.memory_space<vmem>>) offsets(%dma_start3A_392 : memref<128xi32, #tpu.memory_space<vmem>>) semaphore(%dma_start3A_397 : memref<!tpu.dma_semaphore, #tpu.memory_space<semaphore_mem>>)
      }
      %scan3A_169 = arith.constant 19 : i32
      %dma_wait3A_170 = arith.constant 38 : i32
      %dma_wait3A_171 = arith.constant 0 : i32
      %dma_wait3A_172 = arith.constant 0 : i32
      %dma_wait3A_173 = arith.constant 0 : i32
      %dma_wait3A_174 = arith.constant 0 : i32
      %dma_wait3A_175 = tpu.memref_slice %arg11[%dma_wait3A_171, %dma_wait3A_173, %dma_wait3A_174] : memref<2x128x128xf32, #tpu.memory_space<vmem>> -> memref<1x128x128xf32, #tpu.memory_space<vmem>>
      %dma_wait3A_176 = tpu.memref_squeeze %dma_wait3A_175 : memref<1x128x128xf32, #tpu.memory_space<vmem>> -> memref<128x128xf32, #tpu.memory_space<vmem>>
      %dma_wait3A_177 = arith.constant 0 : i32
      %dma_wait3A_178 = tpu.memref_slice %arg9[%dma_wait3A_170, %dma_wait3A_177] : memref<40x128xi32, #tpu.memory_space<vmem>> -> memref<1x128xi32, #tpu.memory_space<vmem>>
      %dma_wait3A_179 = tpu.memref_squeeze %dma_wait3A_178 : memref<1x128xi32, #tpu.memory_space<vmem>> -> memref<128xi32, #tpu.memory_space<vmem>>
      %dma_wait3A_180 = arith.constant 0 : i32
      %dma_wait3A_181 = arith.constant 0 : i32
      %dma_wait3A_182 = tpu.memref_slice %arg2[%dma_wait3A_180, %dma_wait3A_181] : memref<10000x128xf32, #tpu.memory_space<hbm>> -> memref<10000x128xf32, #tpu.memory_space<hbm>>
      %dma_wait3A_183 = tpu.memref_slice %arg12[%dma_wait3A_172] : memref<2x!tpu.dma_semaphore, #tpu.memory_space<semaphore_mem>> -> memref<1x!tpu.dma_semaphore, #tpu.memory_space<semaphore_mem>>
      %dma_wait3A_184 = tpu.memref_squeeze %dma_wait3A_183 : memref<1x!tpu.dma_semaphore, #tpu.memory_space<semaphore_mem>> -> memref<!tpu.dma_semaphore, #tpu.memory_space<semaphore_mem>>
      tpu.wait_indirect_dma semaphore(%dma_wait3A_184 : memref<!tpu.dma_semaphore, #tpu.memory_space<semaphore_mem>>) src(%dma_wait3A_182 : memref<10000x128xf32, #tpu.memory_space<hbm>>) dst(%dma_wait3A_176 : memref<128x128xf32, #tpu.memory_space<vmem>>)
      %dma_start3A_185 = arith.constant 0 : i32
      %dma_start3A_186 = arith.constant 38 : i32
      %dma_start3A_187 = arith.constant 0 : i32
      %dma_start3A_188 = arith.constant 0 : i32
      %dma_start3A_189 = arith.constant 0 : i32
      %dma_start3A_190 = tpu.memref_slice %arg11[%dma_start3A_185, %dma_start3A_188, %dma_start3A_189] : memref<2x128x128xf32, #tpu.memory_space<vmem>> -> memref<1x128x128xf32, #tpu.memory_space<vmem>>
      %dma_start3A_191 = tpu.memref_squeeze %dma_start3A_190 : memref<1x128x128xf32, #tpu.memory_space<vmem>> -> memref<128x128xf32, #tpu.memory_space<vmem>>
      %dma_start3A_192 = arith.constant 0 : i32
      %dma_start3A_193 = tpu.memref_slice %arg10[%dma_start3A_186, %dma_start3A_192] : memref<40x128xi32, #tpu.memory_space<vmem>> -> memref<1x128xi32, #tpu.memory_space<vmem>>
      %dma_start3A_194 = tpu.memref_squeeze %dma_start3A_193 : memref<1x128xi32, #tpu.memory_space<vmem>> -> memref<128xi32, #tpu.memory_space<vmem>>
      %dma_start3A_195 = arith.constant 0 : i32
      %dma_start3A_196 = arith.constant 0 : i32
      %dma_start3A_197 = tpu.memref_slice %arg8[%dma_start3A_195, %dma_start3A_196] : memref<10112x128xf32, #tpu.memory_space<vmem_shared>> -> memref<10112x128xf32, #tpu.memory_space<vmem_shared>>
      %dma_start3A_198 = tpu.memref_slice %arg13[%dma_start3A_187] : memref<2x!tpu.dma_semaphore, #tpu.memory_space<semaphore_mem>> -> memref<1x!tpu.dma_semaphore, #tpu.memory_space<semaphore_mem>>
      %dma_start3A_199 = tpu.memref_squeeze %dma_start3A_198 : memref<1x!tpu.dma_semaphore, #tpu.memory_space<semaphore_mem>> -> memref<!tpu.dma_semaphore, #tpu.memory_space<semaphore_mem>>
      tpu.enqueue_indirect_dma source(%dma_start3A_191 : memref<128x128xf32, #tpu.memory_space<vmem>>) target(%dma_start3A_197 : memref<10112x128xf32, #tpu.memory_space<vmem_shared>>) offsets(%dma_start3A_194 : memref<128xi32, #tpu.memory_space<vmem>>) semaphore(%dma_start3A_199 : memref<!tpu.dma_semaphore, #tpu.memory_space<semaphore_mem>>) {add = true}
      %dma_wait3A_200 = arith.constant 39 : i32
      %dma_wait3A_201 = arith.constant 1 : i32
      %dma_wait3A_202 = arith.constant 1 : i32
      %dma_wait3A_203 = arith.constant 0 : i32
      %dma_wait3A_204 = arith.constant 0 : i32
      %dma_wait3A_205 = tpu.memref_slice %arg11[%dma_wait3A_201, %dma_wait3A_203, %dma_wait3A_204] : memref<2x128x128xf32, #tpu.memory_space<vmem>> -> memref<1x128x128xf32, #tpu.memory_space<vmem>>
      %dma_wait3A_206 = tpu.memref_squeeze %dma_wait3A_205 : memref<1x128x128xf32, #tpu.memory_space<vmem>> -> memref<128x128xf32, #tpu.memory_space<vmem>>
      %dma_wait3A_207 = arith.constant 0 : i32
      %dma_wait3A_208 = tpu.memref_slice %arg9[%dma_wait3A_200, %dma_wait3A_207] : memref<40x128xi32, #tpu.memory_space<vmem>> -> memref<1x128xi32, #tpu.memory_space<vmem>>
      %dma_wait3A_209 = tpu.memref_squeeze %dma_wait3A_208 : memref<1x128xi32, #tpu.memory_space<vmem>> -> memref<128xi32, #tpu.memory_space<vmem>>
      %dma_wait3A_210 = arith.constant 0 : i32
      %dma_wait3A_211 = arith.constant 0 : i32
      %dma_wait3A_212 = tpu.memref_slice %arg2[%dma_wait3A_210, %dma_wait3A_211] : memref<10000x128xf32, #tpu.memory_space<hbm>> -> memref<10000x128xf32, #tpu.memory_space<hbm>>
      %dma_wait3A_213 = tpu.memref_slice %arg12[%dma_wait3A_202] : memref<2x!tpu.dma_semaphore, #tpu.memory_space<semaphore_mem>> -> memref<1x!tpu.dma_semaphore, #tpu.memory_space<semaphore_mem>>
      %dma_wait3A_214 = tpu.memref_squeeze %dma_wait3A_213 : memref<1x!tpu.dma_semaphore, #tpu.memory_space<semaphore_mem>> -> memref<!tpu.dma_semaphore, #tpu.memory_space<semaphore_mem>>
      tpu.wait_indirect_dma semaphore(%dma_wait3A_214 : memref<!tpu.dma_semaphore, #tpu.memory_space<semaphore_mem>>) src(%dma_wait3A_212 : memref<10000x128xf32, #tpu.memory_space<hbm>>) dst(%dma_wait3A_206 : memref<128x128xf32, #tpu.memory_space<vmem>>)
      %dma_start3A_215 = arith.constant 1 : i32
      %dma_start3A_216 = arith.constant 39 : i32
      %dma_start3A_217 = arith.constant 1 : i32
      %dma_start3A_218 = arith.constant 0 : i32
      %dma_start3A_219 = arith.constant 0 : i32
      %dma_start3A_220 = tpu.memref_slice %arg11[%dma_start3A_215, %dma_start3A_218, %dma_start3A_219] : memref<2x128x128xf32, #tpu.memory_space<vmem>> -> memref<1x128x128xf32, #tpu.memory_space<vmem>>
      %dma_start3A_221 = tpu.memref_squeeze %dma_start3A_220 : memref<1x128x128xf32, #tpu.memory_space<vmem>> -> memref<128x128xf32, #tpu.memory_space<vmem>>
      %dma_start3A_222 = arith.constant 0 : i32
      %dma_start3A_223 = tpu.memref_slice %arg10[%dma_start3A_216, %dma_start3A_222] : memref<40x128xi32, #tpu.memory_space<vmem>> -> memref<1x128xi32, #tpu.memory_space<vmem>>
      %dma_start3A_224 = tpu.memref_squeeze %dma_start3A_223 : memref<1x128xi32, #tpu.memory_space<vmem>> -> memref<128xi32, #tpu.memory_space<vmem>>
      %dma_start3A_225 = arith.constant 0 : i32
      %dma_start3A_226 = arith.constant 0 : i32
      %dma_start3A_227 = tpu.memref_slice %arg8[%dma_start3A_225, %dma_start3A_226] : memref<10112x128xf32, #tpu.memory_space<vmem_shared>> -> memref<10112x128xf32, #tpu.memory_space<vmem_shared>>
      %dma_start3A_228 = tpu.memref_slice %arg13[%dma_start3A_217] : memref<2x!tpu.dma_semaphore, #tpu.memory_space<semaphore_mem>> -> memref<1x!tpu.dma_semaphore, #tpu.memory_space<semaphore_mem>>
      %dma_start3A_229 = tpu.memref_squeeze %dma_start3A_228 : memref<1x!tpu.dma_semaphore, #tpu.memory_space<semaphore_mem>> -> memref<!tpu.dma_semaphore, #tpu.memory_space<semaphore_mem>>
      tpu.enqueue_indirect_dma source(%dma_start3A_221 : memref<128x128xf32, #tpu.memory_space<vmem>>) target(%dma_start3A_227 : memref<10112x128xf32, #tpu.memory_space<vmem_shared>>) offsets(%dma_start3A_224 : memref<128xi32, #tpu.memory_space<vmem>>) semaphore(%dma_start3A_229 : memref<!tpu.dma_semaphore, #tpu.memory_space<semaphore_mem>>) {add = true}
      %dma_wait3A_230 = arith.constant 0 : i32
      %dma_wait3A_231 = arith.constant 38 : i32
      %dma_wait3A_232 = arith.constant 0 : i32
      %dma_wait3A_233 = arith.constant 0 : i32
      %dma_wait3A_234 = arith.constant 0 : i32
      %dma_wait3A_235 = tpu.memref_slice %arg11[%dma_wait3A_230, %dma_wait3A_233, %dma_wait3A_234] : memref<2x128x128xf32, #tpu.memory_space<vmem>> -> memref<1x128x128xf32, #tpu.memory_space<vmem>>
      %dma_wait3A_236 = tpu.memref_squeeze %dma_wait3A_235 : memref<1x128x128xf32, #tpu.memory_space<vmem>> -> memref<128x128xf32, #tpu.memory_space<vmem>>
      %dma_wait3A_237 = arith.constant 0 : i32
      %dma_wait3A_238 = tpu.memref_slice %arg10[%dma_wait3A_231, %dma_wait3A_237] : memref<40x128xi32, #tpu.memory_space<vmem>> -> memref<1x128xi32, #tpu.memory_space<vmem>>
      %dma_wait3A_239 = tpu.memref_squeeze %dma_wait3A_238 : memref<1x128xi32, #tpu.memory_space<vmem>> -> memref<128xi32, #tpu.memory_space<vmem>>
      %dma_wait3A_240 = arith.constant 0 : i32
      %dma_wait3A_241 = arith.constant 0 : i32
      %dma_wait3A_242 = tpu.memref_slice %arg8[%dma_wait3A_240, %dma_wait3A_241] : memref<10112x128xf32, #tpu.memory_space<vmem_shared>> -> memref<10112x128xf32, #tpu.memory_space<vmem_shared>>
      %dma_wait3A_243 = tpu.memref_slice %arg13[%dma_wait3A_232] : memref<2x!tpu.dma_semaphore, #tpu.memory_space<semaphore_mem>> -> memref<1x!tpu.dma_semaphore, #tpu.memory_space<semaphore_mem>>
      %dma_wait3A_244 = tpu.memref_squeeze %dma_wait3A_243 : memref<1x!tpu.dma_semaphore, #tpu.memory_space<semaphore_mem>> -> memref<!tpu.dma_semaphore, #tpu.memory_space<semaphore_mem>>
      tpu.wait_indirect_dma semaphore(%dma_wait3A_244 : memref<!tpu.dma_semaphore, #tpu.memory_space<semaphore_mem>>) src(%dma_wait3A_236 : memref<128x128xf32, #tpu.memory_space<vmem>>) dst(%dma_wait3A_242 : memref<10112x128xf32, #tpu.memory_space<vmem_shared>>)
      %dma_wait3A_245 = arith.constant 1 : i32
      %dma_wait3A_246 = arith.constant 39 : i32
      %dma_wait3A_247 = arith.constant 1 : i32
      %dma_wait3A_248 = arith.constant 0 : i32
      %dma_wait3A_249 = arith.constant 0 : i32
      %dma_wait3A_250 = tpu.memref_slice %arg11[%dma_wait3A_245, %dma_wait3A_248, %dma_wait3A_249] : memref<2x128x128xf32, #tpu.memory_space<vmem>> -> memref<1x128x128xf32, #tpu.memory_space<vmem>>
      %dma_wait3A_251 = tpu.memref_squeeze %dma_wait3A_250 : memref<1x128x128xf32, #tpu.memory_space<vmem>> -> memref<128x128xf32, #tpu.memory_space<vmem>>
      %dma_wait3A_252 = arith.constant 0 : i32
      %dma_wait3A_253 = tpu.memref_slice %arg10[%dma_wait3A_246, %dma_wait3A_252] : memref<40x128xi32, #tpu.memory_space<vmem>> -> memref<1x128xi32, #tpu.memory_space<vmem>>
      %dma_wait3A_254 = tpu.memref_squeeze %dma_wait3A_253 : memref<1x128xi32, #tpu.memory_space<vmem>> -> memref<128xi32, #tpu.memory_space<vmem>>
      %dma_wait3A_255 = arith.constant 0 : i32
      %dma_wait3A_256 = arith.constant 0 : i32
      %dma_wait3A_257 = tpu.memref_slice %arg8[%dma_wait3A_255, %dma_wait3A_256] : memref<10112x128xf32, #tpu.memory_space<vmem_shared>> -> memref<10112x128xf32, #tpu.memory_space<vmem_shared>>
      %dma_wait3A_258 = tpu.memref_slice %arg13[%dma_wait3A_247] : memref<2x!tpu.dma_semaphore, #tpu.memory_space<semaphore_mem>> -> memref<1x!tpu.dma_semaphore, #tpu.memory_space<semaphore_mem>>
      %dma_wait3A_259 = tpu.memref_squeeze %dma_wait3A_258 : memref<1x!tpu.dma_semaphore, #tpu.memory_space<semaphore_mem>> -> memref<!tpu.dma_semaphore, #tpu.memory_space<semaphore_mem>>
      tpu.wait_indirect_dma semaphore(%dma_wait3A_259 : memref<!tpu.dma_semaphore, #tpu.memory_space<semaphore_mem>>) src(%dma_wait3A_251 : memref<128x128xf32, #tpu.memory_space<vmem>>) dst(%dma_wait3A_257 : memref<10112x128xf32, #tpu.memory_space<vmem_shared>>)
      %barrier3A_260 = arith.constant 0 : index
      tpu.barrier barrier_id(%barrier3A_260)
      %run_scoped3A = arith.constant 0 : i32
      "tpu.region"() ({
        %run_scoped3A_261 = tpu.sem_alloc : memref<!tpu.dma_semaphore, #tpu.memory_space<semaphore_mem>>
        %dma_start3A_262 = arith.constant 0 : i32
        %dma_start3A_263 = arith.constant 0 : i32
        %dma_start3A_264 = tpu.memref_slice %arg7[%run_scoped3A, %dma_start3A_262, %dma_start3A_263] : memref<2x10112x128xf32, #tpu.memory_space<hbm>> -> memref<1x10112x128xf32, #tpu.memory_space<hbm>>
        %dma_start3A_265 = tpu.memref_squeeze %dma_start3A_264 : memref<1x10112x128xf32, #tpu.memory_space<hbm>> -> memref<10112x128xf32, #tpu.memory_space<hbm>>
        %dma_start3A_266 = arith.constant 0 : i32
        %dma_start3A_267 = tpu.memref_slice %dma_start3A_265[%mul3A_0, %dma_start3A_266] : memref<10112x128xf32, #tpu.memory_space<hbm>> -> memref<632x128xf32, #tpu.memory_space<hbm>>
        %dma_start3A_268 = arith.constant 0 : i32
        %dma_start3A_269 = tpu.memref_slice %arg8[%mul3A_0, %dma_start3A_268] : memref<10112x128xf32, #tpu.memory_space<vmem_shared>> -> memref<632x128xf32, #tpu.memory_space<vmem_shared>>
        tpu.enqueue_dma source(%dma_start3A_269 : memref<632x128xf32, #tpu.memory_space<vmem_shared>>) target(%dma_start3A_267 : memref<632x128xf32, #tpu.memory_space<hbm>>) target_semaphore(%run_scoped3A_261 : memref<!tpu.dma_semaphore, #tpu.memory_space<semaphore_mem>>)
        %dma_wait3A_270 = arith.constant 0 : i32
        %dma_wait3A_271 = arith.constant 0 : i32
        %dma_wait3A_272 = tpu.memref_slice %arg7[%run_scoped3A, %dma_wait3A_270, %dma_wait3A_271] : memref<2x10112x128xf32, #tpu.memory_space<hbm>> -> memref<1x10112x128xf32, #tpu.memory_space<hbm>>
        %dma_wait3A_273 = tpu.memref_squeeze %dma_wait3A_272 : memref<1x10112x128xf32, #tpu.memory_space<hbm>> -> memref<10112x128xf32, #tpu.memory_space<hbm>>
        %dma_wait3A_274 = arith.constant 0 : i32
        %dma_wait3A_275 = tpu.memref_slice %dma_wait3A_273[%mul3A_0, %dma_wait3A_274] : memref<10112x128xf32, #tpu.memory_space<hbm>> -> memref<632x128xf32, #tpu.memory_space<hbm>>
        %dma_wait3A_276 = arith.constant 0 : i32
        %dma_wait3A_277 = tpu.memref_slice %arg8[%mul3A_0, %dma_wait3A_276] : memref<10112x128xf32, #tpu.memory_space<vmem_shared>> -> memref<632x128xf32, #tpu.memory_space<vmem_shared>>
        tpu.wait_dma2 semaphore(%run_scoped3A_261 : memref<!tpu.dma_semaphore, #tpu.memory_space<semaphore_mem>>) src(%dma_wait3A_277 : memref<632x128xf32, #tpu.memory_space<vmem_shared>>) dst(%dma_wait3A_275 : memref<632x128xf32, #tpu.memory_space<hbm>>)
        tpu.yield
      }) : () -> ()
    } else {
    }
    %eq3A_5 = arith.constant 1 : i32
    %eq3A_6 = arith.cmpi eq, %arg0, %eq3A_5 : i32
    %convert_element_type3A_7 = arith.extui %eq3A_6 : i1 to i32
    %cond3A_8 = arith.constant 0 : i32
    %cond3A_9 = arith.cmpi ne, %convert_element_type3A_7, %cond3A_8 : i32
    scf.if %cond3A_9 {
      "tpu.region"() ({
        %run_scoped3A_261 = tpu.sem_alloc : memref<!tpu.dma_semaphore, #tpu.memory_space<semaphore_mem>>
        %dma_start3A_262 = arith.constant 0 : i32
        %dma_start3A_263 = tpu.memref_slice %arg4[%mul3A_2, %dma_start3A_262] : memref<1280x128xi32, #tpu.memory_space<hbm>> -> memref<40x128xi32, #tpu.memory_space<hbm>>
        %dma_start3A_264 = arith.constant 0 : i32
        %dma_start3A_265 = tpu.memref_slice %arg4[%mul3A_2, %dma_start3A_264] : memref<1280x128xi32, #tpu.memory_space<hbm>> -> memref<40x128xi32, #tpu.memory_space<hbm>>
        tpu.enqueue_dma source(%dma_start3A_265 : memref<40x128xi32, #tpu.memory_space<hbm>>) target(%arg9 : memref<40x128xi32, #tpu.memory_space<vmem>>) target_semaphore(%run_scoped3A_261 : memref<!tpu.dma_semaphore, #tpu.memory_space<semaphore_mem>>)
        %dma_wait3A_266 = arith.constant 0 : i32
        %dma_wait3A_267 = tpu.memref_slice %arg4[%mul3A_2, %dma_wait3A_266] : memref<1280x128xi32, #tpu.memory_space<hbm>> -> memref<40x128xi32, #tpu.memory_space<hbm>>
        %dma_wait3A_268 = arith.constant 0 : i32
        %dma_wait3A_269 = tpu.memref_slice %arg4[%mul3A_2, %dma_wait3A_268] : memref<1280x128xi32, #tpu.memory_space<hbm>> -> memref<40x128xi32, #tpu.memory_space<hbm>>
        tpu.wait_dma2 semaphore(%run_scoped3A_261 : memref<!tpu.dma_semaphore, #tpu.memory_space<semaphore_mem>>) src(%dma_wait3A_269 : memref<40x128xi32, #tpu.memory_space<hbm>>) dst(%arg9 : memref<40x128xi32, #tpu.memory_space<vmem>>)
        tpu.yield
      }) : () -> ()
      "tpu.region"() ({
        %run_scoped3A_261 = tpu.sem_alloc : memref<!tpu.dma_semaphore, #tpu.memory_space<semaphore_mem>>
        %dma_start3A_262 = arith.constant 0 : i32
        %dma_start3A_263 = tpu.memref_slice %arg5[%mul3A_2, %dma_start3A_262] : memref<1280x128xi32, #tpu.memory_space<hbm>> -> memref<40x128xi32, #tpu.memory_space<hbm>>
        %dma_start3A_264 = arith.constant 0 : i32
        %dma_start3A_265 = tpu.memref_slice %arg5[%mul3A_2, %dma_start3A_264] : memref<1280x128xi32, #tpu.memory_space<hbm>> -> memref<40x128xi32, #tpu.memory_space<hbm>>
        tpu.enqueue_dma source(%dma_start3A_265 : memref<40x128xi32, #tpu.memory_space<hbm>>) target(%arg10 : memref<40x128xi32, #tpu.memory_space<vmem>>) target_semaphore(%run_scoped3A_261 : memref<!tpu.dma_semaphore, #tpu.memory_space<semaphore_mem>>)
        %dma_wait3A_266 = arith.constant 0 : i32
        %dma_wait3A_267 = tpu.memref_slice %arg5[%mul3A_2, %dma_wait3A_266] : memref<1280x128xi32, #tpu.memory_space<hbm>> -> memref<40x128xi32, #tpu.memory_space<hbm>>
        %dma_wait3A_268 = arith.constant 0 : i32
        %dma_wait3A_269 = tpu.memref_slice %arg5[%mul3A_2, %dma_wait3A_268] : memref<1280x128xi32, #tpu.memory_space<hbm>> -> memref<40x128xi32, #tpu.memory_space<hbm>>
        tpu.wait_dma2 semaphore(%run_scoped3A_261 : memref<!tpu.dma_semaphore, #tpu.memory_space<semaphore_mem>>) src(%dma_wait3A_269 : memref<40x128xi32, #tpu.memory_space<hbm>>) dst(%arg10 : memref<40x128xi32, #tpu.memory_space<vmem>>)
        tpu.yield
      }) : () -> ()
      %dma_start3A = arith.constant 0 : i32
      %dma_start3A_10 = arith.constant 0 : i32
      %dma_start3A_11 = arith.constant 0 : i32
      %dma_start3A_12 = arith.constant 0 : i32
      %dma_start3A_13 = arith.constant 0 : i32
      %dma_start3A_14 = tpu.memref_slice %arg11[%dma_start3A_10, %dma_start3A_12, %dma_start3A_13] : memref<2x128x128xf32, #tpu.memory_space<vmem>> -> memref<1x128x128xf32, #tpu.memory_space<vmem>>
      %dma_start3A_15 = tpu.memref_squeeze %dma_start3A_14 : memref<1x128x128xf32, #tpu.memory_space<vmem>> -> memref<128x128xf32, #tpu.memory_space<vmem>>
      %dma_start3A_16 = arith.constant 0 : i32
      %dma_start3A_17 = tpu.memref_slice %arg9[%dma_start3A, %dma_start3A_16] : memref<40x128xi32, #tpu.memory_space<vmem>> -> memref<1x128xi32, #tpu.memory_space<vmem>>
      %dma_start3A_18 = tpu.memref_squeeze %dma_start3A_17 : memref<1x128xi32, #tpu.memory_space<vmem>> -> memref<128xi32, #tpu.memory_space<vmem>>
      %dma_start3A_19 = arith.constant 0 : i32
      %dma_start3A_20 = arith.constant 0 : i32
      %dma_start3A_21 = tpu.memref_slice %arg3[%dma_start3A_19, %dma_start3A_20] : memref<10000x128xf32, #tpu.memory_space<hbm>> -> memref<10000x128xf32, #tpu.memory_space<hbm>>
      %dma_start3A_22 = tpu.memref_slice %arg12[%dma_start3A_11] : memref<2x!tpu.dma_semaphore, #tpu.memory_space<semaphore_mem>> -> memref<1x!tpu.dma_semaphore, #tpu.memory_space<semaphore_mem>>
      %dma_start3A_23 = tpu.memref_squeeze %dma_start3A_22 : memref<1x!tpu.dma_semaphore, #tpu.memory_space<semaphore_mem>> -> memref<!tpu.dma_semaphore, #tpu.memory_space<semaphore_mem>>
      tpu.enqueue_indirect_dma source(%dma_start3A_21 : memref<10000x128xf32, #tpu.memory_space<hbm>>) target(%dma_start3A_15 : memref<128x128xf32, #tpu.memory_space<vmem>>) offsets(%dma_start3A_18 : memref<128xi32, #tpu.memory_space<vmem>>) semaphore(%dma_start3A_23 : memref<!tpu.dma_semaphore, #tpu.memory_space<semaphore_mem>>)
      %dma_start3A_24 = arith.constant 1 : i32
      %dma_start3A_25 = arith.constant 1 : i32
      %dma_start3A_26 = arith.constant 1 : i32
      %dma_start3A_27 = arith.constant 0 : i32
      %dma_start3A_28 = arith.constant 0 : i32
      %dma_start3A_29 = tpu.memref_slice %arg11[%dma_start3A_25, %dma_start3A_27, %dma_start3A_28] : memref<2x128x128xf32, #tpu.memory_space<vmem>> -> memref<1x128x128xf32, #tpu.memory_space<vmem>>
      %dma_start3A_30 = tpu.memref_squeeze %dma_start3A_29 : memref<1x128x128xf32, #tpu.memory_space<vmem>> -> memref<128x128xf32, #tpu.memory_space<vmem>>
      %dma_start3A_31 = arith.constant 0 : i32
      %dma_start3A_32 = tpu.memref_slice %arg9[%dma_start3A_24, %dma_start3A_31] : memref<40x128xi32, #tpu.memory_space<vmem>> -> memref<1x128xi32, #tpu.memory_space<vmem>>
      %dma_start3A_33 = tpu.memref_squeeze %dma_start3A_32 : memref<1x128xi32, #tpu.memory_space<vmem>> -> memref<128xi32, #tpu.memory_space<vmem>>
      %dma_start3A_34 = arith.constant 0 : i32
      %dma_start3A_35 = arith.constant 0 : i32
      %dma_start3A_36 = tpu.memref_slice %arg3[%dma_start3A_34, %dma_start3A_35] : memref<10000x128xf32, #tpu.memory_space<hbm>> -> memref<10000x128xf32, #tpu.memory_space<hbm>>
      %dma_start3A_37 = tpu.memref_slice %arg12[%dma_start3A_26] : memref<2x!tpu.dma_semaphore, #tpu.memory_space<semaphore_mem>> -> memref<1x!tpu.dma_semaphore, #tpu.memory_space<semaphore_mem>>
      %dma_start3A_38 = tpu.memref_squeeze %dma_start3A_37 : memref<1x!tpu.dma_semaphore, #tpu.memory_space<semaphore_mem>> -> memref<!tpu.dma_semaphore, #tpu.memory_space<semaphore_mem>>
      tpu.enqueue_indirect_dma source(%dma_start3A_36 : memref<10000x128xf32, #tpu.memory_space<hbm>>) target(%dma_start3A_30 : memref<128x128xf32, #tpu.memory_space<vmem>>) offsets(%dma_start3A_33 : memref<128xi32, #tpu.memory_space<vmem>>) semaphore(%dma_start3A_38 : memref<!tpu.dma_semaphore, #tpu.memory_space<semaphore_mem>>)
      "tpu.region"() ({
        %run_scoped3A_261 = tpu.sem_alloc : memref<!tpu.dma_semaphore, #tpu.memory_space<semaphore_mem>>
        %dma_start3A_262 = arith.constant 0 : i32
        %dma_start3A_263 = tpu.memref_slice %arg8[%mul3A_0, %dma_start3A_262] : memref<10112x128xf32, #tpu.memory_space<vmem_shared>> -> memref<632x128xf32, #tpu.memory_space<vmem_shared>>
        %dma_start3A_264 = arith.constant 0 : i32
        %dma_start3A_265 = tpu.memref_slice %arg6[%mul3A_0, %dma_start3A_264] : memref<10112x128xf32, #tpu.memory_space<hbm>> -> memref<632x128xf32, #tpu.memory_space<hbm>>
        tpu.enqueue_dma source(%dma_start3A_265 : memref<632x128xf32, #tpu.memory_space<hbm>>) target(%dma_start3A_263 : memref<632x128xf32, #tpu.memory_space<vmem_shared>>) target_semaphore(%run_scoped3A_261 : memref<!tpu.dma_semaphore, #tpu.memory_space<semaphore_mem>>)
        %dma_wait3A_266 = arith.constant 0 : i32
        %dma_wait3A_267 = tpu.memref_slice %arg8[%mul3A_0, %dma_wait3A_266] : memref<10112x128xf32, #tpu.memory_space<vmem_shared>> -> memref<632x128xf32, #tpu.memory_space<vmem_shared>>
        %dma_wait3A_268 = arith.constant 0 : i32
        %dma_wait3A_269 = tpu.memref_slice %arg6[%mul3A_0, %dma_wait3A_268] : memref<10112x128xf32, #tpu.memory_space<hbm>> -> memref<632x128xf32, #tpu.memory_space<hbm>>
        tpu.wait_dma2 semaphore(%run_scoped3A_261 : memref<!tpu.dma_semaphore, #tpu.memory_space<semaphore_mem>>) src(%dma_wait3A_269 : memref<632x128xf32, #tpu.memory_space<hbm>>) dst(%dma_wait3A_267 : memref<632x128xf32, #tpu.memory_space<vmem_shared>>)
        tpu.yield
      }) : () -> ()
      %barrier3A = arith.constant 0 : index
      tpu.barrier barrier_id(%barrier3A)
      %scan3A = arith.constant 0 : i32
      %scan3A_39 = arith.constant 19 : i32
      %scan3A_40 = arith.addi %scan3A, %scan3A_39 : i32
      %scan3A_41 = arith.constant 1 : i32
      scf.for %scan3A_261 = %scan3A to %scan3A_40 step %scan3A_41  : i32 {
        %mul3A_262 = arith.constant 2 : i32
        %mul3A_263 = arith.muli %scan3A_261, %mul3A_262 : i32
        %add3A_264 = arith.constant 0 : i32
        %add3A_265 = arith.addi %add3A_264, %mul3A_263 : i32
        %add3A_266 = arith.constant 0 : i32
        %add3A_267 = arith.addi %add3A_265, %add3A_266 : i32
        %dma_wait3A_268 = arith.constant 0 : i32
        %dma_wait3A_269 = arith.constant 0 : i32
        %dma_wait3A_270 = arith.constant 0 : i32
        %dma_wait3A_271 = arith.constant 0 : i32
        %dma_wait3A_272 = tpu.memref_slice %arg11[%dma_wait3A_268, %dma_wait3A_270, %dma_wait3A_271] : memref<2x128x128xf32, #tpu.memory_space<vmem>> -> memref<1x128x128xf32, #tpu.memory_space<vmem>>
        %dma_wait3A_273 = tpu.memref_squeeze %dma_wait3A_272 : memref<1x128x128xf32, #tpu.memory_space<vmem>> -> memref<128x128xf32, #tpu.memory_space<vmem>>
        %dma_wait3A_274 = arith.constant 0 : i32
        %dma_wait3A_275 = tpu.memref_slice %arg9[%add3A_267, %dma_wait3A_274] : memref<40x128xi32, #tpu.memory_space<vmem>> -> memref<1x128xi32, #tpu.memory_space<vmem>>
        %dma_wait3A_276 = tpu.memref_squeeze %dma_wait3A_275 : memref<1x128xi32, #tpu.memory_space<vmem>> -> memref<128xi32, #tpu.memory_space<vmem>>
        %dma_wait3A_277 = arith.constant 0 : i32
        %dma_wait3A_278 = arith.constant 0 : i32
        %dma_wait3A_279 = tpu.memref_slice %arg3[%dma_wait3A_277, %dma_wait3A_278] : memref<10000x128xf32, #tpu.memory_space<hbm>> -> memref<10000x128xf32, #tpu.memory_space<hbm>>
        %dma_wait3A_280 = tpu.memref_slice %arg12[%dma_wait3A_269] : memref<2x!tpu.dma_semaphore, #tpu.memory_space<semaphore_mem>> -> memref<1x!tpu.dma_semaphore, #tpu.memory_space<semaphore_mem>>
        %dma_wait3A_281 = tpu.memref_squeeze %dma_wait3A_280 : memref<1x!tpu.dma_semaphore, #tpu.memory_space<semaphore_mem>> -> memref<!tpu.dma_semaphore, #tpu.memory_space<semaphore_mem>>
        tpu.wait_indirect_dma semaphore(%dma_wait3A_281 : memref<!tpu.dma_semaphore, #tpu.memory_space<semaphore_mem>>) src(%dma_wait3A_279 : memref<10000x128xf32, #tpu.memory_space<hbm>>) dst(%dma_wait3A_273 : memref<128x128xf32, #tpu.memory_space<vmem>>)
        %add3A_282 = arith.constant 0 : i32
        %add3A_283 = arith.addi %add3A_265, %add3A_282 : i32
        %dma_start3A_284 = arith.constant 0 : i32
        %dma_start3A_285 = arith.constant 0 : i32
        %dma_start3A_286 = arith.constant 0 : i32
        %dma_start3A_287 = arith.constant 0 : i32
        %dma_start3A_288 = tpu.memref_slice %arg11[%dma_start3A_284, %dma_start3A_286, %dma_start3A_287] : memref<2x128x128xf32, #tpu.memory_space<vmem>> -> memref<1x128x128xf32, #tpu.memory_space<vmem>>
        %dma_start3A_289 = tpu.memref_squeeze %dma_start3A_288 : memref<1x128x128xf32, #tpu.memory_space<vmem>> -> memref<128x128xf32, #tpu.memory_space<vmem>>
        %dma_start3A_290 = arith.constant 0 : i32
        %dma_start3A_291 = tpu.memref_slice %arg10[%add3A_283, %dma_start3A_290] : memref<40x128xi32, #tpu.memory_space<vmem>> -> memref<1x128xi32, #tpu.memory_space<vmem>>
        %dma_start3A_292 = tpu.memref_squeeze %dma_start3A_291 : memref<1x128xi32, #tpu.memory_space<vmem>> -> memref<128xi32, #tpu.memory_space<vmem>>
        %dma_start3A_293 = arith.constant 0 : i32
        %dma_start3A_294 = arith.constant 0 : i32
        %dma_start3A_295 = tpu.memref_slice %arg8[%dma_start3A_293, %dma_start3A_294] : memref<10112x128xf32, #tpu.memory_space<vmem_shared>> -> memref<10112x128xf32, #tpu.memory_space<vmem_shared>>
        %dma_start3A_296 = tpu.memref_slice %arg13[%dma_start3A_285] : memref<2x!tpu.dma_semaphore, #tpu.memory_space<semaphore_mem>> -> memref<1x!tpu.dma_semaphore, #tpu.memory_space<semaphore_mem>>
        %dma_start3A_297 = tpu.memref_squeeze %dma_start3A_296 : memref<1x!tpu.dma_semaphore, #tpu.memory_space<semaphore_mem>> -> memref<!tpu.dma_semaphore, #tpu.memory_space<semaphore_mem>>
        tpu.enqueue_indirect_dma source(%dma_start3A_289 : memref<128x128xf32, #tpu.memory_space<vmem>>) target(%dma_start3A_295 : memref<10112x128xf32, #tpu.memory_space<vmem_shared>>) offsets(%dma_start3A_292 : memref<128xi32, #tpu.memory_space<vmem>>) semaphore(%dma_start3A_297 : memref<!tpu.dma_semaphore, #tpu.memory_space<semaphore_mem>>) {add = true}
        %add3A_298 = arith.constant 1 : i32
        %add3A_299 = arith.addi %add3A_265, %add3A_298 : i32
        %dma_wait3A_300 = arith.constant 1 : i32
        %dma_wait3A_301 = arith.constant 1 : i32
        %dma_wait3A_302 = arith.constant 0 : i32
        %dma_wait3A_303 = arith.constant 0 : i32
        %dma_wait3A_304 = tpu.memref_slice %arg11[%dma_wait3A_300, %dma_wait3A_302, %dma_wait3A_303] : memref<2x128x128xf32, #tpu.memory_space<vmem>> -> memref<1x128x128xf32, #tpu.memory_space<vmem>>
        %dma_wait3A_305 = tpu.memref_squeeze %dma_wait3A_304 : memref<1x128x128xf32, #tpu.memory_space<vmem>> -> memref<128x128xf32, #tpu.memory_space<vmem>>
        %dma_wait3A_306 = arith.constant 0 : i32
        %dma_wait3A_307 = tpu.memref_slice %arg9[%add3A_299, %dma_wait3A_306] : memref<40x128xi32, #tpu.memory_space<vmem>> -> memref<1x128xi32, #tpu.memory_space<vmem>>
        %dma_wait3A_308 = tpu.memref_squeeze %dma_wait3A_307 : memref<1x128xi32, #tpu.memory_space<vmem>> -> memref<128xi32, #tpu.memory_space<vmem>>
        %dma_wait3A_309 = arith.constant 0 : i32
        %dma_wait3A_310 = arith.constant 0 : i32
        %dma_wait3A_311 = tpu.memref_slice %arg3[%dma_wait3A_309, %dma_wait3A_310] : memref<10000x128xf32, #tpu.memory_space<hbm>> -> memref<10000x128xf32, #tpu.memory_space<hbm>>
        %dma_wait3A_312 = tpu.memref_slice %arg12[%dma_wait3A_301] : memref<2x!tpu.dma_semaphore, #tpu.memory_space<semaphore_mem>> -> memref<1x!tpu.dma_semaphore, #tpu.memory_space<semaphore_mem>>
        %dma_wait3A_313 = tpu.memref_squeeze %dma_wait3A_312 : memref<1x!tpu.dma_semaphore, #tpu.memory_space<semaphore_mem>> -> memref<!tpu.dma_semaphore, #tpu.memory_space<semaphore_mem>>
        tpu.wait_indirect_dma semaphore(%dma_wait3A_313 : memref<!tpu.dma_semaphore, #tpu.memory_space<semaphore_mem>>) src(%dma_wait3A_311 : memref<10000x128xf32, #tpu.memory_space<hbm>>) dst(%dma_wait3A_305 : memref<128x128xf32, #tpu.memory_space<vmem>>)
        %add3A_314 = arith.constant 1 : i32
        %add3A_315 = arith.addi %add3A_265, %add3A_314 : i32
        %dma_start3A_316 = arith.constant 1 : i32
        %dma_start3A_317 = arith.constant 1 : i32
        %dma_start3A_318 = arith.constant 0 : i32
        %dma_start3A_319 = arith.constant 0 : i32
        %dma_start3A_320 = tpu.memref_slice %arg11[%dma_start3A_316, %dma_start3A_318, %dma_start3A_319] : memref<2x128x128xf32, #tpu.memory_space<vmem>> -> memref<1x128x128xf32, #tpu.memory_space<vmem>>
        %dma_start3A_321 = tpu.memref_squeeze %dma_start3A_320 : memref<1x128x128xf32, #tpu.memory_space<vmem>> -> memref<128x128xf32, #tpu.memory_space<vmem>>
        %dma_start3A_322 = arith.constant 0 : i32
        %dma_start3A_323 = tpu.memref_slice %arg10[%add3A_315, %dma_start3A_322] : memref<40x128xi32, #tpu.memory_space<vmem>> -> memref<1x128xi32, #tpu.memory_space<vmem>>
        %dma_start3A_324 = tpu.memref_squeeze %dma_start3A_323 : memref<1x128xi32, #tpu.memory_space<vmem>> -> memref<128xi32, #tpu.memory_space<vmem>>
        %dma_start3A_325 = arith.constant 0 : i32
        %dma_start3A_326 = arith.constant 0 : i32
        %dma_start3A_327 = tpu.memref_slice %arg8[%dma_start3A_325, %dma_start3A_326] : memref<10112x128xf32, #tpu.memory_space<vmem_shared>> -> memref<10112x128xf32, #tpu.memory_space<vmem_shared>>
        %dma_start3A_328 = tpu.memref_slice %arg13[%dma_start3A_317] : memref<2x!tpu.dma_semaphore, #tpu.memory_space<semaphore_mem>> -> memref<1x!tpu.dma_semaphore, #tpu.memory_space<semaphore_mem>>
        %dma_start3A_329 = tpu.memref_squeeze %dma_start3A_328 : memref<1x!tpu.dma_semaphore, #tpu.memory_space<semaphore_mem>> -> memref<!tpu.dma_semaphore, #tpu.memory_space<semaphore_mem>>
        tpu.enqueue_indirect_dma source(%dma_start3A_321 : memref<128x128xf32, #tpu.memory_space<vmem>>) target(%dma_start3A_327 : memref<10112x128xf32, #tpu.memory_space<vmem_shared>>) offsets(%dma_start3A_324 : memref<128xi32, #tpu.memory_space<vmem>>) semaphore(%dma_start3A_329 : memref<!tpu.dma_semaphore, #tpu.memory_space<semaphore_mem>>) {add = true}
        %add3A_330 = arith.constant 0 : i32
        %add3A_331 = arith.addi %add3A_265, %add3A_330 : i32
        %dma_wait3A_332 = arith.constant 0 : i32
        %dma_wait3A_333 = arith.constant 0 : i32
        %dma_wait3A_334 = arith.constant 0 : i32
        %dma_wait3A_335 = arith.constant 0 : i32
        %dma_wait3A_336 = tpu.memref_slice %arg11[%dma_wait3A_332, %dma_wait3A_334, %dma_wait3A_335] : memref<2x128x128xf32, #tpu.memory_space<vmem>> -> memref<1x128x128xf32, #tpu.memory_space<vmem>>
        %dma_wait3A_337 = tpu.memref_squeeze %dma_wait3A_336 : memref<1x128x128xf32, #tpu.memory_space<vmem>> -> memref<128x128xf32, #tpu.memory_space<vmem>>
        %dma_wait3A_338 = arith.constant 0 : i32
        %dma_wait3A_339 = tpu.memref_slice %arg10[%add3A_331, %dma_wait3A_338] : memref<40x128xi32, #tpu.memory_space<vmem>> -> memref<1x128xi32, #tpu.memory_space<vmem>>
        %dma_wait3A_340 = tpu.memref_squeeze %dma_wait3A_339 : memref<1x128xi32, #tpu.memory_space<vmem>> -> memref<128xi32, #tpu.memory_space<vmem>>
        %dma_wait3A_341 = arith.constant 0 : i32
        %dma_wait3A_342 = arith.constant 0 : i32
        %dma_wait3A_343 = tpu.memref_slice %arg8[%dma_wait3A_341, %dma_wait3A_342] : memref<10112x128xf32, #tpu.memory_space<vmem_shared>> -> memref<10112x128xf32, #tpu.memory_space<vmem_shared>>
        %dma_wait3A_344 = tpu.memref_slice %arg13[%dma_wait3A_333] : memref<2x!tpu.dma_semaphore, #tpu.memory_space<semaphore_mem>> -> memref<1x!tpu.dma_semaphore, #tpu.memory_space<semaphore_mem>>
        %dma_wait3A_345 = tpu.memref_squeeze %dma_wait3A_344 : memref<1x!tpu.dma_semaphore, #tpu.memory_space<semaphore_mem>> -> memref<!tpu.dma_semaphore, #tpu.memory_space<semaphore_mem>>
        tpu.wait_indirect_dma semaphore(%dma_wait3A_345 : memref<!tpu.dma_semaphore, #tpu.memory_space<semaphore_mem>>) src(%dma_wait3A_337 : memref<128x128xf32, #tpu.memory_space<vmem>>) dst(%dma_wait3A_343 : memref<10112x128xf32, #tpu.memory_space<vmem_shared>>)
        %add3A_346 = arith.constant 0 : i32
        %add3A_347 = arith.addi %add3A_265, %add3A_346 : i32
        %add3A_348 = arith.constant 2 : i32
        %add3A_349 = arith.addi %add3A_347, %add3A_348 : i32
        %dma_start3A_350 = arith.constant 0 : i32
        %dma_start3A_351 = arith.constant 0 : i32
        %dma_start3A_352 = arith.constant 0 : i32
        %dma_start3A_353 = arith.constant 0 : i32
        %dma_start3A_354 = tpu.memref_slice %arg11[%dma_start3A_350, %dma_start3A_352, %dma_start3A_353] : memref<2x128x128xf32, #tpu.memory_space<vmem>> -> memref<1x128x128xf32, #tpu.memory_space<vmem>>
        %dma_start3A_355 = tpu.memref_squeeze %dma_start3A_354 : memref<1x128x128xf32, #tpu.memory_space<vmem>> -> memref<128x128xf32, #tpu.memory_space<vmem>>
        %dma_start3A_356 = arith.constant 0 : i32
        %dma_start3A_357 = tpu.memref_slice %arg9[%add3A_349, %dma_start3A_356] : memref<40x128xi32, #tpu.memory_space<vmem>> -> memref<1x128xi32, #tpu.memory_space<vmem>>
        %dma_start3A_358 = tpu.memref_squeeze %dma_start3A_357 : memref<1x128xi32, #tpu.memory_space<vmem>> -> memref<128xi32, #tpu.memory_space<vmem>>
        %dma_start3A_359 = arith.constant 0 : i32
        %dma_start3A_360 = arith.constant 0 : i32
        %dma_start3A_361 = tpu.memref_slice %arg3[%dma_start3A_359, %dma_start3A_360] : memref<10000x128xf32, #tpu.memory_space<hbm>> -> memref<10000x128xf32, #tpu.memory_space<hbm>>
        %dma_start3A_362 = tpu.memref_slice %arg12[%dma_start3A_351] : memref<2x!tpu.dma_semaphore, #tpu.memory_space<semaphore_mem>> -> memref<1x!tpu.dma_semaphore, #tpu.memory_space<semaphore_mem>>
        %dma_start3A_363 = tpu.memref_squeeze %dma_start3A_362 : memref<1x!tpu.dma_semaphore, #tpu.memory_space<semaphore_mem>> -> memref<!tpu.dma_semaphore, #tpu.memory_space<semaphore_mem>>
        tpu.enqueue_indirect_dma source(%dma_start3A_361 : memref<10000x128xf32, #tpu.memory_space<hbm>>) target(%dma_start3A_355 : memref<128x128xf32, #tpu.memory_space<vmem>>) offsets(%dma_start3A_358 : memref<128xi32, #tpu.memory_space<vmem>>) semaphore(%dma_start3A_363 : memref<!tpu.dma_semaphore, #tpu.memory_space<semaphore_mem>>)
        %add3A_364 = arith.constant 1 : i32
        %add3A_365 = arith.addi %add3A_265, %add3A_364 : i32
        %dma_wait3A_366 = arith.constant 1 : i32
        %dma_wait3A_367 = arith.constant 1 : i32
        %dma_wait3A_368 = arith.constant 0 : i32
        %dma_wait3A_369 = arith.constant 0 : i32
        %dma_wait3A_370 = tpu.memref_slice %arg11[%dma_wait3A_366, %dma_wait3A_368, %dma_wait3A_369] : memref<2x128x128xf32, #tpu.memory_space<vmem>> -> memref<1x128x128xf32, #tpu.memory_space<vmem>>
        %dma_wait3A_371 = tpu.memref_squeeze %dma_wait3A_370 : memref<1x128x128xf32, #tpu.memory_space<vmem>> -> memref<128x128xf32, #tpu.memory_space<vmem>>
        %dma_wait3A_372 = arith.constant 0 : i32
        %dma_wait3A_373 = tpu.memref_slice %arg10[%add3A_365, %dma_wait3A_372] : memref<40x128xi32, #tpu.memory_space<vmem>> -> memref<1x128xi32, #tpu.memory_space<vmem>>
        %dma_wait3A_374 = tpu.memref_squeeze %dma_wait3A_373 : memref<1x128xi32, #tpu.memory_space<vmem>> -> memref<128xi32, #tpu.memory_space<vmem>>
        %dma_wait3A_375 = arith.constant 0 : i32
        %dma_wait3A_376 = arith.constant 0 : i32
        %dma_wait3A_377 = tpu.memref_slice %arg8[%dma_wait3A_375, %dma_wait3A_376] : memref<10112x128xf32, #tpu.memory_space<vmem_shared>> -> memref<10112x128xf32, #tpu.memory_space<vmem_shared>>
        %dma_wait3A_378 = tpu.memref_slice %arg13[%dma_wait3A_367] : memref<2x!tpu.dma_semaphore, #tpu.memory_space<semaphore_mem>> -> memref<1x!tpu.dma_semaphore, #tpu.memory_space<semaphore_mem>>
        %dma_wait3A_379 = tpu.memref_squeeze %dma_wait3A_378 : memref<1x!tpu.dma_semaphore, #tpu.memory_space<semaphore_mem>> -> memref<!tpu.dma_semaphore, #tpu.memory_space<semaphore_mem>>
        tpu.wait_indirect_dma semaphore(%dma_wait3A_379 : memref<!tpu.dma_semaphore, #tpu.memory_space<semaphore_mem>>) src(%dma_wait3A_371 : memref<128x128xf32, #tpu.memory_space<vmem>>) dst(%dma_wait3A_377 : memref<10112x128xf32, #tpu.memory_space<vmem_shared>>)
        %add3A_380 = arith.constant 1 : i32
        %add3A_381 = arith.addi %add3A_265, %add3A_380 : i32
        %add3A_382 = arith.constant 2 : i32
        %add3A_383 = arith.addi %add3A_381, %add3A_382 : i32
        %dma_start3A_384 = arith.constant 1 : i32
        %dma_start3A_385 = arith.constant 1 : i32
        %dma_start3A_386 = arith.constant 0 : i32
        %dma_start3A_387 = arith.constant 0 : i32
        %dma_start3A_388 = tpu.memref_slice %arg11[%dma_start3A_384, %dma_start3A_386, %dma_start3A_387] : memref<2x128x128xf32, #tpu.memory_space<vmem>> -> memref<1x128x128xf32, #tpu.memory_space<vmem>>
        %dma_start3A_389 = tpu.memref_squeeze %dma_start3A_388 : memref<1x128x128xf32, #tpu.memory_space<vmem>> -> memref<128x128xf32, #tpu.memory_space<vmem>>
        %dma_start3A_390 = arith.constant 0 : i32
        %dma_start3A_391 = tpu.memref_slice %arg9[%add3A_383, %dma_start3A_390] : memref<40x128xi32, #tpu.memory_space<vmem>> -> memref<1x128xi32, #tpu.memory_space<vmem>>
        %dma_start3A_392 = tpu.memref_squeeze %dma_start3A_391 : memref<1x128xi32, #tpu.memory_space<vmem>> -> memref<128xi32, #tpu.memory_space<vmem>>
        %dma_start3A_393 = arith.constant 0 : i32
        %dma_start3A_394 = arith.constant 0 : i32
        %dma_start3A_395 = tpu.memref_slice %arg3[%dma_start3A_393, %dma_start3A_394] : memref<10000x128xf32, #tpu.memory_space<hbm>> -> memref<10000x128xf32, #tpu.memory_space<hbm>>
        %dma_start3A_396 = tpu.memref_slice %arg12[%dma_start3A_385] : memref<2x!tpu.dma_semaphore, #tpu.memory_space<semaphore_mem>> -> memref<1x!tpu.dma_semaphore, #tpu.memory_space<semaphore_mem>>
        %dma_start3A_397 = tpu.memref_squeeze %dma_start3A_396 : memref<1x!tpu.dma_semaphore, #tpu.memory_space<semaphore_mem>> -> memref<!tpu.dma_semaphore, #tpu.memory_space<semaphore_mem>>
        tpu.enqueue_indirect_dma source(%dma_start3A_395 : memref<10000x128xf32, #tpu.memory_space<hbm>>) target(%dma_start3A_389 : memref<128x128xf32, #tpu.memory_space<vmem>>) offsets(%dma_start3A_392 : memref<128xi32, #tpu.memory_space<vmem>>) semaphore(%dma_start3A_397 : memref<!tpu.dma_semaphore, #tpu.memory_space<semaphore_mem>>)
      }
      %scan3A_42 = arith.constant 19 : i32
      %dma_wait3A = arith.constant 38 : i32
      %dma_wait3A_43 = arith.constant 0 : i32
      %dma_wait3A_44 = arith.constant 0 : i32
      %dma_wait3A_45 = arith.constant 0 : i32
      %dma_wait3A_46 = arith.constant 0 : i32
      %dma_wait3A_47 = tpu.memref_slice %arg11[%dma_wait3A_43, %dma_wait3A_45, %dma_wait3A_46] : memref<2x128x128xf32, #tpu.memory_space<vmem>> -> memref<1x128x128xf32, #tpu.memory_space<vmem>>
      %dma_wait3A_48 = tpu.memref_squeeze %dma_wait3A_47 : memref<1x128x128xf32, #tpu.memory_space<vmem>> -> memref<128x128xf32, #tpu.memory_space<vmem>>
      %dma_wait3A_49 = arith.constant 0 : i32
      %dma_wait3A_50 = tpu.memref_slice %arg9[%dma_wait3A, %dma_wait3A_49] : memref<40x128xi32, #tpu.memory_space<vmem>> -> memref<1x128xi32, #tpu.memory_space<vmem>>
      %dma_wait3A_51 = tpu.memref_squeeze %dma_wait3A_50 : memref<1x128xi32, #tpu.memory_space<vmem>> -> memref<128xi32, #tpu.memory_space<vmem>>
      %dma_wait3A_52 = arith.constant 0 : i32
      %dma_wait3A_53 = arith.constant 0 : i32
      %dma_wait3A_54 = tpu.memref_slice %arg3[%dma_wait3A_52, %dma_wait3A_53] : memref<10000x128xf32, #tpu.memory_space<hbm>> -> memref<10000x128xf32, #tpu.memory_space<hbm>>
      %dma_wait3A_55 = tpu.memref_slice %arg12[%dma_wait3A_44] : memref<2x!tpu.dma_semaphore, #tpu.memory_space<semaphore_mem>> -> memref<1x!tpu.dma_semaphore, #tpu.memory_space<semaphore_mem>>
      %dma_wait3A_56 = tpu.memref_squeeze %dma_wait3A_55 : memref<1x!tpu.dma_semaphore, #tpu.memory_space<semaphore_mem>> -> memref<!tpu.dma_semaphore, #tpu.memory_space<semaphore_mem>>
      tpu.wait_indirect_dma semaphore(%dma_wait3A_56 : memref<!tpu.dma_semaphore, #tpu.memory_space<semaphore_mem>>) src(%dma_wait3A_54 : memref<10000x128xf32, #tpu.memory_space<hbm>>) dst(%dma_wait3A_48 : memref<128x128xf32, #tpu.memory_space<vmem>>)
      %dma_start3A_57 = arith.constant 0 : i32
      %dma_start3A_58 = arith.constant 38 : i32
      %dma_start3A_59 = arith.constant 0 : i32
      %dma_start3A_60 = arith.constant 0 : i32
      %dma_start3A_61 = arith.constant 0 : i32
      %dma_start3A_62 = tpu.memref_slice %arg11[%dma_start3A_57, %dma_start3A_60, %dma_start3A_61] : memref<2x128x128xf32, #tpu.memory_space<vmem>> -> memref<1x128x128xf32, #tpu.memory_space<vmem>>
      %dma_start3A_63 = tpu.memref_squeeze %dma_start3A_62 : memref<1x128x128xf32, #tpu.memory_space<vmem>> -> memref<128x128xf32, #tpu.memory_space<vmem>>
      %dma_start3A_64 = arith.constant 0 : i32
      %dma_start3A_65 = tpu.memref_slice %arg10[%dma_start3A_58, %dma_start3A_64] : memref<40x128xi32, #tpu.memory_space<vmem>> -> memref<1x128xi32, #tpu.memory_space<vmem>>
      %dma_start3A_66 = tpu.memref_squeeze %dma_start3A_65 : memref<1x128xi32, #tpu.memory_space<vmem>> -> memref<128xi32, #tpu.memory_space<vmem>>
      %dma_start3A_67 = arith.constant 0 : i32
      %dma_start3A_68 = arith.constant 0 : i32
      %dma_start3A_69 = tpu.memref_slice %arg8[%dma_start3A_67, %dma_start3A_68] : memref<10112x128xf32, #tpu.memory_space<vmem_shared>> -> memref<10112x128xf32, #tpu.memory_space<vmem_shared>>
      %dma_start3A_70 = tpu.memref_slice %arg13[%dma_start3A_59] : memref<2x!tpu.dma_semaphore, #tpu.memory_space<semaphore_mem>> -> memref<1x!tpu.dma_semaphore, #tpu.memory_space<semaphore_mem>>
      %dma_start3A_71 = tpu.memref_squeeze %dma_start3A_70 : memref<1x!tpu.dma_semaphore, #tpu.memory_space<semaphore_mem>> -> memref<!tpu.dma_semaphore, #tpu.memory_space<semaphore_mem>>
      tpu.enqueue_indirect_dma source(%dma_start3A_63 : memref<128x128xf32, #tpu.memory_space<vmem>>) target(%dma_start3A_69 : memref<10112x128xf32, #tpu.memory_space<vmem_shared>>) offsets(%dma_start3A_66 : memref<128xi32, #tpu.memory_space<vmem>>) semaphore(%dma_start3A_71 : memref<!tpu.dma_semaphore, #tpu.memory_space<semaphore_mem>>) {add = true}
      %dma_wait3A_72 = arith.constant 39 : i32
      %dma_wait3A_73 = arith.constant 1 : i32
      %dma_wait3A_74 = arith.constant 1 : i32
      %dma_wait3A_75 = arith.constant 0 : i32
      %dma_wait3A_76 = arith.constant 0 : i32
      %dma_wait3A_77 = tpu.memref_slice %arg11[%dma_wait3A_73, %dma_wait3A_75, %dma_wait3A_76] : memref<2x128x128xf32, #tpu.memory_space<vmem>> -> memref<1x128x128xf32, #tpu.memory_space<vmem>>
      %dma_wait3A_78 = tpu.memref_squeeze %dma_wait3A_77 : memref<1x128x128xf32, #tpu.memory_space<vmem>> -> memref<128x128xf32, #tpu.memory_space<vmem>>
      %dma_wait3A_79 = arith.constant 0 : i32
      %dma_wait3A_80 = tpu.memref_slice %arg9[%dma_wait3A_72, %dma_wait3A_79] : memref<40x128xi32, #tpu.memory_space<vmem>> -> memref<1x128xi32, #tpu.memory_space<vmem>>
      %dma_wait3A_81 = tpu.memref_squeeze %dma_wait3A_80 : memref<1x128xi32, #tpu.memory_space<vmem>> -> memref<128xi32, #tpu.memory_space<vmem>>
      %dma_wait3A_82 = arith.constant 0 : i32
      %dma_wait3A_83 = arith.constant 0 : i32
      %dma_wait3A_84 = tpu.memref_slice %arg3[%dma_wait3A_82, %dma_wait3A_83] : memref<10000x128xf32, #tpu.memory_space<hbm>> -> memref<10000x128xf32, #tpu.memory_space<hbm>>
      %dma_wait3A_85 = tpu.memref_slice %arg12[%dma_wait3A_74] : memref<2x!tpu.dma_semaphore, #tpu.memory_space<semaphore_mem>> -> memref<1x!tpu.dma_semaphore, #tpu.memory_space<semaphore_mem>>
      %dma_wait3A_86 = tpu.memref_squeeze %dma_wait3A_85 : memref<1x!tpu.dma_semaphore, #tpu.memory_space<semaphore_mem>> -> memref<!tpu.dma_semaphore, #tpu.memory_space<semaphore_mem>>
      tpu.wait_indirect_dma semaphore(%dma_wait3A_86 : memref<!tpu.dma_semaphore, #tpu.memory_space<semaphore_mem>>) src(%dma_wait3A_84 : memref<10000x128xf32, #tpu.memory_space<hbm>>) dst(%dma_wait3A_78 : memref<128x128xf32, #tpu.memory_space<vmem>>)
      %dma_start3A_87 = arith.constant 1 : i32
      %dma_start3A_88 = arith.constant 39 : i32
      %dma_start3A_89 = arith.constant 1 : i32
      %dma_start3A_90 = arith.constant 0 : i32
      %dma_start3A_91 = arith.constant 0 : i32
      %dma_start3A_92 = tpu.memref_slice %arg11[%dma_start3A_87, %dma_start3A_90, %dma_start3A_91] : memref<2x128x128xf32, #tpu.memory_space<vmem>> -> memref<1x128x128xf32, #tpu.memory_space<vmem>>
      %dma_start3A_93 = tpu.memref_squeeze %dma_start3A_92 : memref<1x128x128xf32, #tpu.memory_space<vmem>> -> memref<128x128xf32, #tpu.memory_space<vmem>>
      %dma_start3A_94 = arith.constant 0 : i32
      %dma_start3A_95 = tpu.memref_slice %arg10[%dma_start3A_88, %dma_start3A_94] : memref<40x128xi32, #tpu.memory_space<vmem>> -> memref<1x128xi32, #tpu.memory_space<vmem>>
      %dma_start3A_96 = tpu.memref_squeeze %dma_start3A_95 : memref<1x128xi32, #tpu.memory_space<vmem>> -> memref<128xi32, #tpu.memory_space<vmem>>
      %dma_start3A_97 = arith.constant 0 : i32
      %dma_start3A_98 = arith.constant 0 : i32
      %dma_start3A_99 = tpu.memref_slice %arg8[%dma_start3A_97, %dma_start3A_98] : memref<10112x128xf32, #tpu.memory_space<vmem_shared>> -> memref<10112x128xf32, #tpu.memory_space<vmem_shared>>
      %dma_start3A_100 = tpu.memref_slice %arg13[%dma_start3A_89] : memref<2x!tpu.dma_semaphore, #tpu.memory_space<semaphore_mem>> -> memref<1x!tpu.dma_semaphore, #tpu.memory_space<semaphore_mem>>
      %dma_start3A_101 = tpu.memref_squeeze %dma_start3A_100 : memref<1x!tpu.dma_semaphore, #tpu.memory_space<semaphore_mem>> -> memref<!tpu.dma_semaphore, #tpu.memory_space<semaphore_mem>>
      tpu.enqueue_indirect_dma source(%dma_start3A_93 : memref<128x128xf32, #tpu.memory_space<vmem>>) target(%dma_start3A_99 : memref<10112x128xf32, #tpu.memory_space<vmem_shared>>) offsets(%dma_start3A_96 : memref<128xi32, #tpu.memory_space<vmem>>) semaphore(%dma_start3A_101 : memref<!tpu.dma_semaphore, #tpu.memory_space<semaphore_mem>>) {add = true}
      %dma_wait3A_102 = arith.constant 0 : i32
      %dma_wait3A_103 = arith.constant 38 : i32
      %dma_wait3A_104 = arith.constant 0 : i32
      %dma_wait3A_105 = arith.constant 0 : i32
      %dma_wait3A_106 = arith.constant 0 : i32
      %dma_wait3A_107 = tpu.memref_slice %arg11[%dma_wait3A_102, %dma_wait3A_105, %dma_wait3A_106] : memref<2x128x128xf32, #tpu.memory_space<vmem>> -> memref<1x128x128xf32, #tpu.memory_space<vmem>>
      %dma_wait3A_108 = tpu.memref_squeeze %dma_wait3A_107 : memref<1x128x128xf32, #tpu.memory_space<vmem>> -> memref<128x128xf32, #tpu.memory_space<vmem>>
      %dma_wait3A_109 = arith.constant 0 : i32
      %dma_wait3A_110 = tpu.memref_slice %arg10[%dma_wait3A_103, %dma_wait3A_109] : memref<40x128xi32, #tpu.memory_space<vmem>> -> memref<1x128xi32, #tpu.memory_space<vmem>>
      %dma_wait3A_111 = tpu.memref_squeeze %dma_wait3A_110 : memref<1x128xi32, #tpu.memory_space<vmem>> -> memref<128xi32, #tpu.memory_space<vmem>>
      %dma_wait3A_112 = arith.constant 0 : i32
      %dma_wait3A_113 = arith.constant 0 : i32
      %dma_wait3A_114 = tpu.memref_slice %arg8[%dma_wait3A_112, %dma_wait3A_113] : memref<10112x128xf32, #tpu.memory_space<vmem_shared>> -> memref<10112x128xf32, #tpu.memory_space<vmem_shared>>
      %dma_wait3A_115 = tpu.memref_slice %arg13[%dma_wait3A_104] : memref<2x!tpu.dma_semaphore, #tpu.memory_space<semaphore_mem>> -> memref<1x!tpu.dma_semaphore, #tpu.memory_space<semaphore_mem>>
      %dma_wait3A_116 = tpu.memref_squeeze %dma_wait3A_115 : memref<1x!tpu.dma_semaphore, #tpu.memory_space<semaphore_mem>> -> memref<!tpu.dma_semaphore, #tpu.memory_space<semaphore_mem>>
      tpu.wait_indirect_dma semaphore(%dma_wait3A_116 : memref<!tpu.dma_semaphore, #tpu.memory_space<semaphore_mem>>) src(%dma_wait3A_108 : memref<128x128xf32, #tpu.memory_space<vmem>>) dst(%dma_wait3A_114 : memref<10112x128xf32, #tpu.memory_space<vmem_shared>>)
      %dma_wait3A_117 = arith.constant 1 : i32
      %dma_wait3A_118 = arith.constant 39 : i32
      %dma_wait3A_119 = arith.constant 1 : i32
      %dma_wait3A_120 = arith.constant 0 : i32
      %dma_wait3A_121 = arith.constant 0 : i32
      %dma_wait3A_122 = tpu.memref_slice %arg11[%dma_wait3A_117, %dma_wait3A_120, %dma_wait3A_121] : memref<2x128x128xf32, #tpu.memory_space<vmem>> -> memref<1x128x128xf32, #tpu.memory_space<vmem>>
      %dma_wait3A_123 = tpu.memref_squeeze %dma_wait3A_122 : memref<1x128x128xf32, #tpu.memory_space<vmem>> -> memref<128x128xf32, #tpu.memory_space<vmem>>
      %dma_wait3A_124 = arith.constant 0 : i32
      %dma_wait3A_125 = tpu.memref_slice %arg10[%dma_wait3A_118, %dma_wait3A_124] : memref<40x128xi32, #tpu.memory_space<vmem>> -> memref<1x128xi32, #tpu.memory_space<vmem>>
      %dma_wait3A_126 = tpu.memref_squeeze %dma_wait3A_125 : memref<1x128xi32, #tpu.memory_space<vmem>> -> memref<128xi32, #tpu.memory_space<vmem>>
      %dma_wait3A_127 = arith.constant 0 : i32
      %dma_wait3A_128 = arith.constant 0 : i32
      %dma_wait3A_129 = tpu.memref_slice %arg8[%dma_wait3A_127, %dma_wait3A_128] : memref<10112x128xf32, #tpu.memory_space<vmem_shared>> -> memref<10112x128xf32, #tpu.memory_space<vmem_shared>>
      %dma_wait3A_130 = tpu.memref_slice %arg13[%dma_wait3A_119] : memref<2x!tpu.dma_semaphore, #tpu.memory_space<semaphore_mem>> -> memref<1x!tpu.dma_semaphore, #tpu.memory_space<semaphore_mem>>
      %dma_wait3A_131 = tpu.memref_squeeze %dma_wait3A_130 : memref<1x!tpu.dma_semaphore, #tpu.memory_space<semaphore_mem>> -> memref<!tpu.dma_semaphore, #tpu.memory_space<semaphore_mem>>
      tpu.wait_indirect_dma semaphore(%dma_wait3A_131 : memref<!tpu.dma_semaphore, #tpu.memory_space<semaphore_mem>>) src(%dma_wait3A_123 : memref<128x128xf32, #tpu.memory_space<vmem>>) dst(%dma_wait3A_129 : memref<10112x128xf32, #tpu.memory_space<vmem_shared>>)
      %add3A = arith.constant 40 : i32
      %add3A_132 = arith.addi %mul3A_2, %add3A : i32
      "tpu.region"() ({
        %run_scoped3A_261 = tpu.sem_alloc : memref<!tpu.dma_semaphore, #tpu.memory_space<semaphore_mem>>
        %dma_start3A_262 = arith.constant 0 : i32
        %dma_start3A_263 = tpu.memref_slice %arg4[%add3A_132, %dma_start3A_262] : memref<1280x128xi32, #tpu.memory_space<hbm>> -> memref<40x128xi32, #tpu.memory_space<hbm>>
        %dma_start3A_264 = arith.constant 0 : i32
        %dma_start3A_265 = tpu.memref_slice %arg4[%add3A_132, %dma_start3A_264] : memref<1280x128xi32, #tpu.memory_space<hbm>> -> memref<40x128xi32, #tpu.memory_space<hbm>>
        tpu.enqueue_dma source(%dma_start3A_265 : memref<40x128xi32, #tpu.memory_space<hbm>>) target(%arg9 : memref<40x128xi32, #tpu.memory_space<vmem>>) target_semaphore(%run_scoped3A_261 : memref<!tpu.dma_semaphore, #tpu.memory_space<semaphore_mem>>)
        %dma_wait3A_266 = arith.constant 0 : i32
        %dma_wait3A_267 = tpu.memref_slice %arg4[%add3A_132, %dma_wait3A_266] : memref<1280x128xi32, #tpu.memory_space<hbm>> -> memref<40x128xi32, #tpu.memory_space<hbm>>
        %dma_wait3A_268 = arith.constant 0 : i32
        %dma_wait3A_269 = tpu.memref_slice %arg4[%add3A_132, %dma_wait3A_268] : memref<1280x128xi32, #tpu.memory_space<hbm>> -> memref<40x128xi32, #tpu.memory_space<hbm>>
        tpu.wait_dma2 semaphore(%run_scoped3A_261 : memref<!tpu.dma_semaphore, #tpu.memory_space<semaphore_mem>>) src(%dma_wait3A_269 : memref<40x128xi32, #tpu.memory_space<hbm>>) dst(%arg9 : memref<40x128xi32, #tpu.memory_space<vmem>>)
        tpu.yield
      }) : () -> ()
      %add3A_133 = arith.constant 40 : i32
      %add3A_134 = arith.addi %mul3A_2, %add3A_133 : i32
      "tpu.region"() ({
        %run_scoped3A_261 = tpu.sem_alloc : memref<!tpu.dma_semaphore, #tpu.memory_space<semaphore_mem>>
        %dma_start3A_262 = arith.constant 0 : i32
        %dma_start3A_263 = tpu.memref_slice %arg5[%add3A_134, %dma_start3A_262] : memref<1280x128xi32, #tpu.memory_space<hbm>> -> memref<40x128xi32, #tpu.memory_space<hbm>>
        %dma_start3A_264 = arith.constant 0 : i32
        %dma_start3A_265 = tpu.memref_slice %arg5[%add3A_134, %dma_start3A_264] : memref<1280x128xi32, #tpu.memory_space<hbm>> -> memref<40x128xi32, #tpu.memory_space<hbm>>
        tpu.enqueue_dma source(%dma_start3A_265 : memref<40x128xi32, #tpu.memory_space<hbm>>) target(%arg10 : memref<40x128xi32, #tpu.memory_space<vmem>>) target_semaphore(%run_scoped3A_261 : memref<!tpu.dma_semaphore, #tpu.memory_space<semaphore_mem>>)
        %dma_wait3A_266 = arith.constant 0 : i32
        %dma_wait3A_267 = tpu.memref_slice %arg5[%add3A_134, %dma_wait3A_266] : memref<1280x128xi32, #tpu.memory_space<hbm>> -> memref<40x128xi32, #tpu.memory_space<hbm>>
        %dma_wait3A_268 = arith.constant 0 : i32
        %dma_wait3A_269 = tpu.memref_slice %arg5[%add3A_134, %dma_wait3A_268] : memref<1280x128xi32, #tpu.memory_space<hbm>> -> memref<40x128xi32, #tpu.memory_space<hbm>>
        tpu.wait_dma2 semaphore(%run_scoped3A_261 : memref<!tpu.dma_semaphore, #tpu.memory_space<semaphore_mem>>) src(%dma_wait3A_269 : memref<40x128xi32, #tpu.memory_space<hbm>>) dst(%arg10 : memref<40x128xi32, #tpu.memory_space<vmem>>)
        tpu.yield
      }) : () -> ()
      %dma_start3A_135 = arith.constant 0 : i32
      %dma_start3A_136 = arith.constant 0 : i32
      %dma_start3A_137 = arith.constant 0 : i32
      %dma_start3A_138 = arith.constant 0 : i32
      %dma_start3A_139 = arith.constant 0 : i32
      %dma_start3A_140 = tpu.memref_slice %arg11[%dma_start3A_136, %dma_start3A_138, %dma_start3A_139] : memref<2x128x128xf32, #tpu.memory_space<vmem>> -> memref<1x128x128xf32, #tpu.memory_space<vmem>>
      %dma_start3A_141 = tpu.memref_squeeze %dma_start3A_140 : memref<1x128x128xf32, #tpu.memory_space<vmem>> -> memref<128x128xf32, #tpu.memory_space<vmem>>
      %dma_start3A_142 = arith.constant 0 : i32
      %dma_start3A_143 = tpu.memref_slice %arg9[%dma_start3A_135, %dma_start3A_142] : memref<40x128xi32, #tpu.memory_space<vmem>> -> memref<1x128xi32, #tpu.memory_space<vmem>>
      %dma_start3A_144 = tpu.memref_squeeze %dma_start3A_143 : memref<1x128xi32, #tpu.memory_space<vmem>> -> memref<128xi32, #tpu.memory_space<vmem>>
      %dma_start3A_145 = arith.constant 0 : i32
      %dma_start3A_146 = arith.constant 0 : i32
      %dma_start3A_147 = tpu.memref_slice %arg3[%dma_start3A_145, %dma_start3A_146] : memref<10000x128xf32, #tpu.memory_space<hbm>> -> memref<10000x128xf32, #tpu.memory_space<hbm>>
      %dma_start3A_148 = tpu.memref_slice %arg12[%dma_start3A_137] : memref<2x!tpu.dma_semaphore, #tpu.memory_space<semaphore_mem>> -> memref<1x!tpu.dma_semaphore, #tpu.memory_space<semaphore_mem>>
      %dma_start3A_149 = tpu.memref_squeeze %dma_start3A_148 : memref<1x!tpu.dma_semaphore, #tpu.memory_space<semaphore_mem>> -> memref<!tpu.dma_semaphore, #tpu.memory_space<semaphore_mem>>
      tpu.enqueue_indirect_dma source(%dma_start3A_147 : memref<10000x128xf32, #tpu.memory_space<hbm>>) target(%dma_start3A_141 : memref<128x128xf32, #tpu.memory_space<vmem>>) offsets(%dma_start3A_144 : memref<128xi32, #tpu.memory_space<vmem>>) semaphore(%dma_start3A_149 : memref<!tpu.dma_semaphore, #tpu.memory_space<semaphore_mem>>)
      %dma_start3A_150 = arith.constant 1 : i32
      %dma_start3A_151 = arith.constant 1 : i32
      %dma_start3A_152 = arith.constant 1 : i32
      %dma_start3A_153 = arith.constant 0 : i32
      %dma_start3A_154 = arith.constant 0 : i32
      %dma_start3A_155 = tpu.memref_slice %arg11[%dma_start3A_151, %dma_start3A_153, %dma_start3A_154] : memref<2x128x128xf32, #tpu.memory_space<vmem>> -> memref<1x128x128xf32, #tpu.memory_space<vmem>>
      %dma_start3A_156 = tpu.memref_squeeze %dma_start3A_155 : memref<1x128x128xf32, #tpu.memory_space<vmem>> -> memref<128x128xf32, #tpu.memory_space<vmem>>
      %dma_start3A_157 = arith.constant 0 : i32
      %dma_start3A_158 = tpu.memref_slice %arg9[%dma_start3A_150, %dma_start3A_157] : memref<40x128xi32, #tpu.memory_space<vmem>> -> memref<1x128xi32, #tpu.memory_space<vmem>>
      %dma_start3A_159 = tpu.memref_squeeze %dma_start3A_158 : memref<1x128xi32, #tpu.memory_space<vmem>> -> memref<128xi32, #tpu.memory_space<vmem>>
      %dma_start3A_160 = arith.constant 0 : i32
      %dma_start3A_161 = arith.constant 0 : i32
      %dma_start3A_162 = tpu.memref_slice %arg3[%dma_start3A_160, %dma_start3A_161] : memref<10000x128xf32, #tpu.memory_space<hbm>> -> memref<10000x128xf32, #tpu.memory_space<hbm>>
      %dma_start3A_163 = tpu.memref_slice %arg12[%dma_start3A_152] : memref<2x!tpu.dma_semaphore, #tpu.memory_space<semaphore_mem>> -> memref<1x!tpu.dma_semaphore, #tpu.memory_space<semaphore_mem>>
      %dma_start3A_164 = tpu.memref_squeeze %dma_start3A_163 : memref<1x!tpu.dma_semaphore, #tpu.memory_space<semaphore_mem>> -> memref<!tpu.dma_semaphore, #tpu.memory_space<semaphore_mem>>
      tpu.enqueue_indirect_dma source(%dma_start3A_162 : memref<10000x128xf32, #tpu.memory_space<hbm>>) target(%dma_start3A_156 : memref<128x128xf32, #tpu.memory_space<vmem>>) offsets(%dma_start3A_159 : memref<128xi32, #tpu.memory_space<vmem>>) semaphore(%dma_start3A_164 : memref<!tpu.dma_semaphore, #tpu.memory_space<semaphore_mem>>)
      %scan3A_165 = arith.constant 0 : i32
      %scan3A_166 = arith.constant 19 : i32
      %scan3A_167 = arith.addi %scan3A_165, %scan3A_166 : i32
      %scan3A_168 = arith.constant 1 : i32
      scf.for %scan3A_261 = %scan3A_165 to %scan3A_167 step %scan3A_168  : i32 {
        %mul3A_262 = arith.constant 2 : i32
        %mul3A_263 = arith.muli %scan3A_261, %mul3A_262 : i32
        %add3A_264 = arith.constant 0 : i32
        %add3A_265 = arith.addi %add3A_264, %mul3A_263 : i32
        %add3A_266 = arith.constant 0 : i32
        %add3A_267 = arith.addi %add3A_265, %add3A_266 : i32
        %dma_wait3A_268 = arith.constant 0 : i32
        %dma_wait3A_269 = arith.constant 0 : i32
        %dma_wait3A_270 = arith.constant 0 : i32
        %dma_wait3A_271 = arith.constant 0 : i32
        %dma_wait3A_272 = tpu.memref_slice %arg11[%dma_wait3A_268, %dma_wait3A_270, %dma_wait3A_271] : memref<2x128x128xf32, #tpu.memory_space<vmem>> -> memref<1x128x128xf32, #tpu.memory_space<vmem>>
        %dma_wait3A_273 = tpu.memref_squeeze %dma_wait3A_272 : memref<1x128x128xf32, #tpu.memory_space<vmem>> -> memref<128x128xf32, #tpu.memory_space<vmem>>
        %dma_wait3A_274 = arith.constant 0 : i32
        %dma_wait3A_275 = tpu.memref_slice %arg9[%add3A_267, %dma_wait3A_274] : memref<40x128xi32, #tpu.memory_space<vmem>> -> memref<1x128xi32, #tpu.memory_space<vmem>>
        %dma_wait3A_276 = tpu.memref_squeeze %dma_wait3A_275 : memref<1x128xi32, #tpu.memory_space<vmem>> -> memref<128xi32, #tpu.memory_space<vmem>>
        %dma_wait3A_277 = arith.constant 0 : i32
        %dma_wait3A_278 = arith.constant 0 : i32
        %dma_wait3A_279 = tpu.memref_slice %arg3[%dma_wait3A_277, %dma_wait3A_278] : memref<10000x128xf32, #tpu.memory_space<hbm>> -> memref<10000x128xf32, #tpu.memory_space<hbm>>
        %dma_wait3A_280 = tpu.memref_slice %arg12[%dma_wait3A_269] : memref<2x!tpu.dma_semaphore, #tpu.memory_space<semaphore_mem>> -> memref<1x!tpu.dma_semaphore, #tpu.memory_space<semaphore_mem>>
        %dma_wait3A_281 = tpu.memref_squeeze %dma_wait3A_280 : memref<1x!tpu.dma_semaphore, #tpu.memory_space<semaphore_mem>> -> memref<!tpu.dma_semaphore, #tpu.memory_space<semaphore_mem>>
        tpu.wait_indirect_dma semaphore(%dma_wait3A_281 : memref<!tpu.dma_semaphore, #tpu.memory_space<semaphore_mem>>) src(%dma_wait3A_279 : memref<10000x128xf32, #tpu.memory_space<hbm>>) dst(%dma_wait3A_273 : memref<128x128xf32, #tpu.memory_space<vmem>>)
        %add3A_282 = arith.constant 0 : i32
        %add3A_283 = arith.addi %add3A_265, %add3A_282 : i32
        %dma_start3A_284 = arith.constant 0 : i32
        %dma_start3A_285 = arith.constant 0 : i32
        %dma_start3A_286 = arith.constant 0 : i32
        %dma_start3A_287 = arith.constant 0 : i32
        %dma_start3A_288 = tpu.memref_slice %arg11[%dma_start3A_284, %dma_start3A_286, %dma_start3A_287] : memref<2x128x128xf32, #tpu.memory_space<vmem>> -> memref<1x128x128xf32, #tpu.memory_space<vmem>>
        %dma_start3A_289 = tpu.memref_squeeze %dma_start3A_288 : memref<1x128x128xf32, #tpu.memory_space<vmem>> -> memref<128x128xf32, #tpu.memory_space<vmem>>
        %dma_start3A_290 = arith.constant 0 : i32
        %dma_start3A_291 = tpu.memref_slice %arg10[%add3A_283, %dma_start3A_290] : memref<40x128xi32, #tpu.memory_space<vmem>> -> memref<1x128xi32, #tpu.memory_space<vmem>>
        %dma_start3A_292 = tpu.memref_squeeze %dma_start3A_291 : memref<1x128xi32, #tpu.memory_space<vmem>> -> memref<128xi32, #tpu.memory_space<vmem>>
        %dma_start3A_293 = arith.constant 0 : i32
        %dma_start3A_294 = arith.constant 0 : i32
        %dma_start3A_295 = tpu.memref_slice %arg8[%dma_start3A_293, %dma_start3A_294] : memref<10112x128xf32, #tpu.memory_space<vmem_shared>> -> memref<10112x128xf32, #tpu.memory_space<vmem_shared>>
        %dma_start3A_296 = tpu.memref_slice %arg13[%dma_start3A_285] : memref<2x!tpu.dma_semaphore, #tpu.memory_space<semaphore_mem>> -> memref<1x!tpu.dma_semaphore, #tpu.memory_space<semaphore_mem>>
        %dma_start3A_297 = tpu.memref_squeeze %dma_start3A_296 : memref<1x!tpu.dma_semaphore, #tpu.memory_space<semaphore_mem>> -> memref<!tpu.dma_semaphore, #tpu.memory_space<semaphore_mem>>
        tpu.enqueue_indirect_dma source(%dma_start3A_289 : memref<128x128xf32, #tpu.memory_space<vmem>>) target(%dma_start3A_295 : memref<10112x128xf32, #tpu.memory_space<vmem_shared>>) offsets(%dma_start3A_292 : memref<128xi32, #tpu.memory_space<vmem>>) semaphore(%dma_start3A_297 : memref<!tpu.dma_semaphore, #tpu.memory_space<semaphore_mem>>) {add = true}
        %add3A_298 = arith.constant 1 : i32
        %add3A_299 = arith.addi %add3A_265, %add3A_298 : i32
        %dma_wait3A_300 = arith.constant 1 : i32
        %dma_wait3A_301 = arith.constant 1 : i32
        %dma_wait3A_302 = arith.constant 0 : i32
        %dma_wait3A_303 = arith.constant 0 : i32
        %dma_wait3A_304 = tpu.memref_slice %arg11[%dma_wait3A_300, %dma_wait3A_302, %dma_wait3A_303] : memref<2x128x128xf32, #tpu.memory_space<vmem>> -> memref<1x128x128xf32, #tpu.memory_space<vmem>>
        %dma_wait3A_305 = tpu.memref_squeeze %dma_wait3A_304 : memref<1x128x128xf32, #tpu.memory_space<vmem>> -> memref<128x128xf32, #tpu.memory_space<vmem>>
        %dma_wait3A_306 = arith.constant 0 : i32
        %dma_wait3A_307 = tpu.memref_slice %arg9[%add3A_299, %dma_wait3A_306] : memref<40x128xi32, #tpu.memory_space<vmem>> -> memref<1x128xi32, #tpu.memory_space<vmem>>
        %dma_wait3A_308 = tpu.memref_squeeze %dma_wait3A_307 : memref<1x128xi32, #tpu.memory_space<vmem>> -> memref<128xi32, #tpu.memory_space<vmem>>
        %dma_wait3A_309 = arith.constant 0 : i32
        %dma_wait3A_310 = arith.constant 0 : i32
        %dma_wait3A_311 = tpu.memref_slice %arg3[%dma_wait3A_309, %dma_wait3A_310] : memref<10000x128xf32, #tpu.memory_space<hbm>> -> memref<10000x128xf32, #tpu.memory_space<hbm>>
        %dma_wait3A_312 = tpu.memref_slice %arg12[%dma_wait3A_301] : memref<2x!tpu.dma_semaphore, #tpu.memory_space<semaphore_mem>> -> memref<1x!tpu.dma_semaphore, #tpu.memory_space<semaphore_mem>>
        %dma_wait3A_313 = tpu.memref_squeeze %dma_wait3A_312 : memref<1x!tpu.dma_semaphore, #tpu.memory_space<semaphore_mem>> -> memref<!tpu.dma_semaphore, #tpu.memory_space<semaphore_mem>>
        tpu.wait_indirect_dma semaphore(%dma_wait3A_313 : memref<!tpu.dma_semaphore, #tpu.memory_space<semaphore_mem>>) src(%dma_wait3A_311 : memref<10000x128xf32, #tpu.memory_space<hbm>>) dst(%dma_wait3A_305 : memref<128x128xf32, #tpu.memory_space<vmem>>)
        %add3A_314 = arith.constant 1 : i32
        %add3A_315 = arith.addi %add3A_265, %add3A_314 : i32
        %dma_start3A_316 = arith.constant 1 : i32
        %dma_start3A_317 = arith.constant 1 : i32
        %dma_start3A_318 = arith.constant 0 : i32
        %dma_start3A_319 = arith.constant 0 : i32
        %dma_start3A_320 = tpu.memref_slice %arg11[%dma_start3A_316, %dma_start3A_318, %dma_start3A_319] : memref<2x128x128xf32, #tpu.memory_space<vmem>> -> memref<1x128x128xf32, #tpu.memory_space<vmem>>
        %dma_start3A_321 = tpu.memref_squeeze %dma_start3A_320 : memref<1x128x128xf32, #tpu.memory_space<vmem>> -> memref<128x128xf32, #tpu.memory_space<vmem>>
        %dma_start3A_322 = arith.constant 0 : i32
        %dma_start3A_323 = tpu.memref_slice %arg10[%add3A_315, %dma_start3A_322] : memref<40x128xi32, #tpu.memory_space<vmem>> -> memref<1x128xi32, #tpu.memory_space<vmem>>
        %dma_start3A_324 = tpu.memref_squeeze %dma_start3A_323 : memref<1x128xi32, #tpu.memory_space<vmem>> -> memref<128xi32, #tpu.memory_space<vmem>>
        %dma_start3A_325 = arith.constant 0 : i32
        %dma_start3A_326 = arith.constant 0 : i32
        %dma_start3A_327 = tpu.memref_slice %arg8[%dma_start3A_325, %dma_start3A_326] : memref<10112x128xf32, #tpu.memory_space<vmem_shared>> -> memref<10112x128xf32, #tpu.memory_space<vmem_shared>>
        %dma_start3A_328 = tpu.memref_slice %arg13[%dma_start3A_317] : memref<2x!tpu.dma_semaphore, #tpu.memory_space<semaphore_mem>> -> memref<1x!tpu.dma_semaphore, #tpu.memory_space<semaphore_mem>>
        %dma_start3A_329 = tpu.memref_squeeze %dma_start3A_328 : memref<1x!tpu.dma_semaphore, #tpu.memory_space<semaphore_mem>> -> memref<!tpu.dma_semaphore, #tpu.memory_space<semaphore_mem>>
        tpu.enqueue_indirect_dma source(%dma_start3A_321 : memref<128x128xf32, #tpu.memory_space<vmem>>) target(%dma_start3A_327 : memref<10112x128xf32, #tpu.memory_space<vmem_shared>>) offsets(%dma_start3A_324 : memref<128xi32, #tpu.memory_space<vmem>>) semaphore(%dma_start3A_329 : memref<!tpu.dma_semaphore, #tpu.memory_space<semaphore_mem>>) {add = true}
        %add3A_330 = arith.constant 0 : i32
        %add3A_331 = arith.addi %add3A_265, %add3A_330 : i32
        %dma_wait3A_332 = arith.constant 0 : i32
        %dma_wait3A_333 = arith.constant 0 : i32
        %dma_wait3A_334 = arith.constant 0 : i32
        %dma_wait3A_335 = arith.constant 0 : i32
        %dma_wait3A_336 = tpu.memref_slice %arg11[%dma_wait3A_332, %dma_wait3A_334, %dma_wait3A_335] : memref<2x128x128xf32, #tpu.memory_space<vmem>> -> memref<1x128x128xf32, #tpu.memory_space<vmem>>
        %dma_wait3A_337 = tpu.memref_squeeze %dma_wait3A_336 : memref<1x128x128xf32, #tpu.memory_space<vmem>> -> memref<128x128xf32, #tpu.memory_space<vmem>>
        %dma_wait3A_338 = arith.constant 0 : i32
        %dma_wait3A_339 = tpu.memref_slice %arg10[%add3A_331, %dma_wait3A_338] : memref<40x128xi32, #tpu.memory_space<vmem>> -> memref<1x128xi32, #tpu.memory_space<vmem>>
        %dma_wait3A_340 = tpu.memref_squeeze %dma_wait3A_339 : memref<1x128xi32, #tpu.memory_space<vmem>> -> memref<128xi32, #tpu.memory_space<vmem>>
        %dma_wait3A_341 = arith.constant 0 : i32
        %dma_wait3A_342 = arith.constant 0 : i32
        %dma_wait3A_343 = tpu.memref_slice %arg8[%dma_wait3A_341, %dma_wait3A_342] : memref<10112x128xf32, #tpu.memory_space<vmem_shared>> -> memref<10112x128xf32, #tpu.memory_space<vmem_shared>>
        %dma_wait3A_344 = tpu.memref_slice %arg13[%dma_wait3A_333] : memref<2x!tpu.dma_semaphore, #tpu.memory_space<semaphore_mem>> -> memref<1x!tpu.dma_semaphore, #tpu.memory_space<semaphore_mem>>
        %dma_wait3A_345 = tpu.memref_squeeze %dma_wait3A_344 : memref<1x!tpu.dma_semaphore, #tpu.memory_space<semaphore_mem>> -> memref<!tpu.dma_semaphore, #tpu.memory_space<semaphore_mem>>
        tpu.wait_indirect_dma semaphore(%dma_wait3A_345 : memref<!tpu.dma_semaphore, #tpu.memory_space<semaphore_mem>>) src(%dma_wait3A_337 : memref<128x128xf32, #tpu.memory_space<vmem>>) dst(%dma_wait3A_343 : memref<10112x128xf32, #tpu.memory_space<vmem_shared>>)
        %add3A_346 = arith.constant 0 : i32
        %add3A_347 = arith.addi %add3A_265, %add3A_346 : i32
        %add3A_348 = arith.constant 2 : i32
        %add3A_349 = arith.addi %add3A_347, %add3A_348 : i32
        %dma_start3A_350 = arith.constant 0 : i32
        %dma_start3A_351 = arith.constant 0 : i32
        %dma_start3A_352 = arith.constant 0 : i32
        %dma_start3A_353 = arith.constant 0 : i32
        %dma_start3A_354 = tpu.memref_slice %arg11[%dma_start3A_350, %dma_start3A_352, %dma_start3A_353] : memref<2x128x128xf32, #tpu.memory_space<vmem>> -> memref<1x128x128xf32, #tpu.memory_space<vmem>>
        %dma_start3A_355 = tpu.memref_squeeze %dma_start3A_354 : memref<1x128x128xf32, #tpu.memory_space<vmem>> -> memref<128x128xf32, #tpu.memory_space<vmem>>
        %dma_start3A_356 = arith.constant 0 : i32
        %dma_start3A_357 = tpu.memref_slice %arg9[%add3A_349, %dma_start3A_356] : memref<40x128xi32, #tpu.memory_space<vmem>> -> memref<1x128xi32, #tpu.memory_space<vmem>>
        %dma_start3A_358 = tpu.memref_squeeze %dma_start3A_357 : memref<1x128xi32, #tpu.memory_space<vmem>> -> memref<128xi32, #tpu.memory_space<vmem>>
        %dma_start3A_359 = arith.constant 0 : i32
        %dma_start3A_360 = arith.constant 0 : i32
        %dma_start3A_361 = tpu.memref_slice %arg3[%dma_start3A_359, %dma_start3A_360] : memref<10000x128xf32, #tpu.memory_space<hbm>> -> memref<10000x128xf32, #tpu.memory_space<hbm>>
        %dma_start3A_362 = tpu.memref_slice %arg12[%dma_start3A_351] : memref<2x!tpu.dma_semaphore, #tpu.memory_space<semaphore_mem>> -> memref<1x!tpu.dma_semaphore, #tpu.memory_space<semaphore_mem>>
        %dma_start3A_363 = tpu.memref_squeeze %dma_start3A_362 : memref<1x!tpu.dma_semaphore, #tpu.memory_space<semaphore_mem>> -> memref<!tpu.dma_semaphore, #tpu.memory_space<semaphore_mem>>
        tpu.enqueue_indirect_dma source(%dma_start3A_361 : memref<10000x128xf32, #tpu.memory_space<hbm>>) target(%dma_start3A_355 : memref<128x128xf32, #tpu.memory_space<vmem>>) offsets(%dma_start3A_358 : memref<128xi32, #tpu.memory_space<vmem>>) semaphore(%dma_start3A_363 : memref<!tpu.dma_semaphore, #tpu.memory_space<semaphore_mem>>)
        %add3A_364 = arith.constant 1 : i32
        %add3A_365 = arith.addi %add3A_265, %add3A_364 : i32
        %dma_wait3A_366 = arith.constant 1 : i32
        %dma_wait3A_367 = arith.constant 1 : i32
        %dma_wait3A_368 = arith.constant 0 : i32
        %dma_wait3A_369 = arith.constant 0 : i32
        %dma_wait3A_370 = tpu.memref_slice %arg11[%dma_wait3A_366, %dma_wait3A_368, %dma_wait3A_369] : memref<2x128x128xf32, #tpu.memory_space<vmem>> -> memref<1x128x128xf32, #tpu.memory_space<vmem>>
        %dma_wait3A_371 = tpu.memref_squeeze %dma_wait3A_370 : memref<1x128x128xf32, #tpu.memory_space<vmem>> -> memref<128x128xf32, #tpu.memory_space<vmem>>
        %dma_wait3A_372 = arith.constant 0 : i32
        %dma_wait3A_373 = tpu.memref_slice %arg10[%add3A_365, %dma_wait3A_372] : memref<40x128xi32, #tpu.memory_space<vmem>> -> memref<1x128xi32, #tpu.memory_space<vmem>>
        %dma_wait3A_374 = tpu.memref_squeeze %dma_wait3A_373 : memref<1x128xi32, #tpu.memory_space<vmem>> -> memref<128xi32, #tpu.memory_space<vmem>>
        %dma_wait3A_375 = arith.constant 0 : i32
        %dma_wait3A_376 = arith.constant 0 : i32
        %dma_wait3A_377 = tpu.memref_slice %arg8[%dma_wait3A_375, %dma_wait3A_376] : memref<10112x128xf32, #tpu.memory_space<vmem_shared>> -> memref<10112x128xf32, #tpu.memory_space<vmem_shared>>
        %dma_wait3A_378 = tpu.memref_slice %arg13[%dma_wait3A_367] : memref<2x!tpu.dma_semaphore, #tpu.memory_space<semaphore_mem>> -> memref<1x!tpu.dma_semaphore, #tpu.memory_space<semaphore_mem>>
        %dma_wait3A_379 = tpu.memref_squeeze %dma_wait3A_378 : memref<1x!tpu.dma_semaphore, #tpu.memory_space<semaphore_mem>> -> memref<!tpu.dma_semaphore, #tpu.memory_space<semaphore_mem>>
        tpu.wait_indirect_dma semaphore(%dma_wait3A_379 : memref<!tpu.dma_semaphore, #tpu.memory_space<semaphore_mem>>) src(%dma_wait3A_371 : memref<128x128xf32, #tpu.memory_space<vmem>>) dst(%dma_wait3A_377 : memref<10112x128xf32, #tpu.memory_space<vmem_shared>>)
        %add3A_380 = arith.constant 1 : i32
        %add3A_381 = arith.addi %add3A_265, %add3A_380 : i32
        %add3A_382 = arith.constant 2 : i32
        %add3A_383 = arith.addi %add3A_381, %add3A_382 : i32
        %dma_start3A_384 = arith.constant 1 : i32
        %dma_start3A_385 = arith.constant 1 : i32
        %dma_start3A_386 = arith.constant 0 : i32
        %dma_start3A_387 = arith.constant 0 : i32
        %dma_start3A_388 = tpu.memref_slice %arg11[%dma_start3A_384, %dma_start3A_386, %dma_start3A_387] : memref<2x128x128xf32, #tpu.memory_space<vmem>> -> memref<1x128x128xf32, #tpu.memory_space<vmem>>
        %dma_start3A_389 = tpu.memref_squeeze %dma_start3A_388 : memref<1x128x128xf32, #tpu.memory_space<vmem>> -> memref<128x128xf32, #tpu.memory_space<vmem>>
        %dma_start3A_390 = arith.constant 0 : i32
        %dma_start3A_391 = tpu.memref_slice %arg9[%add3A_383, %dma_start3A_390] : memref<40x128xi32, #tpu.memory_space<vmem>> -> memref<1x128xi32, #tpu.memory_space<vmem>>
        %dma_start3A_392 = tpu.memref_squeeze %dma_start3A_391 : memref<1x128xi32, #tpu.memory_space<vmem>> -> memref<128xi32, #tpu.memory_space<vmem>>
        %dma_start3A_393 = arith.constant 0 : i32
        %dma_start3A_394 = arith.constant 0 : i32
        %dma_start3A_395 = tpu.memref_slice %arg3[%dma_start3A_393, %dma_start3A_394] : memref<10000x128xf32, #tpu.memory_space<hbm>> -> memref<10000x128xf32, #tpu.memory_space<hbm>>
        %dma_start3A_396 = tpu.memref_slice %arg12[%dma_start3A_385] : memref<2x!tpu.dma_semaphore, #tpu.memory_space<semaphore_mem>> -> memref<1x!tpu.dma_semaphore, #tpu.memory_space<semaphore_mem>>
        %dma_start3A_397 = tpu.memref_squeeze %dma_start3A_396 : memref<1x!tpu.dma_semaphore, #tpu.memory_space<semaphore_mem>> -> memref<!tpu.dma_semaphore, #tpu.memory_space<semaphore_mem>>
        tpu.enqueue_indirect_dma source(%dma_start3A_395 : memref<10000x128xf32, #tpu.memory_space<hbm>>) target(%dma_start3A_389 : memref<128x128xf32, #tpu.memory_space<vmem>>) offsets(%dma_start3A_392 : memref<128xi32, #tpu.memory_space<vmem>>) semaphore(%dma_start3A_397 : memref<!tpu.dma_semaphore, #tpu.memory_space<semaphore_mem>>)
      }
      %scan3A_169 = arith.constant 19 : i32
      %dma_wait3A_170 = arith.constant 38 : i32
      %dma_wait3A_171 = arith.constant 0 : i32
      %dma_wait3A_172 = arith.constant 0 : i32
      %dma_wait3A_173 = arith.constant 0 : i32
      %dma_wait3A_174 = arith.constant 0 : i32
      %dma_wait3A_175 = tpu.memref_slice %arg11[%dma_wait3A_171, %dma_wait3A_173, %dma_wait3A_174] : memref<2x128x128xf32, #tpu.memory_space<vmem>> -> memref<1x128x128xf32, #tpu.memory_space<vmem>>
      %dma_wait3A_176 = tpu.memref_squeeze %dma_wait3A_175 : memref<1x128x128xf32, #tpu.memory_space<vmem>> -> memref<128x128xf32, #tpu.memory_space<vmem>>
      %dma_wait3A_177 = arith.constant 0 : i32
      %dma_wait3A_178 = tpu.memref_slice %arg9[%dma_wait3A_170, %dma_wait3A_177] : memref<40x128xi32, #tpu.memory_space<vmem>> -> memref<1x128xi32, #tpu.memory_space<vmem>>
      %dma_wait3A_179 = tpu.memref_squeeze %dma_wait3A_178 : memref<1x128xi32, #tpu.memory_space<vmem>> -> memref<128xi32, #tpu.memory_space<vmem>>
      %dma_wait3A_180 = arith.constant 0 : i32
      %dma_wait3A_181 = arith.constant 0 : i32
      %dma_wait3A_182 = tpu.memref_slice %arg3[%dma_wait3A_180, %dma_wait3A_181] : memref<10000x128xf32, #tpu.memory_space<hbm>> -> memref<10000x128xf32, #tpu.memory_space<hbm>>
      %dma_wait3A_183 = tpu.memref_slice %arg12[%dma_wait3A_172] : memref<2x!tpu.dma_semaphore, #tpu.memory_space<semaphore_mem>> -> memref<1x!tpu.dma_semaphore, #tpu.memory_space<semaphore_mem>>
      %dma_wait3A_184 = tpu.memref_squeeze %dma_wait3A_183 : memref<1x!tpu.dma_semaphore, #tpu.memory_space<semaphore_mem>> -> memref<!tpu.dma_semaphore, #tpu.memory_space<semaphore_mem>>
      tpu.wait_indirect_dma semaphore(%dma_wait3A_184 : memref<!tpu.dma_semaphore, #tpu.memory_space<semaphore_mem>>) src(%dma_wait3A_182 : memref<10000x128xf32, #tpu.memory_space<hbm>>) dst(%dma_wait3A_176 : memref<128x128xf32, #tpu.memory_space<vmem>>)
      %dma_start3A_185 = arith.constant 0 : i32
      %dma_start3A_186 = arith.constant 38 : i32
      %dma_start3A_187 = arith.constant 0 : i32
      %dma_start3A_188 = arith.constant 0 : i32
      %dma_start3A_189 = arith.constant 0 : i32
      %dma_start3A_190 = tpu.memref_slice %arg11[%dma_start3A_185, %dma_start3A_188, %dma_start3A_189] : memref<2x128x128xf32, #tpu.memory_space<vmem>> -> memref<1x128x128xf32, #tpu.memory_space<vmem>>
      %dma_start3A_191 = tpu.memref_squeeze %dma_start3A_190 : memref<1x128x128xf32, #tpu.memory_space<vmem>> -> memref<128x128xf32, #tpu.memory_space<vmem>>
      %dma_start3A_192 = arith.constant 0 : i32
      %dma_start3A_193 = tpu.memref_slice %arg10[%dma_start3A_186, %dma_start3A_192] : memref<40x128xi32, #tpu.memory_space<vmem>> -> memref<1x128xi32, #tpu.memory_space<vmem>>
      %dma_start3A_194 = tpu.memref_squeeze %dma_start3A_193 : memref<1x128xi32, #tpu.memory_space<vmem>> -> memref<128xi32, #tpu.memory_space<vmem>>
      %dma_start3A_195 = arith.constant 0 : i32
      %dma_start3A_196 = arith.constant 0 : i32
      %dma_start3A_197 = tpu.memref_slice %arg8[%dma_start3A_195, %dma_start3A_196] : memref<10112x128xf32, #tpu.memory_space<vmem_shared>> -> memref<10112x128xf32, #tpu.memory_space<vmem_shared>>
      %dma_start3A_198 = tpu.memref_slice %arg13[%dma_start3A_187] : memref<2x!tpu.dma_semaphore, #tpu.memory_space<semaphore_mem>> -> memref<1x!tpu.dma_semaphore, #tpu.memory_space<semaphore_mem>>
      %dma_start3A_199 = tpu.memref_squeeze %dma_start3A_198 : memref<1x!tpu.dma_semaphore, #tpu.memory_space<semaphore_mem>> -> memref<!tpu.dma_semaphore, #tpu.memory_space<semaphore_mem>>
      tpu.enqueue_indirect_dma source(%dma_start3A_191 : memref<128x128xf32, #tpu.memory_space<vmem>>) target(%dma_start3A_197 : memref<10112x128xf32, #tpu.memory_space<vmem_shared>>) offsets(%dma_start3A_194 : memref<128xi32, #tpu.memory_space<vmem>>) semaphore(%dma_start3A_199 : memref<!tpu.dma_semaphore, #tpu.memory_space<semaphore_mem>>) {add = true}
      %dma_wait3A_200 = arith.constant 39 : i32
      %dma_wait3A_201 = arith.constant 1 : i32
      %dma_wait3A_202 = arith.constant 1 : i32
      %dma_wait3A_203 = arith.constant 0 : i32
      %dma_wait3A_204 = arith.constant 0 : i32
      %dma_wait3A_205 = tpu.memref_slice %arg11[%dma_wait3A_201, %dma_wait3A_203, %dma_wait3A_204] : memref<2x128x128xf32, #tpu.memory_space<vmem>> -> memref<1x128x128xf32, #tpu.memory_space<vmem>>
      %dma_wait3A_206 = tpu.memref_squeeze %dma_wait3A_205 : memref<1x128x128xf32, #tpu.memory_space<vmem>> -> memref<128x128xf32, #tpu.memory_space<vmem>>
      %dma_wait3A_207 = arith.constant 0 : i32
      %dma_wait3A_208 = tpu.memref_slice %arg9[%dma_wait3A_200, %dma_wait3A_207] : memref<40x128xi32, #tpu.memory_space<vmem>> -> memref<1x128xi32, #tpu.memory_space<vmem>>
      %dma_wait3A_209 = tpu.memref_squeeze %dma_wait3A_208 : memref<1x128xi32, #tpu.memory_space<vmem>> -> memref<128xi32, #tpu.memory_space<vmem>>
      %dma_wait3A_210 = arith.constant 0 : i32
      %dma_wait3A_211 = arith.constant 0 : i32
      %dma_wait3A_212 = tpu.memref_slice %arg3[%dma_wait3A_210, %dma_wait3A_211] : memref<10000x128xf32, #tpu.memory_space<hbm>> -> memref<10000x128xf32, #tpu.memory_space<hbm>>
      %dma_wait3A_213 = tpu.memref_slice %arg12[%dma_wait3A_202] : memref<2x!tpu.dma_semaphore, #tpu.memory_space<semaphore_mem>> -> memref<1x!tpu.dma_semaphore, #tpu.memory_space<semaphore_mem>>
      %dma_wait3A_214 = tpu.memref_squeeze %dma_wait3A_213 : memref<1x!tpu.dma_semaphore, #tpu.memory_space<semaphore_mem>> -> memref<!tpu.dma_semaphore, #tpu.memory_space<semaphore_mem>>
      tpu.wait_indirect_dma semaphore(%dma_wait3A_214 : memref<!tpu.dma_semaphore, #tpu.memory_space<semaphore_mem>>) src(%dma_wait3A_212 : memref<10000x128xf32, #tpu.memory_space<hbm>>) dst(%dma_wait3A_206 : memref<128x128xf32, #tpu.memory_space<vmem>>)
      %dma_start3A_215 = arith.constant 1 : i32
      %dma_start3A_216 = arith.constant 39 : i32
      %dma_start3A_217 = arith.constant 1 : i32
      %dma_start3A_218 = arith.constant 0 : i32
      %dma_start3A_219 = arith.constant 0 : i32
      %dma_start3A_220 = tpu.memref_slice %arg11[%dma_start3A_215, %dma_start3A_218, %dma_start3A_219] : memref<2x128x128xf32, #tpu.memory_space<vmem>> -> memref<1x128x128xf32, #tpu.memory_space<vmem>>
      %dma_start3A_221 = tpu.memref_squeeze %dma_start3A_220 : memref<1x128x128xf32, #tpu.memory_space<vmem>> -> memref<128x128xf32, #tpu.memory_space<vmem>>
      %dma_start3A_222 = arith.constant 0 : i32
      %dma_start3A_223 = tpu.memref_slice %arg10[%dma_start3A_216, %dma_start3A_222] : memref<40x128xi32, #tpu.memory_space<vmem>> -> memref<1x128xi32, #tpu.memory_space<vmem>>
      %dma_start3A_224 = tpu.memref_squeeze %dma_start3A_223 : memref<1x128xi32, #tpu.memory_space<vmem>> -> memref<128xi32, #tpu.memory_space<vmem>>
      %dma_start3A_225 = arith.constant 0 : i32
      %dma_start3A_226 = arith.constant 0 : i32
      %dma_start3A_227 = tpu.memref_slice %arg8[%dma_start3A_225, %dma_start3A_226] : memref<10112x128xf32, #tpu.memory_space<vmem_shared>> -> memref<10112x128xf32, #tpu.memory_space<vmem_shared>>
      %dma_start3A_228 = tpu.memref_slice %arg13[%dma_start3A_217] : memref<2x!tpu.dma_semaphore, #tpu.memory_space<semaphore_mem>> -> memref<1x!tpu.dma_semaphore, #tpu.memory_space<semaphore_mem>>
      %dma_start3A_229 = tpu.memref_squeeze %dma_start3A_228 : memref<1x!tpu.dma_semaphore, #tpu.memory_space<semaphore_mem>> -> memref<!tpu.dma_semaphore, #tpu.memory_space<semaphore_mem>>
      tpu.enqueue_indirect_dma source(%dma_start3A_221 : memref<128x128xf32, #tpu.memory_space<vmem>>) target(%dma_start3A_227 : memref<10112x128xf32, #tpu.memory_space<vmem_shared>>) offsets(%dma_start3A_224 : memref<128xi32, #tpu.memory_space<vmem>>) semaphore(%dma_start3A_229 : memref<!tpu.dma_semaphore, #tpu.memory_space<semaphore_mem>>) {add = true}
      %dma_wait3A_230 = arith.constant 0 : i32
      %dma_wait3A_231 = arith.constant 38 : i32
      %dma_wait3A_232 = arith.constant 0 : i32
      %dma_wait3A_233 = arith.constant 0 : i32
      %dma_wait3A_234 = arith.constant 0 : i32
      %dma_wait3A_235 = tpu.memref_slice %arg11[%dma_wait3A_230, %dma_wait3A_233, %dma_wait3A_234] : memref<2x128x128xf32, #tpu.memory_space<vmem>> -> memref<1x128x128xf32, #tpu.memory_space<vmem>>
      %dma_wait3A_236 = tpu.memref_squeeze %dma_wait3A_235 : memref<1x128x128xf32, #tpu.memory_space<vmem>> -> memref<128x128xf32, #tpu.memory_space<vmem>>
      %dma_wait3A_237 = arith.constant 0 : i32
      %dma_wait3A_238 = tpu.memref_slice %arg10[%dma_wait3A_231, %dma_wait3A_237] : memref<40x128xi32, #tpu.memory_space<vmem>> -> memref<1x128xi32, #tpu.memory_space<vmem>>
      %dma_wait3A_239 = tpu.memref_squeeze %dma_wait3A_238 : memref<1x128xi32, #tpu.memory_space<vmem>> -> memref<128xi32, #tpu.memory_space<vmem>>
      %dma_wait3A_240 = arith.constant 0 : i32
      %dma_wait3A_241 = arith.constant 0 : i32
      %dma_wait3A_242 = tpu.memref_slice %arg8[%dma_wait3A_240, %dma_wait3A_241] : memref<10112x128xf32, #tpu.memory_space<vmem_shared>> -> memref<10112x128xf32, #tpu.memory_space<vmem_shared>>
      %dma_wait3A_243 = tpu.memref_slice %arg13[%dma_wait3A_232] : memref<2x!tpu.dma_semaphore, #tpu.memory_space<semaphore_mem>> -> memref<1x!tpu.dma_semaphore, #tpu.memory_space<semaphore_mem>>
      %dma_wait3A_244 = tpu.memref_squeeze %dma_wait3A_243 : memref<1x!tpu.dma_semaphore, #tpu.memory_space<semaphore_mem>> -> memref<!tpu.dma_semaphore, #tpu.memory_space<semaphore_mem>>
      tpu.wait_indirect_dma semaphore(%dma_wait3A_244 : memref<!tpu.dma_semaphore, #tpu.memory_space<semaphore_mem>>) src(%dma_wait3A_236 : memref<128x128xf32, #tpu.memory_space<vmem>>) dst(%dma_wait3A_242 : memref<10112x128xf32, #tpu.memory_space<vmem_shared>>)
      %dma_wait3A_245 = arith.constant 1 : i32
      %dma_wait3A_246 = arith.constant 39 : i32
      %dma_wait3A_247 = arith.constant 1 : i32
      %dma_wait3A_248 = arith.constant 0 : i32
      %dma_wait3A_249 = arith.constant 0 : i32
      %dma_wait3A_250 = tpu.memref_slice %arg11[%dma_wait3A_245, %dma_wait3A_248, %dma_wait3A_249] : memref<2x128x128xf32, #tpu.memory_space<vmem>> -> memref<1x128x128xf32, #tpu.memory_space<vmem>>
      %dma_wait3A_251 = tpu.memref_squeeze %dma_wait3A_250 : memref<1x128x128xf32, #tpu.memory_space<vmem>> -> memref<128x128xf32, #tpu.memory_space<vmem>>
      %dma_wait3A_252 = arith.constant 0 : i32
      %dma_wait3A_253 = tpu.memref_slice %arg10[%dma_wait3A_246, %dma_wait3A_252] : memref<40x128xi32, #tpu.memory_space<vmem>> -> memref<1x128xi32, #tpu.memory_space<vmem>>
      %dma_wait3A_254 = tpu.memref_squeeze %dma_wait3A_253 : memref<1x128xi32, #tpu.memory_space<vmem>> -> memref<128xi32, #tpu.memory_space<vmem>>
      %dma_wait3A_255 = arith.constant 0 : i32
      %dma_wait3A_256 = arith.constant 0 : i32
      %dma_wait3A_257 = tpu.memref_slice %arg8[%dma_wait3A_255, %dma_wait3A_256] : memref<10112x128xf32, #tpu.memory_space<vmem_shared>> -> memref<10112x128xf32, #tpu.memory_space<vmem_shared>>
      %dma_wait3A_258 = tpu.memref_slice %arg13[%dma_wait3A_247] : memref<2x!tpu.dma_semaphore, #tpu.memory_space<semaphore_mem>> -> memref<1x!tpu.dma_semaphore, #tpu.memory_space<semaphore_mem>>
      %dma_wait3A_259 = tpu.memref_squeeze %dma_wait3A_258 : memref<1x!tpu.dma_semaphore, #tpu.memory_space<semaphore_mem>> -> memref<!tpu.dma_semaphore, #tpu.memory_space<semaphore_mem>>
      tpu.wait_indirect_dma semaphore(%dma_wait3A_259 : memref<!tpu.dma_semaphore, #tpu.memory_space<semaphore_mem>>) src(%dma_wait3A_251 : memref<128x128xf32, #tpu.memory_space<vmem>>) dst(%dma_wait3A_257 : memref<10112x128xf32, #tpu.memory_space<vmem_shared>>)
      %barrier3A_260 = arith.constant 0 : index
      tpu.barrier barrier_id(%barrier3A_260)
      %run_scoped3A = arith.constant 1 : i32
      "tpu.region"() ({
        %run_scoped3A_261 = tpu.sem_alloc : memref<!tpu.dma_semaphore, #tpu.memory_space<semaphore_mem>>
        %dma_start3A_262 = arith.constant 0 : i32
        %dma_start3A_263 = arith.constant 0 : i32
        %dma_start3A_264 = tpu.memref_slice %arg7[%run_scoped3A, %dma_start3A_262, %dma_start3A_263] : memref<2x10112x128xf32, #tpu.memory_space<hbm>> -> memref<1x10112x128xf32, #tpu.memory_space<hbm>>
        %dma_start3A_265 = tpu.memref_squeeze %dma_start3A_264 : memref<1x10112x128xf32, #tpu.memory_space<hbm>> -> memref<10112x128xf32, #tpu.memory_space<hbm>>
        %dma_start3A_266 = arith.constant 0 : i32
        %dma_start3A_267 = tpu.memref_slice %dma_start3A_265[%mul3A_0, %dma_start3A_266] : memref<10112x128xf32, #tpu.memory_space<hbm>> -> memref<632x128xf32, #tpu.memory_space<hbm>>
        %dma_start3A_268 = arith.constant 0 : i32
        %dma_start3A_269 = tpu.memref_slice %arg8[%mul3A_0, %dma_start3A_268] : memref<10112x128xf32, #tpu.memory_space<vmem_shared>> -> memref<632x128xf32, #tpu.memory_space<vmem_shared>>
        tpu.enqueue_dma source(%dma_start3A_269 : memref<632x128xf32, #tpu.memory_space<vmem_shared>>) target(%dma_start3A_267 : memref<632x128xf32, #tpu.memory_space<hbm>>) target_semaphore(%run_scoped3A_261 : memref<!tpu.dma_semaphore, #tpu.memory_space<semaphore_mem>>)
        %dma_wait3A_270 = arith.constant 0 : i32
        %dma_wait3A_271 = arith.constant 0 : i32
        %dma_wait3A_272 = tpu.memref_slice %arg7[%run_scoped3A, %dma_wait3A_270, %dma_wait3A_271] : memref<2x10112x128xf32, #tpu.memory_space<hbm>> -> memref<1x10112x128xf32, #tpu.memory_space<hbm>>
        %dma_wait3A_273 = tpu.memref_squeeze %dma_wait3A_272 : memref<1x10112x128xf32, #tpu.memory_space<hbm>> -> memref<10112x128xf32, #tpu.memory_space<hbm>>
        %dma_wait3A_274 = arith.constant 0 : i32
        %dma_wait3A_275 = tpu.memref_slice %dma_wait3A_273[%mul3A_0, %dma_wait3A_274] : memref<10112x128xf32, #tpu.memory_space<hbm>> -> memref<632x128xf32, #tpu.memory_space<hbm>>
        %dma_wait3A_276 = arith.constant 0 : i32
        %dma_wait3A_277 = tpu.memref_slice %arg8[%mul3A_0, %dma_wait3A_276] : memref<10112x128xf32, #tpu.memory_space<vmem_shared>> -> memref<632x128xf32, #tpu.memory_space<vmem_shared>>
        tpu.wait_dma2 semaphore(%run_scoped3A_261 : memref<!tpu.dma_semaphore, #tpu.memory_space<semaphore_mem>>) src(%dma_wait3A_277 : memref<632x128xf32, #tpu.memory_space<vmem_shared>>) dst(%dma_wait3A_275 : memref<632x128xf32, #tpu.memory_space<hbm>>)
        tpu.yield
      }) : () -> ()
    } else {
    }
    return
  }
}

module attributes {stable_mosaic.version = 14 : i64} {
  func.func @_tc_matmul_body(%arg0: i32, %arg1: i32, %arg2: memref<1000x256xf32, #tpu.memory_space<vmem>>, %arg3: memref<256x128xf32, #tpu.memory_space<vmem>>, %arg4: memref<1x1000x128xf32, #tpu.memory_space<vmem>>) attributes {dimension_semantics = [#tpu.dimension_semantics<arbitrary>, #tpu.dimension_semantics<arbitrary>], iteration_bounds = array<i64: 2, 10>, scalar_prefetch = 0 : i64, scratch_operands = 0 : i64, tpu.core_type = #tpu.core_type<tc>, window_params = [{transform_indices = @transform_0, window_bounds = array<i64: 1000, 256>}, {transform_indices = @transform_1, window_bounds = array<i64: 256, 128>}, {transform_indices = @transform_2, window_bounds = array<i64: 1, 1000, 128>}]} {
    %get3A = arith.constant 0 : index
    %get3A_0 = arith.constant 0 : index
    %get3A_1 = vector.load %arg2[%get3A, %get3A_0] : memref<1000x256xf32, #tpu.memory_space<vmem>>, vector<1000x256xf32>
    %get3A_2 = arith.constant 0 : index
    %get3A_3 = arith.constant 0 : index
    %get3A_4 = vector.load %arg3[%get3A_2, %get3A_3] : memref<256x128xf32, #tpu.memory_space<vmem>>, vector<256x128xf32>
    %dot_general3A = arith.constant dense<0.000000e+00> : vector<1000x128xf32>
    %dot_general3A_5 = tpu.matmul %get3A_1, %get3A_4, %dot_general3A {dimension_numbers = #tpu.dot_dimension_numbers<[1], [0], [0], [1], [0, 0, 1, 1], [], []>, transpose_lhs_hint = false} : vector<1000x256xf32>, vector<256x128xf32>, vector<1000x128xf32> -> vector<1000x128xf32>
    %broadcast_in_dim3A = vector.shape_cast %dot_general3A_5 : vector<1000x128xf32> to vector<1x1000x128xf32>
    %swap3A = arith.constant 0 : index
    %swap3A_6 = arith.constant 0 : index
    %swap3A_7 = arith.constant 0 : index
    %swap3A_8 = vector.load %arg4[%swap3A, %swap3A_6, %swap3A_7] : memref<1x1000x128xf32, #tpu.memory_space<vmem>>, vector<1x1000x128xf32>
    tpu.vector_store %arg4[%swap3A, %swap3A_6, %swap3A_7], %broadcast_in_dim3A {strides = array<i32>} : memref<1x1000x128xf32, #tpu.memory_space<vmem>>, vector<1x1000x128xf32>,
    return
  }
  func.func @transform_0(%arg0: i32, %arg1: i32) -> (i32, i32) {
    %c0_i32 = arith.constant 0 : i32
    %c0_i32_0 = arith.constant 0 : i32
    return %arg1, %c0_i32 : i32, i32
  }
  func.func @transform_1(%arg0: i32, %arg1: i32) -> (i32, i32) {
    %c0_i32 = arith.constant 0 : i32
    %c0_i32_0 = arith.constant 0 : i32
    return %c0_i32, %arg0 : i32, i32
  }
  func.func @transform_2(%arg0: i32, %arg1: i32) -> (i32, i32, i32) {
    %c0_i32 = arith.constant 0 : i32
    %c0_i32_0 = arith.constant 0 : i32
    return %arg0, %arg1, %c0_i32 : i32, i32, i32
  }
}

module attributes {stable_mosaic.version = 14 : i64} {
  func.func @_tc_scale_body(%arg0: i32, %arg1: i32, %arg2: memref<1x1000x128xf32, #tpu.memory_space<vmem>>, %arg3: memref<1000x128xf32, #tpu.memory_space<vmem>>, %arg4: memref<1000x128xf32, #tpu.memory_space<vmem>>, %arg5: memref<1x1000x128xf32, #tpu.memory_space<vmem>>) attributes {dimension_semantics = [#tpu.dimension_semantics<arbitrary>, #tpu.dimension_semantics<arbitrary>], iteration_bounds = array<i64: 2, 10>, scalar_prefetch = 0 : i64, scratch_operands = 0 : i64, tpu.core_type = #tpu.core_type<tc>, window_params = [{transform_indices = @transform_0, window_bounds = array<i64: 1, 1000, 128>}, {transform_indices = @transform_1, window_bounds = array<i64: 1000, 128>}, {transform_indices = @transform_2, window_bounds = array<i64: 1000, 128>}, {transform_indices = @transform_3, window_bounds = array<i64: 1, 1000, 128>}]} {
    %get3A = arith.constant 0 : index
    %get3A_0 = arith.constant 0 : index
    %get3A_1 = vector.load %arg3[%get3A, %get3A_0] : memref<1000x128xf32, #tpu.memory_space<vmem>>, vector<1000x128xf32>
    %get3A_2 = arith.constant 0 : index
    %get3A_3 = arith.constant 0 : index
    %get3A_4 = vector.load %arg4[%get3A_2, %get3A_3] : memref<1000x128xf32, #tpu.memory_space<vmem>>, vector<1000x128xf32>
    %add3A = arith.addf %get3A_1, %get3A_4 : vector<1000x128xf32>
    %add3A_5 = arith.constant 1.000000e+00 : f32
    %add3A_6 = vector.broadcast %add3A_5 : f32 to vector<1000x128xf32>
    %add3A_7 = arith.addf %add3A, %add3A_6 : vector<1000x128xf32>
    %slice3A = vector.extract_strided_slice %add3A_7 {offsets = [0, 0], sizes = [1000, 1], strides = [1, 1]} : vector<1000x128xf32> to vector<1000x1xf32>
    %max3A = arith.constant 9.99999996E-13 : f32
    %max3A_8 = vector.broadcast %max3A : f32 to vector<1000x1xf32>
    %max3A_9 = arith.maximumf %slice3A, %max3A_8 : vector<1000x1xf32>
    %rsqrt3A = math.rsqrt %max3A_9 : vector<1000x1xf32>
    %get3A_10 = arith.constant 0 : index
    %get3A_11 = arith.constant 0 : index
    %get3A_12 = arith.constant 0 : index
    %get3A_13 = vector.load %arg2[%get3A_10, %get3A_11, %get3A_12] : memref<1x1000x128xf32, #tpu.memory_space<vmem>>, vector<1x1000x128xf32>
    %get3A_14 = vector.shape_cast %get3A_13 : vector<1x1000x128xf32> to vector<1000x128xf32>
    %mul3A = vector.broadcast %rsqrt3A : vector<1000x1xf32> to vector<1000x128xf32>
    %mul3A_15 = arith.mulf %mul3A, %get3A_14 : vector<1000x128xf32>
    %broadcast_in_dim3A = vector.shape_cast %mul3A_15 : vector<1000x128xf32> to vector<1x1000x128xf32>
    %swap3A = arith.constant 0 : index
    %swap3A_16 = arith.constant 0 : index
    %swap3A_17 = arith.constant 0 : index
    %swap3A_18 = vector.load %arg5[%swap3A, %swap3A_16, %swap3A_17] : memref<1x1000x128xf32, #tpu.memory_space<vmem>>, vector<1x1000x128xf32>
    tpu.vector_store %arg5[%swap3A, %swap3A_16, %swap3A_17], %broadcast_in_dim3A {strides = array<i32>} : memref<1x1000x128xf32, #tpu.memory_space<vmem>>, vector<1x1000x128xf32>,
    return
  }
  func.func @transform_0(%arg0: i32, %arg1: i32) -> (i32, i32, i32) {
    %c0_i32 = arith.constant 0 : i32
    %c0_i32_0 = arith.constant 0 : i32
    return %arg0, %arg1, %c0_i32 : i32, i32, i32
  }
  func.func @transform_1(%arg0: i32, %arg1: i32) -> (i32, i32) {
    %c0_i32 = arith.constant 0 : i32
    %c0_i32_0 = arith.constant 0 : i32
    return %arg1, %c0_i32 : i32, i32
  }
  func.func @transform_2(%arg0: i32, %arg1: i32) -> (i32, i32) {
    %c0_i32 = arith.constant 0 : i32
    %c0_i32_0 = arith.constant 0 : i32
    return %arg1, %c0_i32 : i32, i32
  }
  func.func @transform_3(%arg0: i32, %arg1: i32) -> (i32, i32, i32) {
    %c0_i32 = arith.constant 0 : i32
    %c0_i32_0 = arith.constant 0 : i32
    return %arg0, %arg1, %c0_i32 : i32, i32, i32
  }
}

module attributes {stable_mosaic.version = 14 : i64} {
  func.func @_tc_activate_body(%arg0: i32, %arg1: i32, %arg2: memref<1x1000x128xf32, #tpu.memory_space<vmem>>, %arg3: memref<1x1000x128xf32, #tpu.memory_space<vmem>>, %arg4: memref<1000x128xf32, #tpu.memory_space<vmem>>, %arg5: memref<1000x128xf32, #tpu.memory_space<vmem>>, %arg6: memref<1x1x128xf32, #tpu.memory_space<vmem>>, %arg7: memref<1x1000x128xf32, #tpu.memory_space<vmem>>) attributes {dimension_semantics = [#tpu.dimension_semantics<arbitrary>, #tpu.dimension_semantics<arbitrary>], iteration_bounds = array<i64: 2, 10>, scalar_prefetch = 0 : i64, scratch_operands = 0 : i64, tpu.core_type = #tpu.core_type<tc>, window_params = [{transform_indices = @transform_0, window_bounds = array<i64: 1, 1000, 128>}, {transform_indices = @transform_1, window_bounds = array<i64: 1, 1000, 128>}, {transform_indices = @transform_2, window_bounds = array<i64: 1000, 128>}, {transform_indices = @transform_3, window_bounds = array<i64: 1000, 128>}, {transform_indices = @transform_4, window_bounds = array<i64: 1, 1, 128>}, {transform_indices = @transform_5, window_bounds = array<i64: 1, 1000, 128>}]} {
    %get3A = arith.constant 0 : index
    %get3A_0 = arith.constant 0 : index
    %get3A_1 = vector.load %arg4[%get3A, %get3A_0] : memref<1000x128xf32, #tpu.memory_space<vmem>>, vector<1000x128xf32>
    %get3A_2 = arith.constant 0 : index
    %get3A_3 = arith.constant 0 : index
    %get3A_4 = vector.load %arg5[%get3A_2, %get3A_3] : memref<1000x128xf32, #tpu.memory_space<vmem>>, vector<1000x128xf32>
    %add3A = arith.addf %get3A_1, %get3A_4 : vector<1000x128xf32>
    %add3A_5 = arith.constant 1.000000e+00 : f32
    %add3A_6 = vector.broadcast %add3A_5 : f32 to vector<1000x128xf32>
    %add3A_7 = arith.addf %add3A, %add3A_6 : vector<1000x128xf32>
    %slice3A = vector.extract_strided_slice %add3A_7 {offsets = [0, 0], sizes = [1000, 1], strides = [1, 1]} : vector<1000x128xf32> to vector<1000x1xf32>
    %max3A = arith.constant 9.99999996E-13 : f32
    %max3A_8 = vector.broadcast %max3A : f32 to vector<1000x1xf32>
    %max3A_9 = arith.maximumf %slice3A, %max3A_8 : vector<1000x1xf32>
    %rsqrt3A = math.rsqrt %max3A_9 : vector<1000x1xf32>
    %get3A_10 = arith.constant 0 : index
    %get3A_11 = arith.constant 0 : index
    %get3A_12 = arith.constant 0 : index
    %get3A_13 = vector.load %arg2[%get3A_10, %get3A_11, %get3A_12] : memref<1x1000x128xf32, #tpu.memory_space<vmem>>, vector<1x1000x128xf32>
    %get3A_14 = vector.shape_cast %get3A_13 : vector<1x1000x128xf32> to vector<1000x128xf32>
    %get3A_15 = arith.constant 0 : index
    %get3A_16 = arith.constant 0 : index
    %get3A_17 = arith.constant 0 : index
    %get3A_18 = vector.load %arg3[%get3A_15, %get3A_16, %get3A_17] : memref<1x1000x128xf32, #tpu.memory_space<vmem>>, vector<1x1000x128xf32>
    %get3A_19 = vector.shape_cast %get3A_18 : vector<1x1000x128xf32> to vector<1000x128xf32>
    %add3A_20 = arith.addf %get3A_14, %get3A_19 : vector<1000x128xf32>
    %mul3A = vector.broadcast %rsqrt3A : vector<1000x1xf32> to vector<1000x128xf32>
    %mul3A_21 = arith.mulf %mul3A, %add3A_20 : vector<1000x128xf32>
    %get3A_22 = arith.constant 0 : index
    %get3A_23 = arith.constant 0 : index
    %get3A_24 = arith.constant 0 : index
    %get3A_25 = vector.load %arg6[%get3A_22, %get3A_23, %get3A_24] : memref<1x1x128xf32, #tpu.memory_space<vmem>>, vector<1x1x128xf32>
    %get3A_26 = vector.shape_cast %get3A_25 : vector<1x1x128xf32> to vector<1x128xf32>
    %add3A_27 = vector.broadcast %get3A_26 : vector<1x128xf32> to vector<1000x128xf32>
    %add3A_28 = arith.addf %mul3A_21, %add3A_27 : vector<1000x128xf32>
    %gt3A = arith.constant 0.000000e+00 : f32
    %gt3A_29 = vector.broadcast %gt3A : f32 to vector<1000x128xf32>
    %gt3A_30 = arith.cmpf ogt, %add3A_28, %gt3A_29 : vector<1000x128xf32>
    %mul3A_31 = arith.constant 0.00999999977 : f32
    %mul3A_32 = vector.broadcast %mul3A_31 : f32 to vector<1000x128xf32>
    %mul3A_33 = arith.mulf %mul3A_32, %add3A_28 : vector<1000x128xf32>
    %select_n3A = arith.select %gt3A_30, %add3A_28, %mul3A_33 : vector<1000x128xi1>, vector<1000x128xf32>
    %mul3A_34 = vector.broadcast %rsqrt3A : vector<1000x1xf32> to vector<1000x128xf32>
    %mul3A_35 = arith.mulf %mul3A_34, %select_n3A : vector<1000x128xf32>
    %broadcast_in_dim3A = vector.shape_cast %mul3A_35 : vector<1000x128xf32> to vector<1x1000x128xf32>
    %swap3A = arith.constant 0 : index
    %swap3A_36 = arith.constant 0 : index
    %swap3A_37 = arith.constant 0 : index
    %swap3A_38 = vector.load %arg7[%swap3A, %swap3A_36, %swap3A_37] : memref<1x1000x128xf32, #tpu.memory_space<vmem>>, vector<1x1000x128xf32>
    tpu.vector_store %arg7[%swap3A, %swap3A_36, %swap3A_37], %broadcast_in_dim3A {strides = array<i32>} : memref<1x1000x128xf32, #tpu.memory_space<vmem>>, vector<1x1000x128xf32>,
    return
  }
  func.func @transform_0(%arg0: i32, %arg1: i32) -> (i32, i32, i32) {
    %c0_i32 = arith.constant 0 : i32
    %c0_i32_0 = arith.constant 0 : i32
    return %arg0, %arg1, %c0_i32 : i32, i32, i32
  }
  func.func @transform_1(%arg0: i32, %arg1: i32) -> (i32, i32, i32) {
    %c0_i32 = arith.constant 0 : i32
    %c0_i32_0 = arith.constant 0 : i32
    return %arg0, %arg1, %c0_i32 : i32, i32, i32
  }
  func.func @transform_2(%arg0: i32, %arg1: i32) -> (i32, i32) {
    %c0_i32 = arith.constant 0 : i32
    %c0_i32_0 = arith.constant 0 : i32
    return %arg1, %c0_i32 : i32, i32
  }
  func.func @transform_3(%arg0: i32, %arg1: i32) -> (i32, i32) {
    %c0_i32 = arith.constant 0 : i32
    %c0_i32_0 = arith.constant 0 : i32
    return %arg1, %c0_i32 : i32, i32
  }
  func.func @transform_4(%arg0: i32, %arg1: i32) -> (i32, i32, i32) {
    %c0_i32 = arith.constant 0 : i32
    %c0_i32_0 = arith.constant 0 : i32
    %c0_i32_1 = arith.constant 0 : i32
    return %arg0, %c0_i32, %c0_i32_0 : i32, i32, i32
  }
  func.func @transform_5(%arg0: i32, %arg1: i32) -> (i32, i32, i32) {
    %c0_i32 = arith.constant 0 : i32
    %c0_i32_0 = arith.constant 0 : i32
    return %arg0, %arg1, %c0_i32 : i32, i32, i32
  }
}

module attributes {stable_mosaic.version = 14 : i64} {
  func.func @_tc_final_body(%arg0: i32, %arg1: memref<1000x128xf32, #tpu.memory_space<vmem>>, %arg2: memref<1000x128xf32, #tpu.memory_space<vmem>>, %arg3: memref<1000x128xf32, #tpu.memory_space<vmem>>, %arg4: memref<1000x128xf32, #tpu.memory_space<vmem>>, %arg5: memref<1000x128xf32, #tpu.memory_space<vmem>>, %arg6: memref<1000x128xf32, #tpu.memory_space<vmem>>, %arg7: memref<256x128xf32, #tpu.memory_space<vmem>>, %arg8: memref<256x128xf32, #tpu.memory_space<vmem>>, %arg9: memref<1x128xf32, #tpu.memory_space<vmem>>, %arg10: memref<1x128xf32, #tpu.memory_space<vmem>>, %arg11: memref<1000x128xf32, #tpu.memory_space<vmem>>, %arg12: memref<1000x128xf32, #tpu.memory_space<vmem>>) attributes {dimension_semantics = [#tpu.dimension_semantics<arbitrary>], iteration_bounds = array<i64: 10>, scalar_prefetch = 0 : i64, scratch_operands = 0 : i64, tpu.core_type = #tpu.core_type<tc>, window_params = [{transform_indices = @transform_0, window_bounds = array<i64: 1000, 128>}, {transform_indices = @transform_1, window_bounds = array<i64: 1000, 128>}, {transform_indices = @transform_2, window_bounds = array<i64: 1000, 128>}, {transform_indices = @transform_3, window_bounds = array<i64: 1000, 128>}, {transform_indices = @transform_4, window_bounds = array<i64: 1000, 128>}, {transform_indices = @transform_5, window_bounds = array<i64: 1000, 128>}, {pipeline_mode = #tpu.pipeline_mode<synchronous>, transform_indices = @transform_6, window_bounds = array<i64: 256, 128>}, {pipeline_mode = #tpu.pipeline_mode<synchronous>, transform_indices = @transform_7, window_bounds = array<i64: 256, 128>}, {pipeline_mode = #tpu.pipeline_mode<synchronous>, transform_indices = @transform_8, window_bounds = array<i64: 1, 128>}, {pipeline_mode = #tpu.pipeline_mode<synchronous>, transform_indices = @transform_9, window_bounds = array<i64: 1, 128>}, {transform_indices = @transform_10, window_bounds = array<i64: 1000, 128>}, {transform_indices = @transform_11, window_bounds = array<i64: 1000, 128>}]} {
    %get3A = arith.constant 0 : index
    %get3A_0 = arith.constant 0 : index
    %get3A_1 = vector.load %arg5[%get3A, %get3A_0] : memref<1000x128xf32, #tpu.memory_space<vmem>>, vector<1000x128xf32>
    %get3A_2 = arith.constant 0 : index
    %get3A_3 = arith.constant 0 : index
    %get3A_4 = vector.load %arg6[%get3A_2, %get3A_3] : memref<1000x128xf32, #tpu.memory_space<vmem>>, vector<1000x128xf32>
    %add3A = arith.addf %get3A_1, %get3A_4 : vector<1000x128xf32>
    %add3A_5 = arith.constant 1.000000e+00 : f32
    %add3A_6 = vector.broadcast %add3A_5 : f32 to vector<1000x128xf32>
    %add3A_7 = arith.addf %add3A, %add3A_6 : vector<1000x128xf32>
    %slice3A = vector.extract_strided_slice %add3A_7 {offsets = [0, 0], sizes = [1000, 1], strides = [1, 1]} : vector<1000x128xf32> to vector<1000x1xf32>
    %max3A = arith.constant 9.99999996E-13 : f32
    %max3A_8 = vector.broadcast %max3A : f32 to vector<1000x1xf32>
    %max3A_9 = arith.maximumf %slice3A, %max3A_8 : vector<1000x1xf32>
    %rsqrt3A = math.rsqrt %max3A_9 : vector<1000x1xf32>
    %get3A_10 = arith.constant 0 : index
    %get3A_11 = arith.constant 0 : index
    %get3A_12 = vector.load %arg1[%get3A_10, %get3A_11] : memref<1000x128xf32, #tpu.memory_space<vmem>>, vector<1000x128xf32>
    %get3A_13 = arith.constant 0 : index
    %get3A_14 = arith.constant 0 : index
    %get3A_15 = vector.load %arg3[%get3A_13, %get3A_14] : memref<1000x128xf32, #tpu.memory_space<vmem>>, vector<1000x128xf32>
    %add3A_16 = arith.addf %get3A_12, %get3A_15 : vector<1000x128xf32>
    %mul3A = vector.broadcast %rsqrt3A : vector<1000x1xf32> to vector<1000x128xf32>
    %mul3A_17 = arith.mulf %mul3A, %add3A_16 : vector<1000x128xf32>
    %get3A_18 = arith.constant 0 : index
    %get3A_19 = arith.constant 0 : index
    %get3A_20 = vector.load %arg2[%get3A_18, %get3A_19] : memref<1000x128xf32, #tpu.memory_space<vmem>>, vector<1000x128xf32>
    %get3A_21 = arith.constant 0 : index
    %get3A_22 = arith.constant 0 : index
    %get3A_23 = vector.load %arg4[%get3A_21, %get3A_22] : memref<1000x128xf32, #tpu.memory_space<vmem>>, vector<1000x128xf32>
    %add3A_24 = arith.addf %get3A_20, %get3A_23 : vector<1000x128xf32>
    %mul3A_25 = vector.broadcast %rsqrt3A : vector<1000x1xf32> to vector<1000x128xf32>
    %mul3A_26 = arith.mulf %mul3A_25, %add3A_24 : vector<1000x128xf32>
    %get3A_27 = arith.constant 0 : index
    %get3A_28 = arith.constant 0 : index
    %get3A_29 = vector.load %arg7[%get3A_27, %get3A_28] : memref<256x128xf32, #tpu.memory_space<vmem>>, vector<128x128xf32>
    %dot_general3A = arith.constant dense<0.000000e+00> : vector<1000x128xf32>
    %dot_general3A_30 = tpu.matmul %mul3A_17, %get3A_29, %dot_general3A {dimension_numbers = #tpu.dot_dimension_numbers<[1], [0], [0], [1], [0, 0, 1, 1], [], []>, transpose_lhs_hint = false} : vector<1000x128xf32>, vector<128x128xf32>, vector<1000x128xf32> -> vector<1000x128xf32>
    %get3A_31 = arith.constant 128 : index
    %get3A_32 = arith.constant 0 : index
    %get3A_33 = vector.load %arg7[%get3A_31, %get3A_32] : memref<256x128xf32, #tpu.memory_space<vmem>>, vector<128x128xf32>
    %dot_general3A_34 = arith.constant dense<0.000000e+00> : vector<1000x128xf32>
    %dot_general3A_35 = tpu.matmul %mul3A_26, %get3A_33, %dot_general3A_34 {dimension_numbers = #tpu.dot_dimension_numbers<[1], [0], [0], [1], [0, 0, 1, 1], [], []>, transpose_lhs_hint = false} : vector<1000x128xf32>, vector<128x128xf32>, vector<1000x128xf32> -> vector<1000x128xf32>
    %add3A_36 = arith.addf %dot_general3A_30, %dot_general3A_35 : vector<1000x128xf32>
    %get3A_37 = arith.constant 0 : index
    %get3A_38 = arith.constant 0 : index
    %get3A_39 = vector.load %arg9[%get3A_37, %get3A_38] : memref<1x128xf32, #tpu.memory_space<vmem>>, vector<1x128xf32>
    %add3A_40 = vector.broadcast %get3A_39 : vector<1x128xf32> to vector<1000x128xf32>
    %add3A_41 = arith.addf %add3A_36, %add3A_40 : vector<1000x128xf32>
    %swap3A = arith.constant 0 : index
    %swap3A_42 = arith.constant 0 : index
    %swap3A_43 = vector.load %arg11[%swap3A, %swap3A_42] : memref<1000x128xf32, #tpu.memory_space<vmem>>, vector<1000x128xf32>
    tpu.vector_store %arg11[%swap3A, %swap3A_42], %add3A_41 {strides = array<i32>} : memref<1000x128xf32, #tpu.memory_space<vmem>>, vector<1000x128xf32>,
    %get3A_44 = arith.constant 0 : index
    %get3A_45 = arith.constant 0 : index
    %get3A_46 = vector.load %arg8[%get3A_44, %get3A_45] : memref<256x128xf32, #tpu.memory_space<vmem>>, vector<128x128xf32>
    %dot_general3A_47 = arith.constant dense<0.000000e+00> : vector<1000x128xf32>
    %dot_general3A_48 = tpu.matmul %mul3A_17, %get3A_46, %dot_general3A_47 {dimension_numbers = #tpu.dot_dimension_numbers<[1], [0], [0], [1], [0, 0, 1, 1], [], []>, transpose_lhs_hint = false} : vector<1000x128xf32>, vector<128x128xf32>, vector<1000x128xf32> -> vector<1000x128xf32>
    %get3A_49 = arith.constant 128 : index
    %get3A_50 = arith.constant 0 : index
    %get3A_51 = vector.load %arg8[%get3A_49, %get3A_50] : memref<256x128xf32, #tpu.memory_space<vmem>>, vector<128x128xf32>
    %dot_general3A_52 = arith.constant dense<0.000000e+00> : vector<1000x128xf32>
    %dot_general3A_53 = tpu.matmul %mul3A_26, %get3A_51, %dot_general3A_52 {dimension_numbers = #tpu.dot_dimension_numbers<[1], [0], [0], [1], [0, 0, 1, 1], [], []>, transpose_lhs_hint = false} : vector<1000x128xf32>, vector<128x128xf32>, vector<1000x128xf32> -> vector<1000x128xf32>
    %add3A_54 = arith.addf %dot_general3A_48, %dot_general3A_53 : vector<1000x128xf32>
    %get3A_55 = arith.constant 0 : index
    %get3A_56 = arith.constant 0 : index
    %get3A_57 = vector.load %arg10[%get3A_55, %get3A_56] : memref<1x128xf32, #tpu.memory_space<vmem>>, vector<1x128xf32>
    %add3A_58 = vector.broadcast %get3A_57 : vector<1x128xf32> to vector<1000x128xf32>
    %add3A_59 = arith.addf %add3A_54, %add3A_58 : vector<1000x128xf32>
    %swap3A_60 = arith.constant 0 : index
    %swap3A_61 = arith.constant 0 : index
    %swap3A_62 = vector.load %arg12[%swap3A_60, %swap3A_61] : memref<1000x128xf32, #tpu.memory_space<vmem>>, vector<1000x128xf32>
    tpu.vector_store %arg12[%swap3A_60, %swap3A_61], %add3A_59 {strides = array<i32>} : memref<1000x128xf32, #tpu.memory_space<vmem>>, vector<1000x128xf32>,
    return
  }
  func.func @transform_0(%arg0: i32) -> (i32, i32) {
    %c0_i32 = arith.constant 0 : i32
    %c0_i32_0 = arith.constant 0 : i32
    return %arg0, %c0_i32 : i32, i32
  }
  func.func @transform_1(%arg0: i32) -> (i32, i32) {
    %c0_i32 = arith.constant 0 : i32
    %c0_i32_0 = arith.constant 0 : i32
    return %arg0, %c0_i32 : i32, i32
  }
  func.func @transform_2(%arg0: i32) -> (i32, i32) {
    %c0_i32 = arith.constant 0 : i32
    %c0_i32_0 = arith.constant 0 : i32
    return %arg0, %c0_i32 : i32, i32
  }
  func.func @transform_3(%arg0: i32) -> (i32, i32) {
    %c0_i32 = arith.constant 0 : i32
    %c0_i32_0 = arith.constant 0 : i32
    return %arg0, %c0_i32 : i32, i32
  }
  func.func @transform_4(%arg0: i32) -> (i32, i32) {
    %c0_i32 = arith.constant 0 : i32
    %c0_i32_0 = arith.constant 0 : i32
    return %arg0, %c0_i32 : i32, i32
  }
  func.func @transform_5(%arg0: i32) -> (i32, i32) {
    %c0_i32 = arith.constant 0 : i32
    %c0_i32_0 = arith.constant 0 : i32
    return %arg0, %c0_i32 : i32, i32
  }
  func.func @transform_6(%arg0: i32) -> (i32, i32) {
    %c0_i32 = arith.constant 0 : i32
    %c0_i32_0 = arith.constant 0 : i32
    %c0_i32_1 = arith.constant 0 : i32
    return %c0_i32, %c0_i32_0 : i32, i32
  }
  func.func @transform_7(%arg0: i32) -> (i32, i32) {
    %c0_i32 = arith.constant 0 : i32
    %c0_i32_0 = arith.constant 0 : i32
    %c0_i32_1 = arith.constant 0 : i32
    return %c0_i32, %c0_i32_0 : i32, i32
  }
  func.func @transform_8(%arg0: i32) -> (i32, i32) {
    %c0_i32 = arith.constant 0 : i32
    %c0_i32_0 = arith.constant 0 : i32
    %c0_i32_1 = arith.constant 0 : i32
    return %c0_i32, %c0_i32_0 : i32, i32
  }
  func.func @transform_9(%arg0: i32) -> (i32, i32) {
    %c0_i32 = arith.constant 0 : i32
    %c0_i32_0 = arith.constant 0 : i32
    %c0_i32_1 = arith.constant 0 : i32
    return %c0_i32, %c0_i32_0 : i32, i32
  }
  func.func @transform_10(%arg0: i32) -> (i32, i32) {
    %c0_i32 = arith.constant 0 : i32
    %c0_i32_0 = arith.constant 0 : i32
    return %arg0, %c0_i32 : i32, i32
  }
  func.func @transform_11(%arg0: i32) -> (i32, i32) {
    %c0_i32 = arith.constant 0 : i32
    %c0_i32_0 = arith.constant 0 : i32
    return %arg0, %c0_i32 : i32, i32
  }
}

</mosaic_0001>

<sc_bundles>
// kernel: kernel.12.cloned.1.call-start
scs
__scs_entry_jumppad:
0x0: {  	(pc) =	sbr.rel $0x88, $3  }
0x1: {  	(tag) =	ssettag $0x0;
	lr =	simm.s32 $0x1  }
0x2: {  	[smem:$0x3F99] =	sst lr;
	_ =	strace $0xD0000000  }
0x3: {  	_ = 	snop  }
0x4: {  	_ = 	snop  }
0x5: {  	_ = 	snop  }
0x6: {  	_ = 	snop  }
0x7: {  	_ = 	snop  }
__scs_overlays_trampoline_lowered:
0x8: {  	[smem:$0x3FA8] =	sst s0  }
0x9: {  	[smem:$0x3FA9] =	sst s1  }
0xa: {  	[smem:$0x3FAA] =	sst s2  }
0xb: {  	[smem:$0x3FAB] =	sst s3  }
0xc: {  	[smem:$0x3FAC] =	sst s4  }
0xd: {  	[smem:$0x3FAD] =	sst s5  }
0xe: {  	[smem:$0x3FAE] =	sst s6  }
0xf: {  	[smem:$0x3FAF] =	sst s7  }
0x10: {  	[smem:$0x3FB0] =	sst s8  }
0x11: {  	[smem:$0x3FB1] =	sst s9;
	s0 =	simm.s32 @!p0 $0x0  }
0x12: {  	s1 =	sld [smem:$0x3F97];
	s0 =	simm.s32 @p0 $0x1  }
0x13: {  	[smem:$0x3FB2] =	sst s0;
	s0 =	simm.s32 @!p1 $0x0  }
0x14: {  	s2 =	sld [smem:$0x3F96];
	s0 =	simm.s32 @p1 $0x1  }
0x15: {  	[smem:$0x3FB3] =	sst s0;
	s0 =	simm.s32 @!p2 $0x0  }
0x16: {  	s3 =	sld [smem:$0x3FDB];
	s0 =	simm.s32 @p2 $0x1  }
0x17: {  	s4 =	simm.s32 $0x1BF5;
	[smem:$0x3FB5] =	sst s0  }
0x18: {  	s0 =	sld [smem:$0x3F98];
	_ =	swait.ge [sflag:s4], $0x0  }
0x19: {  	s7 =	sld [smem:$0x3F99]  }
0x1a: {  	s8 =	sadd.s32 $0xFFFFE003, lr  }
0x1b: {  	s9 =	sadd.s32 $0xFFFFFEF7, lr;
	s5 =	simm.s32 $0xFFFFFFFF;
	p2 =	slt.u32 s8, $0xFFFFF086  }
0x1c: {  	p1 =	slt.u32 s9, $0xF7A;
	s5 =	simm.s32 @!p2 $0x0  }
0x1d: {  	s5 =	simm.s32 @p1 $0x1;
	p0 =	seq.s32 s7, s2  }
0x1e: {  	s7 =	smul.u32 @!p0 $0xF7A, s2;
	p2 =	seq.s32 @!p0 s5, $0x0  }
0x1f: {  	s9 =	smul.u32 $0xF7A, s1;
	s8 =	simm.s32 @!p0 $0x1BF5;
	p2 =	por !p2, p0  }
0x20: {  	[sflag:s8] =	ssyncset.s32 @!p0 $0xFFFFF086;
	s6 =	sadd.s32 @!p0 s3, s7;
	s7 =	simm.s32 @!p0 $0x108  }
0x21: {  	s3 =	sadd.s32 s3, s9;
	s6 =	sadd.s32 @!p0 $0x88, s6;
	s7 =	simm.s32 @p2 $0x1082  }
0x22: {  	[simem:s7], [sflag:s8] =	dma.local @!p0 [hbm:s6], $0xF7A  }
0x23: {  	s9 =	sor.u32 $0xD0000000, s2;
	s6 =	simm.s32 $0x108;
	_ =	swait.ge @!p0 [sflag:s8], $0x0  }
0x24: {  	s3 =	sadd.s32 $0x88, s3;
	s6 =	simm.s32 @!p1 $0x1082;
	[sflag:s4] =	ssyncset.s32 $0xFFFFF086  }
0x25: {  	[simem:s6], [sflag:s4] =	dma.local [hbm:s3], $0xF7A  }
0x26: {  	[smem:$0x3F99] =	sst s1;
	(tag) =	ssettag s2;
	_ =	strace s9  }
0x27: {  	s1 =	sld [smem:$0x3FA9]  }
0x28: {  	s2 =	sld [smem:$0x3FAA]  }
0x29: {  	s4 =	sld [smem:$0x3FAC]  }
0x2a: {  	p0 =	seq.s32 s5, $0x0;
	s5 =	sld [smem:$0x3FAD]  }
0x2b: {  	s6 =	sld [smem:$0x3FAE]  }
0x2c: {  	s7 =	sld [smem:$0x3FAF]  }
0x2d: {  	s3 =	simm.s32 $0x108;
	s8 =	sld [smem:$0x3FB0]  }
0x2e: {  	s3 =	simm.s32 @!p0 $0x1082;
	s9 =	sld [smem:$0x3FB1]  }
0x2f: {  	lr =	sadd.s32 s0, s3;
	s0 =	sld [smem:$0x3FA8]  }
0x30: {  	s3 =	sld [smem:$0x3FAB]  }
0x31: {  	[smem:$0x3FB4] =	sst s10  }
0x32: {  	s10 =	sld [smem:$0x3FB2];
	_ =	sdelay $0x3  }
0x33: {  	p0 =	seq.s32 s10, $0x1;
	s10 =	sld [smem:$0x3FB4];
	_ =	sdelay $0x3  }
0x34: {  	[smem:$0x3FB4] =	sst s10  }
0x35: {  	s10 =	sld [smem:$0x3FB3];
	_ =	sdelay $0x3  }
0x36: {  	p1 =	seq.s32 s10, $0x1;
	s10 =	sld [smem:$0x3FB4];
	_ =	sdelay $0x3  }
0x37: {  	[smem:$0x3FB4] =	sst s10  }
0x38: {  	s10 =	sld [smem:$0x3FB5]  }
0x39: {  	_ = 	snop;
	(pc) =	sbr.ind lr, $3  }
0x3a: {  	_ = 	snop  }
0x3b: {  	_ = 	snop  }
0x3c: {  	p2 =	seq.s32 s10, $0x1;
	s10 =	sld [smem:$0x3FB4]  }
0x3d: {  	_ =	shalt  }
0x3e: {  	_ =	shalt  }
0x3f: {  	_ =	shalt  }
0x40: {  	_ =	shalt  }
0x41: {  	_ =	shalt  }
0x42: {  	_ =	shalt  }
0x43: {  	_ =	shalt  }
0x44: {  	_ =	shalt  }
0x45: {  	_ =	shalt  }
0x46: {  	_ =	shalt  }
0x47: {  	_ =	shalt  }
0x48: {  	_ =	shalt  }
0x49: {  	_ =	shalt  }
0x4a: {  	_ =	shalt  }
0x4b: {  	_ =	shalt  }
0x4c: {  	_ =	shalt  }
0x4d: {  	_ =	shalt  }
0x4e: {  	_ =	shalt  }
0x4f: {  	_ =	shalt  }
0x50: {  	_ =	shalt  }
0x51: {  	_ =	shalt  }
0x52: {  	_ =	shalt  }
0x53: {  	_ =	shalt  }
0x54: {  	_ =	shalt  }
0x55: {  	_ =	shalt  }
0x56: {  	_ =	shalt  }
0x57: {  	_ =	shalt  }
0x58: {  	_ =	shalt  }
0x59: {  	_ =	shalt  }
0x5a: {  	_ =	shalt  }
0x5b: {  	_ =	shalt  }
0x5c: {  	_ =	shalt  }
0x5d: {  	_ =	shalt  }
0x5e: {  	_ =	shalt  }
0x5f: {  	_ =	shalt  }
0x60: {  	_ =	shalt  }
0x61: {  	_ =	shalt  }
0x62: {  	_ =	shalt  }
0x63: {  	_ =	shalt  }
0x64: {  	_ =	shalt  }
0x65: {  	_ =	shalt  }
0x66: {  	_ =	shalt  }
0x67: {  	_ =	shalt  }
0x68: {  	_ =	shalt  }
0x69: {  	_ =	shalt  }
0x6a: {  	_ =	shalt  }
0x6b: {  	_ =	shalt  }
0x6c: {  	_ =	shalt  }
0x6d: {  	_ =	shalt  }
0x6e: {  	_ =	shalt  }
0x6f: {  	_ =	shalt  }
0x70: {  	_ =	shalt  }
0x71: {  	_ =	shalt  }
0x72: {  	_ =	shalt  }
0x73: {  	_ =	shalt  }
0x74: {  	_ =	shalt  }
0x75: {  	_ =	shalt  }
0x76: {  	_ =	shalt  }
0x77: {  	_ =	shalt  }
0x78: {  	_ =	shalt  }
0x79: {  	_ =	shalt  }
0x7a: {  	_ =	shalt  }
0x7b: {  	_ =	shalt  }
0x7c: {  	_ =	shalt  }
0x7d: {  	_ =	shalt  }
0x7e: {  	_ =	shalt  }
0x7f: {  	_ =	shalt  }
0x80: {  	_ =	shalt  }
0x81: {  	_ =	shalt  }
0x82: {  	_ =	shalt  }
0x83: {  	_ =	shalt  }
0x84: {  	_ =	shalt  }
0x85: {  	_ =	shalt  }
0x86: {  	_ =	shalt  }
0x87: {  	_ =	shalt  }
.Lfunc_end0:
.L_simem_size_0:
called_computation.1_lowered:
.L_overlay_start_0:
0x88: {  	s2 =	sld [smem:$0x3FD9]  }
0x89: {  	s3 =	sld [smem:$0x3FFE];
	_ =	sdelay $0x1  }
0x8a: {  	s1 =	srdreg.scid  }
0x8b: {  	s0 =	sand.u32 $0x1, s1  }
0x8c: {  	s14 =	sshll.u32 s0, $0xA;
	s2 =	sadd.s32 s3, s2  }
0x8d: {  	s2 =	sadd.s32 s2, s14  }
0x8e: {  	[smem:$0x3FC0] =	sst s2  }
0x8f: {  	_ = 	snop  }
0x90: {  	s2 =	sld [smem:$0x3FD0];
	_ =	sdelay $0x2  }
0x91: {  	s15 =	simm.s32 $0xA;
	s4 =	simm.s32 $0x10  }
0x92: {  	[smem:s4], [sflag:s15] =	dma.local [hbm:s2], $0x1  }
0x93: {  	_ =	swait.eq [sflag:s15], $0x1  }
0x94: {  	[sflag:s15] =	ssyncset.done $0x0  }
0x95: {  	s16 =	sld [smem:$0x10];
	[sflag:s15] =	ssyncadd.s32 $0xFFFFFFFF  }
0x96: {  	s17 =	sld [smem:$0x11];
	(tm) =	ssettm $0x1  }
0x97: {  	s18 =	sld [smem:$0x3FFB];
	_ =	sdelay $0x3  }
0x98: {  	_ =	strace s18  }
0x99: {  	s4 =	sld [smem:$0x3FFC];
	_ =	sdelay $0x3  }
0x9a: {  	_ =	strace s4  }
0x9b: {  	s4 =	sld [smem:$0x3FFD];
	_ =	sdelay $0x3  }
0x9c: {  	_ =	strace s4  }
0x9d: {  	_ =	strace $0x8FFFFFFF  }
0x9e: {  	s19 =	sld [smem:$0x3FDB];
	_ =	sdelay $0x1  }
0x9f: {  	s5 =	simm.s32 $_scs_section_size  }
0xa0: {  	s6 =	simm.s32 $_size__tile_overlayer_lowered;
	s7 =	simm.s32 $_tile_overlayer_lowered  }
0xa1: {  	s22 =	simm.s32 $0x1BFF;
	s21 =	sshll.u32 s7, $0x1;
	s4 =	sadd.s32 s5, s19  }
0xa2: {  	s8 =	simm.s32 $0x0;
	s20 =	sshll.u32 s6, $0x1;
	s6 =	sadd.s32 s21, s4  }
0xa3: {  	[timem:s8], [sflag:s22] =	dma.local [hbm:s6], s20  }
0xa4: {  	_ =	swait.ge [sflag:s22], s20  }
0xa5: {  	s5 =	ssub.s32 $0x0, s20;
	[sflag:s22] =	ssyncset.done $0x0  }
0xa6: {  	[sflag:s22] =	ssyncadd.s32 s5;
	_ =	sdelay $0x1  }
0xa7: {  	s23 =	simm.s32 $0x1B8B  }
0xa8: {  	_ =	swait.ge [sflag:s23], $0x1  }
0xa9: {  	[sflag:s23] =	ssyncset.done $0x0  }
0xaa: {  	s25 =	simm.s32 $0x1B8E;
	s24 =	sld [smem:$0x3FFE];
	[sflag:s23] =	ssyncadd.s32 $0xFFFFFFFF  }
0xab: {  	s26 =	simm.s32 $execute0_lowered;
	[smem:$0x3FD2] =	sst s25  }
0xac: {  	s6 =	sshll.u32 s26, $0x1;
	_ =	strace $0x80000049;
	[dreg:$0x1] =	wrdreg $0xFFFFFFFF  }
0xad: {  	s28 =	simm.s32 $_size_execute0_lowered;
	s4 =	sadd.s32 s4, s6;
	[dreg:$0x0] =	wrdreg $0x0  }
0xae: {  	s6 =	sshll.u32 s28, $0x1;
	[dreg:$0x2] =	wrdreg s4  }
0xaf: {  	[dreg:$0x3] =	wrdreg s6  }
0xb0: {  	[dreg:$0x4] =	wrdreg $0xC0  }
0xb1: {  	_ =	task [dreg:s8], $0x5FFFF  }
0xb2: {  	[dreg:$0x1] =	wrdreg $0xFFFFFFFF  }
0xb3: {  	[dreg:$0x0] =	wrdreg $0x60  }
0xb4: {  	[dreg:$0x2] =	wrdreg s16  }
0xb5: {  	[dreg:$0x3] =	wrdreg s17  }
0xb6: {  	[dreg:$0x4] =	wrdreg s24  }
0xb7: {  	[dreg:$0x5] =	wrdreg $0x0  }
0xb8: {  	[dreg:$0x6] =	wrdreg $0x9  }
0xb9: {  	_ =	task.clear_ibuf [dreg:s8], $0x7FFFF;
	_ =	strace $0x90000049  }
0xba: {  	s29 =	simm.s32 $0x9;
	_ =	strace $0x8000004B  }
0xbb: {  	_ =	swait.ge [sflag:s29], $0x1  }
0xbc: {  	[sflag:s29] =	ssyncadd.s32 $0xFFFFFFFF  }
0xbd: {  	_ =	strace $0x9000004B  }
0xbe: {  	_ =	sfence  }
0xbf: {  	s30 =	sld [smem:$0x0];
	_ =	sdelay $0x2  }
0xc0: {  	s31 =	sshll.u32 s1, $0xD;
	s1 =	sshrl.u32 s1, $0x2  }
0xc1: {  	s3 =	sand.u32 $0x4000, s31;
	s1 =	sadd.s32 s1, s30  }
0xc2: {  	s0 =	sor.u32 s3, s0;
	s1 =	sshll.u32 s1, $0x11  }
0xc3: {  	s0 =	sor.u32 s1, s0  }
0xc4: {  	s0 =	sadd.s32 $0x8F2B, s0  }
0xc5: {  	[sflag:s0] =	ssyncadd.remote.s32 $0x1  }
0xc6: {  	_ =	sfence.sel $0xFFFF  }
0xc7: {  	[dreg:$0x0] =	wrdreg $0xFFFFFFFF;
	(pc) =	sbr.abs _section_cstart, $3  }
0xc8: {  	[dreg:$0x1] =	wrdreg $0xFFFFFFFF  }
0xc9: {  	_ =	task.clear_ibuf [dreg:s8], $0x2FFFF;
	_ =	strace $0x9FFFFFFF  }
0xca: {  	(tm) =	ssettm $0x7FFFFFFF  }
0xcb: {  	_ =	shalt  }
tec
execute0_lowered:
.L_overlay_start_1:
0x0: {  	(tag) =	ssettag $0x1  }
0x1: {  	s1 =	rddreg [dreg:$0x0]  }
0x2: {  	s2 =	rddreg [dreg:$0x1]  }
0x3: {  	s0 =	rddreg [dreg:$0x2]  }
0x4: {  	s4 =	rddreg [dreg:$0x3];
	s5 =	simm.s32 $0x0;
	s3 =	stileid.u32  }
0x5: {  	s6 =	srdreg.scid;
	s16 =	simm.s32 $0x15000;
	s17 =	simm.s32 $0x80  }
0x6: {  	s18 =	simm.s32 $0x16400;
	s19 =	simm.s32 $0x13C80;
	s20 =	simm.s32 $0x1A400  }
0x7: {  	s21 =	simm.s32 $0x1;
	s22 =	simm.s32 $0x2;
	s23 =	simm.s32 $0x3  }
0x8: {  	s25 =	simm.s32 $0x4;
	s28 =	simm.s32 $0x16380;
	s12 =	smul.u32 $0x2780, s3  }
0x9: {  	s29 =	simm.s32 $0x0;
	[smem:$0x7FF] =	sst s5;
	s7 =	smul.u32 $0x500, s3  }
0xa: {  	s6 =	sand.u32 $0x1, s6;
	s10 =	sadd.s32 $0x3200, s0;
	s9 =	smul.u32 $0x4F000, s3  }
0xb: {  	s11 =	sadd.s32 $0x8200, s0;
	s14 =	smul.u32 $0x2800, s3;
	s8 =	ssub.s32 $0x2, s6  }
0xc: {  	_ =	strace $0x8000004A;
	p0 =	seq.s32 s6, $0x1;
	s13 =	sshrl.u32 s8, $0x1  }
0xd: {  	s15 =	sadd.s32 s12, s0;
	s6 =	sadd.s32 s10, s7;
	s26 =	sshrl.u32 s9, $0x2  }
0xe: {  	s30 =	sshrl.u32 s14, $0x3;
	s7 =	sadd.s32 s11, s7;
	s0 =	sadd.s32 $0xF9400, s0  }
.Ltmp0:
0xf: {  	s13 =	ssub.s32 s8, s13;
	s8 =	sadd.s32 s26, s4;
	(pc) =	sbr.rel .LBB2_1-.Ltmp0, $4  }
0x10: {  	s14 =	sadd.s32 $0x280, s30;
	s9 =	sadd.s32 $0xD200, s15;
	s31 =	sadd.s32 $0xD1C00, s15  }
0x11: {  	s15 =	simm.s32 $0x5;
	s0 =	sadd.s32 s12, s0;
	s26 =	simm.s32 $0x16300  }
0x12: {  	s10 =	sadd.s32 s10, s14;
	s11 =	sadd.s32 s11, s14;
	[dreg:$0x5] =	wrdreg s31  }
0x13: {  	s13 =	smax.u32 s13, $0x1;
	s14 =	simm.s32 $0x13C00;
	[dreg:$0x6] =	wrdreg s0  }
.LBB2_11:
0x14: {  	[tilespmem:s20], [sflag:$0x2] =	stream.indirect.gather [hbm4b:s2+s17], $0x80, s12, s17, $0xb8;
	[tilespmem:$0x1E400] =	vst v63  }
0x15: {  	_ =	swait.ge [sflag:s21], $0x4000  }
0x16: {  	[sflag:s21] =	ssyncset.done $0x0  }
0x17: {  	[sflag:s21] =	ssyncadd.s32 $0xFFFFC000  }
0x18: {  	[spmem:s4] =	stream.indirect.scatter.add.f32 [tilespmem:s18], [sflag:$0x3], $0x80, s26, s17, $0xb8;
	[tilespmem:$0x1E400] =	vst v63  }
0x19: {  	_ =	swait.ge [sflag:s22], $0x4000  }
0x1a: {  	[sflag:s22] =	ssyncset.done $0x0  }
0x1b: {  	[sflag:s22] =	ssyncadd.s32 $0xFFFFC000  }
0x1c: {  	[spmem:s4] =	stream.indirect.scatter.add.f32 [tilespmem:s20], [sflag:$0x4], $0x80, s28, s17, $0xb8;
	[tilespmem:$0x1E400] =	vst v63  }
0x1d: {  	_ =	swait.ge [sflag:s23], $0x4000  }
0x1e: {  	[sflag:s23] =	ssyncset.done $0x0  }
0x1f: {  	[sflag:s23] =	ssyncadd.s32 $0xFFFFC000  }
0x20: {  	_ =	swait.ge [sflag:s25], $0x4000  }
0x21: {  	[sflag:s25] =	ssyncset.done $0x0  }
0x22: {  	[sflag:s25] =	ssyncadd.s32 $0xFFFFC000  }
0x23: {  	[bflag:$0x0] =	sbarrier.arrive $0xFFFF  }
0x24: {  	s0 =	rddreg [dreg:$0x6]  }
.LBB2_12:
0x25: {  	s29 =	sadd.s32 $0x1, s29  }
0x26: {  	p1 =	sne.s32 s29, s13  }
.Ltmp1:
0x27: {  	_ = 	snop;
	(pc) =	sbr.rel @!p1 .LBB2_13-.Ltmp1, $4  }
0x28: {  	[hbm:s0], [sflag:s31] =	dma.local [spmem:s30], $0x2780  }
0x29: {  	_ =	swait.ge [sflag:s15], $0x2780  }
0x2a: {  	[sflag:s15] =	ssyncset.done $0x0  }
0x2b: {  	[sflag:s15] =	ssyncadd.s32 $0xFFFFD880  }
.LBB2_1:
0x2c: {  	[tilespmem:s14], [sflag:$0x5] =	stream.linear.gather [hbm4b:s6+s5], $0x1400, $0x38;
	[tilespmem:$0x1E400] =	vst v63  }
0x2d: {  	_ =	swait.ge [sflag:s15], $0x1400  }
0x2e: {  	[sflag:s15] =	ssyncset.done $0x0  }
.Ltmp2:
0x2f: {  	[sflag:s15] =	ssyncadd.s32 $0xFFFFEC00;
	(pc) =	sbr.rel @!p0 .LBB2_2-.Ltmp2, $4  }
0x30: {  	[tilespmem:s16], [sflag:$0x5] =	stream.linear.gather [hbm4b:s7+s5], $0x1400, $0x38;
	[tilespmem:$0x1E400] =	vst v63  }
0x31: {  	_ =	swait.ge [sflag:s15], $0x1400  }
0x32: {  	s0 =	sshll.u32 s3, $0x6;
	[sflag:s15] =	ssyncset.done $0x0  }
0x33: {  	s30 =	sshrl.u32 s8, $0x3;
	s31 =	sor.u32 $0x1C05, s0;
	[sflag:s15] =	ssyncadd.s32 $0xFFFFEC00  }
0x34: {  	[tilespmem:s18], [sflag:$0x1] =	stream.indirect.gather [hbm4b:s2+s17], $0x80, s14, s17, $0xb8;
	[tilespmem:$0x1E400] =	vst v63  }
0x35: {  	s31 =	sor.u32 $0x1C05, s0  }
0x36: {  	[tilespmem:s20], [sflag:$0x2] =	stream.indirect.gather [hbm4b:s2+s17], $0x80, s19, s17, $0xb8;
	[tilespmem:$0x1E400] =	vst v63  }
0x37: {  	[spmem:s30], [sflag:s31] =	dma.local [hbm:s9], $0x2780  }
0x38: {  	_ =	swait.ge [sflag:s15], $0x2780  }
0x39: {  	[sflag:s15] =	ssyncset.done $0x0  }
0x3a: {  	[sflag:s15] =	ssyncadd.s32 $0xFFFFD880  }
0x3b: {  	[bflag:$0x0] =	sbarrier.arrive $0xFFFF  }
0x3c: {  	_ =	swait.ge [sflag:s21], $0x4000  }
0x3d: {  	[sflag:s21] =	ssyncset.done $0x0  }
0x3e: {  	s24 =	simm.s32 $0x15000;
	[sflag:s21] =	ssyncadd.s32 $0xFFFFC000  }
0x3f: {  	[spmem:s4] =	stream.indirect.scatter.add.f32 [tilespmem:s18], [sflag:$0x3], $0x80, s24, s17, $0xb8;
	[tilespmem:$0x1E400] =	vst v63  }
0x40: {  	_ =	swait.ge [sflag:s22], $0x4000  }
0x41: {  	[sflag:s22] =	ssyncset.done $0x0  }
0x42: {  	s12 =	simm.s32 $0x15080;
	[sflag:s22] =	ssyncadd.s32 $0xFFFFC000  }
0x43: {  	[spmem:s4] =	stream.indirect.scatter.add.f32 [tilespmem:s20], [sflag:$0x4], $0x80, s12, s17, $0xb8;
	[tilespmem:$0x1E400] =	vst v63  }
0x44: {  	_ =	swait.ge [sflag:s23], $0x4000  }
0x45: {  	[sflag:s23] =	ssyncset.done $0x0  }
0x46: {  	s24 =	simm.s32 $0x13D00;
	[sflag:s23] =	ssyncadd.s32 $0xFFFFC000  }
0x47: {  	[tilespmem:s18], [sflag:$0x1] =	stream.indirect.gather [hbm4b:s2+s17], $0x80, s24, s17, $0xb8;
	[tilespmem:$0x1E400] =	vst v63  }
0x48: {  	_ =	swait.ge [sflag:s25], $0x4000  }
0x49: {  	[sflag:s25] =	ssyncset.done $0x0  }
0x4a: {  	s0 =	simm.s32 $0x400;
	s12 =	simm.s32 $0x13D80;
	[sflag:s25] =	ssyncadd.s32 $0xFFFFC000  }
.LBB2_8:
0x4b: {  	[tilespmem:s20], [sflag:$0x2] =	stream.indirect.gather [hbm4b:s2+s17], $0x80, s12, s17, $0xb8;
	[tilespmem:$0x1E400] =	vst v63  }
0x4c: {  	s12 =	smov.u32 s0  }
0x4d: {  	p1 =	sne.s32 s0, $0x4800;
	s0 =	sadd.s32 $0x400, s0;
	_ =	swait.ge [sflag:s21], $0x4000  }
0x4e: {  	s12 =	sshra.s32 s12, $0x2;
	[sflag:s21] =	ssyncset.done $0x0  }
0x4f: {  	s24 =	sadd.s32 $0x15000, s12;
	[sflag:s21] =	ssyncadd.s32 $0xFFFFC000  }
0x50: {  	[spmem:s4] =	stream.indirect.scatter.add.f32 [tilespmem:s18], [sflag:$0x3], $0x80, s24, s17, $0xb8;
	[tilespmem:$0x1E400] =	vst v63  }
0x51: {  	_ =	swait.ge [sflag:s22], $0x4000  }
0x52: {  	[sflag:s22] =	ssyncset.done $0x0  }
0x53: {  	s24 =	sadd.s32 $0x15080, s12;
	[sflag:s22] =	ssyncadd.s32 $0xFFFFC000  }
0x54: {  	[spmem:s4] =	stream.indirect.scatter.add.f32 [tilespmem:s20], [sflag:$0x4], $0x80, s24, s17, $0xb8;
	[tilespmem:$0x1E400] =	vst v63  }
0x55: {  	_ =	swait.ge [sflag:s23], $0x4000  }
0x56: {  	[sflag:s23] =	ssyncset.done $0x0  }
.Ltmp3:
0x57: {  	s24 =	sadd.s32 $0x13D00, s12;
	[sflag:s23] =	ssyncadd.s32 $0xFFFFC000;
	(pc) =	sbr.rel @p1 .LBB2_8-.Ltmp3, $4  }
0x58: {  	[tilespmem:s18], [sflag:$0x1] =	stream.indirect.gather [hbm4b:s2+s17], $0x80, s24, s17, $0xb8;
	[tilespmem:$0x1E400] =	vst v63  }
0x59: {  	_ =	swait.ge [sflag:s25], $0x4000  }
0x5a: {  	[sflag:s25] =	ssyncset.done $0x0  }
0x5b: {  	s12 =	sadd.s32 $0x13D80, s12;
	[sflag:s25] =	ssyncadd.s32 $0xFFFFC000  }
0x5c: {  	[tilespmem:s20], [sflag:$0x2] =	stream.indirect.gather [hbm4b:s2+s17], $0x80, s12, s17, $0xb8;
	[tilespmem:$0x1E400] =	vst v63  }
0x5d: {  	_ =	swait.ge [sflag:s21], $0x4000  }
0x5e: {  	[sflag:s21] =	ssyncset.done $0x0  }
0x5f: {  	[sflag:s21] =	ssyncadd.s32 $0xFFFFC000  }
0x60: {  	[spmem:s4] =	stream.indirect.scatter.add.f32 [tilespmem:s18], [sflag:$0x3], $0x80, s26, s17, $0xb8;
	[tilespmem:$0x1E400] =	vst v63  }
0x61: {  	_ =	swait.ge [sflag:s22], $0x4000  }
0x62: {  	[sflag:s22] =	ssyncset.done $0x0  }
0x63: {  	[sflag:s22] =	ssyncadd.s32 $0xFFFFC000  }
0x64: {  	[spmem:s4] =	stream.indirect.scatter.add.f32 [tilespmem:s20], [sflag:$0x4], $0x80, s28, s17, $0xb8;
	[tilespmem:$0x1E400] =	vst v63  }
0x65: {  	_ =	swait.ge [sflag:s23], $0x4000  }
0x66: {  	[sflag:s23] =	ssyncset.done $0x0  }
0x67: {  	[sflag:s23] =	ssyncadd.s32 $0xFFFFC000  }
0x68: {  	_ =	swait.ge [sflag:s25], $0x4000  }
0x69: {  	[sflag:s25] =	ssyncset.done $0x0  }
0x6a: {  	s0 =	simm.s32 $0x0;
	[sflag:s25] =	ssyncadd.s32 $0xFFFFC000  }
0x6b: {  	[tilespmem:s14], [sflag:$0x5] =	stream.linear.gather [hbm4b:s10+s0], $0x1400, $0x38;
	[tilespmem:$0x1E400] =	vst v63  }
0x6c: {  	_ =	swait.ge [sflag:s15], $0x1400  }
0x6d: {  	[sflag:s15] =	ssyncset.done $0x0  }
0x6e: {  	[sflag:s15] =	ssyncadd.s32 $0xFFFFEC00  }
0x6f: {  	[tilespmem:s16], [sflag:$0x5] =	stream.linear.gather [hbm4b:s11+s0], $0x1400, $0x38;
	[tilespmem:$0x1E400] =	vst v63  }
0x70: {  	_ =	swait.ge [sflag:s15], $0x1400  }
0x71: {  	[sflag:s15] =	ssyncset.done $0x0  }
0x72: {  	[sflag:s15] =	ssyncadd.s32 $0xFFFFEC00  }
0x73: {  	[tilespmem:s18], [sflag:$0x1] =	stream.indirect.gather [hbm4b:s2+s17], $0x80, s14, s17, $0xb8;
	[tilespmem:$0x1E400] =	vst v63  }
0x74: {  	_ = 	snop  }
0x75: {  	[tilespmem:s20], [sflag:$0x2] =	stream.indirect.gather [hbm4b:s2+s17], $0x80, s19, s17, $0xb8;
	[tilespmem:$0x1E400] =	vst v63  }
0x76: {  	_ =	swait.ge [sflag:s21], $0x4000  }
0x77: {  	[sflag:s21] =	ssyncset.done $0x0  }
0x78: {  	s24 =	simm.s32 $0x15000;
	[sflag:s21] =	ssyncadd.s32 $0xFFFFC000  }
0x79: {  	[spmem:s4] =	stream.indirect.scatter.add.f32 [tilespmem:s18], [sflag:$0x3], $0x80, s24, s17, $0xb8;
	[tilespmem:$0x1E400] =	vst v63  }
0x7a: {  	_ =	swait.ge [sflag:s22], $0x4000  }
0x7b: {  	[sflag:s22] =	ssyncset.done $0x0  }
0x7c: {  	s12 =	simm.s32 $0x15080;
	[sflag:s22] =	ssyncadd.s32 $0xFFFFC000  }
0x7d: {  	[spmem:s4] =	stream.indirect.scatter.add.f32 [tilespmem:s20], [sflag:$0x4], $0x80, s12, s17, $0xb8;
	[tilespmem:$0x1E400] =	vst v63  }
0x7e: {  	_ =	swait.ge [sflag:s23], $0x4000  }
0x7f: {  	[sflag:s23] =	ssyncset.done $0x0  }
0x80: {  	s24 =	simm.s32 $0x13D00;
	[sflag:s23] =	ssyncadd.s32 $0xFFFFC000  }
0x81: {  	[tilespmem:s18], [sflag:$0x1] =	stream.indirect.gather [hbm4b:s2+s17], $0x80, s24, s17, $0xb8;
	[tilespmem:$0x1E400] =	vst v63  }
0x82: {  	_ =	swait.ge [sflag:s25], $0x4000  }
0x83: {  	[sflag:s25] =	ssyncset.done $0x0  }
0x84: {  	s0 =	simm.s32 $0x400;
	s12 =	simm.s32 $0x13D80;
	[sflag:s25] =	ssyncadd.s32 $0xFFFFC000  }
.LBB2_10:
0x85: {  	[tilespmem:s20], [sflag:$0x2] =	stream.indirect.gather [hbm4b:s2+s17], $0x80, s12, s17, $0xb8;
	[tilespmem:$0x1E400] =	vst v63  }
0x86: {  	s12 =	smov.u32 s0  }
0x87: {  	p1 =	sne.s32 s0, $0x4800;
	s0 =	sadd.s32 $0x400, s0;
	_ =	swait.ge [sflag:s21], $0x4000  }
0x88: {  	s12 =	sshra.s32 s12, $0x2;
	[sflag:s21] =	ssyncset.done $0x0  }
0x89: {  	s24 =	sadd.s32 $0x15000, s12;
	[sflag:s21] =	ssyncadd.s32 $0xFFFFC000  }
0x8a: {  	[spmem:s4] =	stream.indirect.scatter.add.f32 [tilespmem:s18], [sflag:$0x3], $0x80, s24, s17, $0xb8;
	[tilespmem:$0x1E400] =	vst v63  }
0x8b: {  	_ =	swait.ge [sflag:s22], $0x4000  }
0x8c: {  	[sflag:s22] =	ssyncset.done $0x0  }
0x8d: {  	s24 =	sadd.s32 $0x15080, s12;
	[sflag:s22] =	ssyncadd.s32 $0xFFFFC000  }
0x8e: {  	[spmem:s4] =	stream.indirect.scatter.add.f32 [tilespmem:s20], [sflag:$0x4], $0x80, s24, s17, $0xb8;
	[tilespmem:$0x1E400] =	vst v63  }
0x8f: {  	_ =	swait.ge [sflag:s23], $0x4000  }
0x90: {  	[sflag:s23] =	ssyncset.done $0x0  }
.Ltmp4:
0x91: {  	s24 =	sadd.s32 $0x13D00, s12;
	[sflag:s23] =	ssyncadd.s32 $0xFFFFC000;
	(pc) =	sbr.rel @p1 .LBB2_10-.Ltmp4, $4  }
0x92: {  	[tilespmem:s18], [sflag:$0x1] =	stream.indirect.gather [hbm4b:s2+s17], $0x80, s24, s17, $0xb8;
	[tilespmem:$0x1E400] =	vst v63  }
0x93: {  	_ =	swait.ge [sflag:s25], $0x4000  }
0x94: {  	[sflag:s25] =	ssyncset.done $0x0  }
0x95: {  	s12 =	sadd.s32 $0x13D80, s12;
	[sflag:s25] =	ssyncadd.s32 $0xFFFFC000  }
.Ltmp5:
0x96: {  	_ = 	snop;
	(pc) =	sbr.rel .LBB2_11-.Ltmp5, $1  }
0x97: {  	_ =	sdelay $0x3  }
.LBB2_2:
0x98: {  	[tilespmem:s18], [sflag:$0x1] =	stream.indirect.gather [hbm4b:s1+s17], $0x80, s14, s17, $0xb8;
	[tilespmem:$0x1E400] =	vst v63  }
0x99: {  	_ = 	snop  }
0x9a: {  	[tilespmem:s20], [sflag:$0x2] =	stream.indirect.gather [hbm4b:s1+s17], $0x80, s19, s17, $0xb8;
	[tilespmem:$0x1E400] =	vst v63  }
0x9b: {  	[spmem:s30], [sflag:s31] =	dma.local [hbm:s9], $0x2780  }
0x9c: {  	_ =	swait.ge [sflag:s15], $0x2780  }
0x9d: {  	[sflag:s15] =	ssyncset.done $0x0  }
0x9e: {  	[sflag:s15] =	ssyncadd.s32 $0xFFFFD880  }
0x9f: {  	[bflag:$0x0] =	sbarrier.arrive $0xFFFF  }
0xa0: {  	_ =	swait.ge [sflag:s21], $0x4000  }
0xa1: {  	[sflag:s21] =	ssyncset.done $0x0  }
0xa2: {  	s0 =	simm.s32 $0x15000;
	[sflag:s21] =	ssyncadd.s32 $0xFFFFC000  }
0xa3: {  	[spmem:s4] =	stream.indirect.scatter.add.f32 [tilespmem:s18], [sflag:$0x3], $0x80, s0, s17, $0xb8;
	[tilespmem:$0x1E400] =	vst v63  }
0xa4: {  	_ =	swait.ge [sflag:s22], $0x4000  }
0xa5: {  	[sflag:s22] =	ssyncset.done $0x0  }
0xa6: {  	s12 =	simm.s32 $0x15080;
	[sflag:s22] =	ssyncadd.s32 $0xFFFFC000  }
0xa7: {  	[spmem:s4] =	stream.indirect.scatter.add.f32 [tilespmem:s20], [sflag:$0x4], $0x80, s12, s17, $0xb8;
	[tilespmem:$0x1E400] =	vst v63  }
0xa8: {  	_ =	swait.ge [sflag:s23], $0x4000  }
0xa9: {  	[sflag:s23] =	ssyncset.done $0x0  }
0xaa: {  	s24 =	simm.s32 $0x13D00;
	[sflag:s23] =	ssyncadd.s32 $0xFFFFC000  }
0xab: {  	[tilespmem:s18], [sflag:$0x1] =	stream.indirect.gather [hbm4b:s1+s17], $0x80, s24, s17, $0xb8;
	[tilespmem:$0x1E400] =	vst v63  }
0xac: {  	_ =	swait.ge [sflag:s25], $0x4000  }
0xad: {  	[sflag:s25] =	ssyncset.done $0x0  }
0xae: {  	s0 =	simm.s32 $0x400;
	s12 =	simm.s32 $0x13D80;
	[sflag:s25] =	ssyncadd.s32 $0xFFFFC000  }
.LBB2_3:
0xaf: {  	[tilespmem:s20], [sflag:$0x2] =	stream.indirect.gather [hbm4b:s1+s17], $0x80, s12, s17, $0xb8;
	[tilespmem:$0x1E400] =	vst v63  }
0xb0: {  	s12 =	smov.u32 s0  }
0xb1: {  	p1 =	sne.s32 s0, $0x4800;
	s0 =	sadd.s32 $0x400, s0;
	_ =	swait.ge [sflag:s21], $0x4000  }
0xb2: {  	s12 =	sshra.s32 s12, $0x2;
	[sflag:s21] =	ssyncset.done $0x0  }
0xb3: {  	s24 =	sadd.s32 $0x15000, s12;
	[sflag:s21] =	ssyncadd.s32 $0xFFFFC000  }
0xb4: {  	[spmem:s4] =	stream.indirect.scatter.add.f32 [tilespmem:s18], [sflag:$0x3], $0x80, s24, s17, $0xb8;
	[tilespmem:$0x1E400] =	vst v63  }
0xb5: {  	_ =	swait.ge [sflag:s22], $0x4000  }
0xb6: {  	[sflag:s22] =	ssyncset.done $0x0  }
0xb7: {  	s24 =	sadd.s32 $0x15080, s12;
	[sflag:s22] =	ssyncadd.s32 $0xFFFFC000  }
0xb8: {  	[spmem:s4] =	stream.indirect.scatter.add.f32 [tilespmem:s20], [sflag:$0x4], $0x80, s24, s17, $0xb8;
	[tilespmem:$0x1E400] =	vst v63  }
0xb9: {  	_ =	swait.ge [sflag:s23], $0x4000  }
0xba: {  	[sflag:s23] =	ssyncset.done $0x0  }
.Ltmp6:
0xbb: {  	s24 =	sadd.s32 $0x13D00, s12;
	[sflag:s23] =	ssyncadd.s32 $0xFFFFC000;
	(pc) =	sbr.rel @p1 .LBB2_3-.Ltmp6, $4  }
0xbc: {  	[tilespmem:s18], [sflag:$0x1] =	stream.indirect.gather [hbm4b:s1+s17], $0x80, s24, s17, $0xb8;
	[tilespmem:$0x1E400] =	vst v63  }
0xbd: {  	_ =	swait.ge [sflag:s25], $0x4000  }
0xbe: {  	[sflag:s25] =	ssyncset.done $0x0  }
0xbf: {  	s12 =	sadd.s32 $0x13D80, s12;
	[sflag:s25] =	ssyncadd.s32 $0xFFFFC000  }
0xc0: {  	[tilespmem:s20], [sflag:$0x2] =	stream.indirect.gather [hbm4b:s1+s17], $0x80, s12, s17, $0xb8;
	[tilespmem:$0x1E400] =	vst v63  }
0xc1: {  	_ =	swait.ge [sflag:s21], $0x4000  }
0xc2: {  	[sflag:s21] =	ssyncset.done $0x0  }
0xc3: {  	[sflag:s21] =	ssyncadd.s32 $0xFFFFC000  }
0xc4: {  	[spmem:s4] =	stream.indirect.scatter.add.f32 [tilespmem:s18], [sflag:$0x3], $0x80, s26, s17, $0xb8;
	[tilespmem:$0x1E400] =	vst v63  }
0xc5: {  	_ =	swait.ge [sflag:s22], $0x4000  }
0xc6: {  	[sflag:s22] =	ssyncset.done $0x0  }
0xc7: {  	[sflag:s22] =	ssyncadd.s32 $0xFFFFC000  }
0xc8: {  	[spmem:s4] =	stream.indirect.scatter.add.f32 [tilespmem:s20], [sflag:$0x4], $0x80, s28, s17, $0xb8;
	[tilespmem:$0x1E400] =	vst v63  }
0xc9: {  	_ =	swait.ge [sflag:s23], $0x4000  }
0xca: {  	[sflag:s23] =	ssyncset.done $0x0  }
0xcb: {  	[sflag:s23] =	ssyncadd.s32 $0xFFFFC000  }
0xcc: {  	_ =	swait.ge [sflag:s25], $0x4000  }
0xcd: {  	[sflag:s25] =	ssyncset.done $0x0  }
0xce: {  	s0 =	simm.s32 $0x0;
	[sflag:s25] =	ssyncadd.s32 $0xFFFFC000  }
0xcf: {  	[tilespmem:s14], [sflag:$0x5] =	stream.linear.gather [hbm4b:s10+s0], $0x1400, $0x38;
	[tilespmem:$0x1E400] =	vst v63  }
0xd0: {  	_ =	swait.ge [sflag:s15], $0x1400  }
0xd1: {  	[sflag:s15] =	ssyncset.done $0x0  }
0xd2: {  	[sflag:s15] =	ssyncadd.s32 $0xFFFFEC00  }
0xd3: {  	[tilespmem:s16], [sflag:$0x5] =	stream.linear.gather [hbm4b:s11+s0], $0x1400, $0x38;
	[tilespmem:$0x1E400] =	vst v63  }
0xd4: {  	_ =	swait.ge [sflag:s15], $0x1400  }
0xd5: {  	[sflag:s15] =	ssyncset.done $0x0  }
0xd6: {  	[sflag:s15] =	ssyncadd.s32 $0xFFFFEC00  }
0xd7: {  	[tilespmem:s18], [sflag:$0x1] =	stream.indirect.gather [hbm4b:s1+s17], $0x80, s14, s17, $0xb8;
	[tilespmem:$0x1E400] =	vst v63  }
0xd8: {  	_ = 	snop  }
0xd9: {  	[tilespmem:s20], [sflag:$0x2] =	stream.indirect.gather [hbm4b:s1+s17], $0x80, s19, s17, $0xb8;
	[tilespmem:$0x1E400] =	vst v63  }
0xda: {  	_ =	swait.ge [sflag:s21], $0x4000  }
0xdb: {  	[sflag:s21] =	ssyncset.done $0x0  }
0xdc: {  	s24 =	simm.s32 $0x15000;
	[sflag:s21] =	ssyncadd.s32 $0xFFFFC000  }
0xdd: {  	[spmem:s4] =	stream.indirect.scatter.add.f32 [tilespmem:s18], [sflag:$0x3], $0x80, s24, s17, $0xb8;
	[tilespmem:$0x1E400] =	vst v63  }
0xde: {  	_ =	swait.ge [sflag:s22], $0x4000  }
0xdf: {  	[sflag:s22] =	ssyncset.done $0x0  }
0xe0: {  	s12 =	simm.s32 $0x15080;
	[sflag:s22] =	ssyncadd.s32 $0xFFFFC000  }
0xe1: {  	[spmem:s4] =	stream.indirect.scatter.add.f32 [tilespmem:s20], [sflag:$0x4], $0x80, s12, s17, $0xb8;
	[tilespmem:$0x1E400] =	vst v63  }
0xe2: {  	_ =	swait.ge [sflag:s23], $0x4000  }
0xe3: {  	[sflag:s23] =	ssyncset.done $0x0  }
0xe4: {  	s24 =	simm.s32 $0x13D00;
	[sflag:s23] =	ssyncadd.s32 $0xFFFFC000  }
0xe5: {  	[tilespmem:s18], [sflag:$0x1] =	stream.indirect.gather [hbm4b:s1+s17], $0x80, s24, s17, $0xb8;
	[tilespmem:$0x1E400] =	vst v63  }
0xe6: {  	_ =	swait.ge [sflag:s25], $0x4000  }
0xe7: {  	[sflag:s25] =	ssyncset.done $0x0  }
0xe8: {  	s0 =	simm.s32 $0x400;
	s12 =	simm.s32 $0x13D80;
	[sflag:s25] =	ssyncadd.s32 $0xFFFFC000  }
.LBB2_5:
0xe9: {  	[tilespmem:s20], [sflag:$0x2] =	stream.indirect.gather [hbm4b:s1+s17], $0x80, s12, s17, $0xb8;
	[tilespmem:$0x1E400] =	vst v63  }
0xea: {  	s12 =	smov.u32 s0  }
0xeb: {  	p1 =	sne.s32 s0, $0x4800;
	s0 =	sadd.s32 $0x400, s0;
	_ =	swait.ge [sflag:s21], $0x4000  }
0xec: {  	s12 =	sshra.s32 s12, $0x2;
	[sflag:s21] =	ssyncset.done $0x0  }
0xed: {  	s24 =	sadd.s32 $0x15000, s12;
	[sflag:s21] =	ssyncadd.s32 $0xFFFFC000  }
0xee: {  	[spmem:s4] =	stream.indirect.scatter.add.f32 [tilespmem:s18], [sflag:$0x3], $0x80, s24, s17, $0xb8;
	[tilespmem:$0x1E400] =	vst v63  }
0xef: {  	_ =	swait.ge [sflag:s22], $0x4000  }
0xf0: {  	[sflag:s22] =	ssyncset.done $0x0  }
0xf1: {  	s24 =	sadd.s32 $0x15080, s12;
	[sflag:s22] =	ssyncadd.s32 $0xFFFFC000  }
0xf2: {  	[spmem:s4] =	stream.indirect.scatter.add.f32 [tilespmem:s20], [sflag:$0x4], $0x80, s24, s17, $0xb8;
	[tilespmem:$0x1E400] =	vst v63  }
0xf3: {  	_ =	swait.ge [sflag:s23], $0x4000  }
0xf4: {  	[sflag:s23] =	ssyncset.done $0x0  }
.Ltmp7:
0xf5: {  	s24 =	sadd.s32 $0x13D00, s12;
	[sflag:s23] =	ssyncadd.s32 $0xFFFFC000;
	(pc) =	sbr.rel @p1 .LBB2_5-.Ltmp7, $4  }
0xf6: {  	[tilespmem:s18], [sflag:$0x1] =	stream.indirect.gather [hbm4b:s1+s17], $0x80, s24, s17, $0xb8;
	[tilespmem:$0x1E400] =	vst v63  }
0xf7: {  	_ =	swait.ge [sflag:s25], $0x4000  }
0xf8: {  	[sflag:s25] =	ssyncset.done $0x0  }
0xf9: {  	s12 =	sadd.s32 $0x13D80, s12;
	[sflag:s25] =	ssyncadd.s32 $0xFFFFC000  }
0xfa: {  	[tilespmem:s20], [sflag:$0x2] =	stream.indirect.gather [hbm4b:s1+s17], $0x80, s12, s17, $0xb8;
	[tilespmem:$0x1E400] =	vst v63  }
0xfb: {  	_ =	swait.ge [sflag:s21], $0x4000  }
0xfc: {  	[sflag:s21] =	ssyncset.done $0x0  }
0xfd: {  	[sflag:s21] =	ssyncadd.s32 $0xFFFFC000  }
0xfe: {  	[spmem:s4] =	stream.indirect.scatter.add.f32 [tilespmem:s18], [sflag:$0x3], $0x80, s26, s17, $0xb8;
	[tilespmem:$0x1E400] =	vst v63  }
0xff: {  	_ =	swait.ge [sflag:s22], $0x4000  }
0x100: {  	[sflag:s22] =	ssyncset.done $0x0  }
0x101: {  	[sflag:s22] =	ssyncadd.s32 $0xFFFFC000  }
0x102: {  	[spmem:s4] =	stream.indirect.scatter.add.f32 [tilespmem:s20], [sflag:$0x4], $0x80, s28, s17, $0xb8;
	[tilespmem:$0x1E400] =	vst v63  }
0x103: {  	_ =	swait.ge [sflag:s23], $0x4000  }
0x104: {  	[sflag:s23] =	ssyncset.done $0x0  }
0x105: {  	[sflag:s23] =	ssyncadd.s32 $0xFFFFC000  }
.Ltmp8:
0x106: {  	_ =	swait.ge [sflag:s25], $0x4000;
	(pc) =	sbr.rel .LBB2_12-.Ltmp8, $4  }
0x107: {  	[sflag:s25] =	ssyncset.done $0x0  }
0x108: {  	[sflag:s25] =	ssyncadd.s32 $0xFFFFC000  }
0x109: {  	[bflag:$0x0] =	sbarrier.arrive $0xFFFF  }
0x10a: {  	s0 =	rddreg [dreg:$0x5]  }
.LBB2_13:
0x10b: {  	_ =	sfence.sel $0x180000  }
0x10c: {  	[bflag:$0x0] =	sbarrier.arrive $0xFFFF  }
0x10d: {  	_ =	strace $0x9000004A  }
0x10e: {  	[bflag:$0x2] =	sbarrier.arrive $0xFFFF  }
0x10f: {  	p0 =	sne.s32 s3, $0x0;
	s0 =	rddreg [dreg:$0x4]  }
0x110: {  	s0 =	sadd.s32 @!p0 $0x100000, s0  }
0x111: {  	[sflag:s0] =	ssyncadd.tile.s32 @!p0 $0x1;
	_ =	shalt  }
.Lfunc_end2:
_tile_overlayer_lowered:
.L_overlay_start_2:
0x112: {  	(tag) =	ssettag $0x2  }
0x113: {  	s0 =	rddreg [dreg:$0x0];
	s2 =	stileid.u32  }
0x114: {  	s1 =	rddreg [dreg:$0x1];
	p0 =	sne.s32 s2, $0x0  }
0x115: {  	s3 =	rddreg [dreg:$0x2];
	[bflag:$0x3] =	sbarrier.arrive $0xFFFF;
	s2 =	simm.s32 @!p0 $0x1C05  }
0x116: {  	[timem:s3], [sflag:s2] =	dma.local @!p0 [hbm:s0], s1  }
0x117: {  	s0 =	simm.s32 @!p0 $0x5  }
0x118: {  	_ =	swait.ge @!p0 [sflag:s0], s1  }
0x119: {  	s1 =	ssub.s32 @!p0 $0x0, s1;
	[sflag:s0] =	ssyncset.done @!p0 $0x0  }
0x11a: {  	[sflag:s0] =	ssyncadd.s32 @!p0 s1  }
0x11b: {  	[bflag:$0x3] =	sbarrier.arrive $0xFFFF  }
0x11c: {  	_ =	shalt  }

// kernel: kernel.15.cloned.1.call-start
scs
__scs_entry_jumppad:
0x0: {  	(pc) =	sbr.rel $0x88, $3  }
0x1: {  	(tag) =	ssettag $0x0;
	lr =	simm.s32 $0x1  }
0x2: {  	[smem:$0x3F99] =	sst lr;
	_ =	strace $0xD0000000  }
0x3: {  	_ = 	snop  }
0x4: {  	_ = 	snop  }
0x5: {  	_ = 	snop  }
0x6: {  	_ = 	snop  }
0x7: {  	_ = 	snop  }
__scs_overlays_trampoline_lowered:
0x8: {  	[smem:$0x3FA8] =	sst s0  }
0x9: {  	[smem:$0x3FA9] =	sst s1  }
0xa: {  	[smem:$0x3FAA] =	sst s2  }
0xb: {  	[smem:$0x3FAB] =	sst s3  }
0xc: {  	[smem:$0x3FAC] =	sst s4  }
0xd: {  	[smem:$0x3FAD] =	sst s5  }
0xe: {  	[smem:$0x3FAE] =	sst s6  }
0xf: {  	[smem:$0x3FAF] =	sst s7  }
0x10: {  	[smem:$0x3FB0] =	sst s8  }
0x11: {  	[smem:$0x3FB1] =	sst s9;
	s0 =	simm.s32 @!p0 $0x0  }
0x12: {  	s1 =	sld [smem:$0x3F97];
	s0 =	simm.s32 @p0 $0x1  }
0x13: {  	[smem:$0x3FB2] =	sst s0;
	s0 =	simm.s32 @!p1 $0x0  }
0x14: {  	s2 =	sld [smem:$0x3F96];
	s0 =	simm.s32 @p1 $0x1  }
0x15: {  	[smem:$0x3FB3] =	sst s0;
	s0 =	simm.s32 @!p2 $0x0  }
0x16: {  	s3 =	sld [smem:$0x3FDB];
	s0 =	simm.s32 @p2 $0x1  }
0x17: {  	s4 =	simm.s32 $0x1BF5;
	[smem:$0x3FB5] =	sst s0  }
0x18: {  	s0 =	sld [smem:$0x3F98];
	_ =	swait.ge [sflag:s4], $0x0  }
0x19: {  	s7 =	sld [smem:$0x3F99]  }
0x1a: {  	s8 =	sadd.s32 $0xFFFFE003, lr  }
0x1b: {  	s9 =	sadd.s32 $0xFFFFFEF7, lr;
	s5 =	simm.s32 $0xFFFFFFFF;
	p2 =	slt.u32 s8, $0xFFFFF086  }
0x1c: {  	p1 =	slt.u32 s9, $0xF7A;
	s5 =	simm.s32 @!p2 $0x0  }
0x1d: {  	s5 =	simm.s32 @p1 $0x1;
	p0 =	seq.s32 s7, s2  }
0x1e: {  	s7 =	smul.u32 @!p0 $0xF7A, s2;
	p2 =	seq.s32 @!p0 s5, $0x0  }
0x1f: {  	s9 =	smul.u32 $0xF7A, s1;
	s8 =	simm.s32 @!p0 $0x1BF5;
	p2 =	por !p2, p0  }
0x20: {  	[sflag:s8] =	ssyncset.s32 @!p0 $0xFFFFF086;
	s6 =	sadd.s32 @!p0 s3, s7;
	s7 =	simm.s32 @!p0 $0x108  }
0x21: {  	s3 =	sadd.s32 s3, s9;
	s6 =	sadd.s32 @!p0 $0x88, s6;
	s7 =	simm.s32 @p2 $0x1082  }
0x22: {  	[simem:s7], [sflag:s8] =	dma.local @!p0 [hbm:s6], $0xF7A  }
0x23: {  	s9 =	sor.u32 $0xD0000000, s2;
	s6 =	simm.s32 $0x108;
	_ =	swait.ge @!p0 [sflag:s8], $0x0  }
0x24: {  	s3 =	sadd.s32 $0x88, s3;
	s6 =	simm.s32 @!p1 $0x1082;
	[sflag:s4] =	ssyncset.s32 $0xFFFFF086  }
0x25: {  	[simem:s6], [sflag:s4] =	dma.local [hbm:s3], $0xF7A  }
0x26: {  	[smem:$0x3F99] =	sst s1;
	(tag) =	ssettag s2;
	_ =	strace s9  }
0x27: {  	s1 =	sld [smem:$0x3FA9]  }
0x28: {  	s2 =	sld [smem:$0x3FAA]  }
0x29: {  	s4 =	sld [smem:$0x3FAC]  }
0x2a: {  	p0 =	seq.s32 s5, $0x0;
	s5 =	sld [smem:$0x3FAD]  }
0x2b: {  	s6 =	sld [smem:$0x3FAE]  }
0x2c: {  	s7 =	sld [smem:$0x3FAF]  }
0x2d: {  	s3 =	simm.s32 $0x108;
	s8 =	sld [smem:$0x3FB0]  }
0x2e: {  	s3 =	simm.s32 @!p0 $0x1082;
	s9 =	sld [smem:$0x3FB1]  }
0x2f: {  	lr =	sadd.s32 s0, s3;
	s0 =	sld [smem:$0x3FA8]  }
0x30: {  	s3 =	sld [smem:$0x3FAB]  }
0x31: {  	[smem:$0x3FB4] =	sst s10  }
0x32: {  	s10 =	sld [smem:$0x3FB2];
	_ =	sdelay $0x3  }
0x33: {  	p0 =	seq.s32 s10, $0x1;
	s10 =	sld [smem:$0x3FB4];
	_ =	sdelay $0x3  }
0x34: {  	[smem:$0x3FB4] =	sst s10  }
0x35: {  	s10 =	sld [smem:$0x3FB3];
	_ =	sdelay $0x3  }
0x36: {  	p1 =	seq.s32 s10, $0x1;
	s10 =	sld [smem:$0x3FB4];
	_ =	sdelay $0x3  }
0x37: {  	[smem:$0x3FB4] =	sst s10  }
0x38: {  	s10 =	sld [smem:$0x3FB5]  }
0x39: {  	_ = 	snop;
	(pc) =	sbr.ind lr, $3  }
0x3a: {  	_ = 	snop  }
0x3b: {  	_ = 	snop  }
0x3c: {  	p2 =	seq.s32 s10, $0x1;
	s10 =	sld [smem:$0x3FB4]  }
0x3d: {  	_ =	shalt  }
0x3e: {  	_ =	shalt  }
0x3f: {  	_ =	shalt  }
0x40: {  	_ =	shalt  }
0x41: {  	_ =	shalt  }
0x42: {  	_ =	shalt  }
0x43: {  	_ =	shalt  }
0x44: {  	_ =	shalt  }
0x45: {  	_ =	shalt  }
0x46: {  	_ =	shalt  }
0x47: {  	_ =	shalt  }
0x48: {  	_ =	shalt  }
0x49: {  	_ =	shalt  }
0x4a: {  	_ =	shalt  }
0x4b: {  	_ =	shalt  }
0x4c: {  	_ =	shalt  }
0x4d: {  	_ =	shalt  }
0x4e: {  	_ =	shalt  }
0x4f: {  	_ =	shalt  }
0x50: {  	_ =	shalt  }
0x51: {  	_ =	shalt  }
0x52: {  	_ =	shalt  }
0x53: {  	_ =	shalt  }
0x54: {  	_ =	shalt  }
0x55: {  	_ =	shalt  }
0x56: {  	_ =	shalt  }
0x57: {  	_ =	shalt  }
0x58: {  	_ =	shalt  }
0x59: {  	_ =	shalt  }
0x5a: {  	_ =	shalt  }
0x5b: {  	_ =	shalt  }
0x5c: {  	_ =	shalt  }
0x5d: {  	_ =	shalt  }
0x5e: {  	_ =	shalt  }
0x5f: {  	_ =	shalt  }
0x60: {  	_ =	shalt  }
0x61: {  	_ =	shalt  }
0x62: {  	_ =	shalt  }
0x63: {  	_ =	shalt  }
0x64: {  	_ =	shalt  }
0x65: {  	_ =	shalt  }
0x66: {  	_ =	shalt  }
0x67: {  	_ =	shalt  }
0x68: {  	_ =	shalt  }
0x69: {  	_ =	shalt  }
0x6a: {  	_ =	shalt  }
0x6b: {  	_ =	shalt  }
0x6c: {  	_ =	shalt  }
0x6d: {  	_ =	shalt  }
0x6e: {  	_ =	shalt  }
0x6f: {  	_ =	shalt  }
0x70: {  	_ =	shalt  }
0x71: {  	_ =	shalt  }
0x72: {  	_ =	shalt  }
0x73: {  	_ =	shalt  }
0x74: {  	_ =	shalt  }
0x75: {  	_ =	shalt  }
0x76: {  	_ =	shalt  }
0x77: {  	_ =	shalt  }
0x78: {  	_ =	shalt  }
0x79: {  	_ =	shalt  }
0x7a: {  	_ =	shalt  }
0x7b: {  	_ =	shalt  }
0x7c: {  	_ =	shalt  }
0x7d: {  	_ =	shalt  }
0x7e: {  	_ =	shalt  }
0x7f: {  	_ =	shalt  }
0x80: {  	_ =	shalt  }
0x81: {  	_ =	shalt  }
0x82: {  	_ =	shalt  }
0x83: {  	_ =	shalt  }
0x84: {  	_ =	shalt  }
0x85: {  	_ =	shalt  }
0x86: {  	_ =	shalt  }
0x87: {  	_ =	shalt  }
.Lfunc_end0:
.L_simem_size_0:
called_computation.2_lowered:
.L_overlay_start_0:
0x88: {  	s2 =	sld [smem:$0x3FD9]  }
0x89: {  	s3 =	sld [smem:$0x3FFE];
	_ =	sdelay $0x1  }
0x8a: {  	s1 =	srdreg.scid  }
0x8b: {  	s0 =	sand.u32 $0x1, s1  }
0x8c: {  	s14 =	sshll.u32 s0, $0xA;
	s2 =	sadd.s32 s3, s2  }
0x8d: {  	s2 =	sadd.s32 s2, s14  }
0x8e: {  	[smem:$0x3FC0] =	sst s2  }
0x8f: {  	_ = 	snop  }
0x90: {  	s2 =	sld [smem:$0x3FD0];
	_ =	sdelay $0x2  }
0x91: {  	s15 =	simm.s32 $0xA;
	s4 =	simm.s32 $0x10  }
0x92: {  	[smem:s4], [sflag:s15] =	dma.local [hbm:s2], $0x1  }
0x93: {  	_ =	swait.eq [sflag:s15], $0x1  }
0x94: {  	[sflag:s15] =	ssyncset.done $0x0  }
0x95: {  	s16 =	sld [smem:$0x10];
	[sflag:s15] =	ssyncadd.s32 $0xFFFFFFFF  }
0x96: {  	s17 =	sld [smem:$0x11];
	(tm) =	ssettm $0x1  }
0x97: {  	s18 =	sld [smem:$0x3FFB];
	_ =	sdelay $0x3  }
0x98: {  	_ =	strace s18  }
0x99: {  	s4 =	sld [smem:$0x3FFC];
	_ =	sdelay $0x3  }
0x9a: {  	_ =	strace s4  }
0x9b: {  	s4 =	sld [smem:$0x3FFD];
	_ =	sdelay $0x3  }
0x9c: {  	_ =	strace s4  }
0x9d: {  	_ =	strace $0x8FFFFFFF  }
0x9e: {  	s19 =	sld [smem:$0x3FDB];
	_ =	sdelay $0x1  }
0x9f: {  	s5 =	simm.s32 $_scs_section_size  }
0xa0: {  	s6 =	simm.s32 $_size__tile_overlayer_lowered;
	s7 =	simm.s32 $_tile_overlayer_lowered  }
0xa1: {  	s22 =	simm.s32 $0x1BFF;
	s21 =	sshll.u32 s7, $0x1;
	s4 =	sadd.s32 s5, s19  }
0xa2: {  	s8 =	simm.s32 $0x0;
	s20 =	sshll.u32 s6, $0x1;
	s6 =	sadd.s32 s21, s4  }
0xa3: {  	[timem:s8], [sflag:s22] =	dma.local [hbm:s6], s20  }
0xa4: {  	_ =	swait.ge [sflag:s22], s20  }
0xa5: {  	s5 =	ssub.s32 $0x0, s20;
	[sflag:s22] =	ssyncset.done $0x0  }
0xa6: {  	[sflag:s22] =	ssyncadd.s32 s5;
	_ =	sdelay $0x1  }
0xa7: {  	s23 =	simm.s32 $0x1B8B  }
0xa8: {  	_ =	swait.ge [sflag:s23], $0x1  }
0xa9: {  	[sflag:s23] =	ssyncset.done $0x0  }
0xaa: {  	s25 =	simm.s32 $0x1B8E;
	s24 =	sld [smem:$0x3FFE];
	[sflag:s23] =	ssyncadd.s32 $0xFFFFFFFF  }
0xab: {  	s26 =	simm.s32 $execute0_lowered;
	[smem:$0x3FD2] =	sst s25  }
0xac: {  	s6 =	sshll.u32 s26, $0x1;
	_ =	strace $0x8000004C;
	[dreg:$0x1] =	wrdreg $0xFFFFFFFF  }
0xad: {  	s28 =	simm.s32 $_size_execute0_lowered;
	s4 =	sadd.s32 s4, s6;
	[dreg:$0x0] =	wrdreg $0x0  }
0xae: {  	s6 =	sshll.u32 s28, $0x1;
	[dreg:$0x2] =	wrdreg s4  }
0xaf: {  	[dreg:$0x3] =	wrdreg s6  }
0xb0: {  	[dreg:$0x4] =	wrdreg $0xC0  }
0xb1: {  	_ =	task [dreg:s8], $0x5FFFF  }
0xb2: {  	[dreg:$0x1] =	wrdreg $0xFFFFFFFF  }
0xb3: {  	[dreg:$0x0] =	wrdreg $0x60  }
0xb4: {  	[dreg:$0x2] =	wrdreg s16  }
0xb5: {  	[dreg:$0x3] =	wrdreg s17  }
0xb6: {  	[dreg:$0x4] =	wrdreg s24  }
0xb7: {  	[dreg:$0x5] =	wrdreg $0x0  }
0xb8: {  	[dreg:$0x6] =	wrdreg $0x9  }
0xb9: {  	_ =	task.clear_ibuf [dreg:s8], $0x7FFFF;
	_ =	strace $0x9000004C  }
0xba: {  	s29 =	simm.s32 $0x9;
	_ =	strace $0x8000004E  }
0xbb: {  	_ =	swait.ge [sflag:s29], $0x1  }
0xbc: {  	[sflag:s29] =	ssyncadd.s32 $0xFFFFFFFF  }
0xbd: {  	_ =	strace $0x9000004E  }
0xbe: {  	_ =	sfence  }
0xbf: {  	s30 =	sld [smem:$0x0];
	_ =	sdelay $0x2  }
0xc0: {  	s31 =	sshll.u32 s1, $0xD;
	s1 =	sshrl.u32 s1, $0x2  }
0xc1: {  	s3 =	sand.u32 $0x4000, s31;
	s1 =	sadd.s32 s1, s30  }
0xc2: {  	s0 =	sor.u32 s3, s0;
	s1 =	sshll.u32 s1, $0x11  }
0xc3: {  	s0 =	sor.u32 s1, s0  }
0xc4: {  	s0 =	sadd.s32 $0x8F2B, s0  }
0xc5: {  	[sflag:s0] =	ssyncadd.remote.s32 $0x1  }
0xc6: {  	_ =	sfence.sel $0xFFFF  }
0xc7: {  	[dreg:$0x0] =	wrdreg $0xFFFFFFFF;
	(pc) =	sbr.abs _section_cstart, $3  }
0xc8: {  	[dreg:$0x1] =	wrdreg $0xFFFFFFFF  }
0xc9: {  	_ =	task.clear_ibuf [dreg:s8], $0x2FFFF;
	_ =	strace $0x9FFFFFFF  }
0xca: {  	(tm) =	ssettm $0x7FFFFFFF  }
0xcb: {  	_ =	shalt  }
tec
execute0_lowered:
.L_overlay_start_1:
0x0: {  	(tag) =	ssettag $0x1  }
0x1: {  	s1 =	rddreg [dreg:$0x0]  }
0x2: {  	s2 =	rddreg [dreg:$0x1]  }
0x3: {  	s0 =	rddreg [dreg:$0x2]  }
0x4: {  	s4 =	rddreg [dreg:$0x3];
	s5 =	simm.s32 $0x0;
	s3 =	stileid.u32  }
0x5: {  	s6 =	srdreg.scid;
	s16 =	simm.s32 $0x15000;
	s17 =	simm.s32 $0x80  }
0x6: {  	s18 =	simm.s32 $0x16400;
	s19 =	simm.s32 $0x13C80;
	s20 =	simm.s32 $0x1A400  }
0x7: {  	s21 =	simm.s32 $0x1;
	s22 =	simm.s32 $0x2;
	s23 =	simm.s32 $0x3  }
0x8: {  	s25 =	simm.s32 $0x4;
	s28 =	simm.s32 $0x16380;
	s12 =	smul.u32 $0x2780, s3  }
0x9: {  	s29 =	simm.s32 $0x0;
	[smem:$0x7FF] =	sst s5;
	s7 =	smul.u32 $0x500, s3  }
0xa: {  	s6 =	sand.u32 $0x1, s6;
	s10 =	sadd.s32 $0x3200, s0;
	s9 =	smul.u32 $0x4F000, s3  }
0xb: {  	s11 =	sadd.s32 $0x8200, s0;
	s14 =	smul.u32 $0x2800, s3;
	s8 =	ssub.s32 $0x2, s6  }
0xc: {  	_ =	strace $0x8000004D;
	p0 =	seq.s32 s6, $0x1;
	s13 =	sshrl.u32 s8, $0x1  }
0xd: {  	s15 =	sadd.s32 s12, s0;
	s6 =	sadd.s32 s10, s7;
	s26 =	sshrl.u32 s9, $0x2  }
0xe: {  	s30 =	sshrl.u32 s14, $0x3;
	s7 =	sadd.s32 s11, s7;
	s0 =	sadd.s32 $0xAB200, s0  }
.Ltmp0:
0xf: {  	s13 =	ssub.s32 s8, s13;
	s8 =	sadd.s32 s26, s4;
	(pc) =	sbr.rel .LBB2_1-.Ltmp0, $4  }
0x10: {  	s14 =	sadd.s32 $0x280, s30;
	s9 =	sadd.s32 $0xD200, s15;
	s31 =	sadd.s32 $0x83A00, s15  }
0x11: {  	s15 =	simm.s32 $0x5;
	s0 =	sadd.s32 s12, s0;
	s26 =	simm.s32 $0x16300  }
0x12: {  	s10 =	sadd.s32 s10, s14;
	s11 =	sadd.s32 s11, s14;
	[dreg:$0x5] =	wrdreg s31  }
0x13: {  	s13 =	smax.u32 s13, $0x1;
	s14 =	simm.s32 $0x13C00;
	[dreg:$0x6] =	wrdreg s0  }
.LBB2_11:
0x14: {  	[tilespmem:s20], [sflag:$0x2] =	stream.indirect.gather [hbm4b:s2+s17], $0x80, s12, s17, $0xb8;
	[tilespmem:$0x1E400] =	vst v63  }
0x15: {  	_ =	swait.ge [sflag:s21], $0x4000  }
0x16: {  	[sflag:s21] =	ssyncset.done $0x0  }
0x17: {  	[sflag:s21] =	ssyncadd.s32 $0xFFFFC000  }
0x18: {  	[spmem:s4] =	stream.indirect.scatter.add.f32 [tilespmem:s18], [sflag:$0x3], $0x80, s26, s17, $0xb8;
	[tilespmem:$0x1E400] =	vst v63  }
0x19: {  	_ =	swait.ge [sflag:s22], $0x4000  }
0x1a: {  	[sflag:s22] =	ssyncset.done $0x0  }
0x1b: {  	[sflag:s22] =	ssyncadd.s32 $0xFFFFC000  }
0x1c: {  	[spmem:s4] =	stream.indirect.scatter.add.f32 [tilespmem:s20], [sflag:$0x4], $0x80, s28, s17, $0xb8;
	[tilespmem:$0x1E400] =	vst v63  }
0x1d: {  	_ =	swait.ge [sflag:s23], $0x4000  }
0x1e: {  	[sflag:s23] =	ssyncset.done $0x0  }
0x1f: {  	[sflag:s23] =	ssyncadd.s32 $0xFFFFC000  }
0x20: {  	_ =	swait.ge [sflag:s25], $0x4000  }
0x21: {  	[sflag:s25] =	ssyncset.done $0x0  }
0x22: {  	[sflag:s25] =	ssyncadd.s32 $0xFFFFC000  }
0x23: {  	[bflag:$0x0] =	sbarrier.arrive $0xFFFF  }
0x24: {  	s0 =	rddreg [dreg:$0x6]  }
.LBB2_12:
0x25: {  	s29 =	sadd.s32 $0x1, s29  }
0x26: {  	p1 =	sne.s32 s29, s13  }
.Ltmp1:
0x27: {  	_ = 	snop;
	(pc) =	sbr.rel @!p1 .LBB2_13-.Ltmp1, $4  }
0x28: {  	[hbm:s0], [sflag:s31] =	dma.local [spmem:s30], $0x2780  }
0x29: {  	_ =	swait.ge [sflag:s15], $0x2780  }
0x2a: {  	[sflag:s15] =	ssyncset.done $0x0  }
0x2b: {  	[sflag:s15] =	ssyncadd.s32 $0xFFFFD880  }
.LBB2_1:
0x2c: {  	[tilespmem:s14], [sflag:$0x5] =	stream.linear.gather [hbm4b:s6+s5], $0x1400, $0x38;
	[tilespmem:$0x1E400] =	vst v63  }
0x2d: {  	_ =	swait.ge [sflag:s15], $0x1400  }
0x2e: {  	[sflag:s15] =	ssyncset.done $0x0  }
.Ltmp2:
0x2f: {  	[sflag:s15] =	ssyncadd.s32 $0xFFFFEC00;
	(pc) =	sbr.rel @!p0 .LBB2_2-.Ltmp2, $4  }
0x30: {  	[tilespmem:s16], [sflag:$0x5] =	stream.linear.gather [hbm4b:s7+s5], $0x1400, $0x38;
	[tilespmem:$0x1E400] =	vst v63  }
0x31: {  	_ =	swait.ge [sflag:s15], $0x1400  }
0x32: {  	s0 =	sshll.u32 s3, $0x6;
	[sflag:s15] =	ssyncset.done $0x0  }
0x33: {  	s30 =	sshrl.u32 s8, $0x3;
	s31 =	sor.u32 $0x1C05, s0;
	[sflag:s15] =	ssyncadd.s32 $0xFFFFEC00  }
0x34: {  	[tilespmem:s18], [sflag:$0x1] =	stream.indirect.gather [hbm4b:s2+s17], $0x80, s14, s17, $0xb8;
	[tilespmem:$0x1E400] =	vst v63  }
0x35: {  	s31 =	sor.u32 $0x1C05, s0  }
0x36: {  	[tilespmem:s20], [sflag:$0x2] =	stream.indirect.gather [hbm4b:s2+s17], $0x80, s19, s17, $0xb8;
	[tilespmem:$0x1E400] =	vst v63  }
0x37: {  	[spmem:s30], [sflag:s31] =	dma.local [hbm:s9], $0x2780  }
0x38: {  	_ =	swait.ge [sflag:s15], $0x2780  }
0x39: {  	[sflag:s15] =	ssyncset.done $0x0  }
0x3a: {  	[sflag:s15] =	ssyncadd.s32 $0xFFFFD880  }
0x3b: {  	[bflag:$0x0] =	sbarrier.arrive $0xFFFF  }
0x3c: {  	_ =	swait.ge [sflag:s21], $0x4000  }
0x3d: {  	[sflag:s21] =	ssyncset.done $0x0  }
0x3e: {  	s24 =	simm.s32 $0x15000;
	[sflag:s21] =	ssyncadd.s32 $0xFFFFC000  }
0x3f: {  	[spmem:s4] =	stream.indirect.scatter.add.f32 [tilespmem:s18], [sflag:$0x3], $0x80, s24, s17, $0xb8;
	[tilespmem:$0x1E400] =	vst v63  }
0x40: {  	_ =	swait.ge [sflag:s22], $0x4000  }
0x41: {  	[sflag:s22] =	ssyncset.done $0x0  }
0x42: {  	s12 =	simm.s32 $0x15080;
	[sflag:s22] =	ssyncadd.s32 $0xFFFFC000  }
0x43: {  	[spmem:s4] =	stream.indirect.scatter.add.f32 [tilespmem:s20], [sflag:$0x4], $0x80, s12, s17, $0xb8;
	[tilespmem:$0x1E400] =	vst v63  }
0x44: {  	_ =	swait.ge [sflag:s23], $0x4000  }
0x45: {  	[sflag:s23] =	ssyncset.done $0x0  }
0x46: {  	s24 =	simm.s32 $0x13D00;
	[sflag:s23] =	ssyncadd.s32 $0xFFFFC000  }
0x47: {  	[tilespmem:s18], [sflag:$0x1] =	stream.indirect.gather [hbm4b:s2+s17], $0x80, s24, s17, $0xb8;
	[tilespmem:$0x1E400] =	vst v63  }
0x48: {  	_ =	swait.ge [sflag:s25], $0x4000  }
0x49: {  	[sflag:s25] =	ssyncset.done $0x0  }
0x4a: {  	s0 =	simm.s32 $0x400;
	s12 =	simm.s32 $0x13D80;
	[sflag:s25] =	ssyncadd.s32 $0xFFFFC000  }
.LBB2_8:
0x4b: {  	[tilespmem:s20], [sflag:$0x2] =	stream.indirect.gather [hbm4b:s2+s17], $0x80, s12, s17, $0xb8;
	[tilespmem:$0x1E400] =	vst v63  }
0x4c: {  	s12 =	smov.u32 s0  }
0x4d: {  	p1 =	sne.s32 s0, $0x4800;
	s0 =	sadd.s32 $0x400, s0;
	_ =	swait.ge [sflag:s21], $0x4000  }
0x4e: {  	s12 =	sshra.s32 s12, $0x2;
	[sflag:s21] =	ssyncset.done $0x0  }
0x4f: {  	s24 =	sadd.s32 $0x15000, s12;
	[sflag:s21] =	ssyncadd.s32 $0xFFFFC000  }
0x50: {  	[spmem:s4] =	stream.indirect.scatter.add.f32 [tilespmem:s18], [sflag:$0x3], $0x80, s24, s17, $0xb8;
	[tilespmem:$0x1E400] =	vst v63  }
0x51: {  	_ =	swait.ge [sflag:s22], $0x4000  }
0x52: {  	[sflag:s22] =	ssyncset.done $0x0  }
0x53: {  	s24 =	sadd.s32 $0x15080, s12;
	[sflag:s22] =	ssyncadd.s32 $0xFFFFC000  }
0x54: {  	[spmem:s4] =	stream.indirect.scatter.add.f32 [tilespmem:s20], [sflag:$0x4], $0x80, s24, s17, $0xb8;
	[tilespmem:$0x1E400] =	vst v63  }
0x55: {  	_ =	swait.ge [sflag:s23], $0x4000  }
0x56: {  	[sflag:s23] =	ssyncset.done $0x0  }
.Ltmp3:
0x57: {  	s24 =	sadd.s32 $0x13D00, s12;
	[sflag:s23] =	ssyncadd.s32 $0xFFFFC000;
	(pc) =	sbr.rel @p1 .LBB2_8-.Ltmp3, $4  }
0x58: {  	[tilespmem:s18], [sflag:$0x1] =	stream.indirect.gather [hbm4b:s2+s17], $0x80, s24, s17, $0xb8;
	[tilespmem:$0x1E400] =	vst v63  }
0x59: {  	_ =	swait.ge [sflag:s25], $0x4000  }
0x5a: {  	[sflag:s25] =	ssyncset.done $0x0  }
0x5b: {  	s12 =	sadd.s32 $0x13D80, s12;
	[sflag:s25] =	ssyncadd.s32 $0xFFFFC000  }
0x5c: {  	[tilespmem:s20], [sflag:$0x2] =	stream.indirect.gather [hbm4b:s2+s17], $0x80, s12, s17, $0xb8;
	[tilespmem:$0x1E400] =	vst v63  }
0x5d: {  	_ =	swait.ge [sflag:s21], $0x4000  }
0x5e: {  	[sflag:s21] =	ssyncset.done $0x0  }
0x5f: {  	[sflag:s21] =	ssyncadd.s32 $0xFFFFC000  }
0x60: {  	[spmem:s4] =	stream.indirect.scatter.add.f32 [tilespmem:s18], [sflag:$0x3], $0x80, s26, s17, $0xb8;
	[tilespmem:$0x1E400] =	vst v63  }
0x61: {  	_ =	swait.ge [sflag:s22], $0x4000  }
0x62: {  	[sflag:s22] =	ssyncset.done $0x0  }
0x63: {  	[sflag:s22] =	ssyncadd.s32 $0xFFFFC000  }
0x64: {  	[spmem:s4] =	stream.indirect.scatter.add.f32 [tilespmem:s20], [sflag:$0x4], $0x80, s28, s17, $0xb8;
	[tilespmem:$0x1E400] =	vst v63  }
0x65: {  	_ =	swait.ge [sflag:s23], $0x4000  }
0x66: {  	[sflag:s23] =	ssyncset.done $0x0  }
0x67: {  	[sflag:s23] =	ssyncadd.s32 $0xFFFFC000  }
0x68: {  	_ =	swait.ge [sflag:s25], $0x4000  }
0x69: {  	[sflag:s25] =	ssyncset.done $0x0  }
0x6a: {  	s0 =	simm.s32 $0x0;
	[sflag:s25] =	ssyncadd.s32 $0xFFFFC000  }
0x6b: {  	[tilespmem:s14], [sflag:$0x5] =	stream.linear.gather [hbm4b:s10+s0], $0x1400, $0x38;
	[tilespmem:$0x1E400] =	vst v63  }
0x6c: {  	_ =	swait.ge [sflag:s15], $0x1400  }
0x6d: {  	[sflag:s15] =	ssyncset.done $0x0  }
0x6e: {  	[sflag:s15] =	ssyncadd.s32 $0xFFFFEC00  }
0x6f: {  	[tilespmem:s16], [sflag:$0x5] =	stream.linear.gather [hbm4b:s11+s0], $0x1400, $0x38;
	[tilespmem:$0x1E400] =	vst v63  }
0x70: {  	_ =	swait.ge [sflag:s15], $0x1400  }
0x71: {  	[sflag:s15] =	ssyncset.done $0x0  }
0x72: {  	[sflag:s15] =	ssyncadd.s32 $0xFFFFEC00  }
0x73: {  	[tilespmem:s18], [sflag:$0x1] =	stream.indirect.gather [hbm4b:s2+s17], $0x80, s14, s17, $0xb8;
	[tilespmem:$0x1E400] =	vst v63  }
0x74: {  	_ = 	snop  }
0x75: {  	[tilespmem:s20], [sflag:$0x2] =	stream.indirect.gather [hbm4b:s2+s17], $0x80, s19, s17, $0xb8;
	[tilespmem:$0x1E400] =	vst v63  }
0x76: {  	_ =	swait.ge [sflag:s21], $0x4000  }
0x77: {  	[sflag:s21] =	ssyncset.done $0x0  }
0x78: {  	s24 =	simm.s32 $0x15000;
	[sflag:s21] =	ssyncadd.s32 $0xFFFFC000  }
0x79: {  	[spmem:s4] =	stream.indirect.scatter.add.f32 [tilespmem:s18], [sflag:$0x3], $0x80, s24, s17, $0xb8;
	[tilespmem:$0x1E400] =	vst v63  }
0x7a: {  	_ =	swait.ge [sflag:s22], $0x4000  }
0x7b: {  	[sflag:s22] =	ssyncset.done $0x0  }
0x7c: {  	s12 =	simm.s32 $0x15080;
	[sflag:s22] =	ssyncadd.s32 $0xFFFFC000  }
0x7d: {  	[spmem:s4] =	stream.indirect.scatter.add.f32 [tilespmem:s20], [sflag:$0x4], $0x80, s12, s17, $0xb8;
	[tilespmem:$0x1E400] =	vst v63  }
0x7e: {  	_ =	swait.ge [sflag:s23], $0x4000  }
0x7f: {  	[sflag:s23] =	ssyncset.done $0x0  }
0x80: {  	s24 =	simm.s32 $0x13D00;
	[sflag:s23] =	ssyncadd.s32 $0xFFFFC000  }
0x81: {  	[tilespmem:s18], [sflag:$0x1] =	stream.indirect.gather [hbm4b:s2+s17], $0x80, s24, s17, $0xb8;
	[tilespmem:$0x1E400] =	vst v63  }
0x82: {  	_ =	swait.ge [sflag:s25], $0x4000  }
0x83: {  	[sflag:s25] =	ssyncset.done $0x0  }
0x84: {  	s0 =	simm.s32 $0x400;
	s12 =	simm.s32 $0x13D80;
	[sflag:s25] =	ssyncadd.s32 $0xFFFFC000  }
.LBB2_10:
0x85: {  	[tilespmem:s20], [sflag:$0x2] =	stream.indirect.gather [hbm4b:s2+s17], $0x80, s12, s17, $0xb8;
	[tilespmem:$0x1E400] =	vst v63  }
0x86: {  	s12 =	smov.u32 s0  }
0x87: {  	p1 =	sne.s32 s0, $0x4800;
	s0 =	sadd.s32 $0x400, s0;
	_ =	swait.ge [sflag:s21], $0x4000  }
0x88: {  	s12 =	sshra.s32 s12, $0x2;
	[sflag:s21] =	ssyncset.done $0x0  }
0x89: {  	s24 =	sadd.s32 $0x15000, s12;
	[sflag:s21] =	ssyncadd.s32 $0xFFFFC000  }
0x8a: {  	[spmem:s4] =	stream.indirect.scatter.add.f32 [tilespmem:s18], [sflag:$0x3], $0x80, s24, s17, $0xb8;
	[tilespmem:$0x1E400] =	vst v63  }
0x8b: {  	_ =	swait.ge [sflag:s22], $0x4000  }
0x8c: {  	[sflag:s22] =	ssyncset.done $0x0  }
0x8d: {  	s24 =	sadd.s32 $0x15080, s12;
	[sflag:s22] =	ssyncadd.s32 $0xFFFFC000  }
0x8e: {  	[spmem:s4] =	stream.indirect.scatter.add.f32 [tilespmem:s20], [sflag:$0x4], $0x80, s24, s17, $0xb8;
	[tilespmem:$0x1E400] =	vst v63  }
0x8f: {  	_ =	swait.ge [sflag:s23], $0x4000  }
0x90: {  	[sflag:s23] =	ssyncset.done $0x0  }
.Ltmp4:
0x91: {  	s24 =	sadd.s32 $0x13D00, s12;
	[sflag:s23] =	ssyncadd.s32 $0xFFFFC000;
	(pc) =	sbr.rel @p1 .LBB2_10-.Ltmp4, $4  }
0x92: {  	[tilespmem:s18], [sflag:$0x1] =	stream.indirect.gather [hbm4b:s2+s17], $0x80, s24, s17, $0xb8;
	[tilespmem:$0x1E400] =	vst v63  }
0x93: {  	_ =	swait.ge [sflag:s25], $0x4000  }
0x94: {  	[sflag:s25] =	ssyncset.done $0x0  }
0x95: {  	s12 =	sadd.s32 $0x13D80, s12;
	[sflag:s25] =	ssyncadd.s32 $0xFFFFC000  }
.Ltmp5:
0x96: {  	_ = 	snop;
	(pc) =	sbr.rel .LBB2_11-.Ltmp5, $1  }
0x97: {  	_ =	sdelay $0x3  }
.LBB2_2:
0x98: {  	[tilespmem:s18], [sflag:$0x1] =	stream.indirect.gather [hbm4b:s1+s17], $0x80, s14, s17, $0xb8;
	[tilespmem:$0x1E400] =	vst v63  }
0x99: {  	_ = 	snop  }
0x9a: {  	[tilespmem:s20], [sflag:$0x2] =	stream.indirect.gather [hbm4b:s1+s17], $0x80, s19, s17, $0xb8;
	[tilespmem:$0x1E400] =	vst v63  }
0x9b: {  	[spmem:s30], [sflag:s31] =	dma.local [hbm:s9], $0x2780  }
0x9c: {  	_ =	swait.ge [sflag:s15], $0x2780  }
0x9d: {  	[sflag:s15] =	ssyncset.done $0x0  }
0x9e: {  	[sflag:s15] =	ssyncadd.s32 $0xFFFFD880  }
0x9f: {  	[bflag:$0x0] =	sbarrier.arrive $0xFFFF  }
0xa0: {  	_ =	swait.ge [sflag:s21], $0x4000  }
0xa1: {  	[sflag:s21] =	ssyncset.done $0x0  }
0xa2: {  	s0 =	simm.s32 $0x15000;
	[sflag:s21] =	ssyncadd.s32 $0xFFFFC000  }
0xa3: {  	[spmem:s4] =	stream.indirect.scatter.add.f32 [tilespmem:s18], [sflag:$0x3], $0x80, s0, s17, $0xb8;
	[tilespmem:$0x1E400] =	vst v63  }
0xa4: {  	_ =	swait.ge [sflag:s22], $0x4000  }
0xa5: {  	[sflag:s22] =	ssyncset.done $0x0  }
0xa6: {  	s12 =	simm.s32 $0x15080;
	[sflag:s22] =	ssyncadd.s32 $0xFFFFC000  }
0xa7: {  	[spmem:s4] =	stream.indirect.scatter.add.f32 [tilespmem:s20], [sflag:$0x4], $0x80, s12, s17, $0xb8;
	[tilespmem:$0x1E400] =	vst v63  }
0xa8: {  	_ =	swait.ge [sflag:s23], $0x4000  }
0xa9: {  	[sflag:s23] =	ssyncset.done $0x0  }
0xaa: {  	s24 =	simm.s32 $0x13D00;
	[sflag:s23] =	ssyncadd.s32 $0xFFFFC000  }
0xab: {  	[tilespmem:s18], [sflag:$0x1] =	stream.indirect.gather [hbm4b:s1+s17], $0x80, s24, s17, $0xb8;
	[tilespmem:$0x1E400] =	vst v63  }
0xac: {  	_ =	swait.ge [sflag:s25], $0x4000  }
0xad: {  	[sflag:s25] =	ssyncset.done $0x0  }
0xae: {  	s0 =	simm.s32 $0x400;
	s12 =	simm.s32 $0x13D80;
	[sflag:s25] =	ssyncadd.s32 $0xFFFFC000  }
.LBB2_3:
0xaf: {  	[tilespmem:s20], [sflag:$0x2] =	stream.indirect.gather [hbm4b:s1+s17], $0x80, s12, s17, $0xb8;
	[tilespmem:$0x1E400] =	vst v63  }
0xb0: {  	s12 =	smov.u32 s0  }
0xb1: {  	p1 =	sne.s32 s0, $0x4800;
	s0 =	sadd.s32 $0x400, s0;
	_ =	swait.ge [sflag:s21], $0x4000  }
0xb2: {  	s12 =	sshra.s32 s12, $0x2;
	[sflag:s21] =	ssyncset.done $0x0  }
0xb3: {  	s24 =	sadd.s32 $0x15000, s12;
	[sflag:s21] =	ssyncadd.s32 $0xFFFFC000  }
0xb4: {  	[spmem:s4] =	stream.indirect.scatter.add.f32 [tilespmem:s18], [sflag:$0x3], $0x80, s24, s17, $0xb8;
	[tilespmem:$0x1E400] =	vst v63  }
0xb5: {  	_ =	swait.ge [sflag:s22], $0x4000  }
0xb6: {  	[sflag:s22] =	ssyncset.done $0x0  }
0xb7: {  	s24 =	sadd.s32 $0x15080, s12;
	[sflag:s22] =	ssyncadd.s32 $0xFFFFC000  }
0xb8: {  	[spmem:s4] =	stream.indirect.scatter.add.f32 [tilespmem:s20], [sflag:$0x4], $0x80, s24, s17, $0xb8;
	[tilespmem:$0x1E400] =	vst v63  }
0xb9: {  	_ =	swait.ge [sflag:s23], $0x4000  }
0xba: {  	[sflag:s23] =	ssyncset.done $0x0  }
.Ltmp6:
0xbb: {  	s24 =	sadd.s32 $0x13D00, s12;
	[sflag:s23] =	ssyncadd.s32 $0xFFFFC000;
	(pc) =	sbr.rel @p1 .LBB2_3-.Ltmp6, $4  }
0xbc: {  	[tilespmem:s18], [sflag:$0x1] =	stream.indirect.gather [hbm4b:s1+s17], $0x80, s24, s17, $0xb8;
	[tilespmem:$0x1E400] =	vst v63  }
0xbd: {  	_ =	swait.ge [sflag:s25], $0x4000  }
0xbe: {  	[sflag:s25] =	ssyncset.done $0x0  }
0xbf: {  	s12 =	sadd.s32 $0x13D80, s12;
	[sflag:s25] =	ssyncadd.s32 $0xFFFFC000  }
0xc0: {  	[tilespmem:s20], [sflag:$0x2] =	stream.indirect.gather [hbm4b:s1+s17], $0x80, s12, s17, $0xb8;
	[tilespmem:$0x1E400] =	vst v63  }
0xc1: {  	_ =	swait.ge [sflag:s21], $0x4000  }
0xc2: {  	[sflag:s21] =	ssyncset.done $0x0  }
0xc3: {  	[sflag:s21] =	ssyncadd.s32 $0xFFFFC000  }
0xc4: {  	[spmem:s4] =	stream.indirect.scatter.add.f32 [tilespmem:s18], [sflag:$0x3], $0x80, s26, s17, $0xb8;
	[tilespmem:$0x1E400] =	vst v63  }
0xc5: {  	_ =	swait.ge [sflag:s22], $0x4000  }
0xc6: {  	[sflag:s22] =	ssyncset.done $0x0  }
0xc7: {  	[sflag:s22] =	ssyncadd.s32 $0xFFFFC000  }
0xc8: {  	[spmem:s4] =	stream.indirect.scatter.add.f32 [tilespmem:s20], [sflag:$0x4], $0x80, s28, s17, $0xb8;
	[tilespmem:$0x1E400] =	vst v63  }
0xc9: {  	_ =	swait.ge [sflag:s23], $0x4000  }
0xca: {  	[sflag:s23] =	ssyncset.done $0x0  }
0xcb: {  	[sflag:s23] =	ssyncadd.s32 $0xFFFFC000  }
0xcc: {  	_ =	swait.ge [sflag:s25], $0x4000  }
0xcd: {  	[sflag:s25] =	ssyncset.done $0x0  }
0xce: {  	s0 =	simm.s32 $0x0;
	[sflag:s25] =	ssyncadd.s32 $0xFFFFC000  }
0xcf: {  	[tilespmem:s14], [sflag:$0x5] =	stream.linear.gather [hbm4b:s10+s0], $0x1400, $0x38;
	[tilespmem:$0x1E400] =	vst v63  }
0xd0: {  	_ =	swait.ge [sflag:s15], $0x1400  }
0xd1: {  	[sflag:s15] =	ssyncset.done $0x0  }
0xd2: {  	[sflag:s15] =	ssyncadd.s32 $0xFFFFEC00  }
0xd3: {  	[tilespmem:s16], [sflag:$0x5] =	stream.linear.gather [hbm4b:s11+s0], $0x1400, $0x38;
	[tilespmem:$0x1E400] =	vst v63  }
0xd4: {  	_ =	swait.ge [sflag:s15], $0x1400  }
0xd5: {  	[sflag:s15] =	ssyncset.done $0x0  }
0xd6: {  	[sflag:s15] =	ssyncadd.s32 $0xFFFFEC00  }
0xd7: {  	[tilespmem:s18], [sflag:$0x1] =	stream.indirect.gather [hbm4b:s1+s17], $0x80, s14, s17, $0xb8;
	[tilespmem:$0x1E400] =	vst v63  }
0xd8: {  	_ = 	snop  }
0xd9: {  	[tilespmem:s20], [sflag:$0x2] =	stream.indirect.gather [hbm4b:s1+s17], $0x80, s19, s17, $0xb8;
	[tilespmem:$0x1E400] =	vst v63  }
0xda: {  	_ =	swait.ge [sflag:s21], $0x4000  }
0xdb: {  	[sflag:s21] =	ssyncset.done $0x0  }
0xdc: {  	s24 =	simm.s32 $0x15000;
	[sflag:s21] =	ssyncadd.s32 $0xFFFFC000  }
0xdd: {  	[spmem:s4] =	stream.indirect.scatter.add.f32 [tilespmem:s18], [sflag:$0x3], $0x80, s24, s17, $0xb8;
	[tilespmem:$0x1E400] =	vst v63  }
0xde: {  	_ =	swait.ge [sflag:s22], $0x4000  }
0xdf: {  	[sflag:s22] =	ssyncset.done $0x0  }
0xe0: {  	s12 =	simm.s32 $0x15080;
	[sflag:s22] =	ssyncadd.s32 $0xFFFFC000  }
0xe1: {  	[spmem:s4] =	stream.indirect.scatter.add.f32 [tilespmem:s20], [sflag:$0x4], $0x80, s12, s17, $0xb8;
	[tilespmem:$0x1E400] =	vst v63  }
0xe2: {  	_ =	swait.ge [sflag:s23], $0x4000  }
0xe3: {  	[sflag:s23] =	ssyncset.done $0x0  }
0xe4: {  	s24 =	simm.s32 $0x13D00;
	[sflag:s23] =	ssyncadd.s32 $0xFFFFC000  }
0xe5: {  	[tilespmem:s18], [sflag:$0x1] =	stream.indirect.gather [hbm4b:s1+s17], $0x80, s24, s17, $0xb8;
	[tilespmem:$0x1E400] =	vst v63  }
0xe6: {  	_ =	swait.ge [sflag:s25], $0x4000  }
0xe7: {  	[sflag:s25] =	ssyncset.done $0x0  }
0xe8: {  	s0 =	simm.s32 $0x400;
	s12 =	simm.s32 $0x13D80;
	[sflag:s25] =	ssyncadd.s32 $0xFFFFC000  }
.LBB2_5:
0xe9: {  	[tilespmem:s20], [sflag:$0x2] =	stream.indirect.gather [hbm4b:s1+s17], $0x80, s12, s17, $0xb8;
	[tilespmem:$0x1E400] =	vst v63  }
0xea: {  	s12 =	smov.u32 s0  }
0xeb: {  	p1 =	sne.s32 s0, $0x4800;
	s0 =	sadd.s32 $0x400, s0;
	_ =	swait.ge [sflag:s21], $0x4000  }
0xec: {  	s12 =	sshra.s32 s12, $0x2;
	[sflag:s21] =	ssyncset.done $0x0  }
0xed: {  	s24 =	sadd.s32 $0x15000, s12;
	[sflag:s21] =	ssyncadd.s32 $0xFFFFC000  }
0xee: {  	[spmem:s4] =	stream.indirect.scatter.add.f32 [tilespmem:s18], [sflag:$0x3], $0x80, s24, s17, $0xb8;
	[tilespmem:$0x1E400] =	vst v63  }
0xef: {  	_ =	swait.ge [sflag:s22], $0x4000  }
0xf0: {  	[sflag:s22] =	ssyncset.done $0x0  }
0xf1: {  	s24 =	sadd.s32 $0x15080, s12;
	[sflag:s22] =	ssyncadd.s32 $0xFFFFC000  }
0xf2: {  	[spmem:s4] =	stream.indirect.scatter.add.f32 [tilespmem:s20], [sflag:$0x4], $0x80, s24, s17, $0xb8;
	[tilespmem:$0x1E400] =	vst v63  }
0xf3: {  	_ =	swait.ge [sflag:s23], $0x4000  }
0xf4: {  	[sflag:s23] =	ssyncset.done $0x0  }
.Ltmp7:
0xf5: {  	s24 =	sadd.s32 $0x13D00, s12;
	[sflag:s23] =	ssyncadd.s32 $0xFFFFC000;
	(pc) =	sbr.rel @p1 .LBB2_5-.Ltmp7, $4  }
0xf6: {  	[tilespmem:s18], [sflag:$0x1] =	stream.indirect.gather [hbm4b:s1+s17], $0x80, s24, s17, $0xb8;
	[tilespmem:$0x1E400] =	vst v63  }
0xf7: {  	_ =	swait.ge [sflag:s25], $0x4000  }
0xf8: {  	[sflag:s25] =	ssyncset.done $0x0  }
0xf9: {  	s12 =	sadd.s32 $0x13D80, s12;
	[sflag:s25] =	ssyncadd.s32 $0xFFFFC000  }
0xfa: {  	[tilespmem:s20], [sflag:$0x2] =	stream.indirect.gather [hbm4b:s1+s17], $0x80, s12, s17, $0xb8;
	[tilespmem:$0x1E400] =	vst v63  }
0xfb: {  	_ =	swait.ge [sflag:s21], $0x4000  }
0xfc: {  	[sflag:s21] =	ssyncset.done $0x0  }
0xfd: {  	[sflag:s21] =	ssyncadd.s32 $0xFFFFC000  }
0xfe: {  	[spmem:s4] =	stream.indirect.scatter.add.f32 [tilespmem:s18], [sflag:$0x3], $0x80, s26, s17, $0xb8;
	[tilespmem:$0x1E400] =	vst v63  }
0xff: {  	_ =	swait.ge [sflag:s22], $0x4000  }
0x100: {  	[sflag:s22] =	ssyncset.done $0x0  }
0x101: {  	[sflag:s22] =	ssyncadd.s32 $0xFFFFC000  }
0x102: {  	[spmem:s4] =	stream.indirect.scatter.add.f32 [tilespmem:s20], [sflag:$0x4], $0x80, s28, s17, $0xb8;
	[tilespmem:$0x1E400] =	vst v63  }
0x103: {  	_ =	swait.ge [sflag:s23], $0x4000  }
0x104: {  	[sflag:s23] =	ssyncset.done $0x0  }
0x105: {  	[sflag:s23] =	ssyncadd.s32 $0xFFFFC000  }
.Ltmp8:
0x106: {  	_ =	swait.ge [sflag:s25], $0x4000;
	(pc) =	sbr.rel .LBB2_12-.Ltmp8, $4  }
0x107: {  	[sflag:s25] =	ssyncset.done $0x0  }
0x108: {  	[sflag:s25] =	ssyncadd.s32 $0xFFFFC000  }
0x109: {  	[bflag:$0x0] =	sbarrier.arrive $0xFFFF  }
0x10a: {  	s0 =	rddreg [dreg:$0x5]  }
.LBB2_13:
0x10b: {  	_ =	sfence.sel $0x180000  }
0x10c: {  	[bflag:$0x0] =	sbarrier.arrive $0xFFFF  }
0x10d: {  	_ =	strace $0x9000004D  }
0x10e: {  	[bflag:$0x2] =	sbarrier.arrive $0xFFFF  }
0x10f: {  	p0 =	sne.s32 s3, $0x0;
	s0 =	rddreg [dreg:$0x4]  }
0x110: {  	s0 =	sadd.s32 @!p0 $0x100000, s0  }
0x111: {  	[sflag:s0] =	ssyncadd.tile.s32 @!p0 $0x1;
	_ =	shalt  }
.Lfunc_end2:
_tile_overlayer_lowered:
.L_overlay_start_2:
0x112: {  	(tag) =	ssettag $0x2  }
0x113: {  	s0 =	rddreg [dreg:$0x0];
	s2 =	stileid.u32  }
0x114: {  	s1 =	rddreg [dreg:$0x1];
	p0 =	sne.s32 s2, $0x0  }
0x115: {  	s3 =	rddreg [dreg:$0x2];
	[bflag:$0x3] =	sbarrier.arrive $0xFFFF;
	s2 =	simm.s32 @!p0 $0x1C05  }
0x116: {  	[timem:s3], [sflag:s2] =	dma.local @!p0 [hbm:s0], s1  }
0x117: {  	s0 =	simm.s32 @!p0 $0x5  }
0x118: {  	_ =	swait.ge @!p0 [sflag:s0], s1  }
0x119: {  	s1 =	ssub.s32 @!p0 $0x0, s1;
	[sflag:s0] =	ssyncset.done @!p0 $0x0  }
0x11a: {  	[sflag:s0] =	ssyncadd.s32 @!p0 s1  }
0x11b: {  	[bflag:$0x3] =	sbarrier.arrive $0xFFFF  }
0x11c: {  	_ =	shalt  }

// kernel: kernel.9.cloned.1.call-start
scs
__scs_entry_jumppad:
0x0: {  	(pc) =	sbr.rel $0x88, $3  }
0x1: {  	(tag) =	ssettag $0x0;
	lr =	simm.s32 $0x1  }
0x2: {  	[smem:$0x3F99] =	sst lr;
	_ =	strace $0xD0000000  }
0x3: {  	_ = 	snop  }
0x4: {  	_ = 	snop  }
0x5: {  	_ = 	snop  }
0x6: {  	_ = 	snop  }
0x7: {  	_ = 	snop  }
__scs_overlays_trampoline_lowered:
0x8: {  	[smem:$0x3FA8] =	sst s0  }
0x9: {  	[smem:$0x3FA9] =	sst s1  }
0xa: {  	[smem:$0x3FAA] =	sst s2  }
0xb: {  	[smem:$0x3FAB] =	sst s3  }
0xc: {  	[smem:$0x3FAC] =	sst s4  }
0xd: {  	[smem:$0x3FAD] =	sst s5  }
0xe: {  	[smem:$0x3FAE] =	sst s6  }
0xf: {  	[smem:$0x3FAF] =	sst s7  }
0x10: {  	[smem:$0x3FB0] =	sst s8  }
0x11: {  	[smem:$0x3FB1] =	sst s9;
	s0 =	simm.s32 @!p0 $0x0  }
0x12: {  	s1 =	sld [smem:$0x3F97];
	s0 =	simm.s32 @p0 $0x1  }
0x13: {  	[smem:$0x3FB2] =	sst s0;
	s0 =	simm.s32 @!p1 $0x0  }
0x14: {  	s2 =	sld [smem:$0x3F96];
	s0 =	simm.s32 @p1 $0x1  }
0x15: {  	[smem:$0x3FB3] =	sst s0;
	s0 =	simm.s32 @!p2 $0x0  }
0x16: {  	s3 =	sld [smem:$0x3FDB];
	s0 =	simm.s32 @p2 $0x1  }
0x17: {  	s4 =	simm.s32 $0x1BF5;
	[smem:$0x3FB5] =	sst s0  }
0x18: {  	s0 =	sld [smem:$0x3F98];
	_ =	swait.ge [sflag:s4], $0x0  }
0x19: {  	s7 =	sld [smem:$0x3F99]  }
0x1a: {  	s8 =	sadd.s32 $0xFFFFE003, lr  }
0x1b: {  	s9 =	sadd.s32 $0xFFFFFEF7, lr;
	s5 =	simm.s32 $0xFFFFFFFF;
	p2 =	slt.u32 s8, $0xFFFFF086  }
0x1c: {  	p1 =	slt.u32 s9, $0xF7A;
	s5 =	simm.s32 @!p2 $0x0  }
0x1d: {  	s5 =	simm.s32 @p1 $0x1;
	p0 =	seq.s32 s7, s2  }
0x1e: {  	s7 =	smul.u32 @!p0 $0xF7A, s2;
	p2 =	seq.s32 @!p0 s5, $0x0  }
0x1f: {  	s9 =	smul.u32 $0xF7A, s1;
	s8 =	simm.s32 @!p0 $0x1BF5;
	p2 =	por !p2, p0  }
0x20: {  	[sflag:s8] =	ssyncset.s32 @!p0 $0xFFFFF086;
	s6 =	sadd.s32 @!p0 s3, s7;
	s7 =	simm.s32 @!p0 $0x108  }
0x21: {  	s3 =	sadd.s32 s3, s9;
	s6 =	sadd.s32 @!p0 $0x88, s6;
	s7 =	simm.s32 @p2 $0x1082  }
0x22: {  	[simem:s7], [sflag:s8] =	dma.local @!p0 [hbm:s6], $0xF7A  }
0x23: {  	s9 =	sor.u32 $0xD0000000, s2;
	s6 =	simm.s32 $0x108;
	_ =	swait.ge @!p0 [sflag:s8], $0x0  }
0x24: {  	s3 =	sadd.s32 $0x88, s3;
	s6 =	simm.s32 @!p1 $0x1082;
	[sflag:s4] =	ssyncset.s32 $0xFFFFF086  }
0x25: {  	[simem:s6], [sflag:s4] =	dma.local [hbm:s3], $0xF7A  }
0x26: {  	[smem:$0x3F99] =	sst s1;
	(tag) =	ssettag s2;
	_ =	strace s9  }
0x27: {  	s1 =	sld [smem:$0x3FA9]  }
0x28: {  	s2 =	sld [smem:$0x3FAA]  }
0x29: {  	s4 =	sld [smem:$0x3FAC]  }
0x2a: {  	p0 =	seq.s32 s5, $0x0;
	s5 =	sld [smem:$0x3FAD]  }
0x2b: {  	s6 =	sld [smem:$0x3FAE]  }
0x2c: {  	s7 =	sld [smem:$0x3FAF]  }
0x2d: {  	s3 =	simm.s32 $0x108;
	s8 =	sld [smem:$0x3FB0]  }
0x2e: {  	s3 =	simm.s32 @!p0 $0x1082;
	s9 =	sld [smem:$0x3FB1]  }
0x2f: {  	lr =	sadd.s32 s0, s3;
	s0 =	sld [smem:$0x3FA8]  }
0x30: {  	s3 =	sld [smem:$0x3FAB]  }
0x31: {  	[smem:$0x3FB4] =	sst s10  }
0x32: {  	s10 =	sld [smem:$0x3FB2];
	_ =	sdelay $0x3  }
0x33: {  	p0 =	seq.s32 s10, $0x1;
	s10 =	sld [smem:$0x3FB4];
	_ =	sdelay $0x3  }
0x34: {  	[smem:$0x3FB4] =	sst s10  }
0x35: {  	s10 =	sld [smem:$0x3FB3];
	_ =	sdelay $0x3  }
0x36: {  	p1 =	seq.s32 s10, $0x1;
	s10 =	sld [smem:$0x3FB4];
	_ =	sdelay $0x3  }
0x37: {  	[smem:$0x3FB4] =	sst s10  }
0x38: {  	s10 =	sld [smem:$0x3FB5]  }
0x39: {  	_ = 	snop;
	(pc) =	sbr.ind lr, $3  }
0x3a: {  	_ = 	snop  }
0x3b: {  	_ = 	snop  }
0x3c: {  	p2 =	seq.s32 s10, $0x1;
	s10 =	sld [smem:$0x3FB4]  }
0x3d: {  	_ =	shalt  }
0x3e: {  	_ =	shalt  }
0x3f: {  	_ =	shalt  }
0x40: {  	_ =	shalt  }
0x41: {  	_ =	shalt  }
0x42: {  	_ =	shalt  }
0x43: {  	_ =	shalt  }
0x44: {  	_ =	shalt  }
0x45: {  	_ =	shalt  }
0x46: {  	_ =	shalt  }
0x47: {  	_ =	shalt  }
0x48: {  	_ =	shalt  }
0x49: {  	_ =	shalt  }
0x4a: {  	_ =	shalt  }
0x4b: {  	_ =	shalt  }
0x4c: {  	_ =	shalt  }
0x4d: {  	_ =	shalt  }
0x4e: {  	_ =	shalt  }
0x4f: {  	_ =	shalt  }
0x50: {  	_ =	shalt  }
0x51: {  	_ =	shalt  }
0x52: {  	_ =	shalt  }
0x53: {  	_ =	shalt  }
0x54: {  	_ =	shalt  }
0x55: {  	_ =	shalt  }
0x56: {  	_ =	shalt  }
0x57: {  	_ =	shalt  }
0x58: {  	_ =	shalt  }
0x59: {  	_ =	shalt  }
0x5a: {  	_ =	shalt  }
0x5b: {  	_ =	shalt  }
0x5c: {  	_ =	shalt  }
0x5d: {  	_ =	shalt  }
0x5e: {  	_ =	shalt  }
0x5f: {  	_ =	shalt  }
0x60: {  	_ =	shalt  }
0x61: {  	_ =	shalt  }
0x62: {  	_ =	shalt  }
0x63: {  	_ =	shalt  }
0x64: {  	_ =	shalt  }
0x65: {  	_ =	shalt  }
0x66: {  	_ =	shalt  }
0x67: {  	_ =	shalt  }
0x68: {  	_ =	shalt  }
0x69: {  	_ =	shalt  }
0x6a: {  	_ =	shalt  }
0x6b: {  	_ =	shalt  }
0x6c: {  	_ =	shalt  }
0x6d: {  	_ =	shalt  }
0x6e: {  	_ =	shalt  }
0x6f: {  	_ =	shalt  }
0x70: {  	_ =	shalt  }
0x71: {  	_ =	shalt  }
0x72: {  	_ =	shalt  }
0x73: {  	_ =	shalt  }
0x74: {  	_ =	shalt  }
0x75: {  	_ =	shalt  }
0x76: {  	_ =	shalt  }
0x77: {  	_ =	shalt  }
0x78: {  	_ =	shalt  }
0x79: {  	_ =	shalt  }
0x7a: {  	_ =	shalt  }
0x7b: {  	_ =	shalt  }
0x7c: {  	_ =	shalt  }
0x7d: {  	_ =	shalt  }
0x7e: {  	_ =	shalt  }
0x7f: {  	_ =	shalt  }
0x80: {  	_ =	shalt  }
0x81: {  	_ =	shalt  }
0x82: {  	_ =	shalt  }
0x83: {  	_ =	shalt  }
0x84: {  	_ =	shalt  }
0x85: {  	_ =	shalt  }
0x86: {  	_ =	shalt  }
0x87: {  	_ =	shalt  }
.Lfunc_end0:
.L_simem_size_0:
called_computation_lowered:
.L_overlay_start_0:
0x88: {  	s2 =	sld [smem:$0x3FD9]  }
0x89: {  	s3 =	sld [smem:$0x3FFE];
	_ =	sdelay $0x1  }
0x8a: {  	s1 =	srdreg.scid  }
0x8b: {  	s0 =	sand.u32 $0x1, s1  }
0x8c: {  	s14 =	sshll.u32 s0, $0xA;
	s2 =	sadd.s32 s3, s2  }
0x8d: {  	s2 =	sadd.s32 s2, s14  }
0x8e: {  	[smem:$0x3FC0] =	sst s2  }
0x8f: {  	_ = 	snop  }
0x90: {  	s2 =	sld [smem:$0x3FD0];
	_ =	sdelay $0x2  }
0x91: {  	s15 =	simm.s32 $0xA;
	s4 =	simm.s32 $0x10  }
0x92: {  	[smem:s4], [sflag:s15] =	dma.local [hbm:s2], $0x1  }
0x93: {  	_ =	swait.eq [sflag:s15], $0x1  }
0x94: {  	[sflag:s15] =	ssyncset.done $0x0  }
0x95: {  	[sflag:s15] =	ssyncadd.s32 $0xFFFFFFFF  }
0x96: {  	s16 =	sld [smem:$0x11];
	(tm) =	ssettm $0x1  }
0x97: {  	s17 =	sld [smem:$0x3FFB];
	_ =	sdelay $0x3  }
0x98: {  	_ =	strace s17  }
0x99: {  	s3 =	sld [smem:$0x3FFC];
	_ =	sdelay $0x3  }
0x9a: {  	_ =	strace s3  }
0x9b: {  	s3 =	sld [smem:$0x3FFD];
	_ =	sdelay $0x3  }
0x9c: {  	_ =	strace s3  }
0x9d: {  	_ =	strace $0x8FFFFFFF  }
0x9e: {  	s18 =	sld [smem:$0x3FDB];
	_ =	sdelay $0x1  }
0x9f: {  	s19 =	simm.s32 $_scs_section_size  }
0xa0: {  	s5 =	simm.s32 $_size__tile_overlayer_lowered;
	s6 =	simm.s32 $_tile_overlayer_lowered  }
0xa1: {  	s22 =	simm.s32 $0x1BFF;
	s21 =	sshll.u32 s6, $0x1;
	s3 =	sadd.s32 s19, s18  }
0xa2: {  	s7 =	simm.s32 $0x0;
	s20 =	sshll.u32 s5, $0x1;
	s5 =	sadd.s32 s21, s3  }
0xa3: {  	[timem:s7], [sflag:s22] =	dma.local [hbm:s5], s20  }
0xa4: {  	_ =	swait.ge [sflag:s22], s20  }
0xa5: {  	s4 =	ssub.s32 $0x0, s20;
	[sflag:s22] =	ssyncset.done $0x0  }
0xa6: {  	[sflag:s22] =	ssyncadd.s32 s4;
	_ =	sdelay $0x1  }
0xa7: {  	s23 =	simm.s32 $0x1B8B  }
0xa8: {  	_ =	swait.ge [sflag:s23], $0x1  }
0xa9: {  	[sflag:s23] =	ssyncset.done $0x0  }
0xaa: {  	s25 =	simm.s32 $0x1B8E;
	s24 =	sld [smem:$0x3FFE];
	[sflag:s23] =	ssyncadd.s32 $0xFFFFFFFF  }
0xab: {  	s26 =	simm.s32 $execute0_lowered;
	[smem:$0x3FD2] =	sst s25  }
0xac: {  	s5 =	sshll.u32 s26, $0x1;
	_ =	strace $0x80000046;
	[dreg:$0x1] =	wrdreg $0xFFFFFFFF  }
0xad: {  	s28 =	simm.s32 $_size_execute0_lowered;
	s3 =	sadd.s32 s3, s5;
	[dreg:$0x0] =	wrdreg $0x0  }
0xae: {  	s5 =	sshll.u32 s28, $0x1;
	[dreg:$0x2] =	wrdreg s3  }
0xaf: {  	[dreg:$0x3] =	wrdreg s5  }
0xb0: {  	[dreg:$0x4] =	wrdreg $0xC0  }
0xb1: {  	_ =	task [dreg:s7], $0x5FFFF  }
0xb2: {  	[dreg:$0x1] =	wrdreg $0xFFFFFFFF  }
0xb3: {  	[dreg:$0x0] =	wrdreg $0x60  }
0xb4: {  	[dreg:$0x2] =	wrdreg s24  }
0xb5: {  	[dreg:$0x3] =	wrdreg s16  }
0xb6: {  	[dreg:$0x4] =	wrdreg $0x0  }
0xb7: {  	[dreg:$0x5] =	wrdreg $0x9  }
0xb8: {  	_ =	task.clear_ibuf [dreg:s7], $0x6FFFF;
	_ =	strace $0x90000046  }
0xb9: {  	s29 =	simm.s32 $0x9;
	_ =	strace $0x80000048  }
0xba: {  	_ =	swait.ge [sflag:s29], $0x1  }
0xbb: {  	[sflag:s29] =	ssyncadd.s32 $0xFFFFFFFF  }
0xbc: {  	_ =	strace $0x90000048  }
0xbd: {  	_ =	sfence  }
0xbe: {  	s30 =	sld [smem:$0x0];
	_ =	sdelay $0x2  }
0xbf: {  	s31 =	sshll.u32 s1, $0xD;
	s1 =	sshrl.u32 s1, $0x2  }
0xc0: {  	s3 =	sand.u32 $0x4000, s31;
	s1 =	sadd.s32 s1, s30  }
0xc1: {  	s0 =	sor.u32 s3, s0;
	s1 =	sshll.u32 s1, $0x11  }
0xc2: {  	s0 =	sor.u32 s1, s0  }
0xc3: {  	s0 =	sadd.s32 $0x8F2B, s0  }
0xc4: {  	[sflag:s0] =	ssyncadd.remote.s32 $0x1  }
0xc5: {  	_ =	sfence.sel $0xFFFF  }
0xc6: {  	[dreg:$0x0] =	wrdreg $0xFFFFFFFF;
	(pc) =	sbr.abs _section_cstart, $3  }
0xc7: {  	[dreg:$0x1] =	wrdreg $0xFFFFFFFF  }
0xc8: {  	_ =	task.clear_ibuf [dreg:s7], $0x2FFFF;
	_ =	strace $0x9FFFFFFF  }
0xc9: {  	(tm) =	ssettm $0x7FFFFFFF  }
tec
execute0_lowered:
.L_overlay_start_1:
0x0: {  	(tag) =	ssettag $0x1  }
0x1: {  	s0 =	srdreg.scid;
	s1 =	rddreg [dreg:$0x0]  }
0x2: {  	s11 =	stileid.u32;
	s3 =	rddreg [dreg:$0x2];
	s4 =	simm.s32 $0x0  }
0x3: {  	s12 =	simm.s32 $0x15000;
	s13 =	simm.s32 $0x13C00;
	s14 =	simm.s32 $0x80  }
0x4: {  	s19 =	simm.s32 $0x14800;
	s20 =	simm.s32 $0x14880;
	s21 =	simm.s32 $0x14900  }
0x5: {  	s22 =	simm.s32 $0x14980;
	s23 =	simm.s32 $0x14A00;
	s24 =	simm.s32 $0x14A80  }
0x6: {  	s28 =	simm.s32 $0x14C00;
	s29 =	simm.s32 $0x14C80;
	s30 =	simm.s32 $0x14D00  }
0x7: {  	s31 =	simm.s32 $0x14D80;
	s16 =	simm.s32 $0x1;
	s17 =	simm.s32 $0x0  }
0x8: {  	s0 =	sand.u32 $0x1, s0;
	s15 =	smul.u32 $0x2780, s11;
	[smem:$0x7FF] =	sst s4  }
0x9: {  	s6 =	smul.u32 $0x4F000, s11;
	s26 =	sshll.u32 s11, $0x6;
	s2 =	sshll.u32 s0, $0x4  }
0xa: {  	s5 =	ssub.s32 $0x2, s0;
	_ =	strace $0x80000047;
	p0 =	seq.s32 s0, $0x1  }
0xb: {  	s0 =	sadd.s32 $0x5C200, s1;
	s2 =	sor.u32 s11, s2;
	s7 =	sshrl.u32 s5, $0x1  }
0xc: {  	s8 =	sadd.s32 s15, s1;
	s25 =	sshrl.u32 s6, $0x2;
	s6 =	sor.u32 $0x1C02, s26  }
0xd: {  	s11 =	simm.s32 $0x2;
	s0 =	sadd.s32 @p0 s15, s0;
	s26 =	simm.s32 $0x14B80  }
0xe: {  	s15 =	simm.s32 $0x14F80;
	s2 =	smul.u32 $0x280, s2;
	s9 =	ssub.s32 s5, s7  }
0xf: {  	s10 =	sadd.s32 s25, s3;
	s5 =	sadd.s32 $0xD200, s8;
	s8 =	sadd.s32 $0x34A00, s8  }
0x10: {  	s25 =	simm.s32 $0x14B00;
	s9 =	smax.u32 s9, $0x1;
	s10 =	sshrl.u32 s10, $0x3  }
0x11: {  	s8 =	smov.u32 @p0 s0;
	s0 =	simm.s32 $0x14E80;
	s2 =	sadd.s32 s2, s1  }
0x12: {  	s1 =	simm.s32 $0x14E00;
	s7 =	sadd.s32 $0x8200, s2;
	s2 =	simm.s32 $0x14F00  }
.LBB2_1:
0x13: {  	[spmem:s10], [sflag:s6] =	dma.local [hbm:s5], $0x2780  }
0x14: {  	_ =	swait.ge [sflag:s11], $0x2780  }
0x15: {  	[sflag:s11] =	ssyncset.done $0x0  }
0x16: {  	[sflag:s11] =	ssyncadd.s32 $0xFFFFD880  }
0x17: {  	s18 =	rddreg [dreg:$0x1]  }
0x18: {  	[tilespmem:s12], [sflag:$0x2] =	stream.linear.gather [hbm4b:s18+s4], $0x4000, $0x38;
	[tilespmem:$0x19000] =	vst v63  }
0x19: {  	_ =	swait.ge [sflag:s11], $0x4000  }
0x1a: {  	[sflag:s11] =	ssyncset.done $0x0  }
0x1b: {  	[sflag:s11] =	ssyncadd.s32 $0xFFFFC000  }
0x1c: {  	[bflag:$0x0] =	sbarrier.arrive $0xFFFF  }
0x1d: {  	[tilespmem:s13], [sflag:$0x2] =	stream.linear.gather [hbm4b:s7+s4], $0x1400, $0x38;
	[tilespmem:$0x19000] =	vst v63  }
0x1e: {  	_ =	swait.ge [sflag:s11], $0x1400  }
0x1f: {  	[sflag:s11] =	ssyncset.done $0x0  }
0x20: {  	[sflag:s11] =	ssyncadd.s32 $0xFFFFEC00  }
0x21: {  	[spmem:s3] =	stream.indirect.scatter.add.f32 [tilespmem:s12], [sflag:$0x1], $0x80, s13, s14, $0xb8;
	[tilespmem:$0x19000] =	vst v63  }
0x22: {  	s18 =	simm.s32 $0x13C80  }
0x23: {  	[spmem:s3] =	stream.indirect.scatter.add.f32 [tilespmem:s12], [sflag:$0x1], $0x80, s18, s14, $0xb8;
	[tilespmem:$0x19000] =	vst v63  }
0x24: {  	s18 =	simm.s32 $0x13D00  }
0x25: {  	[spmem:s3] =	stream.indirect.scatter.add.f32 [tilespmem:s12], [sflag:$0x1], $0x80, s18, s14, $0xb8;
	[tilespmem:$0x19000] =	vst v63  }
0x26: {  	s18 =	simm.s32 $0x13D80  }
0x27: {  	[spmem:s3] =	stream.indirect.scatter.add.f32 [tilespmem:s12], [sflag:$0x1], $0x80, s18, s14, $0xb8;
	[tilespmem:$0x19000] =	vst v63  }
0x28: {  	s18 =	simm.s32 $0x13E00  }
0x29: {  	[spmem:s3] =	stream.indirect.scatter.add.f32 [tilespmem:s12], [sflag:$0x1], $0x80, s18, s14, $0xb8;
	[tilespmem:$0x19000] =	vst v63  }
0x2a: {  	s18 =	simm.s32 $0x13E80  }
0x2b: {  	[spmem:s3] =	stream.indirect.scatter.add.f32 [tilespmem:s12], [sflag:$0x1], $0x80, s18, s14, $0xb8;
	[tilespmem:$0x19000] =	vst v63  }
0x2c: {  	s18 =	simm.s32 $0x13F00  }
0x2d: {  	[spmem:s3] =	stream.indirect.scatter.add.f32 [tilespmem:s12], [sflag:$0x1], $0x80, s18, s14, $0xb8;
	[tilespmem:$0x19000] =	vst v63  }
0x2e: {  	s18 =	simm.s32 $0x13F80  }
0x2f: {  	[spmem:s3] =	stream.indirect.scatter.add.f32 [tilespmem:s12], [sflag:$0x1], $0x80, s18, s14, $0xb8;
	[tilespmem:$0x19000] =	vst v63  }
0x30: {  	s18 =	simm.s32 $0x14000  }
0x31: {  	[spmem:s3] =	stream.indirect.scatter.add.f32 [tilespmem:s12], [sflag:$0x1], $0x80, s18, s14, $0xb8;
	[tilespmem:$0x19000] =	vst v63  }
0x32: {  	s18 =	simm.s32 $0x14080  }
0x33: {  	[spmem:s3] =	stream.indirect.scatter.add.f32 [tilespmem:s12], [sflag:$0x1], $0x80, s18, s14, $0xb8;
	[tilespmem:$0x19000] =	vst v63  }
0x34: {  	s18 =	simm.s32 $0x14100  }
0x35: {  	[spmem:s3] =	stream.indirect.scatter.add.f32 [tilespmem:s12], [sflag:$0x1], $0x80, s18, s14, $0xb8;
	[tilespmem:$0x19000] =	vst v63  }
0x36: {  	s18 =	simm.s32 $0x14180  }
0x37: {  	[spmem:s3] =	stream.indirect.scatter.add.f32 [tilespmem:s12], [sflag:$0x1], $0x80, s18, s14, $0xb8;
	[tilespmem:$0x19000] =	vst v63  }
0x38: {  	s18 =	simm.s32 $0x14200  }
0x39: {  	[spmem:s3] =	stream.indirect.scatter.add.f32 [tilespmem:s12], [sflag:$0x1], $0x80, s18, s14, $0xb8;
	[tilespmem:$0x19000] =	vst v63  }
0x3a: {  	s18 =	simm.s32 $0x14280  }
0x3b: {  	[spmem:s3] =	stream.indirect.scatter.add.f32 [tilespmem:s12], [sflag:$0x1], $0x80, s18, s14, $0xb8;
	[tilespmem:$0x19000] =	vst v63  }
0x3c: {  	s18 =	simm.s32 $0x14300  }
0x3d: {  	[spmem:s3] =	stream.indirect.scatter.add.f32 [tilespmem:s12], [sflag:$0x1], $0x80, s18, s14, $0xb8;
	[tilespmem:$0x19000] =	vst v63  }
0x3e: {  	s18 =	simm.s32 $0x14380  }
0x3f: {  	[spmem:s3] =	stream.indirect.scatter.add.f32 [tilespmem:s12], [sflag:$0x1], $0x80, s18, s14, $0xb8;
	[tilespmem:$0x19000] =	vst v63  }
0x40: {  	s18 =	simm.s32 $0x14400  }
0x41: {  	[spmem:s3] =	stream.indirect.scatter.add.f32 [tilespmem:s12], [sflag:$0x1], $0x80, s18, s14, $0xb8;
	[tilespmem:$0x19000] =	vst v63  }
0x42: {  	s18 =	simm.s32 $0x14480  }
0x43: {  	[spmem:s3] =	stream.indirect.scatter.add.f32 [tilespmem:s12], [sflag:$0x1], $0x80, s18, s14, $0xb8;
	[tilespmem:$0x19000] =	vst v63  }
0x44: {  	s18 =	simm.s32 $0x14500  }
0x45: {  	[spmem:s3] =	stream.indirect.scatter.add.f32 [tilespmem:s12], [sflag:$0x1], $0x80, s18, s14, $0xb8;
	[tilespmem:$0x19000] =	vst v63  }
0x46: {  	s18 =	simm.s32 $0x14580  }
0x47: {  	[spmem:s3] =	stream.indirect.scatter.add.f32 [tilespmem:s12], [sflag:$0x1], $0x80, s18, s14, $0xb8;
	[tilespmem:$0x19000] =	vst v63  }
0x48: {  	s18 =	simm.s32 $0x14600  }
0x49: {  	[spmem:s3] =	stream.indirect.scatter.add.f32 [tilespmem:s12], [sflag:$0x1], $0x80, s18, s14, $0xb8;
	[tilespmem:$0x19000] =	vst v63  }
0x4a: {  	s18 =	simm.s32 $0x14680  }
0x4b: {  	[spmem:s3] =	stream.indirect.scatter.add.f32 [tilespmem:s12], [sflag:$0x1], $0x80, s18, s14, $0xb8;
	[tilespmem:$0x19000] =	vst v63  }
0x4c: {  	s18 =	simm.s32 $0x14700  }
0x4d: {  	[spmem:s3] =	stream.indirect.scatter.add.f32 [tilespmem:s12], [sflag:$0x1], $0x80, s18, s14, $0xb8;
	[tilespmem:$0x19000] =	vst v63  }
0x4e: {  	s18 =	simm.s32 $0x14780  }
0x4f: {  	[spmem:s3] =	stream.indirect.scatter.add.f32 [tilespmem:s12], [sflag:$0x1], $0x80, s18, s14, $0xb8;
	[tilespmem:$0x19000] =	vst v63  }
0x50: {  	_ = 	snop  }
0x51: {  	[spmem:s3] =	stream.indirect.scatter.add.f32 [tilespmem:s12], [sflag:$0x1], $0x80, s19, s14, $0xb8;
	[tilespmem:$0x19000] =	vst v63  }
0x52: {  	_ = 	snop  }
0x53: {  	[spmem:s3] =	stream.indirect.scatter.add.f32 [tilespmem:s12], [sflag:$0x1], $0x80, s20, s14, $0xb8;
	[tilespmem:$0x19000] =	vst v63  }
0x54: {  	_ = 	snop  }
0x55: {  	[spmem:s3] =	stream.indirect.scatter.add.f32 [tilespmem:s12], [sflag:$0x1], $0x80, s21, s14, $0xb8;
	[tilespmem:$0x19000] =	vst v63  }
0x56: {  	_ = 	snop  }
0x57: {  	[spmem:s3] =	stream.indirect.scatter.add.f32 [tilespmem:s12], [sflag:$0x1], $0x80, s22, s14, $0xb8;
	[tilespmem:$0x19000] =	vst v63  }
0x58: {  	_ = 	snop  }
0x59: {  	[spmem:s3] =	stream.indirect.scatter.add.f32 [tilespmem:s12], [sflag:$0x1], $0x80, s23, s14, $0xb8;
	[tilespmem:$0x19000] =	vst v63  }
0x5a: {  	_ = 	snop  }
0x5b: {  	[spmem:s3] =	stream.indirect.scatter.add.f32 [tilespmem:s12], [sflag:$0x1], $0x80, s24, s14, $0xb8;
	[tilespmem:$0x19000] =	vst v63  }
0x5c: {  	_ = 	snop  }
0x5d: {  	[spmem:s3] =	stream.indirect.scatter.add.f32 [tilespmem:s12], [sflag:$0x1], $0x80, s25, s14, $0xb8;
	[tilespmem:$0x19000] =	vst v63  }
0x5e: {  	_ = 	snop  }
0x5f: {  	[spmem:s3] =	stream.indirect.scatter.add.f32 [tilespmem:s12], [sflag:$0x1], $0x80, s26, s14, $0xb8;
	[tilespmem:$0x19000] =	vst v63  }
0x60: {  	_ = 	snop  }
0x61: {  	[spmem:s3] =	stream.indirect.scatter.add.f32 [tilespmem:s12], [sflag:$0x1], $0x80, s28, s14, $0xb8;
	[tilespmem:$0x19000] =	vst v63  }
0x62: {  	_ = 	snop  }
0x63: {  	[spmem:s3] =	stream.indirect.scatter.add.f32 [tilespmem:s12], [sflag:$0x1], $0x80, s29, s14, $0xb8;
	[tilespmem:$0x19000] =	vst v63  }
0x64: {  	_ = 	snop  }
0x65: {  	[spmem:s3] =	stream.indirect.scatter.add.f32 [tilespmem:s12], [sflag:$0x1], $0x80, s30, s14, $0xb8;
	[tilespmem:$0x19000] =	vst v63  }
0x66: {  	_ = 	snop  }
0x67: {  	[spmem:s3] =	stream.indirect.scatter.add.f32 [tilespmem:s12], [sflag:$0x1], $0x80, s31, s14, $0xb8;
	[tilespmem:$0x19000] =	vst v63  }
0x68: {  	_ = 	snop  }
0x69: {  	[spmem:s3] =	stream.indirect.scatter.add.f32 [tilespmem:s12], [sflag:$0x1], $0x80, s1, s14, $0xb8;
	[tilespmem:$0x19000] =	vst v63  }
0x6a: {  	_ = 	snop  }
0x6b: {  	[spmem:s3] =	stream.indirect.scatter.add.f32 [tilespmem:s12], [sflag:$0x1], $0x80, s0, s14, $0xb8;
	[tilespmem:$0x19000] =	vst v63  }
0x6c: {  	_ = 	snop  }
0x6d: {  	[spmem:s3] =	stream.indirect.scatter.add.f32 [tilespmem:s12], [sflag:$0x1], $0x80, s2, s14, $0xb8;
	[tilespmem:$0x19000] =	vst v63  }
0x6e: {  	_ = 	snop  }
0x6f: {  	[spmem:s3] =	stream.indirect.scatter.add.f32 [tilespmem:s12], [sflag:$0x1], $0x80, s15, s14, $0xb8;
	[tilespmem:$0x19000] =	vst v63  }
0x70: {  	_ =	swait.ge [sflag:s16], $0x4000  }
0x71: {  	s18 =	simm.s32 $0x27;
	[sflag:s16] =	ssyncset.done $0x0  }
.LBB2_2:
0x72: {  	p0 =	sne.s32 s18, $0x1;
	s18 =	sadd.s32 $0xFFFFFFFF, s18;
	[sflag:s16] =	ssyncadd.s32 $0xFFFFC000  }
.Ltmp0:
0x73: {  	(pc) =	sbr.rel @p0 .LBB2_2-.Ltmp0, $3  }
0x74: {  	_ =	sdelay $0x1  }
0x75: {  	_ =	swait.ge [sflag:s16], $0x4000  }
0x76: {  	[sflag:s16] =	ssyncset.done $0x0  }
0x77: {  	s17 =	sadd.s32 $0x1, s17  }
0x78: {  	[sflag:s16] =	ssyncadd.s32 $0xFFFFC000;
	p0 =	sne.s32 s17, s9  }
.Ltmp1:
0x79: {  	[bflag:$0x0] =	sbarrier.arrive $0xFFFF;
	(pc) =	sbr.rel @p0 .LBB2_1-.Ltmp1, $4  }
0x7a: {  	[hbm:s8], [sflag:s6] =	dma.local [spmem:s10], $0x2780  }
0x7b: {  	_ =	swait.ge [sflag:s11], $0x2780  }
0x7c: {  	[sflag:s11] =	ssyncset.done $0x0  }
0x7d: {  	[sflag:s11] =	ssyncadd.s32 $0xFFFFD880  }
0x7e: {  	_ =	sfence.sel $0x180000  }
0x7f: {  	[bflag:$0x0] =	sbarrier.arrive $0xFFFF  }
0x80: {  	_ =	strace $0x90000047  }
0x81: {  	s0 =	stileid.u32;
	[bflag:$0x2] =	sbarrier.arrive $0xFFFF  }
0x82: {  	p0 =	sne.s32 s0, $0x0;
	s0 =	rddreg [dreg:$0x3]  }
0x83: {  	s0 =	sadd.s32 @!p0 $0x100000, s0  }
0x84: {  	[sflag:s0] =	ssyncadd.tile.s32 @!p0 $0x1;
	_ =	shalt  }
.Lfunc_end2:
_tile_overlayer_lowered:
.L_overlay_start_2:
0x85: {  	(tag) =	ssettag $0x2  }
0x86: {  	s0 =	rddreg [dreg:$0x0];
	s2 =	stileid.u32  }
0x87: {  	s1 =	rddreg [dreg:$0x1];
	p0 =	sne.s32 s2, $0x0  }
0x88: {  	s3 =	rddreg [dreg:$0x2];
	[bflag:$0x3] =	sbarrier.arrive $0xFFFF;
	s2 =	simm.s32 @!p0 $0x1C02  }
0x89: {  	[timem:s3], [sflag:s2] =	dma.local @!p0 [hbm:s0], s1  }
0x8a: {  	s0 =	simm.s32 @!p0 $0x2  }
0x8b: {  	_ =	swait.ge @!p0 [sflag:s0], s1  }
0x8c: {  	s1 =	ssub.s32 @!p0 $0x0, s1;
	[sflag:s0] =	ssyncset.done @!p0 $0x0  }
0x8d: {  	[sflag:s0] =	ssyncadd.s32 @!p0 s1  }
0x8e: {  	[bflag:$0x3] =	sbarrier.arrive $0xFFFF  }
0x8f: {  	_ =	shalt  }

</sc_bundles>
